<compile_context>
chip_gen: v7x
topology: tpu7x:2x2x1
jax: 0.10.2.dev20260603
libtpu: 0.0.44.dev20260713+nightly
codegen_flags: <defaults>
</compile_context>

<pallas_src>
import functools

import jax
import jax.numpy as jnp
from jax import lax
from jax.experimental import pallas as pl
from jax.experimental.pallas import tpu as pltpu
from jax.experimental.pallas import tpu_sc as plsc

_POOL = 2

_NC = 2
_NS = 16
_NW = _NC * _NS


def _make_sc_scatter(B, C, H, W, out_h, out_w):
    nplanes = B * C
    planes_per_w = nplanes // _NW
    assert planes_per_w * _NW == nplanes
    assert C % 8 == 0 and W % 16 == 0
    assert out_w == 256 and out_h % 8 == 0
    assert out_h * out_w * C < 2**23
    xtiles = out_w // 128
    wgroups = W // 16

    mesh = plsc.VectorSubcoreMesh(core_axis_name="c", subcore_axis_name="s")

    @functools.partial(
        pl.kernel,
        mesh=mesh,
        out_type=jax.ShapeDtypeStruct(
            (B, out_h, C // 8, xtiles, 8, 128), jnp.float32
        ),
        scratch_types=[
            pltpu.VMEM((H, W), jnp.int32),
            pltpu.VMEM((H, W), jnp.float32),
            pltpu.VMEM((out_h, xtiles, 128), jnp.float32),
            pltpu.SemaphoreType.DMA,
            [pltpu.SemaphoreType.DMA] * 8,
        ],
        compiler_params=pltpu.CompilerParams(needs_layout_passes=False),
    )
    def sc_scatter(mask_hbm, upd_hbm, out_hbm, mvec, uvec, acc, in_sem, out_sems):
        wid = lax.axis_index("s") * _NC + lax.axis_index("c")
        base = wid * planes_per_w
        ych = out_h // 8

        def plane_coords(i):
            plane = base + i
            b = plane // C
            c = plane % C
            return b, c // 8, c % 8

        def in_copies(i):
            b, ct, c8 = plane_coords(i)
            return (
                pltpu.make_async_copy(
                    mask_hbm.at[b, :, ct, c8, :], mvec, in_sem
                ),
                pltpu.make_async_copy(
                    upd_hbm.at[b, :, ct, c8, :], uvec, in_sem
                ),
            )

        def chunk_drain(i, k):
            b, ct, c8 = plane_coords(i)
            return pltpu.make_async_copy(
                acc.at[pl.ds(k * ych, ych)],
                out_hbm.at[b, pl.ds(k * ych, ych), ct, :, c8, :],
                out_sems[k],
            )

        def zero_chunk(k):
            zeros = jnp.zeros((16,), jnp.float32)

            @plsc.parallel_loop(k * ych, (k + 1) * ych, unroll=2)
            def _zbody(y):
                for xt in range(xtiles):
                    for kk in range(8):
                        acc[y, xt, pl.ds(kk * 16, 16)] = zeros

        def scatter_plane():
            @plsc.parallel_loop(0, H, unroll=2)
            def _sbody(h):
                for j in range(wgroups):
                    m = mvec[h, pl.ds(j * 16, 16)]
                    u = uvec[h, pl.ds(j * 16, 16)]
                    q = (m.astype(jnp.uint32) // jnp.uint32(C)).astype(
                        jnp.int32
                    )
                    i0 = lax.shift_right_logical(q, 8)
                    i1 = lax.bitwise_and(lax.shift_right_logical(q, 7), 1)
                    i2 = lax.bitwise_and(q, 127)
                    plsc.addupdate_scatter(acc, [i0, i1, i2], u)

        m0, u0 = in_copies(0)
        m0.start()
        u0.start()

        def do_plane(i, carry):
            for k in range(8):
                @pl.when(i > 0)
                def _wait_prev():
                    chunk_drain(i - 1, k).wait()

                zero_chunk(k)
            mi, ui = in_copies(i)
            mi.wait()
            ui.wait()
            scatter_plane()

            @pl.when(i + 1 < planes_per_w)
            def _prefetch_next():
                mn, un = in_copies(i + 1)
                mn.start()
                un.start()

            for k in range(8):
                chunk_drain(i, k).start()
            return carry

        lax.fori_loop(0, planes_per_w, do_plane, 0)
        for k in range(8):
            chunk_drain(planes_per_w - 1, k).wait()

    return sc_scatter


def kernel(updates, mask):
    B, H, W, C = updates.shape
    out_h, out_w = H * _POOL, W * _POOL

    mask = mask.astype(jnp.int32)
    mask5 = jnp.transpose(mask, (0, 1, 3, 2)).reshape(B, H, C // 8, 8, W)
    upd5 = jnp.transpose(updates, (0, 1, 3, 2)).reshape(B, H, C // 8, 8, W)

    out6 = _make_sc_scatter(B, C, H, W, out_h, out_w)(mask5, upd5)

    out = out6.transpose(0, 1, 3, 5, 2, 4)
    return out.reshape(B, out_h, out_w, C)

# --- scband reference (transcript-rebuilt; emitter-appended) ---
"""Pipeline reference for scband-max-unpooling2-d-77902116814930 (READ-ONLY COPY).

The authoritative reference and input builder live on the scoring server;
editing this copy changes nothing except your own understanding.
"""

import jax, jax.numpy as jnp
import numpy as np

SIZE = (2, 2)

def setup_inputs(seed: int = 0) -> dict:
    key = jax.random.key(seed)
    k1, k2 = jax.random.split(key)
    B, H, W, C = 4, 128, 128, 96
    out_H, out_W = H * SIZE[0], W * SIZE[1]
    updates = jax.random.normal(k1, (B, H, W, C), dtype=jnp.float32)
    # mask: flattened argmax index into the full-resolution output tensor,
    # mimicking tf.nn.max_pool_with_argmax semantics (index < out_H*out_W*C)
    mask = jax.random.randint(k2, (B, H, W, C), 0, out_H * out_W * C, dtype=jnp.int64)
    return {"updates": updates, "mask": mask}

def reference(updates, mask):
    # Faithful JAX translation of MaxUnpooling2D.call with output_shape=None
    B, H, W, C = updates.shape
    out_shape = (B, H * SIZE[0], W * SIZE[1], C)
    mask = mask.astype(jnp.int32)
    one_like_mask = jnp.ones_like(mask, dtype=jnp.int32)
    batch_range = jnp.arange(out_shape[0], dtype=jnp.int32).reshape(B, 1, 1, 1)
    b = one_like_mask * batch_range
    y = mask // (out_shape[2] * out_shape[3])
    x = (mask // out_shape[3]) % out_shape[2]
    feature_range = jnp.arange(out_shape[3], dtype=jnp.int32)
    f = one_like_mask * feature_range
    updates_size = updates.size
    indices = jnp.transpose(jnp.reshape(jnp.stack([b, y, x, f]), (4, updates_size)))
    values = jnp.reshape(updates, (updates_size,))
    # tf.scatter_nd sums duplicate indices -> .at[...].add
    ret = jnp.zeros(out_shape, dtype=updates.dtype).at[
        indices[:, 0], indices[:, 1], indices[:, 2], indices[:, 3]
    ].add(values)
    return ret

if __name__ == "__main__":
    import jax
    _d = setup_inputs()
    print(jax.jit(kernel)(*tuple(_d.values())))

</pallas_src>

<mosaic_0001>
#map = affine_map<(d0, d1) -> (0, 0, 0, 0, 0)>
#map1 = affine_map<(d0, d1) -> (0, 0, 0, 0, 0, 0)>
module attributes {stable_mosaic.version = 14 : i64} {
  func.func @sc_scatter(%arg0: i32, %arg1: i32, %arg2: memref<4x128x12x8x128xi32, #tpu.memory_space<hbm>>, %arg3: memref<4x128x12x8x128xf32, #tpu.memory_space<hbm>>, %arg4: memref<4x256x12x2x8x128xf32, #tpu.memory_space<hbm>>, %arg5: memref<128x128xi32, #tpu.memory_space<vmem>>, %arg6: memref<128x128xf32, #tpu.memory_space<vmem>>, %arg7: memref<256x2x128xf32, #tpu.memory_space<vmem>>, %arg8: memref<!tpu.dma_semaphore, #tpu.memory_space<semaphore_mem>>, %arg9: memref<!tpu.dma_semaphore, #tpu.memory_space<semaphore_mem>>, %arg10: memref<!tpu.dma_semaphore, #tpu.memory_space<semaphore_mem>>, %arg11: memref<!tpu.dma_semaphore, #tpu.memory_space<semaphore_mem>>, %arg12: memref<!tpu.dma_semaphore, #tpu.memory_space<semaphore_mem>>, %arg13: memref<!tpu.dma_semaphore, #tpu.memory_space<semaphore_mem>>, %arg14: memref<!tpu.dma_semaphore, #tpu.memory_space<semaphore_mem>>, %arg15: memref<!tpu.dma_semaphore, #tpu.memory_space<semaphore_mem>>, %arg16: memref<!tpu.dma_semaphore, #tpu.memory_space<semaphore_mem>>) attributes {dimension_semantics = [#tpu.dimension_semantics<core_parallel>, #tpu.dimension_semantics<subcore_parallel>], iteration_bounds = array<i64: 2, 16>, scalar_prefetch = 0 : i64, scratch_operands = 12 : i64, tpu.core_type = #tpu.core_type<sc_vector_subcore>, window_params = [{transform_indices = #map}, {transform_indices = #map}, {transform_indices = #map1}]} {
    %mul3A = arith.constant 2 : i32
    %mul3A_0 = arith.muli %arg1, %mul3A : i32
    %add3A = arith.addi %mul3A_0, %arg0 : i32
    %mul3A_1 = arith.constant 12 : i32
    %mul3A_2 = arith.muli %add3A, %mul3A_1 : i32
    %add3A_3 = arith.constant 0 : i32
    %add3A_4 = arith.addi %mul3A_2, %add3A_3 : i32
    %jit3A = arith.constant 96 : i32
    %div3A = arith.divsi %add3A_4, %jit3A : i32
    %sign3A = arith.constant 0 : i32
    %sign3A_5 = arith.cmpi sgt, %add3A_4, %sign3A : i32
    %sign3A_6 = arith.extui %sign3A_5 : i1 to i32
    %sign3A_7 = arith.constant 0 : i32
    %sign3A_8 = arith.cmpi slt, %add3A_4, %sign3A_7 : i32
    %sign3A_9 = arith.extui %sign3A_8 : i1 to i32
    %sign3A_10 = arith.subi %sign3A_6, %sign3A_9 : i32
    %sign3A_11 = arith.constant 0 : i32
    %sign3A_12 = arith.cmpi sgt, %jit3A, %sign3A_11 : i32
    %sign3A_13 = arith.extui %sign3A_12 : i1 to i32
    %sign3A_14 = arith.constant 0 : i32
    %sign3A_15 = arith.cmpi slt, %jit3A, %sign3A_14 : i32
    %sign3A_16 = arith.extui %sign3A_15 : i1 to i32
    %sign3A_17 = arith.subi %sign3A_13, %sign3A_16 : i32
    %ne3A = arith.cmpi ne, %sign3A_10, %sign3A_17 : i32
    %rem3A = arith.remsi %add3A_4, %jit3A : i32
    %ne3A_18 = arith.constant 0 : i32
    %ne3A_19 = arith.cmpi ne, %rem3A, %ne3A_18 : i32
    %and3A = arith.andi %ne3A, %ne3A_19 : i1
    %sub3A = arith.constant 1 : i32
    %sub3A_20 = arith.subi %div3A, %sub3A : i32
    %select_n3A = arith.select %and3A, %sub3A_20, %div3A : i32
    %jit3A_21 = arith.constant 96 : i32
    %eq3A = arith.constant 0 : i32
    %eq3A_22 = arith.cmpi eq, %jit3A_21, %eq3A : i32
    %jit3A_23 = arith.constant 1 : i32
    %select_n3A_24 = arith.select %eq3A_22, %jit3A_23, %jit3A_21 : i32
    %rem3A_25 = arith.remsi %add3A_4, %select_n3A_24 : i32
    %ne3A_26 = arith.constant 0 : i32
    %ne3A_27 = arith.cmpi ne, %rem3A_25, %ne3A_26 : i32
    %lt3A = arith.constant 0 : i32
    %lt3A_28 = arith.cmpi slt, %rem3A_25, %lt3A : i32
    %lt3A_29 = arith.constant 0 : i32
    %lt3A_30 = arith.cmpi slt, %select_n3A_24, %lt3A_29 : i32
    %ne3A_31 = arith.xori %lt3A_28, %lt3A_30 : i1
    %and3A_32 = arith.andi %ne3A_31, %ne3A_27 : i1
    %add3A_33 = arith.addi %rem3A_25, %select_n3A_24 : i32
    %select_n3A_34 = arith.select %and3A_32, %add3A_33, %rem3A_25 : i32
    %jit3A_35 = arith.constant 8 : i32
    %div3A_36 = arith.divsi %select_n3A_34, %jit3A_35 : i32
    %sign3A_37 = arith.constant 0 : i32
    %sign3A_38 = arith.cmpi sgt, %select_n3A_34, %sign3A_37 : i32
    %sign3A_39 = arith.extui %sign3A_38 : i1 to i32
    %sign3A_40 = arith.constant 0 : i32
    %sign3A_41 = arith.cmpi slt, %select_n3A_34, %sign3A_40 : i32
    %sign3A_42 = arith.extui %sign3A_41 : i1 to i32
    %sign3A_43 = arith.subi %sign3A_39, %sign3A_42 : i32
    %sign3A_44 = arith.constant 0 : i32
    %sign3A_45 = arith.cmpi sgt, %jit3A_35, %sign3A_44 : i32
    %sign3A_46 = arith.extui %sign3A_45 : i1 to i32
    %sign3A_47 = arith.constant 0 : i32
    %sign3A_48 = arith.cmpi slt, %jit3A_35, %sign3A_47 : i32
    %sign3A_49 = arith.extui %sign3A_48 : i1 to i32
    %sign3A_50 = arith.subi %sign3A_46, %sign3A_49 : i32
    %ne3A_51 = arith.cmpi ne, %sign3A_43, %sign3A_50 : i32
    %rem3A_52 = arith.remsi %select_n3A_34, %jit3A_35 : i32
    %ne3A_53 = arith.constant 0 : i32
    %ne3A_54 = arith.cmpi ne, %rem3A_52, %ne3A_53 : i32
    %and3A_55 = arith.andi %ne3A_51, %ne3A_54 : i1
    %sub3A_56 = arith.constant 1 : i32
    %sub3A_57 = arith.subi %div3A_36, %sub3A_56 : i32
    %select_n3A_58 = arith.select %and3A_55, %sub3A_57, %div3A_36 : i32
    %jit3A_59 = arith.constant 8 : i32
    %eq3A_60 = arith.constant 0 : i32
    %eq3A_61 = arith.cmpi eq, %jit3A_59, %eq3A_60 : i32
    %jit3A_62 = arith.constant 1 : i32
    %select_n3A_63 = arith.select %eq3A_61, %jit3A_62, %jit3A_59 : i32
    %rem3A_64 = arith.remsi %select_n3A_34, %select_n3A_63 : i32
    %ne3A_65 = arith.constant 0 : i32
    %ne3A_66 = arith.cmpi ne, %rem3A_64, %ne3A_65 : i32
    %lt3A_67 = arith.constant 0 : i32
    %lt3A_68 = arith.cmpi slt, %rem3A_64, %lt3A_67 : i32
    %lt3A_69 = arith.constant 0 : i32
    %lt3A_70 = arith.cmpi slt, %select_n3A_63, %lt3A_69 : i32
    %ne3A_71 = arith.xori %lt3A_68, %lt3A_70 : i1
    %and3A_72 = arith.andi %ne3A_71, %ne3A_66 : i1
    %add3A_73 = arith.addi %rem3A_64, %select_n3A_63 : i32
    %select_n3A_74 = arith.select %and3A_72, %add3A_73, %rem3A_64 : i32
    %dma_start3A = arith.constant 0 : i32
    %dma_start3A_75 = arith.constant 0 : i32
    %dma_start3A_76 = tpu.memref_slice %arg2[%select_n3A, %dma_start3A, %select_n3A_58, %select_n3A_74, %dma_start3A_75] : memref<4x128x12x8x128xi32, #tpu.memory_space<hbm>> -> memref<1x128x1x1x128xi32, #tpu.memory_space<hbm>>
    %dma_start3A_77 = tpu.memref_squeeze %dma_start3A_76 : memref<1x128x1x1x128xi32, #tpu.memory_space<hbm>> -> memref<128x128xi32, #tpu.memory_space<hbm>>
    %dma_start3A_78 = arith.constant 0 : i32
    %dma_start3A_79 = arith.constant 0 : i32
    %dma_start3A_80 = tpu.memref_slice %arg2[%select_n3A, %dma_start3A_78, %select_n3A_58, %select_n3A_74, %dma_start3A_79] : memref<4x128x12x8x128xi32, #tpu.memory_space<hbm>> -> memref<1x128x1x1x128xi32, #tpu.memory_space<hbm>>
    %dma_start3A_81 = tpu.memref_squeeze %dma_start3A_80 : memref<1x128x1x1x128xi32, #tpu.memory_space<hbm>> -> memref<128x128xi32, #tpu.memory_space<hbm>>
    tpu.enqueue_dma source(%dma_start3A_81 : memref<128x128xi32, #tpu.memory_space<hbm>>) target(%arg5 : memref<128x128xi32, #tpu.memory_space<vmem>>) target_semaphore(%arg8 : memref<!tpu.dma_semaphore, #tpu.memory_space<semaphore_mem>>)
    %dma_start3A_82 = arith.constant 0 : i32
    %dma_start3A_83 = arith.constant 0 : i32
    %dma_start3A_84 = tpu.memref_slice %arg3[%select_n3A, %dma_start3A_82, %select_n3A_58, %select_n3A_74, %dma_start3A_83] : memref<4x128x12x8x128xf32, #tpu.memory_space<hbm>> -> memref<1x128x1x1x128xf32, #tpu.memory_space<hbm>>
    %dma_start3A_85 = tpu.memref_squeeze %dma_start3A_84 : memref<1x128x1x1x128xf32, #tpu.memory_space<hbm>> -> memref<128x128xf32, #tpu.memory_space<hbm>>
    %dma_start3A_86 = arith.constant 0 : i32
    %dma_start3A_87 = arith.constant 0 : i32
    %dma_start3A_88 = tpu.memref_slice %arg3[%select_n3A, %dma_start3A_86, %select_n3A_58, %select_n3A_74, %dma_start3A_87] : memref<4x128x12x8x128xf32, #tpu.memory_space<hbm>> -> memref<1x128x1x1x128xf32, #tpu.memory_space<hbm>>
    %dma_start3A_89 = tpu.memref_squeeze %dma_start3A_88 : memref<1x128x1x1x128xf32, #tpu.memory_space<hbm>> -> memref<128x128xf32, #tpu.memory_space<hbm>>
    tpu.enqueue_dma source(%dma_start3A_89 : memref<128x128xf32, #tpu.memory_space<hbm>>) target(%arg6 : memref<128x128xf32, #tpu.memory_space<vmem>>) target_semaphore(%arg8 : memref<!tpu.dma_semaphore, #tpu.memory_space<semaphore_mem>>)
    %scan3A = arith.constant 0 : i32
    %scan3A_90 = arith.constant 0 : i32
    %scan3A_91 = arith.constant 12 : i32
    %scan3A_92 = arith.addi %scan3A_90, %scan3A_91 : i32
    %scan3A_93 = arith.constant 1 : i32
    scf.for %scan3A_894 = %scan3A_90 to %scan3A_92 step %scan3A_93  : i32 {
      %gt3A = arith.constant 0 : i32
      %gt3A_895 = arith.cmpi sgt, %scan3A_894, %gt3A : i32
      %convert_element_type3A = arith.extui %gt3A_895 : i1 to i32
      %cond3A = arith.constant 0 : i32
      %cond3A_896 = arith.cmpi ne, %convert_element_type3A, %cond3A : i32
      scf.if %cond3A_896 {
        %sub3A_1869 = arith.constant 1 : i32
        %sub3A_1870 = arith.subi %scan3A_894, %sub3A_1869 : i32
        %add3A_1871 = arith.addi %mul3A_2, %sub3A_1870 : i32
        %jit3A_1872 = arith.constant 96 : i32
        %div3A_1873 = arith.divsi %add3A_1871, %jit3A_1872 : i32
        %sign3A_1874 = arith.constant 0 : i32
        %sign3A_1875 = arith.cmpi sgt, %add3A_1871, %sign3A_1874 : i32
        %sign3A_1876 = arith.extui %sign3A_1875 : i1 to i32
        %sign3A_1877 = arith.constant 0 : i32
        %sign3A_1878 = arith.cmpi slt, %add3A_1871, %sign3A_1877 : i32
        %sign3A_1879 = arith.extui %sign3A_1878 : i1 to i32
        %sign3A_1880 = arith.subi %sign3A_1876, %sign3A_1879 : i32
        %sign3A_1881 = arith.constant 0 : i32
        %sign3A_1882 = arith.cmpi sgt, %jit3A_1872, %sign3A_1881 : i32
        %sign3A_1883 = arith.extui %sign3A_1882 : i1 to i32
        %sign3A_1884 = arith.constant 0 : i32
        %sign3A_1885 = arith.cmpi slt, %jit3A_1872, %sign3A_1884 : i32
        %sign3A_1886 = arith.extui %sign3A_1885 : i1 to i32
        %sign3A_1887 = arith.subi %sign3A_1883, %sign3A_1886 : i32
        %ne3A_1888 = arith.cmpi ne, %sign3A_1880, %sign3A_1887 : i32
        %rem3A_1889 = arith.remsi %add3A_1871, %jit3A_1872 : i32
        %ne3A_1890 = arith.constant 0 : i32
        %ne3A_1891 = arith.cmpi ne, %rem3A_1889, %ne3A_1890 : i32
        %and3A_1892 = arith.andi %ne3A_1888, %ne3A_1891 : i1
        %sub3A_1893 = arith.constant 1 : i32
        %sub3A_1894 = arith.subi %div3A_1873, %sub3A_1893 : i32
        %select_n3A_1895 = arith.select %and3A_1892, %sub3A_1894, %div3A_1873 : i32
        %jit3A_1896 = arith.constant 96 : i32
        %eq3A_1897 = arith.constant 0 : i32
        %eq3A_1898 = arith.cmpi eq, %jit3A_1896, %eq3A_1897 : i32
        %jit3A_1899 = arith.constant 1 : i32
        %select_n3A_1900 = arith.select %eq3A_1898, %jit3A_1899, %jit3A_1896 : i32
        %rem3A_1901 = arith.remsi %add3A_1871, %select_n3A_1900 : i32
        %ne3A_1902 = arith.constant 0 : i32
        %ne3A_1903 = arith.cmpi ne, %rem3A_1901, %ne3A_1902 : i32
        %lt3A_1904 = arith.constant 0 : i32
        %lt3A_1905 = arith.cmpi slt, %rem3A_1901, %lt3A_1904 : i32
        %lt3A_1906 = arith.constant 0 : i32
        %lt3A_1907 = arith.cmpi slt, %select_n3A_1900, %lt3A_1906 : i32
        %ne3A_1908 = arith.xori %lt3A_1905, %lt3A_1907 : i1
        %and3A_1909 = arith.andi %ne3A_1908, %ne3A_1903 : i1
        %add3A_1910 = arith.addi %rem3A_1901, %select_n3A_1900 : i32
        %select_n3A_1911 = arith.select %and3A_1909, %add3A_1910, %rem3A_1901 : i32
        %jit3A_1912 = arith.constant 8 : i32
        %div3A_1913 = arith.divsi %select_n3A_1911, %jit3A_1912 : i32
        %sign3A_1914 = arith.constant 0 : i32
        %sign3A_1915 = arith.cmpi sgt, %select_n3A_1911, %sign3A_1914 : i32
        %sign3A_1916 = arith.extui %sign3A_1915 : i1 to i32
        %sign3A_1917 = arith.constant 0 : i32
        %sign3A_1918 = arith.cmpi slt, %select_n3A_1911, %sign3A_1917 : i32
        %sign3A_1919 = arith.extui %sign3A_1918 : i1 to i32
        %sign3A_1920 = arith.subi %sign3A_1916, %sign3A_1919 : i32
        %sign3A_1921 = arith.constant 0 : i32
        %sign3A_1922 = arith.cmpi sgt, %jit3A_1912, %sign3A_1921 : i32
        %sign3A_1923 = arith.extui %sign3A_1922 : i1 to i32
        %sign3A_1924 = arith.constant 0 : i32
        %sign3A_1925 = arith.cmpi slt, %jit3A_1912, %sign3A_1924 : i32
        %sign3A_1926 = arith.extui %sign3A_1925 : i1 to i32
        %sign3A_1927 = arith.subi %sign3A_1923, %sign3A_1926 : i32
        %ne3A_1928 = arith.cmpi ne, %sign3A_1920, %sign3A_1927 : i32
        %rem3A_1929 = arith.remsi %select_n3A_1911, %jit3A_1912 : i32
        %ne3A_1930 = arith.constant 0 : i32
        %ne3A_1931 = arith.cmpi ne, %rem3A_1929, %ne3A_1930 : i32
        %and3A_1932 = arith.andi %ne3A_1928, %ne3A_1931 : i1
        %sub3A_1933 = arith.constant 1 : i32
        %sub3A_1934 = arith.subi %div3A_1913, %sub3A_1933 : i32
        %select_n3A_1935 = arith.select %and3A_1932, %sub3A_1934, %div3A_1913 : i32
        %jit3A_1936 = arith.constant 8 : i32
        %eq3A_1937 = arith.constant 0 : i32
        %eq3A_1938 = arith.cmpi eq, %jit3A_1936, %eq3A_1937 : i32
        %jit3A_1939 = arith.constant 1 : i32
        %select_n3A_1940 = arith.select %eq3A_1938, %jit3A_1939, %jit3A_1936 : i32
        %rem3A_1941 = arith.remsi %select_n3A_1911, %select_n3A_1940 : i32
        %ne3A_1942 = arith.constant 0 : i32
        %ne3A_1943 = arith.cmpi ne, %rem3A_1941, %ne3A_1942 : i32
        %lt3A_1944 = arith.constant 0 : i32
        %lt3A_1945 = arith.cmpi slt, %rem3A_1941, %lt3A_1944 : i32
        %lt3A_1946 = arith.constant 0 : i32
        %lt3A_1947 = arith.cmpi slt, %select_n3A_1940, %lt3A_1946 : i32
        %ne3A_1948 = arith.xori %lt3A_1945, %lt3A_1947 : i1
        %and3A_1949 = arith.andi %ne3A_1948, %ne3A_1943 : i1
        %add3A_1950 = arith.addi %rem3A_1941, %select_n3A_1940 : i32
        %select_n3A_1951 = arith.select %and3A_1949, %add3A_1950, %rem3A_1941 : i32
        %dma_wait3A_1952 = arith.constant 0 : i32
        %dma_wait3A_1953 = arith.constant 0 : i32
        %dma_wait3A_1954 = arith.constant 0 : i32
        %dma_wait3A_1955 = tpu.memref_slice %arg7[%dma_wait3A_1952, %dma_wait3A_1953, %dma_wait3A_1954] : memref<256x2x128xf32, #tpu.memory_space<vmem>> -> memref<32x2x128xf32, #tpu.memory_space<vmem>>
        %dma_wait3A_1956 = arith.constant 0 : i32
        %dma_wait3A_1957 = arith.constant 0 : i32
        %dma_wait3A_1958 = arith.constant 0 : i32
        %dma_wait3A_1959 = tpu.memref_slice %arg4[%select_n3A_1895, %dma_wait3A_1956, %select_n3A_1935, %dma_wait3A_1957, %select_n3A_1951, %dma_wait3A_1958] : memref<4x256x12x2x8x128xf32, #tpu.memory_space<hbm>> -> memref<1x32x1x2x1x128xf32, #tpu.memory_space<hbm>>
        %dma_wait3A_1960 = tpu.memref_squeeze %dma_wait3A_1959 : memref<1x32x1x2x1x128xf32, #tpu.memory_space<hbm>> -> memref<32x2x128xf32, #tpu.memory_space<hbm>>
        %dma_wait3A_1961 = arith.constant 0 : i32
        %dma_wait3A_1962 = arith.constant 0 : i32
        %dma_wait3A_1963 = arith.constant 0 : i32
        %dma_wait3A_1964 = tpu.memref_slice %arg4[%select_n3A_1895, %dma_wait3A_1961, %select_n3A_1935, %dma_wait3A_1962, %select_n3A_1951, %dma_wait3A_1963] : memref<4x256x12x2x8x128xf32, #tpu.memory_space<hbm>> -> memref<1x32x1x2x1x128xf32, #tpu.memory_space<hbm>>
        %dma_wait3A_1965 = tpu.memref_squeeze %dma_wait3A_1964 : memref<1x32x1x2x1x128xf32, #tpu.memory_space<hbm>> -> memref<32x2x128xf32, #tpu.memory_space<hbm>>
        %dma_wait3A_1966 = arith.constant 0 : i32
        %dma_wait3A_1967 = arith.constant 0 : i32
        %dma_wait3A_1968 = arith.constant 0 : i32
        %dma_wait3A_1969 = tpu.memref_slice %arg7[%dma_wait3A_1966, %dma_wait3A_1967, %dma_wait3A_1968] : memref<256x2x128xf32, #tpu.memory_space<vmem>> -> memref<32x2x128xf32, #tpu.memory_space<vmem>>
        tpu.wait_dma2 semaphore(%arg9 : memref<!tpu.dma_semaphore, #tpu.memory_space<semaphore_mem>>) src(%dma_wait3A_1969 : memref<32x2x128xf32, #tpu.memory_space<vmem>>) dst(%dma_wait3A_1965 : memref<32x2x128xf32, #tpu.memory_space<hbm>>)
      } else {
      }
      %broadcast_in_dim3A = arith.constant 0.000000e+00 : f32
      %broadcast_in_dim3A_897 = vector.broadcast %broadcast_in_dim3A : f32 to vector<16xf32>
      %parallel_loop3A = arith.constant 0 : i32
      %parallel_loop3A_898 = arith.constant 32 : i32
      %parallel_loop3A_899 = arith.constant 1 : i32
      scf.for %parallel_loop3A_1869 = %parallel_loop3A to %parallel_loop3A_898 step %parallel_loop3A_899  : i32 {
        %parallel_loop3A_1870 = arith.constant 0 : i32
        %parallel_loop3A_1871 = arith.index_cast %parallel_loop3A_1869 : i32 to index
        %parallel_loop3A_1872 = arith.index_cast %parallel_loop3A_1870 : i32 to index
        %parallel_loop3A_1873 = arith.constant 0 : index
        %parallel_loop3A_1874 = tpu.vector_load %arg7[%parallel_loop3A_1871, %parallel_loop3A_1872, %parallel_loop3A_1873] {strides = array<i32>} : memref<256x2x128xf32, #tpu.memory_space<vmem>>, vector<16xf32>,
        tpu.vector_store %arg7[%parallel_loop3A_1871, %parallel_loop3A_1872, %parallel_loop3A_1873], %broadcast_in_dim3A_897 {strides = array<i32>} : memref<256x2x128xf32, #tpu.memory_space<vmem>>, vector<16xf32>,
        %parallel_loop3A_1875 = arith.constant 0 : i32
        %parallel_loop3A_1876 = arith.index_cast %parallel_loop3A_1869 : i32 to index
        %parallel_loop3A_1877 = arith.index_cast %parallel_loop3A_1875 : i32 to index
        %parallel_loop3A_1878 = arith.constant 16 : index
        %parallel_loop3A_1879 = tpu.vector_load %arg7[%parallel_loop3A_1876, %parallel_loop3A_1877, %parallel_loop3A_1878] {strides = array<i32>} : memref<256x2x128xf32, #tpu.memory_space<vmem>>, vector<16xf32>,
        tpu.vector_store %arg7[%parallel_loop3A_1876, %parallel_loop3A_1877, %parallel_loop3A_1878], %broadcast_in_dim3A_897 {strides = array<i32>} : memref<256x2x128xf32, #tpu.memory_space<vmem>>, vector<16xf32>,
        %parallel_loop3A_1880 = arith.constant 0 : i32
        %parallel_loop3A_1881 = arith.index_cast %parallel_loop3A_1869 : i32 to index
        %parallel_loop3A_1882 = arith.index_cast %parallel_loop3A_1880 : i32 to index
        %parallel_loop3A_1883 = arith.constant 32 : index
        %parallel_loop3A_1884 = tpu.vector_load %arg7[%parallel_loop3A_1881, %parallel_loop3A_1882, %parallel_loop3A_1883] {strides = array<i32>} : memref<256x2x128xf32, #tpu.memory_space<vmem>>, vector<16xf32>,
        tpu.vector_store %arg7[%parallel_loop3A_1881, %parallel_loop3A_1882, %parallel_loop3A_1883], %broadcast_in_dim3A_897 {strides = array<i32>} : memref<256x2x128xf32, #tpu.memory_space<vmem>>, vector<16xf32>,
        %parallel_loop3A_1885 = arith.constant 0 : i32
        %parallel_loop3A_1886 = arith.index_cast %parallel_loop3A_1869 : i32 to index
        %parallel_loop3A_1887 = arith.index_cast %parallel_loop3A_1885 : i32 to index
        %parallel_loop3A_1888 = arith.constant 48 : index
        %parallel_loop3A_1889 = tpu.vector_load %arg7[%parallel_loop3A_1886, %parallel_loop3A_1887, %parallel_loop3A_1888] {strides = array<i32>} : memref<256x2x128xf32, #tpu.memory_space<vmem>>, vector<16xf32>,
        tpu.vector_store %arg7[%parallel_loop3A_1886, %parallel_loop3A_1887, %parallel_loop3A_1888], %broadcast_in_dim3A_897 {strides = array<i32>} : memref<256x2x128xf32, #tpu.memory_space<vmem>>, vector<16xf32>,
        %parallel_loop3A_1890 = arith.constant 0 : i32
        %parallel_loop3A_1891 = arith.index_cast %parallel_loop3A_1869 : i32 to index
        %parallel_loop3A_1892 = arith.index_cast %parallel_loop3A_1890 : i32 to index
        %parallel_loop3A_1893 = arith.constant 64 : index
        %parallel_loop3A_1894 = tpu.vector_load %arg7[%parallel_loop3A_1891, %parallel_loop3A_1892, %parallel_loop3A_1893] {strides = array<i32>} : memref<256x2x128xf32, #tpu.memory_space<vmem>>, vector<16xf32>,
        tpu.vector_store %arg7[%parallel_loop3A_1891, %parallel_loop3A_1892, %parallel_loop3A_1893], %broadcast_in_dim3A_897 {strides = array<i32>} : memref<256x2x128xf32, #tpu.memory_space<vmem>>, vector<16xf32>,
        %parallel_loop3A_1895 = arith.constant 0 : i32
        %parallel_loop3A_1896 = arith.index_cast %parallel_loop3A_1869 : i32 to index
        %parallel_loop3A_1897 = arith.index_cast %parallel_loop3A_1895 : i32 to index
        %parallel_loop3A_1898 = arith.constant 80 : index
        %parallel_loop3A_1899 = tpu.vector_load %arg7[%parallel_loop3A_1896, %parallel_loop3A_1897, %parallel_loop3A_1898] {strides = array<i32>} : memref<256x2x128xf32, #tpu.memory_space<vmem>>, vector<16xf32>,
        tpu.vector_store %arg7[%parallel_loop3A_1896, %parallel_loop3A_1897, %parallel_loop3A_1898], %broadcast_in_dim3A_897 {strides = array<i32>} : memref<256x2x128xf32, #tpu.memory_space<vmem>>, vector<16xf32>,
        %parallel_loop3A_1900 = arith.constant 0 : i32
        %parallel_loop3A_1901 = arith.index_cast %parallel_loop3A_1869 : i32 to index
        %parallel_loop3A_1902 = arith.index_cast %parallel_loop3A_1900 : i32 to index
        %parallel_loop3A_1903 = arith.constant 96 : index
        %parallel_loop3A_1904 = tpu.vector_load %arg7[%parallel_loop3A_1901, %parallel_loop3A_1902, %parallel_loop3A_1903] {strides = array<i32>} : memref<256x2x128xf32, #tpu.memory_space<vmem>>, vector<16xf32>,
        tpu.vector_store %arg7[%parallel_loop3A_1901, %parallel_loop3A_1902, %parallel_loop3A_1903], %broadcast_in_dim3A_897 {strides = array<i32>} : memref<256x2x128xf32, #tpu.memory_space<vmem>>, vector<16xf32>,
        %parallel_loop3A_1905 = arith.constant 0 : i32
        %parallel_loop3A_1906 = arith.index_cast %parallel_loop3A_1869 : i32 to index
        %parallel_loop3A_1907 = arith.index_cast %parallel_loop3A_1905 : i32 to index
        %parallel_loop3A_1908 = arith.constant 112 : index
        %parallel_loop3A_1909 = tpu.vector_load %arg7[%parallel_loop3A_1906, %parallel_loop3A_1907, %parallel_loop3A_1908] {strides = array<i32>} : memref<256x2x128xf32, #tpu.memory_space<vmem>>, vector<16xf32>,
        tpu.vector_store %arg7[%parallel_loop3A_1906, %parallel_loop3A_1907, %parallel_loop3A_1908], %broadcast_in_dim3A_897 {strides = array<i32>} : memref<256x2x128xf32, #tpu.memory_space<vmem>>, vector<16xf32>,
        %parallel_loop3A_1910 = arith.constant 1 : i32
        %parallel_loop3A_1911 = arith.index_cast %parallel_loop3A_1869 : i32 to index
        %parallel_loop3A_1912 = arith.index_cast %parallel_loop3A_1910 : i32 to index
        %parallel_loop3A_1913 = arith.constant 0 : index
        %parallel_loop3A_1914 = tpu.vector_load %arg7[%parallel_loop3A_1911, %parallel_loop3A_1912, %parallel_loop3A_1913] {strides = array<i32>} : memref<256x2x128xf32, #tpu.memory_space<vmem>>, vector<16xf32>,
        tpu.vector_store %arg7[%parallel_loop3A_1911, %parallel_loop3A_1912, %parallel_loop3A_1913], %broadcast_in_dim3A_897 {strides = array<i32>} : memref<256x2x128xf32, #tpu.memory_space<vmem>>, vector<16xf32>,
        %parallel_loop3A_1915 = arith.constant 1 : i32
        %parallel_loop3A_1916 = arith.index_cast %parallel_loop3A_1869 : i32 to index
        %parallel_loop3A_1917 = arith.index_cast %parallel_loop3A_1915 : i32 to index
        %parallel_loop3A_1918 = arith.constant 16 : index
        %parallel_loop3A_1919 = tpu.vector_load %arg7[%parallel_loop3A_1916, %parallel_loop3A_1917, %parallel_loop3A_1918] {strides = array<i32>} : memref<256x2x128xf32, #tpu.memory_space<vmem>>, vector<16xf32>,
        tpu.vector_store %arg7[%parallel_loop3A_1916, %parallel_loop3A_1917, %parallel_loop3A_1918], %broadcast_in_dim3A_897 {strides = array<i32>} : memref<256x2x128xf32, #tpu.memory_space<vmem>>, vector<16xf32>,
        %parallel_loop3A_1920 = arith.constant 1 : i32
        %parallel_loop3A_1921 = arith.index_cast %parallel_loop3A_1869 : i32 to index
        %parallel_loop3A_1922 = arith.index_cast %parallel_loop3A_1920 : i32 to index
        %parallel_loop3A_1923 = arith.constant 32 : index
        %parallel_loop3A_1924 = tpu.vector_load %arg7[%parallel_loop3A_1921, %parallel_loop3A_1922, %parallel_loop3A_1923] {strides = array<i32>} : memref<256x2x128xf32, #tpu.memory_space<vmem>>, vector<16xf32>,
        tpu.vector_store %arg7[%parallel_loop3A_1921, %parallel_loop3A_1922, %parallel_loop3A_1923], %broadcast_in_dim3A_897 {strides = array<i32>} : memref<256x2x128xf32, #tpu.memory_space<vmem>>, vector<16xf32>,
        %parallel_loop3A_1925 = arith.constant 1 : i32
        %parallel_loop3A_1926 = arith.index_cast %parallel_loop3A_1869 : i32 to index
        %parallel_loop3A_1927 = arith.index_cast %parallel_loop3A_1925 : i32 to index
        %parallel_loop3A_1928 = arith.constant 48 : index
        %parallel_loop3A_1929 = tpu.vector_load %arg7[%parallel_loop3A_1926, %parallel_loop3A_1927, %parallel_loop3A_1928] {strides = array<i32>} : memref<256x2x128xf32, #tpu.memory_space<vmem>>, vector<16xf32>,
        tpu.vector_store %arg7[%parallel_loop3A_1926, %parallel_loop3A_1927, %parallel_loop3A_1928], %broadcast_in_dim3A_897 {strides = array<i32>} : memref<256x2x128xf32, #tpu.memory_space<vmem>>, vector<16xf32>,
        %parallel_loop3A_1930 = arith.constant 1 : i32
        %parallel_loop3A_1931 = arith.index_cast %parallel_loop3A_1869 : i32 to index
        %parallel_loop3A_1932 = arith.index_cast %parallel_loop3A_1930 : i32 to index
        %parallel_loop3A_1933 = arith.constant 64 : index
        %parallel_loop3A_1934 = tpu.vector_load %arg7[%parallel_loop3A_1931, %parallel_loop3A_1932, %parallel_loop3A_1933] {strides = array<i32>} : memref<256x2x128xf32, #tpu.memory_space<vmem>>, vector<16xf32>,
        tpu.vector_store %arg7[%parallel_loop3A_1931, %parallel_loop3A_1932, %parallel_loop3A_1933], %broadcast_in_dim3A_897 {strides = array<i32>} : memref<256x2x128xf32, #tpu.memory_space<vmem>>, vector<16xf32>,
        %parallel_loop3A_1935 = arith.constant 1 : i32
        %parallel_loop3A_1936 = arith.index_cast %parallel_loop3A_1869 : i32 to index
        %parallel_loop3A_1937 = arith.index_cast %parallel_loop3A_1935 : i32 to index
        %parallel_loop3A_1938 = arith.constant 80 : index
        %parallel_loop3A_1939 = tpu.vector_load %arg7[%parallel_loop3A_1936, %parallel_loop3A_1937, %parallel_loop3A_1938] {strides = array<i32>} : memref<256x2x128xf32, #tpu.memory_space<vmem>>, vector<16xf32>,
        tpu.vector_store %arg7[%parallel_loop3A_1936, %parallel_loop3A_1937, %parallel_loop3A_1938], %broadcast_in_dim3A_897 {strides = array<i32>} : memref<256x2x128xf32, #tpu.memory_space<vmem>>, vector<16xf32>,
        %parallel_loop3A_1940 = arith.constant 1 : i32
        %parallel_loop3A_1941 = arith.index_cast %parallel_loop3A_1869 : i32 to index
        %parallel_loop3A_1942 = arith.index_cast %parallel_loop3A_1940 : i32 to index
        %parallel_loop3A_1943 = arith.constant 96 : index
        %parallel_loop3A_1944 = tpu.vector_load %arg7[%parallel_loop3A_1941, %parallel_loop3A_1942, %parallel_loop3A_1943] {strides = array<i32>} : memref<256x2x128xf32, #tpu.memory_space<vmem>>, vector<16xf32>,
        tpu.vector_store %arg7[%parallel_loop3A_1941, %parallel_loop3A_1942, %parallel_loop3A_1943], %broadcast_in_dim3A_897 {strides = array<i32>} : memref<256x2x128xf32, #tpu.memory_space<vmem>>, vector<16xf32>,
        %parallel_loop3A_1945 = arith.constant 1 : i32
        %parallel_loop3A_1946 = arith.index_cast %parallel_loop3A_1869 : i32 to index
        %parallel_loop3A_1947 = arith.index_cast %parallel_loop3A_1945 : i32 to index
        %parallel_loop3A_1948 = arith.constant 112 : index
        %parallel_loop3A_1949 = tpu.vector_load %arg7[%parallel_loop3A_1946, %parallel_loop3A_1947, %parallel_loop3A_1948] {strides = array<i32>} : memref<256x2x128xf32, #tpu.memory_space<vmem>>, vector<16xf32>,
        tpu.vector_store %arg7[%parallel_loop3A_1946, %parallel_loop3A_1947, %parallel_loop3A_1948], %broadcast_in_dim3A_897 {strides = array<i32>} : memref<256x2x128xf32, #tpu.memory_space<vmem>>, vector<16xf32>,
      } {sc.loop_unroll_factor = 2 : i64, sc.parallel_access}
      %gt3A_900 = arith.constant 0 : i32
      %gt3A_901 = arith.cmpi sgt, %scan3A_894, %gt3A_900 : i32
      %convert_element_type3A_902 = arith.extui %gt3A_901 : i1 to i32
      %cond3A_903 = arith.constant 0 : i32
      %cond3A_904 = arith.cmpi ne, %convert_element_type3A_902, %cond3A_903 : i32
      scf.if %cond3A_904 {
        %sub3A_1869 = arith.constant 1 : i32
        %sub3A_1870 = arith.subi %scan3A_894, %sub3A_1869 : i32
        %add3A_1871 = arith.addi %mul3A_2, %sub3A_1870 : i32
        %jit3A_1872 = arith.constant 96 : i32
        %div3A_1873 = arith.divsi %add3A_1871, %jit3A_1872 : i32
        %sign3A_1874 = arith.constant 0 : i32
        %sign3A_1875 = arith.cmpi sgt, %add3A_1871, %sign3A_1874 : i32
        %sign3A_1876 = arith.extui %sign3A_1875 : i1 to i32
        %sign3A_1877 = arith.constant 0 : i32
        %sign3A_1878 = arith.cmpi slt, %add3A_1871, %sign3A_1877 : i32
        %sign3A_1879 = arith.extui %sign3A_1878 : i1 to i32
        %sign3A_1880 = arith.subi %sign3A_1876, %sign3A_1879 : i32
        %sign3A_1881 = arith.constant 0 : i32
        %sign3A_1882 = arith.cmpi sgt, %jit3A_1872, %sign3A_1881 : i32
        %sign3A_1883 = arith.extui %sign3A_1882 : i1 to i32
        %sign3A_1884 = arith.constant 0 : i32
        %sign3A_1885 = arith.cmpi slt, %jit3A_1872, %sign3A_1884 : i32
        %sign3A_1886 = arith.extui %sign3A_1885 : i1 to i32
        %sign3A_1887 = arith.subi %sign3A_1883, %sign3A_1886 : i32
        %ne3A_1888 = arith.cmpi ne, %sign3A_1880, %sign3A_1887 : i32
        %rem3A_1889 = arith.remsi %add3A_1871, %jit3A_1872 : i32
        %ne3A_1890 = arith.constant 0 : i32
        %ne3A_1891 = arith.cmpi ne, %rem3A_1889, %ne3A_1890 : i32
        %and3A_1892 = arith.andi %ne3A_1888, %ne3A_1891 : i1
        %sub3A_1893 = arith.constant 1 : i32
        %sub3A_1894 = arith.subi %div3A_1873, %sub3A_1893 : i32
        %select_n3A_1895 = arith.select %and3A_1892, %sub3A_1894, %div3A_1873 : i32
        %jit3A_1896 = arith.constant 96 : i32
        %eq3A_1897 = arith.constant 0 : i32
        %eq3A_1898 = arith.cmpi eq, %jit3A_1896, %eq3A_1897 : i32
        %jit3A_1899 = arith.constant 1 : i32
        %select_n3A_1900 = arith.select %eq3A_1898, %jit3A_1899, %jit3A_1896 : i32
        %rem3A_1901 = arith.remsi %add3A_1871, %select_n3A_1900 : i32
        %ne3A_1902 = arith.constant 0 : i32
        %ne3A_1903 = arith.cmpi ne, %rem3A_1901, %ne3A_1902 : i32
        %lt3A_1904 = arith.constant 0 : i32
        %lt3A_1905 = arith.cmpi slt, %rem3A_1901, %lt3A_1904 : i32
        %lt3A_1906 = arith.constant 0 : i32
        %lt3A_1907 = arith.cmpi slt, %select_n3A_1900, %lt3A_1906 : i32
        %ne3A_1908 = arith.xori %lt3A_1905, %lt3A_1907 : i1
        %and3A_1909 = arith.andi %ne3A_1908, %ne3A_1903 : i1
        %add3A_1910 = arith.addi %rem3A_1901, %select_n3A_1900 : i32
        %select_n3A_1911 = arith.select %and3A_1909, %add3A_1910, %rem3A_1901 : i32
        %jit3A_1912 = arith.constant 8 : i32
        %div3A_1913 = arith.divsi %select_n3A_1911, %jit3A_1912 : i32
        %sign3A_1914 = arith.constant 0 : i32
        %sign3A_1915 = arith.cmpi sgt, %select_n3A_1911, %sign3A_1914 : i32
        %sign3A_1916 = arith.extui %sign3A_1915 : i1 to i32
        %sign3A_1917 = arith.constant 0 : i32
        %sign3A_1918 = arith.cmpi slt, %select_n3A_1911, %sign3A_1917 : i32
        %sign3A_1919 = arith.extui %sign3A_1918 : i1 to i32
        %sign3A_1920 = arith.subi %sign3A_1916, %sign3A_1919 : i32
        %sign3A_1921 = arith.constant 0 : i32
        %sign3A_1922 = arith.cmpi sgt, %jit3A_1912, %sign3A_1921 : i32
        %sign3A_1923 = arith.extui %sign3A_1922 : i1 to i32
        %sign3A_1924 = arith.constant 0 : i32
        %sign3A_1925 = arith.cmpi slt, %jit3A_1912, %sign3A_1924 : i32
        %sign3A_1926 = arith.extui %sign3A_1925 : i1 to i32
        %sign3A_1927 = arith.subi %sign3A_1923, %sign3A_1926 : i32
        %ne3A_1928 = arith.cmpi ne, %sign3A_1920, %sign3A_1927 : i32
        %rem3A_1929 = arith.remsi %select_n3A_1911, %jit3A_1912 : i32
        %ne3A_1930 = arith.constant 0 : i32
        %ne3A_1931 = arith.cmpi ne, %rem3A_1929, %ne3A_1930 : i32
        %and3A_1932 = arith.andi %ne3A_1928, %ne3A_1931 : i1
        %sub3A_1933 = arith.constant 1 : i32
        %sub3A_1934 = arith.subi %div3A_1913, %sub3A_1933 : i32
        %select_n3A_1935 = arith.select %and3A_1932, %sub3A_1934, %div3A_1913 : i32
        %jit3A_1936 = arith.constant 8 : i32
        %eq3A_1937 = arith.constant 0 : i32
        %eq3A_1938 = arith.cmpi eq, %jit3A_1936, %eq3A_1937 : i32
        %jit3A_1939 = arith.constant 1 : i32
        %select_n3A_1940 = arith.select %eq3A_1938, %jit3A_1939, %jit3A_1936 : i32
        %rem3A_1941 = arith.remsi %select_n3A_1911, %select_n3A_1940 : i32
        %ne3A_1942 = arith.constant 0 : i32
        %ne3A_1943 = arith.cmpi ne, %rem3A_1941, %ne3A_1942 : i32
        %lt3A_1944 = arith.constant 0 : i32
        %lt3A_1945 = arith.cmpi slt, %rem3A_1941, %lt3A_1944 : i32
        %lt3A_1946 = arith.constant 0 : i32
        %lt3A_1947 = arith.cmpi slt, %select_n3A_1940, %lt3A_1946 : i32
        %ne3A_1948 = arith.xori %lt3A_1945, %lt3A_1947 : i1
        %and3A_1949 = arith.andi %ne3A_1948, %ne3A_1943 : i1
        %add3A_1950 = arith.addi %rem3A_1941, %select_n3A_1940 : i32
        %select_n3A_1951 = arith.select %and3A_1949, %add3A_1950, %rem3A_1941 : i32
        %dma_wait3A_1952 = arith.constant 32 : i32
        %dma_wait3A_1953 = arith.constant 0 : i32
        %dma_wait3A_1954 = arith.constant 0 : i32
        %dma_wait3A_1955 = tpu.memref_slice %arg7[%dma_wait3A_1952, %dma_wait3A_1953, %dma_wait3A_1954] : memref<256x2x128xf32, #tpu.memory_space<vmem>> -> memref<32x2x128xf32, #tpu.memory_space<vmem>>
        %dma_wait3A_1956 = arith.constant 32 : i32
        %dma_wait3A_1957 = arith.constant 0 : i32
        %dma_wait3A_1958 = arith.constant 0 : i32
        %dma_wait3A_1959 = tpu.memref_slice %arg4[%select_n3A_1895, %dma_wait3A_1956, %select_n3A_1935, %dma_wait3A_1957, %select_n3A_1951, %dma_wait3A_1958] : memref<4x256x12x2x8x128xf32, #tpu.memory_space<hbm>> -> memref<1x32x1x2x1x128xf32, #tpu.memory_space<hbm>>
        %dma_wait3A_1960 = tpu.memref_squeeze %dma_wait3A_1959 : memref<1x32x1x2x1x128xf32, #tpu.memory_space<hbm>> -> memref<32x2x128xf32, #tpu.memory_space<hbm>>
        %dma_wait3A_1961 = arith.constant 32 : i32
        %dma_wait3A_1962 = arith.constant 0 : i32
        %dma_wait3A_1963 = arith.constant 0 : i32
        %dma_wait3A_1964 = tpu.memref_slice %arg4[%select_n3A_1895, %dma_wait3A_1961, %select_n3A_1935, %dma_wait3A_1962, %select_n3A_1951, %dma_wait3A_1963] : memref<4x256x12x2x8x128xf32, #tpu.memory_space<hbm>> -> memref<1x32x1x2x1x128xf32, #tpu.memory_space<hbm>>
        %dma_wait3A_1965 = tpu.memref_squeeze %dma_wait3A_1964 : memref<1x32x1x2x1x128xf32, #tpu.memory_space<hbm>> -> memref<32x2x128xf32, #tpu.memory_space<hbm>>
        %dma_wait3A_1966 = arith.constant 32 : i32
        %dma_wait3A_1967 = arith.constant 0 : i32
        %dma_wait3A_1968 = arith.constant 0 : i32
        %dma_wait3A_1969 = tpu.memref_slice %arg7[%dma_wait3A_1966, %dma_wait3A_1967, %dma_wait3A_1968] : memref<256x2x128xf32, #tpu.memory_space<vmem>> -> memref<32x2x128xf32, #tpu.memory_space<vmem>>
        tpu.wait_dma2 semaphore(%arg10 : memref<!tpu.dma_semaphore, #tpu.memory_space<semaphore_mem>>) src(%dma_wait3A_1969 : memref<32x2x128xf32, #tpu.memory_space<vmem>>) dst(%dma_wait3A_1965 : memref<32x2x128xf32, #tpu.memory_space<hbm>>)
      } else {
      }
      %broadcast_in_dim3A_905 = arith.constant 0.000000e+00 : f32
      %broadcast_in_dim3A_906 = vector.broadcast %broadcast_in_dim3A_905 : f32 to vector<16xf32>
      %parallel_loop3A_907 = arith.constant 32 : i32
      %parallel_loop3A_908 = arith.constant 64 : i32
      %parallel_loop3A_909 = arith.constant 1 : i32
      scf.for %parallel_loop3A_1869 = %parallel_loop3A_907 to %parallel_loop3A_908 step %parallel_loop3A_909  : i32 {
        %parallel_loop3A_1870 = arith.constant 0 : i32
        %parallel_loop3A_1871 = arith.index_cast %parallel_loop3A_1869 : i32 to index
        %parallel_loop3A_1872 = arith.index_cast %parallel_loop3A_1870 : i32 to index
        %parallel_loop3A_1873 = arith.constant 0 : index
        %parallel_loop3A_1874 = tpu.vector_load %arg7[%parallel_loop3A_1871, %parallel_loop3A_1872, %parallel_loop3A_1873] {strides = array<i32>} : memref<256x2x128xf32, #tpu.memory_space<vmem>>, vector<16xf32>,
        tpu.vector_store %arg7[%parallel_loop3A_1871, %parallel_loop3A_1872, %parallel_loop3A_1873], %broadcast_in_dim3A_906 {strides = array<i32>} : memref<256x2x128xf32, #tpu.memory_space<vmem>>, vector<16xf32>,
        %parallel_loop3A_1875 = arith.constant 0 : i32
        %parallel_loop3A_1876 = arith.index_cast %parallel_loop3A_1869 : i32 to index
        %parallel_loop3A_1877 = arith.index_cast %parallel_loop3A_1875 : i32 to index
        %parallel_loop3A_1878 = arith.constant 16 : index
        %parallel_loop3A_1879 = tpu.vector_load %arg7[%parallel_loop3A_1876, %parallel_loop3A_1877, %parallel_loop3A_1878] {strides = array<i32>} : memref<256x2x128xf32, #tpu.memory_space<vmem>>, vector<16xf32>,
        tpu.vector_store %arg7[%parallel_loop3A_1876, %parallel_loop3A_1877, %parallel_loop3A_1878], %broadcast_in_dim3A_906 {strides = array<i32>} : memref<256x2x128xf32, #tpu.memory_space<vmem>>, vector<16xf32>,
        %parallel_loop3A_1880 = arith.constant 0 : i32
        %parallel_loop3A_1881 = arith.index_cast %parallel_loop3A_1869 : i32 to index
        %parallel_loop3A_1882 = arith.index_cast %parallel_loop3A_1880 : i32 to index
        %parallel_loop3A_1883 = arith.constant 32 : index
        %parallel_loop3A_1884 = tpu.vector_load %arg7[%parallel_loop3A_1881, %parallel_loop3A_1882, %parallel_loop3A_1883] {strides = array<i32>} : memref<256x2x128xf32, #tpu.memory_space<vmem>>, vector<16xf32>,
        tpu.vector_store %arg7[%parallel_loop3A_1881, %parallel_loop3A_1882, %parallel_loop3A_1883], %broadcast_in_dim3A_906 {strides = array<i32>} : memref<256x2x128xf32, #tpu.memory_space<vmem>>, vector<16xf32>,
        %parallel_loop3A_1885 = arith.constant 0 : i32
        %parallel_loop3A_1886 = arith.index_cast %parallel_loop3A_1869 : i32 to index
        %parallel_loop3A_1887 = arith.index_cast %parallel_loop3A_1885 : i32 to index
        %parallel_loop3A_1888 = arith.constant 48 : index
        %parallel_loop3A_1889 = tpu.vector_load %arg7[%parallel_loop3A_1886, %parallel_loop3A_1887, %parallel_loop3A_1888] {strides = array<i32>} : memref<256x2x128xf32, #tpu.memory_space<vmem>>, vector<16xf32>,
        tpu.vector_store %arg7[%parallel_loop3A_1886, %parallel_loop3A_1887, %parallel_loop3A_1888], %broadcast_in_dim3A_906 {strides = array<i32>} : memref<256x2x128xf32, #tpu.memory_space<vmem>>, vector<16xf32>,
        %parallel_loop3A_1890 = arith.constant 0 : i32
        %parallel_loop3A_1891 = arith.index_cast %parallel_loop3A_1869 : i32 to index
        %parallel_loop3A_1892 = arith.index_cast %parallel_loop3A_1890 : i32 to index
        %parallel_loop3A_1893 = arith.constant 64 : index
        %parallel_loop3A_1894 = tpu.vector_load %arg7[%parallel_loop3A_1891, %parallel_loop3A_1892, %parallel_loop3A_1893] {strides = array<i32>} : memref<256x2x128xf32, #tpu.memory_space<vmem>>, vector<16xf32>,
        tpu.vector_store %arg7[%parallel_loop3A_1891, %parallel_loop3A_1892, %parallel_loop3A_1893], %broadcast_in_dim3A_906 {strides = array<i32>} : memref<256x2x128xf32, #tpu.memory_space<vmem>>, vector<16xf32>,
        %parallel_loop3A_1895 = arith.constant 0 : i32
        %parallel_loop3A_1896 = arith.index_cast %parallel_loop3A_1869 : i32 to index
        %parallel_loop3A_1897 = arith.index_cast %parallel_loop3A_1895 : i32 to index
        %parallel_loop3A_1898 = arith.constant 80 : index
        %parallel_loop3A_1899 = tpu.vector_load %arg7[%parallel_loop3A_1896, %parallel_loop3A_1897, %parallel_loop3A_1898] {strides = array<i32>} : memref<256x2x128xf32, #tpu.memory_space<vmem>>, vector<16xf32>,
        tpu.vector_store %arg7[%parallel_loop3A_1896, %parallel_loop3A_1897, %parallel_loop3A_1898], %broadcast_in_dim3A_906 {strides = array<i32>} : memref<256x2x128xf32, #tpu.memory_space<vmem>>, vector<16xf32>,
        %parallel_loop3A_1900 = arith.constant 0 : i32
        %parallel_loop3A_1901 = arith.index_cast %parallel_loop3A_1869 : i32 to index
        %parallel_loop3A_1902 = arith.index_cast %parallel_loop3A_1900 : i32 to index
        %parallel_loop3A_1903 = arith.constant 96 : index
        %parallel_loop3A_1904 = tpu.vector_load %arg7[%parallel_loop3A_1901, %parallel_loop3A_1902, %parallel_loop3A_1903] {strides = array<i32>} : memref<256x2x128xf32, #tpu.memory_space<vmem>>, vector<16xf32>,
        tpu.vector_store %arg7[%parallel_loop3A_1901, %parallel_loop3A_1902, %parallel_loop3A_1903], %broadcast_in_dim3A_906 {strides = array<i32>} : memref<256x2x128xf32, #tpu.memory_space<vmem>>, vector<16xf32>,
        %parallel_loop3A_1905 = arith.constant 0 : i32
        %parallel_loop3A_1906 = arith.index_cast %parallel_loop3A_1869 : i32 to index
        %parallel_loop3A_1907 = arith.index_cast %parallel_loop3A_1905 : i32 to index
        %parallel_loop3A_1908 = arith.constant 112 : index
        %parallel_loop3A_1909 = tpu.vector_load %arg7[%parallel_loop3A_1906, %parallel_loop3A_1907, %parallel_loop3A_1908] {strides = array<i32>} : memref<256x2x128xf32, #tpu.memory_space<vmem>>, vector<16xf32>,
        tpu.vector_store %arg7[%parallel_loop3A_1906, %parallel_loop3A_1907, %parallel_loop3A_1908], %broadcast_in_dim3A_906 {strides = array<i32>} : memref<256x2x128xf32, #tpu.memory_space<vmem>>, vector<16xf32>,
        %parallel_loop3A_1910 = arith.constant 1 : i32
        %parallel_loop3A_1911 = arith.index_cast %parallel_loop3A_1869 : i32 to index
        %parallel_loop3A_1912 = arith.index_cast %parallel_loop3A_1910 : i32 to index
        %parallel_loop3A_1913 = arith.constant 0 : index
        %parallel_loop3A_1914 = tpu.vector_load %arg7[%parallel_loop3A_1911, %parallel_loop3A_1912, %parallel_loop3A_1913] {strides = array<i32>} : memref<256x2x128xf32, #tpu.memory_space<vmem>>, vector<16xf32>,
        tpu.vector_store %arg7[%parallel_loop3A_1911, %parallel_loop3A_1912, %parallel_loop3A_1913], %broadcast_in_dim3A_906 {strides = array<i32>} : memref<256x2x128xf32, #tpu.memory_space<vmem>>, vector<16xf32>,
        %parallel_loop3A_1915 = arith.constant 1 : i32
        %parallel_loop3A_1916 = arith.index_cast %parallel_loop3A_1869 : i32 to index
        %parallel_loop3A_1917 = arith.index_cast %parallel_loop3A_1915 : i32 to index
        %parallel_loop3A_1918 = arith.constant 16 : index
        %parallel_loop3A_1919 = tpu.vector_load %arg7[%parallel_loop3A_1916, %parallel_loop3A_1917, %parallel_loop3A_1918] {strides = array<i32>} : memref<256x2x128xf32, #tpu.memory_space<vmem>>, vector<16xf32>,
        tpu.vector_store %arg7[%parallel_loop3A_1916, %parallel_loop3A_1917, %parallel_loop3A_1918], %broadcast_in_dim3A_906 {strides = array<i32>} : memref<256x2x128xf32, #tpu.memory_space<vmem>>, vector<16xf32>,
        %parallel_loop3A_1920 = arith.constant 1 : i32
        %parallel_loop3A_1921 = arith.index_cast %parallel_loop3A_1869 : i32 to index
        %parallel_loop3A_1922 = arith.index_cast %parallel_loop3A_1920 : i32 to index
        %parallel_loop3A_1923 = arith.constant 32 : index
        %parallel_loop3A_1924 = tpu.vector_load %arg7[%parallel_loop3A_1921, %parallel_loop3A_1922, %parallel_loop3A_1923] {strides = array<i32>} : memref<256x2x128xf32, #tpu.memory_space<vmem>>, vector<16xf32>,
        tpu.vector_store %arg7[%parallel_loop3A_1921, %parallel_loop3A_1922, %parallel_loop3A_1923], %broadcast_in_dim3A_906 {strides = array<i32>} : memref<256x2x128xf32, #tpu.memory_space<vmem>>, vector<16xf32>,
        %parallel_loop3A_1925 = arith.constant 1 : i32
        %parallel_loop3A_1926 = arith.index_cast %parallel_loop3A_1869 : i32 to index
        %parallel_loop3A_1927 = arith.index_cast %parallel_loop3A_1925 : i32 to index
        %parallel_loop3A_1928 = arith.constant 48 : index
        %parallel_loop3A_1929 = tpu.vector_load %arg7[%parallel_loop3A_1926, %parallel_loop3A_1927, %parallel_loop3A_1928] {strides = array<i32>} : memref<256x2x128xf32, #tpu.memory_space<vmem>>, vector<16xf32>,
        tpu.vector_store %arg7[%parallel_loop3A_1926, %parallel_loop3A_1927, %parallel_loop3A_1928], %broadcast_in_dim3A_906 {strides = array<i32>} : memref<256x2x128xf32, #tpu.memory_space<vmem>>, vector<16xf32>,
        %parallel_loop3A_1930 = arith.constant 1 : i32
        %parallel_loop3A_1931 = arith.index_cast %parallel_loop3A_1869 : i32 to index
        %parallel_loop3A_1932 = arith.index_cast %parallel_loop3A_1930 : i32 to index
        %parallel_loop3A_1933 = arith.constant 64 : index
        %parallel_loop3A_1934 = tpu.vector_load %arg7[%parallel_loop3A_1931, %parallel_loop3A_1932, %parallel_loop3A_1933] {strides = array<i32>} : memref<256x2x128xf32, #tpu.memory_space<vmem>>, vector<16xf32>,
        tpu.vector_store %arg7[%parallel_loop3A_1931, %parallel_loop3A_1932, %parallel_loop3A_1933], %broadcast_in_dim3A_906 {strides = array<i32>} : memref<256x2x128xf32, #tpu.memory_space<vmem>>, vector<16xf32>,
        %parallel_loop3A_1935 = arith.constant 1 : i32
        %parallel_loop3A_1936 = arith.index_cast %parallel_loop3A_1869 : i32 to index
        %parallel_loop3A_1937 = arith.index_cast %parallel_loop3A_1935 : i32 to index
        %parallel_loop3A_1938 = arith.constant 80 : index
        %parallel_loop3A_1939 = tpu.vector_load %arg7[%parallel_loop3A_1936, %parallel_loop3A_1937, %parallel_loop3A_1938] {strides = array<i32>} : memref<256x2x128xf32, #tpu.memory_space<vmem>>, vector<16xf32>,
        tpu.vector_store %arg7[%parallel_loop3A_1936, %parallel_loop3A_1937, %parallel_loop3A_1938], %broadcast_in_dim3A_906 {strides = array<i32>} : memref<256x2x128xf32, #tpu.memory_space<vmem>>, vector<16xf32>,
        %parallel_loop3A_1940 = arith.constant 1 : i32
        %parallel_loop3A_1941 = arith.index_cast %parallel_loop3A_1869 : i32 to index
        %parallel_loop3A_1942 = arith.index_cast %parallel_loop3A_1940 : i32 to index
        %parallel_loop3A_1943 = arith.constant 96 : index
        %parallel_loop3A_1944 = tpu.vector_load %arg7[%parallel_loop3A_1941, %parallel_loop3A_1942, %parallel_loop3A_1943] {strides = array<i32>} : memref<256x2x128xf32, #tpu.memory_space<vmem>>, vector<16xf32>,
        tpu.vector_store %arg7[%parallel_loop3A_1941, %parallel_loop3A_1942, %parallel_loop3A_1943], %broadcast_in_dim3A_906 {strides = array<i32>} : memref<256x2x128xf32, #tpu.memory_space<vmem>>, vector<16xf32>,
        %parallel_loop3A_1945 = arith.constant 1 : i32
        %parallel_loop3A_1946 = arith.index_cast %parallel_loop3A_1869 : i32 to index
        %parallel_loop3A_1947 = arith.index_cast %parallel_loop3A_1945 : i32 to index
        %parallel_loop3A_1948 = arith.constant 112 : index
        %parallel_loop3A_1949 = tpu.vector_load %arg7[%parallel_loop3A_1946, %parallel_loop3A_1947, %parallel_loop3A_1948] {strides = array<i32>} : memref<256x2x128xf32, #tpu.memory_space<vmem>>, vector<16xf32>,
        tpu.vector_store %arg7[%parallel_loop3A_1946, %parallel_loop3A_1947, %parallel_loop3A_1948], %broadcast_in_dim3A_906 {strides = array<i32>} : memref<256x2x128xf32, #tpu.memory_space<vmem>>, vector<16xf32>,
      } {sc.loop_unroll_factor = 2 : i64, sc.parallel_access}
      %gt3A_910 = arith.constant 0 : i32
      %gt3A_911 = arith.cmpi sgt, %scan3A_894, %gt3A_910 : i32
      %convert_element_type3A_912 = arith.extui %gt3A_911 : i1 to i32
      %cond3A_913 = arith.constant 0 : i32
      %cond3A_914 = arith.cmpi ne, %convert_element_type3A_912, %cond3A_913 : i32
      scf.if %cond3A_914 {
        %sub3A_1869 = arith.constant 1 : i32
        %sub3A_1870 = arith.subi %scan3A_894, %sub3A_1869 : i32
        %add3A_1871 = arith.addi %mul3A_2, %sub3A_1870 : i32
        %jit3A_1872 = arith.constant 96 : i32
        %div3A_1873 = arith.divsi %add3A_1871, %jit3A_1872 : i32
        %sign3A_1874 = arith.constant 0 : i32
        %sign3A_1875 = arith.cmpi sgt, %add3A_1871, %sign3A_1874 : i32
        %sign3A_1876 = arith.extui %sign3A_1875 : i1 to i32
        %sign3A_1877 = arith.constant 0 : i32
        %sign3A_1878 = arith.cmpi slt, %add3A_1871, %sign3A_1877 : i32
        %sign3A_1879 = arith.extui %sign3A_1878 : i1 to i32
        %sign3A_1880 = arith.subi %sign3A_1876, %sign3A_1879 : i32
        %sign3A_1881 = arith.constant 0 : i32
        %sign3A_1882 = arith.cmpi sgt, %jit3A_1872, %sign3A_1881 : i32
        %sign3A_1883 = arith.extui %sign3A_1882 : i1 to i32
        %sign3A_1884 = arith.constant 0 : i32
        %sign3A_1885 = arith.cmpi slt, %jit3A_1872, %sign3A_1884 : i32
        %sign3A_1886 = arith.extui %sign3A_1885 : i1 to i32
        %sign3A_1887 = arith.subi %sign3A_1883, %sign3A_1886 : i32
        %ne3A_1888 = arith.cmpi ne, %sign3A_1880, %sign3A_1887 : i32
        %rem3A_1889 = arith.remsi %add3A_1871, %jit3A_1872 : i32
        %ne3A_1890 = arith.constant 0 : i32
        %ne3A_1891 = arith.cmpi ne, %rem3A_1889, %ne3A_1890 : i32
        %and3A_1892 = arith.andi %ne3A_1888, %ne3A_1891 : i1
        %sub3A_1893 = arith.constant 1 : i32
        %sub3A_1894 = arith.subi %div3A_1873, %sub3A_1893 : i32
        %select_n3A_1895 = arith.select %and3A_1892, %sub3A_1894, %div3A_1873 : i32
        %jit3A_1896 = arith.constant 96 : i32
        %eq3A_1897 = arith.constant 0 : i32
        %eq3A_1898 = arith.cmpi eq, %jit3A_1896, %eq3A_1897 : i32
        %jit3A_1899 = arith.constant 1 : i32
        %select_n3A_1900 = arith.select %eq3A_1898, %jit3A_1899, %jit3A_1896 : i32
        %rem3A_1901 = arith.remsi %add3A_1871, %select_n3A_1900 : i32
        %ne3A_1902 = arith.constant 0 : i32
        %ne3A_1903 = arith.cmpi ne, %rem3A_1901, %ne3A_1902 : i32
        %lt3A_1904 = arith.constant 0 : i32
        %lt3A_1905 = arith.cmpi slt, %rem3A_1901, %lt3A_1904 : i32
        %lt3A_1906 = arith.constant 0 : i32
        %lt3A_1907 = arith.cmpi slt, %select_n3A_1900, %lt3A_1906 : i32
        %ne3A_1908 = arith.xori %lt3A_1905, %lt3A_1907 : i1
        %and3A_1909 = arith.andi %ne3A_1908, %ne3A_1903 : i1
        %add3A_1910 = arith.addi %rem3A_1901, %select_n3A_1900 : i32
        %select_n3A_1911 = arith.select %and3A_1909, %add3A_1910, %rem3A_1901 : i32
        %jit3A_1912 = arith.constant 8 : i32
        %div3A_1913 = arith.divsi %select_n3A_1911, %jit3A_1912 : i32
        %sign3A_1914 = arith.constant 0 : i32
        %sign3A_1915 = arith.cmpi sgt, %select_n3A_1911, %sign3A_1914 : i32
        %sign3A_1916 = arith.extui %sign3A_1915 : i1 to i32
        %sign3A_1917 = arith.constant 0 : i32
        %sign3A_1918 = arith.cmpi slt, %select_n3A_1911, %sign3A_1917 : i32
        %sign3A_1919 = arith.extui %sign3A_1918 : i1 to i32
        %sign3A_1920 = arith.subi %sign3A_1916, %sign3A_1919 : i32
        %sign3A_1921 = arith.constant 0 : i32
        %sign3A_1922 = arith.cmpi sgt, %jit3A_1912, %sign3A_1921 : i32
        %sign3A_1923 = arith.extui %sign3A_1922 : i1 to i32
        %sign3A_1924 = arith.constant 0 : i32
        %sign3A_1925 = arith.cmpi slt, %jit3A_1912, %sign3A_1924 : i32
        %sign3A_1926 = arith.extui %sign3A_1925 : i1 to i32
        %sign3A_1927 = arith.subi %sign3A_1923, %sign3A_1926 : i32
        %ne3A_1928 = arith.cmpi ne, %sign3A_1920, %sign3A_1927 : i32
        %rem3A_1929 = arith.remsi %select_n3A_1911, %jit3A_1912 : i32
        %ne3A_1930 = arith.constant 0 : i32
        %ne3A_1931 = arith.cmpi ne, %rem3A_1929, %ne3A_1930 : i32
        %and3A_1932 = arith.andi %ne3A_1928, %ne3A_1931 : i1
        %sub3A_1933 = arith.constant 1 : i32
        %sub3A_1934 = arith.subi %div3A_1913, %sub3A_1933 : i32
        %select_n3A_1935 = arith.select %and3A_1932, %sub3A_1934, %div3A_1913 : i32
        %jit3A_1936 = arith.constant 8 : i32
        %eq3A_1937 = arith.constant 0 : i32
        %eq3A_1938 = arith.cmpi eq, %jit3A_1936, %eq3A_1937 : i32
        %jit3A_1939 = arith.constant 1 : i32
        %select_n3A_1940 = arith.select %eq3A_1938, %jit3A_1939, %jit3A_1936 : i32
        %rem3A_1941 = arith.remsi %select_n3A_1911, %select_n3A_1940 : i32
        %ne3A_1942 = arith.constant 0 : i32
        %ne3A_1943 = arith.cmpi ne, %rem3A_1941, %ne3A_1942 : i32
        %lt3A_1944 = arith.constant 0 : i32
        %lt3A_1945 = arith.cmpi slt, %rem3A_1941, %lt3A_1944 : i32
        %lt3A_1946 = arith.constant 0 : i32
        %lt3A_1947 = arith.cmpi slt, %select_n3A_1940, %lt3A_1946 : i32
        %ne3A_1948 = arith.xori %lt3A_1945, %lt3A_1947 : i1
        %and3A_1949 = arith.andi %ne3A_1948, %ne3A_1943 : i1
        %add3A_1950 = arith.addi %rem3A_1941, %select_n3A_1940 : i32
        %select_n3A_1951 = arith.select %and3A_1949, %add3A_1950, %rem3A_1941 : i32
        %dma_wait3A_1952 = arith.constant 64 : i32
        %dma_wait3A_1953 = arith.constant 0 : i32
        %dma_wait3A_1954 = arith.constant 0 : i32
        %dma_wait3A_1955 = tpu.memref_slice %arg7[%dma_wait3A_1952, %dma_wait3A_1953, %dma_wait3A_1954] : memref<256x2x128xf32, #tpu.memory_space<vmem>> -> memref<32x2x128xf32, #tpu.memory_space<vmem>>
        %dma_wait3A_1956 = arith.constant 64 : i32
        %dma_wait3A_1957 = arith.constant 0 : i32
        %dma_wait3A_1958 = arith.constant 0 : i32
        %dma_wait3A_1959 = tpu.memref_slice %arg4[%select_n3A_1895, %dma_wait3A_1956, %select_n3A_1935, %dma_wait3A_1957, %select_n3A_1951, %dma_wait3A_1958] : memref<4x256x12x2x8x128xf32, #tpu.memory_space<hbm>> -> memref<1x32x1x2x1x128xf32, #tpu.memory_space<hbm>>
        %dma_wait3A_1960 = tpu.memref_squeeze %dma_wait3A_1959 : memref<1x32x1x2x1x128xf32, #tpu.memory_space<hbm>> -> memref<32x2x128xf32, #tpu.memory_space<hbm>>
        %dma_wait3A_1961 = arith.constant 64 : i32
        %dma_wait3A_1962 = arith.constant 0 : i32
        %dma_wait3A_1963 = arith.constant 0 : i32
        %dma_wait3A_1964 = tpu.memref_slice %arg4[%select_n3A_1895, %dma_wait3A_1961, %select_n3A_1935, %dma_wait3A_1962, %select_n3A_1951, %dma_wait3A_1963] : memref<4x256x12x2x8x128xf32, #tpu.memory_space<hbm>> -> memref<1x32x1x2x1x128xf32, #tpu.memory_space<hbm>>
        %dma_wait3A_1965 = tpu.memref_squeeze %dma_wait3A_1964 : memref<1x32x1x2x1x128xf32, #tpu.memory_space<hbm>> -> memref<32x2x128xf32, #tpu.memory_space<hbm>>
        %dma_wait3A_1966 = arith.constant 64 : i32
        %dma_wait3A_1967 = arith.constant 0 : i32
        %dma_wait3A_1968 = arith.constant 0 : i32
        %dma_wait3A_1969 = tpu.memref_slice %arg7[%dma_wait3A_1966, %dma_wait3A_1967, %dma_wait3A_1968] : memref<256x2x128xf32, #tpu.memory_space<vmem>> -> memref<32x2x128xf32, #tpu.memory_space<vmem>>
        tpu.wait_dma2 semaphore(%arg11 : memref<!tpu.dma_semaphore, #tpu.memory_space<semaphore_mem>>) src(%dma_wait3A_1969 : memref<32x2x128xf32, #tpu.memory_space<vmem>>) dst(%dma_wait3A_1965 : memref<32x2x128xf32, #tpu.memory_space<hbm>>)
      } else {
      }
      %broadcast_in_dim3A_915 = arith.constant 0.000000e+00 : f32
      %broadcast_in_dim3A_916 = vector.broadcast %broadcast_in_dim3A_915 : f32 to vector<16xf32>
      %parallel_loop3A_917 = arith.constant 64 : i32
      %parallel_loop3A_918 = arith.constant 96 : i32
      %parallel_loop3A_919 = arith.constant 1 : i32
      scf.for %parallel_loop3A_1869 = %parallel_loop3A_917 to %parallel_loop3A_918 step %parallel_loop3A_919  : i32 {
        %parallel_loop3A_1870 = arith.constant 0 : i32
        %parallel_loop3A_1871 = arith.index_cast %parallel_loop3A_1869 : i32 to index
        %parallel_loop3A_1872 = arith.index_cast %parallel_loop3A_1870 : i32 to index
        %parallel_loop3A_1873 = arith.constant 0 : index
        %parallel_loop3A_1874 = tpu.vector_load %arg7[%parallel_loop3A_1871, %parallel_loop3A_1872, %parallel_loop3A_1873] {strides = array<i32>} : memref<256x2x128xf32, #tpu.memory_space<vmem>>, vector<16xf32>,
        tpu.vector_store %arg7[%parallel_loop3A_1871, %parallel_loop3A_1872, %parallel_loop3A_1873], %broadcast_in_dim3A_916 {strides = array<i32>} : memref<256x2x128xf32, #tpu.memory_space<vmem>>, vector<16xf32>,
        %parallel_loop3A_1875 = arith.constant 0 : i32
        %parallel_loop3A_1876 = arith.index_cast %parallel_loop3A_1869 : i32 to index
        %parallel_loop3A_1877 = arith.index_cast %parallel_loop3A_1875 : i32 to index
        %parallel_loop3A_1878 = arith.constant 16 : index
        %parallel_loop3A_1879 = tpu.vector_load %arg7[%parallel_loop3A_1876, %parallel_loop3A_1877, %parallel_loop3A_1878] {strides = array<i32>} : memref<256x2x128xf32, #tpu.memory_space<vmem>>, vector<16xf32>,
        tpu.vector_store %arg7[%parallel_loop3A_1876, %parallel_loop3A_1877, %parallel_loop3A_1878], %broadcast_in_dim3A_916 {strides = array<i32>} : memref<256x2x128xf32, #tpu.memory_space<vmem>>, vector<16xf32>,
        %parallel_loop3A_1880 = arith.constant 0 : i32
        %parallel_loop3A_1881 = arith.index_cast %parallel_loop3A_1869 : i32 to index
        %parallel_loop3A_1882 = arith.index_cast %parallel_loop3A_1880 : i32 to index
        %parallel_loop3A_1883 = arith.constant 32 : index
        %parallel_loop3A_1884 = tpu.vector_load %arg7[%parallel_loop3A_1881, %parallel_loop3A_1882, %parallel_loop3A_1883] {strides = array<i32>} : memref<256x2x128xf32, #tpu.memory_space<vmem>>, vector<16xf32>,
        tpu.vector_store %arg7[%parallel_loop3A_1881, %parallel_loop3A_1882, %parallel_loop3A_1883], %broadcast_in_dim3A_916 {strides = array<i32>} : memref<256x2x128xf32, #tpu.memory_space<vmem>>, vector<16xf32>,
        %parallel_loop3A_1885 = arith.constant 0 : i32
        %parallel_loop3A_1886 = arith.index_cast %parallel_loop3A_1869 : i32 to index
        %parallel_loop3A_1887 = arith.index_cast %parallel_loop3A_1885 : i32 to index
        %parallel_loop3A_1888 = arith.constant 48 : index
        %parallel_loop3A_1889 = tpu.vector_load %arg7[%parallel_loop3A_1886, %parallel_loop3A_1887, %parallel_loop3A_1888] {strides = array<i32>} : memref<256x2x128xf32, #tpu.memory_space<vmem>>, vector<16xf32>,
        tpu.vector_store %arg7[%parallel_loop3A_1886, %parallel_loop3A_1887, %parallel_loop3A_1888], %broadcast_in_dim3A_916 {strides = array<i32>} : memref<256x2x128xf32, #tpu.memory_space<vmem>>, vector<16xf32>,
        %parallel_loop3A_1890 = arith.constant 0 : i32
        %parallel_loop3A_1891 = arith.index_cast %parallel_loop3A_1869 : i32 to index
        %parallel_loop3A_1892 = arith.index_cast %parallel_loop3A_1890 : i32 to index
        %parallel_loop3A_1893 = arith.constant 64 : index
        %parallel_loop3A_1894 = tpu.vector_load %arg7[%parallel_loop3A_1891, %parallel_loop3A_1892, %parallel_loop3A_1893] {strides = array<i32>} : memref<256x2x128xf32, #tpu.memory_space<vmem>>, vector<16xf32>,
        tpu.vector_store %arg7[%parallel_loop3A_1891, %parallel_loop3A_1892, %parallel_loop3A_1893], %broadcast_in_dim3A_916 {strides = array<i32>} : memref<256x2x128xf32, #tpu.memory_space<vmem>>, vector<16xf32>,
        %parallel_loop3A_1895 = arith.constant 0 : i32
        %parallel_loop3A_1896 = arith.index_cast %parallel_loop3A_1869 : i32 to index
        %parallel_loop3A_1897 = arith.index_cast %parallel_loop3A_1895 : i32 to index
        %parallel_loop3A_1898 = arith.constant 80 : index
        %parallel_loop3A_1899 = tpu.vector_load %arg7[%parallel_loop3A_1896, %parallel_loop3A_1897, %parallel_loop3A_1898] {strides = array<i32>} : memref<256x2x128xf32, #tpu.memory_space<vmem>>, vector<16xf32>,
        tpu.vector_store %arg7[%parallel_loop3A_1896, %parallel_loop3A_1897, %parallel_loop3A_1898], %broadcast_in_dim3A_916 {strides = array<i32>} : memref<256x2x128xf32, #tpu.memory_space<vmem>>, vector<16xf32>,
        %parallel_loop3A_1900 = arith.constant 0 : i32
        %parallel_loop3A_1901 = arith.index_cast %parallel_loop3A_1869 : i32 to index
        %parallel_loop3A_1902 = arith.index_cast %parallel_loop3A_1900 : i32 to index
        %parallel_loop3A_1903 = arith.constant 96 : index
        %parallel_loop3A_1904 = tpu.vector_load %arg7[%parallel_loop3A_1901, %parallel_loop3A_1902, %parallel_loop3A_1903] {strides = array<i32>} : memref<256x2x128xf32, #tpu.memory_space<vmem>>, vector<16xf32>,
        tpu.vector_store %arg7[%parallel_loop3A_1901, %parallel_loop3A_1902, %parallel_loop3A_1903], %broadcast_in_dim3A_916 {strides = array<i32>} : memref<256x2x128xf32, #tpu.memory_space<vmem>>, vector<16xf32>,
        %parallel_loop3A_1905 = arith.constant 0 : i32
        %parallel_loop3A_1906 = arith.index_cast %parallel_loop3A_1869 : i32 to index
        %parallel_loop3A_1907 = arith.index_cast %parallel_loop3A_1905 : i32 to index
        %parallel_loop3A_1908 = arith.constant 112 : index
        %parallel_loop3A_1909 = tpu.vector_load %arg7[%parallel_loop3A_1906, %parallel_loop3A_1907, %parallel_loop3A_1908] {strides = array<i32>} : memref<256x2x128xf32, #tpu.memory_space<vmem>>, vector<16xf32>,
        tpu.vector_store %arg7[%parallel_loop3A_1906, %parallel_loop3A_1907, %parallel_loop3A_1908], %broadcast_in_dim3A_916 {strides = array<i32>} : memref<256x2x128xf32, #tpu.memory_space<vmem>>, vector<16xf32>,
        %parallel_loop3A_1910 = arith.constant 1 : i32
        %parallel_loop3A_1911 = arith.index_cast %parallel_loop3A_1869 : i32 to index
        %parallel_loop3A_1912 = arith.index_cast %parallel_loop3A_1910 : i32 to index
        %parallel_loop3A_1913 = arith.constant 0 : index
        %parallel_loop3A_1914 = tpu.vector_load %arg7[%parallel_loop3A_1911, %parallel_loop3A_1912, %parallel_loop3A_1913] {strides = array<i32>} : memref<256x2x128xf32, #tpu.memory_space<vmem>>, vector<16xf32>,
        tpu.vector_store %arg7[%parallel_loop3A_1911, %parallel_loop3A_1912, %parallel_loop3A_1913], %broadcast_in_dim3A_916 {strides = array<i32>} : memref<256x2x128xf32, #tpu.memory_space<vmem>>, vector<16xf32>,
        %parallel_loop3A_1915 = arith.constant 1 : i32
        %parallel_loop3A_1916 = arith.index_cast %parallel_loop3A_1869 : i32 to index
        %parallel_loop3A_1917 = arith.index_cast %parallel_loop3A_1915 : i32 to index
        %parallel_loop3A_1918 = arith.constant 16 : index
        %parallel_loop3A_1919 = tpu.vector_load %arg7[%parallel_loop3A_1916, %parallel_loop3A_1917, %parallel_loop3A_1918] {strides = array<i32>} : memref<256x2x128xf32, #tpu.memory_space<vmem>>, vector<16xf32>,
        tpu.vector_store %arg7[%parallel_loop3A_1916, %parallel_loop3A_1917, %parallel_loop3A_1918], %broadcast_in_dim3A_916 {strides = array<i32>} : memref<256x2x128xf32, #tpu.memory_space<vmem>>, vector<16xf32>,
        %parallel_loop3A_1920 = arith.constant 1 : i32
        %parallel_loop3A_1921 = arith.index_cast %parallel_loop3A_1869 : i32 to index
        %parallel_loop3A_1922 = arith.index_cast %parallel_loop3A_1920 : i32 to index
        %parallel_loop3A_1923 = arith.constant 32 : index
        %parallel_loop3A_1924 = tpu.vector_load %arg7[%parallel_loop3A_1921, %parallel_loop3A_1922, %parallel_loop3A_1923] {strides = array<i32>} : memref<256x2x128xf32, #tpu.memory_space<vmem>>, vector<16xf32>,
        tpu.vector_store %arg7[%parallel_loop3A_1921, %parallel_loop3A_1922, %parallel_loop3A_1923], %broadcast_in_dim3A_916 {strides = array<i32>} : memref<256x2x128xf32, #tpu.memory_space<vmem>>, vector<16xf32>,
        %parallel_loop3A_1925 = arith.constant 1 : i32
        %parallel_loop3A_1926 = arith.index_cast %parallel_loop3A_1869 : i32 to index
        %parallel_loop3A_1927 = arith.index_cast %parallel_loop3A_1925 : i32 to index
        %parallel_loop3A_1928 = arith.constant 48 : index
        %parallel_loop3A_1929 = tpu.vector_load %arg7[%parallel_loop3A_1926, %parallel_loop3A_1927, %parallel_loop3A_1928] {strides = array<i32>} : memref<256x2x128xf32, #tpu.memory_space<vmem>>, vector<16xf32>,
        tpu.vector_store %arg7[%parallel_loop3A_1926, %parallel_loop3A_1927, %parallel_loop3A_1928], %broadcast_in_dim3A_916 {strides = array<i32>} : memref<256x2x128xf32, #tpu.memory_space<vmem>>, vector<16xf32>,
        %parallel_loop3A_1930 = arith.constant 1 : i32
        %parallel_loop3A_1931 = arith.index_cast %parallel_loop3A_1869 : i32 to index
        %parallel_loop3A_1932 = arith.index_cast %parallel_loop3A_1930 : i32 to index
        %parallel_loop3A_1933 = arith.constant 64 : index
        %parallel_loop3A_1934 = tpu.vector_load %arg7[%parallel_loop3A_1931, %parallel_loop3A_1932, %parallel_loop3A_1933] {strides = array<i32>} : memref<256x2x128xf32, #tpu.memory_space<vmem>>, vector<16xf32>,
        tpu.vector_store %arg7[%parallel_loop3A_1931, %parallel_loop3A_1932, %parallel_loop3A_1933], %broadcast_in_dim3A_916 {strides = array<i32>} : memref<256x2x128xf32, #tpu.memory_space<vmem>>, vector<16xf32>,
        %parallel_loop3A_1935 = arith.constant 1 : i32
        %parallel_loop3A_1936 = arith.index_cast %parallel_loop3A_1869 : i32 to index
        %parallel_loop3A_1937 = arith.index_cast %parallel_loop3A_1935 : i32 to index
        %parallel_loop3A_1938 = arith.constant 80 : index
        %parallel_loop3A_1939 = tpu.vector_load %arg7[%parallel_loop3A_1936, %parallel_loop3A_1937, %parallel_loop3A_1938] {strides = array<i32>} : memref<256x2x128xf32, #tpu.memory_space<vmem>>, vector<16xf32>,
        tpu.vector_store %arg7[%parallel_loop3A_1936, %parallel_loop3A_1937, %parallel_loop3A_1938], %broadcast_in_dim3A_916 {strides = array<i32>} : memref<256x2x128xf32, #tpu.memory_space<vmem>>, vector<16xf32>,
        %parallel_loop3A_1940 = arith.constant 1 : i32
        %parallel_loop3A_1941 = arith.index_cast %parallel_loop3A_1869 : i32 to index
        %parallel_loop3A_1942 = arith.index_cast %parallel_loop3A_1940 : i32 to index
        %parallel_loop3A_1943 = arith.constant 96 : index
        %parallel_loop3A_1944 = tpu.vector_load %arg7[%parallel_loop3A_1941, %parallel_loop3A_1942, %parallel_loop3A_1943] {strides = array<i32>} : memref<256x2x128xf32, #tpu.memory_space<vmem>>, vector<16xf32>,
        tpu.vector_store %arg7[%parallel_loop3A_1941, %parallel_loop3A_1942, %parallel_loop3A_1943], %broadcast_in_dim3A_916 {strides = array<i32>} : memref<256x2x128xf32, #tpu.memory_space<vmem>>, vector<16xf32>,
        %parallel_loop3A_1945 = arith.constant 1 : i32
        %parallel_loop3A_1946 = arith.index_cast %parallel_loop3A_1869 : i32 to index
        %parallel_loop3A_1947 = arith.index_cast %parallel_loop3A_1945 : i32 to index
        %parallel_loop3A_1948 = arith.constant 112 : index
        %parallel_loop3A_1949 = tpu.vector_load %arg7[%parallel_loop3A_1946, %parallel_loop3A_1947, %parallel_loop3A_1948] {strides = array<i32>} : memref<256x2x128xf32, #tpu.memory_space<vmem>>, vector<16xf32>,
        tpu.vector_store %arg7[%parallel_loop3A_1946, %parallel_loop3A_1947, %parallel_loop3A_1948], %broadcast_in_dim3A_916 {strides = array<i32>} : memref<256x2x128xf32, #tpu.memory_space<vmem>>, vector<16xf32>,
      } {sc.loop_unroll_factor = 2 : i64, sc.parallel_access}
      %gt3A_920 = arith.constant 0 : i32
      %gt3A_921 = arith.cmpi sgt, %scan3A_894, %gt3A_920 : i32
      %convert_element_type3A_922 = arith.extui %gt3A_921 : i1 to i32
      %cond3A_923 = arith.constant 0 : i32
      %cond3A_924 = arith.cmpi ne, %convert_element_type3A_922, %cond3A_923 : i32
      scf.if %cond3A_924 {
        %sub3A_1869 = arith.constant 1 : i32
        %sub3A_1870 = arith.subi %scan3A_894, %sub3A_1869 : i32
        %add3A_1871 = arith.addi %mul3A_2, %sub3A_1870 : i32
        %jit3A_1872 = arith.constant 96 : i32
        %div3A_1873 = arith.divsi %add3A_1871, %jit3A_1872 : i32
        %sign3A_1874 = arith.constant 0 : i32
        %sign3A_1875 = arith.cmpi sgt, %add3A_1871, %sign3A_1874 : i32
        %sign3A_1876 = arith.extui %sign3A_1875 : i1 to i32
        %sign3A_1877 = arith.constant 0 : i32
        %sign3A_1878 = arith.cmpi slt, %add3A_1871, %sign3A_1877 : i32
        %sign3A_1879 = arith.extui %sign3A_1878 : i1 to i32
        %sign3A_1880 = arith.subi %sign3A_1876, %sign3A_1879 : i32
        %sign3A_1881 = arith.constant 0 : i32
        %sign3A_1882 = arith.cmpi sgt, %jit3A_1872, %sign3A_1881 : i32
        %sign3A_1883 = arith.extui %sign3A_1882 : i1 to i32
        %sign3A_1884 = arith.constant 0 : i32
        %sign3A_1885 = arith.cmpi slt, %jit3A_1872, %sign3A_1884 : i32
        %sign3A_1886 = arith.extui %sign3A_1885 : i1 to i32
        %sign3A_1887 = arith.subi %sign3A_1883, %sign3A_1886 : i32
        %ne3A_1888 = arith.cmpi ne, %sign3A_1880, %sign3A_1887 : i32
        %rem3A_1889 = arith.remsi %add3A_1871, %jit3A_1872 : i32
        %ne3A_1890 = arith.constant 0 : i32
        %ne3A_1891 = arith.cmpi ne, %rem3A_1889, %ne3A_1890 : i32
        %and3A_1892 = arith.andi %ne3A_1888, %ne3A_1891 : i1
        %sub3A_1893 = arith.constant 1 : i32
        %sub3A_1894 = arith.subi %div3A_1873, %sub3A_1893 : i32
        %select_n3A_1895 = arith.select %and3A_1892, %sub3A_1894, %div3A_1873 : i32
        %jit3A_1896 = arith.constant 96 : i32
        %eq3A_1897 = arith.constant 0 : i32
        %eq3A_1898 = arith.cmpi eq, %jit3A_1896, %eq3A_1897 : i32
        %jit3A_1899 = arith.constant 1 : i32
        %select_n3A_1900 = arith.select %eq3A_1898, %jit3A_1899, %jit3A_1896 : i32
        %rem3A_1901 = arith.remsi %add3A_1871, %select_n3A_1900 : i32
        %ne3A_1902 = arith.constant 0 : i32
        %ne3A_1903 = arith.cmpi ne, %rem3A_1901, %ne3A_1902 : i32
        %lt3A_1904 = arith.constant 0 : i32
        %lt3A_1905 = arith.cmpi slt, %rem3A_1901, %lt3A_1904 : i32
        %lt3A_1906 = arith.constant 0 : i32
        %lt3A_1907 = arith.cmpi slt, %select_n3A_1900, %lt3A_1906 : i32
        %ne3A_1908 = arith.xori %lt3A_1905, %lt3A_1907 : i1
        %and3A_1909 = arith.andi %ne3A_1908, %ne3A_1903 : i1
        %add3A_1910 = arith.addi %rem3A_1901, %select_n3A_1900 : i32
        %select_n3A_1911 = arith.select %and3A_1909, %add3A_1910, %rem3A_1901 : i32
        %jit3A_1912 = arith.constant 8 : i32
        %div3A_1913 = arith.divsi %select_n3A_1911, %jit3A_1912 : i32
        %sign3A_1914 = arith.constant 0 : i32
        %sign3A_1915 = arith.cmpi sgt, %select_n3A_1911, %sign3A_1914 : i32
        %sign3A_1916 = arith.extui %sign3A_1915 : i1 to i32
        %sign3A_1917 = arith.constant 0 : i32
        %sign3A_1918 = arith.cmpi slt, %select_n3A_1911, %sign3A_1917 : i32
        %sign3A_1919 = arith.extui %sign3A_1918 : i1 to i32
        %sign3A_1920 = arith.subi %sign3A_1916, %sign3A_1919 : i32
        %sign3A_1921 = arith.constant 0 : i32
        %sign3A_1922 = arith.cmpi sgt, %jit3A_1912, %sign3A_1921 : i32
        %sign3A_1923 = arith.extui %sign3A_1922 : i1 to i32
        %sign3A_1924 = arith.constant 0 : i32
        %sign3A_1925 = arith.cmpi slt, %jit3A_1912, %sign3A_1924 : i32
        %sign3A_1926 = arith.extui %sign3A_1925 : i1 to i32
        %sign3A_1927 = arith.subi %sign3A_1923, %sign3A_1926 : i32
        %ne3A_1928 = arith.cmpi ne, %sign3A_1920, %sign3A_1927 : i32
        %rem3A_1929 = arith.remsi %select_n3A_1911, %jit3A_1912 : i32
        %ne3A_1930 = arith.constant 0 : i32
        %ne3A_1931 = arith.cmpi ne, %rem3A_1929, %ne3A_1930 : i32
        %and3A_1932 = arith.andi %ne3A_1928, %ne3A_1931 : i1
        %sub3A_1933 = arith.constant 1 : i32
        %sub3A_1934 = arith.subi %div3A_1913, %sub3A_1933 : i32
        %select_n3A_1935 = arith.select %and3A_1932, %sub3A_1934, %div3A_1913 : i32
        %jit3A_1936 = arith.constant 8 : i32
        %eq3A_1937 = arith.constant 0 : i32
        %eq3A_1938 = arith.cmpi eq, %jit3A_1936, %eq3A_1937 : i32
        %jit3A_1939 = arith.constant 1 : i32
        %select_n3A_1940 = arith.select %eq3A_1938, %jit3A_1939, %jit3A_1936 : i32
        %rem3A_1941 = arith.remsi %select_n3A_1911, %select_n3A_1940 : i32
        %ne3A_1942 = arith.constant 0 : i32
        %ne3A_1943 = arith.cmpi ne, %rem3A_1941, %ne3A_1942 : i32
        %lt3A_1944 = arith.constant 0 : i32
        %lt3A_1945 = arith.cmpi slt, %rem3A_1941, %lt3A_1944 : i32
        %lt3A_1946 = arith.constant 0 : i32
        %lt3A_1947 = arith.cmpi slt, %select_n3A_1940, %lt3A_1946 : i32
        %ne3A_1948 = arith.xori %lt3A_1945, %lt3A_1947 : i1
        %and3A_1949 = arith.andi %ne3A_1948, %ne3A_1943 : i1
        %add3A_1950 = arith.addi %rem3A_1941, %select_n3A_1940 : i32
        %select_n3A_1951 = arith.select %and3A_1949, %add3A_1950, %rem3A_1941 : i32
        %dma_wait3A_1952 = arith.constant 96 : i32
        %dma_wait3A_1953 = arith.constant 0 : i32
        %dma_wait3A_1954 = arith.constant 0 : i32
        %dma_wait3A_1955 = tpu.memref_slice %arg7[%dma_wait3A_1952, %dma_wait3A_1953, %dma_wait3A_1954] : memref<256x2x128xf32, #tpu.memory_space<vmem>> -> memref<32x2x128xf32, #tpu.memory_space<vmem>>
        %dma_wait3A_1956 = arith.constant 96 : i32
        %dma_wait3A_1957 = arith.constant 0 : i32
        %dma_wait3A_1958 = arith.constant 0 : i32
        %dma_wait3A_1959 = tpu.memref_slice %arg4[%select_n3A_1895, %dma_wait3A_1956, %select_n3A_1935, %dma_wait3A_1957, %select_n3A_1951, %dma_wait3A_1958] : memref<4x256x12x2x8x128xf32, #tpu.memory_space<hbm>> -> memref<1x32x1x2x1x128xf32, #tpu.memory_space<hbm>>
        %dma_wait3A_1960 = tpu.memref_squeeze %dma_wait3A_1959 : memref<1x32x1x2x1x128xf32, #tpu.memory_space<hbm>> -> memref<32x2x128xf32, #tpu.memory_space<hbm>>
        %dma_wait3A_1961 = arith.constant 96 : i32
        %dma_wait3A_1962 = arith.constant 0 : i32
        %dma_wait3A_1963 = arith.constant 0 : i32
        %dma_wait3A_1964 = tpu.memref_slice %arg4[%select_n3A_1895, %dma_wait3A_1961, %select_n3A_1935, %dma_wait3A_1962, %select_n3A_1951, %dma_wait3A_1963] : memref<4x256x12x2x8x128xf32, #tpu.memory_space<hbm>> -> memref<1x32x1x2x1x128xf32, #tpu.memory_space<hbm>>
        %dma_wait3A_1965 = tpu.memref_squeeze %dma_wait3A_1964 : memref<1x32x1x2x1x128xf32, #tpu.memory_space<hbm>> -> memref<32x2x128xf32, #tpu.memory_space<hbm>>
        %dma_wait3A_1966 = arith.constant 96 : i32
        %dma_wait3A_1967 = arith.constant 0 : i32
        %dma_wait3A_1968 = arith.constant 0 : i32
        %dma_wait3A_1969 = tpu.memref_slice %arg7[%dma_wait3A_1966, %dma_wait3A_1967, %dma_wait3A_1968] : memref<256x2x128xf32, #tpu.memory_space<vmem>> -> memref<32x2x128xf32, #tpu.memory_space<vmem>>
        tpu.wait_dma2 semaphore(%arg12 : memref<!tpu.dma_semaphore, #tpu.memory_space<semaphore_mem>>) src(%dma_wait3A_1969 : memref<32x2x128xf32, #tpu.memory_space<vmem>>) dst(%dma_wait3A_1965 : memref<32x2x128xf32, #tpu.memory_space<hbm>>)
      } else {
      }
      %broadcast_in_dim3A_925 = arith.constant 0.000000e+00 : f32
      %broadcast_in_dim3A_926 = vector.broadcast %broadcast_in_dim3A_925 : f32 to vector<16xf32>
      %parallel_loop3A_927 = arith.constant 96 : i32
      %parallel_loop3A_928 = arith.constant 128 : i32
      %parallel_loop3A_929 = arith.constant 1 : i32
      scf.for %parallel_loop3A_1869 = %parallel_loop3A_927 to %parallel_loop3A_928 step %parallel_loop3A_929  : i32 {
        %parallel_loop3A_1870 = arith.constant 0 : i32
        %parallel_loop3A_1871 = arith.index_cast %parallel_loop3A_1869 : i32 to index
        %parallel_loop3A_1872 = arith.index_cast %parallel_loop3A_1870 : i32 to index
        %parallel_loop3A_1873 = arith.constant 0 : index
        %parallel_loop3A_1874 = tpu.vector_load %arg7[%parallel_loop3A_1871, %parallel_loop3A_1872, %parallel_loop3A_1873] {strides = array<i32>} : memref<256x2x128xf32, #tpu.memory_space<vmem>>, vector<16xf32>,
        tpu.vector_store %arg7[%parallel_loop3A_1871, %parallel_loop3A_1872, %parallel_loop3A_1873], %broadcast_in_dim3A_926 {strides = array<i32>} : memref<256x2x128xf32, #tpu.memory_space<vmem>>, vector<16xf32>,
        %parallel_loop3A_1875 = arith.constant 0 : i32
        %parallel_loop3A_1876 = arith.index_cast %parallel_loop3A_1869 : i32 to index
        %parallel_loop3A_1877 = arith.index_cast %parallel_loop3A_1875 : i32 to index
        %parallel_loop3A_1878 = arith.constant 16 : index
        %parallel_loop3A_1879 = tpu.vector_load %arg7[%parallel_loop3A_1876, %parallel_loop3A_1877, %parallel_loop3A_1878] {strides = array<i32>} : memref<256x2x128xf32, #tpu.memory_space<vmem>>, vector<16xf32>,
        tpu.vector_store %arg7[%parallel_loop3A_1876, %parallel_loop3A_1877, %parallel_loop3A_1878], %broadcast_in_dim3A_926 {strides = array<i32>} : memref<256x2x128xf32, #tpu.memory_space<vmem>>, vector<16xf32>,
        %parallel_loop3A_1880 = arith.constant 0 : i32
        %parallel_loop3A_1881 = arith.index_cast %parallel_loop3A_1869 : i32 to index
        %parallel_loop3A_1882 = arith.index_cast %parallel_loop3A_1880 : i32 to index
        %parallel_loop3A_1883 = arith.constant 32 : index
        %parallel_loop3A_1884 = tpu.vector_load %arg7[%parallel_loop3A_1881, %parallel_loop3A_1882, %parallel_loop3A_1883] {strides = array<i32>} : memref<256x2x128xf32, #tpu.memory_space<vmem>>, vector<16xf32>,
        tpu.vector_store %arg7[%parallel_loop3A_1881, %parallel_loop3A_1882, %parallel_loop3A_1883], %broadcast_in_dim3A_926 {strides = array<i32>} : memref<256x2x128xf32, #tpu.memory_space<vmem>>, vector<16xf32>,
        %parallel_loop3A_1885 = arith.constant 0 : i32
        %parallel_loop3A_1886 = arith.index_cast %parallel_loop3A_1869 : i32 to index
        %parallel_loop3A_1887 = arith.index_cast %parallel_loop3A_1885 : i32 to index
        %parallel_loop3A_1888 = arith.constant 48 : index
        %parallel_loop3A_1889 = tpu.vector_load %arg7[%parallel_loop3A_1886, %parallel_loop3A_1887, %parallel_loop3A_1888] {strides = array<i32>} : memref<256x2x128xf32, #tpu.memory_space<vmem>>, vector<16xf32>,
        tpu.vector_store %arg7[%parallel_loop3A_1886, %parallel_loop3A_1887, %parallel_loop3A_1888], %broadcast_in_dim3A_926 {strides = array<i32>} : memref<256x2x128xf32, #tpu.memory_space<vmem>>, vector<16xf32>,
        %parallel_loop3A_1890 = arith.constant 0 : i32
        %parallel_loop3A_1891 = arith.index_cast %parallel_loop3A_1869 : i32 to index
        %parallel_loop3A_1892 = arith.index_cast %parallel_loop3A_1890 : i32 to index
        %parallel_loop3A_1893 = arith.constant 64 : index
        %parallel_loop3A_1894 = tpu.vector_load %arg7[%parallel_loop3A_1891, %parallel_loop3A_1892, %parallel_loop3A_1893] {strides = array<i32>} : memref<256x2x128xf32, #tpu.memory_space<vmem>>, vector<16xf32>,
        tpu.vector_store %arg7[%parallel_loop3A_1891, %parallel_loop3A_1892, %parallel_loop3A_1893], %broadcast_in_dim3A_926 {strides = array<i32>} : memref<256x2x128xf32, #tpu.memory_space<vmem>>, vector<16xf32>,
        %parallel_loop3A_1895 = arith.constant 0 : i32
        %parallel_loop3A_1896 = arith.index_cast %parallel_loop3A_1869 : i32 to index
        %parallel_loop3A_1897 = arith.index_cast %parallel_loop3A_1895 : i32 to index
        %parallel_loop3A_1898 = arith.constant 80 : index
        %parallel_loop3A_1899 = tpu.vector_load %arg7[%parallel_loop3A_1896, %parallel_loop3A_1897, %parallel_loop3A_1898] {strides = array<i32>} : memref<256x2x128xf32, #tpu.memory_space<vmem>>, vector<16xf32>,
        tpu.vector_store %arg7[%parallel_loop3A_1896, %parallel_loop3A_1897, %parallel_loop3A_1898], %broadcast_in_dim3A_926 {strides = array<i32>} : memref<256x2x128xf32, #tpu.memory_space<vmem>>, vector<16xf32>,
        %parallel_loop3A_1900 = arith.constant 0 : i32
        %parallel_loop3A_1901 = arith.index_cast %parallel_loop3A_1869 : i32 to index
        %parallel_loop3A_1902 = arith.index_cast %parallel_loop3A_1900 : i32 to index
        %parallel_loop3A_1903 = arith.constant 96 : index
        %parallel_loop3A_1904 = tpu.vector_load %arg7[%parallel_loop3A_1901, %parallel_loop3A_1902, %parallel_loop3A_1903] {strides = array<i32>} : memref<256x2x128xf32, #tpu.memory_space<vmem>>, vector<16xf32>,
        tpu.vector_store %arg7[%parallel_loop3A_1901, %parallel_loop3A_1902, %parallel_loop3A_1903], %broadcast_in_dim3A_926 {strides = array<i32>} : memref<256x2x128xf32, #tpu.memory_space<vmem>>, vector<16xf32>,
        %parallel_loop3A_1905 = arith.constant 0 : i32
        %parallel_loop3A_1906 = arith.index_cast %parallel_loop3A_1869 : i32 to index
        %parallel_loop3A_1907 = arith.index_cast %parallel_loop3A_1905 : i32 to index
        %parallel_loop3A_1908 = arith.constant 112 : index
        %parallel_loop3A_1909 = tpu.vector_load %arg7[%parallel_loop3A_1906, %parallel_loop3A_1907, %parallel_loop3A_1908] {strides = array<i32>} : memref<256x2x128xf32, #tpu.memory_space<vmem>>, vector<16xf32>,
        tpu.vector_store %arg7[%parallel_loop3A_1906, %parallel_loop3A_1907, %parallel_loop3A_1908], %broadcast_in_dim3A_926 {strides = array<i32>} : memref<256x2x128xf32, #tpu.memory_space<vmem>>, vector<16xf32>,
        %parallel_loop3A_1910 = arith.constant 1 : i32
        %parallel_loop3A_1911 = arith.index_cast %parallel_loop3A_1869 : i32 to index
        %parallel_loop3A_1912 = arith.index_cast %parallel_loop3A_1910 : i32 to index
        %parallel_loop3A_1913 = arith.constant 0 : index
        %parallel_loop3A_1914 = tpu.vector_load %arg7[%parallel_loop3A_1911, %parallel_loop3A_1912, %parallel_loop3A_1913] {strides = array<i32>} : memref<256x2x128xf32, #tpu.memory_space<vmem>>, vector<16xf32>,
        tpu.vector_store %arg7[%parallel_loop3A_1911, %parallel_loop3A_1912, %parallel_loop3A_1913], %broadcast_in_dim3A_926 {strides = array<i32>} : memref<256x2x128xf32, #tpu.memory_space<vmem>>, vector<16xf32>,
        %parallel_loop3A_1915 = arith.constant 1 : i32
        %parallel_loop3A_1916 = arith.index_cast %parallel_loop3A_1869 : i32 to index
        %parallel_loop3A_1917 = arith.index_cast %parallel_loop3A_1915 : i32 to index
        %parallel_loop3A_1918 = arith.constant 16 : index
        %parallel_loop3A_1919 = tpu.vector_load %arg7[%parallel_loop3A_1916, %parallel_loop3A_1917, %parallel_loop3A_1918] {strides = array<i32>} : memref<256x2x128xf32, #tpu.memory_space<vmem>>, vector<16xf32>,
        tpu.vector_store %arg7[%parallel_loop3A_1916, %parallel_loop3A_1917, %parallel_loop3A_1918], %broadcast_in_dim3A_926 {strides = array<i32>} : memref<256x2x128xf32, #tpu.memory_space<vmem>>, vector<16xf32>,
        %parallel_loop3A_1920 = arith.constant 1 : i32
        %parallel_loop3A_1921 = arith.index_cast %parallel_loop3A_1869 : i32 to index
        %parallel_loop3A_1922 = arith.index_cast %parallel_loop3A_1920 : i32 to index
        %parallel_loop3A_1923 = arith.constant 32 : index
        %parallel_loop3A_1924 = tpu.vector_load %arg7[%parallel_loop3A_1921, %parallel_loop3A_1922, %parallel_loop3A_1923] {strides = array<i32>} : memref<256x2x128xf32, #tpu.memory_space<vmem>>, vector<16xf32>,
        tpu.vector_store %arg7[%parallel_loop3A_1921, %parallel_loop3A_1922, %parallel_loop3A_1923], %broadcast_in_dim3A_926 {strides = array<i32>} : memref<256x2x128xf32, #tpu.memory_space<vmem>>, vector<16xf32>,
        %parallel_loop3A_1925 = arith.constant 1 : i32
        %parallel_loop3A_1926 = arith.index_cast %parallel_loop3A_1869 : i32 to index
        %parallel_loop3A_1927 = arith.index_cast %parallel_loop3A_1925 : i32 to index
        %parallel_loop3A_1928 = arith.constant 48 : index
        %parallel_loop3A_1929 = tpu.vector_load %arg7[%parallel_loop3A_1926, %parallel_loop3A_1927, %parallel_loop3A_1928] {strides = array<i32>} : memref<256x2x128xf32, #tpu.memory_space<vmem>>, vector<16xf32>,
        tpu.vector_store %arg7[%parallel_loop3A_1926, %parallel_loop3A_1927, %parallel_loop3A_1928], %broadcast_in_dim3A_926 {strides = array<i32>} : memref<256x2x128xf32, #tpu.memory_space<vmem>>, vector<16xf32>,
        %parallel_loop3A_1930 = arith.constant 1 : i32
        %parallel_loop3A_1931 = arith.index_cast %parallel_loop3A_1869 : i32 to index
        %parallel_loop3A_1932 = arith.index_cast %parallel_loop3A_1930 : i32 to index
        %parallel_loop3A_1933 = arith.constant 64 : index
        %parallel_loop3A_1934 = tpu.vector_load %arg7[%parallel_loop3A_1931, %parallel_loop3A_1932, %parallel_loop3A_1933] {strides = array<i32>} : memref<256x2x128xf32, #tpu.memory_space<vmem>>, vector<16xf32>,
        tpu.vector_store %arg7[%parallel_loop3A_1931, %parallel_loop3A_1932, %parallel_loop3A_1933], %broadcast_in_dim3A_926 {strides = array<i32>} : memref<256x2x128xf32, #tpu.memory_space<vmem>>, vector<16xf32>,
        %parallel_loop3A_1935 = arith.constant 1 : i32
        %parallel_loop3A_1936 = arith.index_cast %parallel_loop3A_1869 : i32 to index
        %parallel_loop3A_1937 = arith.index_cast %parallel_loop3A_1935 : i32 to index
        %parallel_loop3A_1938 = arith.constant 80 : index
        %parallel_loop3A_1939 = tpu.vector_load %arg7[%parallel_loop3A_1936, %parallel_loop3A_1937, %parallel_loop3A_1938] {strides = array<i32>} : memref<256x2x128xf32, #tpu.memory_space<vmem>>, vector<16xf32>,
        tpu.vector_store %arg7[%parallel_loop3A_1936, %parallel_loop3A_1937, %parallel_loop3A_1938], %broadcast_in_dim3A_926 {strides = array<i32>} : memref<256x2x128xf32, #tpu.memory_space<vmem>>, vector<16xf32>,
        %parallel_loop3A_1940 = arith.constant 1 : i32
        %parallel_loop3A_1941 = arith.index_cast %parallel_loop3A_1869 : i32 to index
        %parallel_loop3A_1942 = arith.index_cast %parallel_loop3A_1940 : i32 to index
        %parallel_loop3A_1943 = arith.constant 96 : index
        %parallel_loop3A_1944 = tpu.vector_load %arg7[%parallel_loop3A_1941, %parallel_loop3A_1942, %parallel_loop3A_1943] {strides = array<i32>} : memref<256x2x128xf32, #tpu.memory_space<vmem>>, vector<16xf32>,
        tpu.vector_store %arg7[%parallel_loop3A_1941, %parallel_loop3A_1942, %parallel_loop3A_1943], %broadcast_in_dim3A_926 {strides = array<i32>} : memref<256x2x128xf32, #tpu.memory_space<vmem>>, vector<16xf32>,
        %parallel_loop3A_1945 = arith.constant 1 : i32
        %parallel_loop3A_1946 = arith.index_cast %parallel_loop3A_1869 : i32 to index
        %parallel_loop3A_1947 = arith.index_cast %parallel_loop3A_1945 : i32 to index
        %parallel_loop3A_1948 = arith.constant 112 : index
        %parallel_loop3A_1949 = tpu.vector_load %arg7[%parallel_loop3A_1946, %parallel_loop3A_1947, %parallel_loop3A_1948] {strides = array<i32>} : memref<256x2x128xf32, #tpu.memory_space<vmem>>, vector<16xf32>,
        tpu.vector_store %arg7[%parallel_loop3A_1946, %parallel_loop3A_1947, %parallel_loop3A_1948], %broadcast_in_dim3A_926 {strides = array<i32>} : memref<256x2x128xf32, #tpu.memory_space<vmem>>, vector<16xf32>,
      } {sc.loop_unroll_factor = 2 : i64, sc.parallel_access}
      %gt3A_930 = arith.constant 0 : i32
      %gt3A_931 = arith.cmpi sgt, %scan3A_894, %gt3A_930 : i32
      %convert_element_type3A_932 = arith.extui %gt3A_931 : i1 to i32
      %cond3A_933 = arith.constant 0 : i32
      %cond3A_934 = arith.cmpi ne, %convert_element_type3A_932, %cond3A_933 : i32
      scf.if %cond3A_934 {
        %sub3A_1869 = arith.constant 1 : i32
        %sub3A_1870 = arith.subi %scan3A_894, %sub3A_1869 : i32
        %add3A_1871 = arith.addi %mul3A_2, %sub3A_1870 : i32
        %jit3A_1872 = arith.constant 96 : i32
        %div3A_1873 = arith.divsi %add3A_1871, %jit3A_1872 : i32
        %sign3A_1874 = arith.constant 0 : i32
        %sign3A_1875 = arith.cmpi sgt, %add3A_1871, %sign3A_1874 : i32
        %sign3A_1876 = arith.extui %sign3A_1875 : i1 to i32
        %sign3A_1877 = arith.constant 0 : i32
        %sign3A_1878 = arith.cmpi slt, %add3A_1871, %sign3A_1877 : i32
        %sign3A_1879 = arith.extui %sign3A_1878 : i1 to i32
        %sign3A_1880 = arith.subi %sign3A_1876, %sign3A_1879 : i32
        %sign3A_1881 = arith.constant 0 : i32
        %sign3A_1882 = arith.cmpi sgt, %jit3A_1872, %sign3A_1881 : i32
        %sign3A_1883 = arith.extui %sign3A_1882 : i1 to i32
        %sign3A_1884 = arith.constant 0 : i32
        %sign3A_1885 = arith.cmpi slt, %jit3A_1872, %sign3A_1884 : i32
        %sign3A_1886 = arith.extui %sign3A_1885 : i1 to i32
        %sign3A_1887 = arith.subi %sign3A_1883, %sign3A_1886 : i32
        %ne3A_1888 = arith.cmpi ne, %sign3A_1880, %sign3A_1887 : i32
        %rem3A_1889 = arith.remsi %add3A_1871, %jit3A_1872 : i32
        %ne3A_1890 = arith.constant 0 : i32
        %ne3A_1891 = arith.cmpi ne, %rem3A_1889, %ne3A_1890 : i32
        %and3A_1892 = arith.andi %ne3A_1888, %ne3A_1891 : i1
        %sub3A_1893 = arith.constant 1 : i32
        %sub3A_1894 = arith.subi %div3A_1873, %sub3A_1893 : i32
        %select_n3A_1895 = arith.select %and3A_1892, %sub3A_1894, %div3A_1873 : i32
        %jit3A_1896 = arith.constant 96 : i32
        %eq3A_1897 = arith.constant 0 : i32
        %eq3A_1898 = arith.cmpi eq, %jit3A_1896, %eq3A_1897 : i32
        %jit3A_1899 = arith.constant 1 : i32
        %select_n3A_1900 = arith.select %eq3A_1898, %jit3A_1899, %jit3A_1896 : i32
        %rem3A_1901 = arith.remsi %add3A_1871, %select_n3A_1900 : i32
        %ne3A_1902 = arith.constant 0 : i32
        %ne3A_1903 = arith.cmpi ne, %rem3A_1901, %ne3A_1902 : i32
        %lt3A_1904 = arith.constant 0 : i32
        %lt3A_1905 = arith.cmpi slt, %rem3A_1901, %lt3A_1904 : i32
        %lt3A_1906 = arith.constant 0 : i32
        %lt3A_1907 = arith.cmpi slt, %select_n3A_1900, %lt3A_1906 : i32
        %ne3A_1908 = arith.xori %lt3A_1905, %lt3A_1907 : i1
        %and3A_1909 = arith.andi %ne3A_1908, %ne3A_1903 : i1
        %add3A_1910 = arith.addi %rem3A_1901, %select_n3A_1900 : i32
        %select_n3A_1911 = arith.select %and3A_1909, %add3A_1910, %rem3A_1901 : i32
        %jit3A_1912 = arith.constant 8 : i32
        %div3A_1913 = arith.divsi %select_n3A_1911, %jit3A_1912 : i32
        %sign3A_1914 = arith.constant 0 : i32
        %sign3A_1915 = arith.cmpi sgt, %select_n3A_1911, %sign3A_1914 : i32
        %sign3A_1916 = arith.extui %sign3A_1915 : i1 to i32
        %sign3A_1917 = arith.constant 0 : i32
        %sign3A_1918 = arith.cmpi slt, %select_n3A_1911, %sign3A_1917 : i32
        %sign3A_1919 = arith.extui %sign3A_1918 : i1 to i32
        %sign3A_1920 = arith.subi %sign3A_1916, %sign3A_1919 : i32
        %sign3A_1921 = arith.constant 0 : i32
        %sign3A_1922 = arith.cmpi sgt, %jit3A_1912, %sign3A_1921 : i32
        %sign3A_1923 = arith.extui %sign3A_1922 : i1 to i32
        %sign3A_1924 = arith.constant 0 : i32
        %sign3A_1925 = arith.cmpi slt, %jit3A_1912, %sign3A_1924 : i32
        %sign3A_1926 = arith.extui %sign3A_1925 : i1 to i32
        %sign3A_1927 = arith.subi %sign3A_1923, %sign3A_1926 : i32
        %ne3A_1928 = arith.cmpi ne, %sign3A_1920, %sign3A_1927 : i32
        %rem3A_1929 = arith.remsi %select_n3A_1911, %jit3A_1912 : i32
        %ne3A_1930 = arith.constant 0 : i32
        %ne3A_1931 = arith.cmpi ne, %rem3A_1929, %ne3A_1930 : i32
        %and3A_1932 = arith.andi %ne3A_1928, %ne3A_1931 : i1
        %sub3A_1933 = arith.constant 1 : i32
        %sub3A_1934 = arith.subi %div3A_1913, %sub3A_1933 : i32
        %select_n3A_1935 = arith.select %and3A_1932, %sub3A_1934, %div3A_1913 : i32
        %jit3A_1936 = arith.constant 8 : i32
        %eq3A_1937 = arith.constant 0 : i32
        %eq3A_1938 = arith.cmpi eq, %jit3A_1936, %eq3A_1937 : i32
        %jit3A_1939 = arith.constant 1 : i32
        %select_n3A_1940 = arith.select %eq3A_1938, %jit3A_1939, %jit3A_1936 : i32
        %rem3A_1941 = arith.remsi %select_n3A_1911, %select_n3A_1940 : i32
        %ne3A_1942 = arith.constant 0 : i32
        %ne3A_1943 = arith.cmpi ne, %rem3A_1941, %ne3A_1942 : i32
        %lt3A_1944 = arith.constant 0 : i32
        %lt3A_1945 = arith.cmpi slt, %rem3A_1941, %lt3A_1944 : i32
        %lt3A_1946 = arith.constant 0 : i32
        %lt3A_1947 = arith.cmpi slt, %select_n3A_1940, %lt3A_1946 : i32
        %ne3A_1948 = arith.xori %lt3A_1945, %lt3A_1947 : i1
        %and3A_1949 = arith.andi %ne3A_1948, %ne3A_1943 : i1
        %add3A_1950 = arith.addi %rem3A_1941, %select_n3A_1940 : i32
        %select_n3A_1951 = arith.select %and3A_1949, %add3A_1950, %rem3A_1941 : i32
        %dma_wait3A_1952 = arith.constant 128 : i32
        %dma_wait3A_1953 = arith.constant 0 : i32
        %dma_wait3A_1954 = arith.constant 0 : i32
        %dma_wait3A_1955 = tpu.memref_slice %arg7[%dma_wait3A_1952, %dma_wait3A_1953, %dma_wait3A_1954] : memref<256x2x128xf32, #tpu.memory_space<vmem>> -> memref<32x2x128xf32, #tpu.memory_space<vmem>>
        %dma_wait3A_1956 = arith.constant 128 : i32
        %dma_wait3A_1957 = arith.constant 0 : i32
        %dma_wait3A_1958 = arith.constant 0 : i32
        %dma_wait3A_1959 = tpu.memref_slice %arg4[%select_n3A_1895, %dma_wait3A_1956, %select_n3A_1935, %dma_wait3A_1957, %select_n3A_1951, %dma_wait3A_1958] : memref<4x256x12x2x8x128xf32, #tpu.memory_space<hbm>> -> memref<1x32x1x2x1x128xf32, #tpu.memory_space<hbm>>
        %dma_wait3A_1960 = tpu.memref_squeeze %dma_wait3A_1959 : memref<1x32x1x2x1x128xf32, #tpu.memory_space<hbm>> -> memref<32x2x128xf32, #tpu.memory_space<hbm>>
        %dma_wait3A_1961 = arith.constant 128 : i32
        %dma_wait3A_1962 = arith.constant 0 : i32
        %dma_wait3A_1963 = arith.constant 0 : i32
        %dma_wait3A_1964 = tpu.memref_slice %arg4[%select_n3A_1895, %dma_wait3A_1961, %select_n3A_1935, %dma_wait3A_1962, %select_n3A_1951, %dma_wait3A_1963] : memref<4x256x12x2x8x128xf32, #tpu.memory_space<hbm>> -> memref<1x32x1x2x1x128xf32, #tpu.memory_space<hbm>>
        %dma_wait3A_1965 = tpu.memref_squeeze %dma_wait3A_1964 : memref<1x32x1x2x1x128xf32, #tpu.memory_space<hbm>> -> memref<32x2x128xf32, #tpu.memory_space<hbm>>
        %dma_wait3A_1966 = arith.constant 128 : i32
        %dma_wait3A_1967 = arith.constant 0 : i32
        %dma_wait3A_1968 = arith.constant 0 : i32
        %dma_wait3A_1969 = tpu.memref_slice %arg7[%dma_wait3A_1966, %dma_wait3A_1967, %dma_wait3A_1968] : memref<256x2x128xf32, #tpu.memory_space<vmem>> -> memref<32x2x128xf32, #tpu.memory_space<vmem>>
        tpu.wait_dma2 semaphore(%arg13 : memref<!tpu.dma_semaphore, #tpu.memory_space<semaphore_mem>>) src(%dma_wait3A_1969 : memref<32x2x128xf32, #tpu.memory_space<vmem>>) dst(%dma_wait3A_1965 : memref<32x2x128xf32, #tpu.memory_space<hbm>>)
      } else {
      }
      %broadcast_in_dim3A_935 = arith.constant 0.000000e+00 : f32
      %broadcast_in_dim3A_936 = vector.broadcast %broadcast_in_dim3A_935 : f32 to vector<16xf32>
      %parallel_loop3A_937 = arith.constant 128 : i32
      %parallel_loop3A_938 = arith.constant 160 : i32
      %parallel_loop3A_939 = arith.constant 1 : i32
      scf.for %parallel_loop3A_1869 = %parallel_loop3A_937 to %parallel_loop3A_938 step %parallel_loop3A_939  : i32 {
        %parallel_loop3A_1870 = arith.constant 0 : i32
        %parallel_loop3A_1871 = arith.index_cast %parallel_loop3A_1869 : i32 to index
        %parallel_loop3A_1872 = arith.index_cast %parallel_loop3A_1870 : i32 to index
        %parallel_loop3A_1873 = arith.constant 0 : index
        %parallel_loop3A_1874 = tpu.vector_load %arg7[%parallel_loop3A_1871, %parallel_loop3A_1872, %parallel_loop3A_1873] {strides = array<i32>} : memref<256x2x128xf32, #tpu.memory_space<vmem>>, vector<16xf32>,
        tpu.vector_store %arg7[%parallel_loop3A_1871, %parallel_loop3A_1872, %parallel_loop3A_1873], %broadcast_in_dim3A_936 {strides = array<i32>} : memref<256x2x128xf32, #tpu.memory_space<vmem>>, vector<16xf32>,
        %parallel_loop3A_1875 = arith.constant 0 : i32
        %parallel_loop3A_1876 = arith.index_cast %parallel_loop3A_1869 : i32 to index
        %parallel_loop3A_1877 = arith.index_cast %parallel_loop3A_1875 : i32 to index
        %parallel_loop3A_1878 = arith.constant 16 : index
        %parallel_loop3A_1879 = tpu.vector_load %arg7[%parallel_loop3A_1876, %parallel_loop3A_1877, %parallel_loop3A_1878] {strides = array<i32>} : memref<256x2x128xf32, #tpu.memory_space<vmem>>, vector<16xf32>,
        tpu.vector_store %arg7[%parallel_loop3A_1876, %parallel_loop3A_1877, %parallel_loop3A_1878], %broadcast_in_dim3A_936 {strides = array<i32>} : memref<256x2x128xf32, #tpu.memory_space<vmem>>, vector<16xf32>,
        %parallel_loop3A_1880 = arith.constant 0 : i32
        %parallel_loop3A_1881 = arith.index_cast %parallel_loop3A_1869 : i32 to index
        %parallel_loop3A_1882 = arith.index_cast %parallel_loop3A_1880 : i32 to index
        %parallel_loop3A_1883 = arith.constant 32 : index
        %parallel_loop3A_1884 = tpu.vector_load %arg7[%parallel_loop3A_1881, %parallel_loop3A_1882, %parallel_loop3A_1883] {strides = array<i32>} : memref<256x2x128xf32, #tpu.memory_space<vmem>>, vector<16xf32>,
        tpu.vector_store %arg7[%parallel_loop3A_1881, %parallel_loop3A_1882, %parallel_loop3A_1883], %broadcast_in_dim3A_936 {strides = array<i32>} : memref<256x2x128xf32, #tpu.memory_space<vmem>>, vector<16xf32>,
        %parallel_loop3A_1885 = arith.constant 0 : i32
        %parallel_loop3A_1886 = arith.index_cast %parallel_loop3A_1869 : i32 to index
        %parallel_loop3A_1887 = arith.index_cast %parallel_loop3A_1885 : i32 to index
        %parallel_loop3A_1888 = arith.constant 48 : index
        %parallel_loop3A_1889 = tpu.vector_load %arg7[%parallel_loop3A_1886, %parallel_loop3A_1887, %parallel_loop3A_1888] {strides = array<i32>} : memref<256x2x128xf32, #tpu.memory_space<vmem>>, vector<16xf32>,
        tpu.vector_store %arg7[%parallel_loop3A_1886, %parallel_loop3A_1887, %parallel_loop3A_1888], %broadcast_in_dim3A_936 {strides = array<i32>} : memref<256x2x128xf32, #tpu.memory_space<vmem>>, vector<16xf32>,
        %parallel_loop3A_1890 = arith.constant 0 : i32
        %parallel_loop3A_1891 = arith.index_cast %parallel_loop3A_1869 : i32 to index
        %parallel_loop3A_1892 = arith.index_cast %parallel_loop3A_1890 : i32 to index
        %parallel_loop3A_1893 = arith.constant 64 : index
        %parallel_loop3A_1894 = tpu.vector_load %arg7[%parallel_loop3A_1891, %parallel_loop3A_1892, %parallel_loop3A_1893] {strides = array<i32>} : memref<256x2x128xf32, #tpu.memory_space<vmem>>, vector<16xf32>,
        tpu.vector_store %arg7[%parallel_loop3A_1891, %parallel_loop3A_1892, %parallel_loop3A_1893], %broadcast_in_dim3A_936 {strides = array<i32>} : memref<256x2x128xf32, #tpu.memory_space<vmem>>, vector<16xf32>,
        %parallel_loop3A_1895 = arith.constant 0 : i32
        %parallel_loop3A_1896 = arith.index_cast %parallel_loop3A_1869 : i32 to index
        %parallel_loop3A_1897 = arith.index_cast %parallel_loop3A_1895 : i32 to index
        %parallel_loop3A_1898 = arith.constant 80 : index
        %parallel_loop3A_1899 = tpu.vector_load %arg7[%parallel_loop3A_1896, %parallel_loop3A_1897, %parallel_loop3A_1898] {strides = array<i32>} : memref<256x2x128xf32, #tpu.memory_space<vmem>>, vector<16xf32>,
        tpu.vector_store %arg7[%parallel_loop3A_1896, %parallel_loop3A_1897, %parallel_loop3A_1898], %broadcast_in_dim3A_936 {strides = array<i32>} : memref<256x2x128xf32, #tpu.memory_space<vmem>>, vector<16xf32>,
        %parallel_loop3A_1900 = arith.constant 0 : i32
        %parallel_loop3A_1901 = arith.index_cast %parallel_loop3A_1869 : i32 to index
        %parallel_loop3A_1902 = arith.index_cast %parallel_loop3A_1900 : i32 to index
        %parallel_loop3A_1903 = arith.constant 96 : index
        %parallel_loop3A_1904 = tpu.vector_load %arg7[%parallel_loop3A_1901, %parallel_loop3A_1902, %parallel_loop3A_1903] {strides = array<i32>} : memref<256x2x128xf32, #tpu.memory_space<vmem>>, vector<16xf32>,
        tpu.vector_store %arg7[%parallel_loop3A_1901, %parallel_loop3A_1902, %parallel_loop3A_1903], %broadcast_in_dim3A_936 {strides = array<i32>} : memref<256x2x128xf32, #tpu.memory_space<vmem>>, vector<16xf32>,
        %parallel_loop3A_1905 = arith.constant 0 : i32
        %parallel_loop3A_1906 = arith.index_cast %parallel_loop3A_1869 : i32 to index
        %parallel_loop3A_1907 = arith.index_cast %parallel_loop3A_1905 : i32 to index
        %parallel_loop3A_1908 = arith.constant 112 : index
        %parallel_loop3A_1909 = tpu.vector_load %arg7[%parallel_loop3A_1906, %parallel_loop3A_1907, %parallel_loop3A_1908] {strides = array<i32>} : memref<256x2x128xf32, #tpu.memory_space<vmem>>, vector<16xf32>,
        tpu.vector_store %arg7[%parallel_loop3A_1906, %parallel_loop3A_1907, %parallel_loop3A_1908], %broadcast_in_dim3A_936 {strides = array<i32>} : memref<256x2x128xf32, #tpu.memory_space<vmem>>, vector<16xf32>,
        %parallel_loop3A_1910 = arith.constant 1 : i32
        %parallel_loop3A_1911 = arith.index_cast %parallel_loop3A_1869 : i32 to index
        %parallel_loop3A_1912 = arith.index_cast %parallel_loop3A_1910 : i32 to index
        %parallel_loop3A_1913 = arith.constant 0 : index
        %parallel_loop3A_1914 = tpu.vector_load %arg7[%parallel_loop3A_1911, %parallel_loop3A_1912, %parallel_loop3A_1913] {strides = array<i32>} : memref<256x2x128xf32, #tpu.memory_space<vmem>>, vector<16xf32>,
        tpu.vector_store %arg7[%parallel_loop3A_1911, %parallel_loop3A_1912, %parallel_loop3A_1913], %broadcast_in_dim3A_936 {strides = array<i32>} : memref<256x2x128xf32, #tpu.memory_space<vmem>>, vector<16xf32>,
        %parallel_loop3A_1915 = arith.constant 1 : i32
        %parallel_loop3A_1916 = arith.index_cast %parallel_loop3A_1869 : i32 to index
        %parallel_loop3A_1917 = arith.index_cast %parallel_loop3A_1915 : i32 to index
        %parallel_loop3A_1918 = arith.constant 16 : index
        %parallel_loop3A_1919 = tpu.vector_load %arg7[%parallel_loop3A_1916, %parallel_loop3A_1917, %parallel_loop3A_1918] {strides = array<i32>} : memref<256x2x128xf32, #tpu.memory_space<vmem>>, vector<16xf32>,
        tpu.vector_store %arg7[%parallel_loop3A_1916, %parallel_loop3A_1917, %parallel_loop3A_1918], %broadcast_in_dim3A_936 {strides = array<i32>} : memref<256x2x128xf32, #tpu.memory_space<vmem>>, vector<16xf32>,
        %parallel_loop3A_1920 = arith.constant 1 : i32
        %parallel_loop3A_1921 = arith.index_cast %parallel_loop3A_1869 : i32 to index
        %parallel_loop3A_1922 = arith.index_cast %parallel_loop3A_1920 : i32 to index
        %parallel_loop3A_1923 = arith.constant 32 : index
        %parallel_loop3A_1924 = tpu.vector_load %arg7[%parallel_loop3A_1921, %parallel_loop3A_1922, %parallel_loop3A_1923] {strides = array<i32>} : memref<256x2x128xf32, #tpu.memory_space<vmem>>, vector<16xf32>,
        tpu.vector_store %arg7[%parallel_loop3A_1921, %parallel_loop3A_1922, %parallel_loop3A_1923], %broadcast_in_dim3A_936 {strides = array<i32>} : memref<256x2x128xf32, #tpu.memory_space<vmem>>, vector<16xf32>,
        %parallel_loop3A_1925 = arith.constant 1 : i32
        %parallel_loop3A_1926 = arith.index_cast %parallel_loop3A_1869 : i32 to index
        %parallel_loop3A_1927 = arith.index_cast %parallel_loop3A_1925 : i32 to index
        %parallel_loop3A_1928 = arith.constant 48 : index
        %parallel_loop3A_1929 = tpu.vector_load %arg7[%parallel_loop3A_1926, %parallel_loop3A_1927, %parallel_loop3A_1928] {strides = array<i32>} : memref<256x2x128xf32, #tpu.memory_space<vmem>>, vector<16xf32>,
        tpu.vector_store %arg7[%parallel_loop3A_1926, %parallel_loop3A_1927, %parallel_loop3A_1928], %broadcast_in_dim3A_936 {strides = array<i32>} : memref<256x2x128xf32, #tpu.memory_space<vmem>>, vector<16xf32>,
        %parallel_loop3A_1930 = arith.constant 1 : i32
        %parallel_loop3A_1931 = arith.index_cast %parallel_loop3A_1869 : i32 to index
        %parallel_loop3A_1932 = arith.index_cast %parallel_loop3A_1930 : i32 to index
        %parallel_loop3A_1933 = arith.constant 64 : index
        %parallel_loop3A_1934 = tpu.vector_load %arg7[%parallel_loop3A_1931, %parallel_loop3A_1932, %parallel_loop3A_1933] {strides = array<i32>} : memref<256x2x128xf32, #tpu.memory_space<vmem>>, vector<16xf32>,
        tpu.vector_store %arg7[%parallel_loop3A_1931, %parallel_loop3A_1932, %parallel_loop3A_1933], %broadcast_in_dim3A_936 {strides = array<i32>} : memref<256x2x128xf32, #tpu.memory_space<vmem>>, vector<16xf32>,
        %parallel_loop3A_1935 = arith.constant 1 : i32
        %parallel_loop3A_1936 = arith.index_cast %parallel_loop3A_1869 : i32 to index
        %parallel_loop3A_1937 = arith.index_cast %parallel_loop3A_1935 : i32 to index
        %parallel_loop3A_1938 = arith.constant 80 : index
        %parallel_loop3A_1939 = tpu.vector_load %arg7[%parallel_loop3A_1936, %parallel_loop3A_1937, %parallel_loop3A_1938] {strides = array<i32>} : memref<256x2x128xf32, #tpu.memory_space<vmem>>, vector<16xf32>,
        tpu.vector_store %arg7[%parallel_loop3A_1936, %parallel_loop3A_1937, %parallel_loop3A_1938], %broadcast_in_dim3A_936 {strides = array<i32>} : memref<256x2x128xf32, #tpu.memory_space<vmem>>, vector<16xf32>,
        %parallel_loop3A_1940 = arith.constant 1 : i32
        %parallel_loop3A_1941 = arith.index_cast %parallel_loop3A_1869 : i32 to index
        %parallel_loop3A_1942 = arith.index_cast %parallel_loop3A_1940 : i32 to index
        %parallel_loop3A_1943 = arith.constant 96 : index
        %parallel_loop3A_1944 = tpu.vector_load %arg7[%parallel_loop3A_1941, %parallel_loop3A_1942, %parallel_loop3A_1943] {strides = array<i32>} : memref<256x2x128xf32, #tpu.memory_space<vmem>>, vector<16xf32>,
        tpu.vector_store %arg7[%parallel_loop3A_1941, %parallel_loop3A_1942, %parallel_loop3A_1943], %broadcast_in_dim3A_936 {strides = array<i32>} : memref<256x2x128xf32, #tpu.memory_space<vmem>>, vector<16xf32>,
        %parallel_loop3A_1945 = arith.constant 1 : i32
        %parallel_loop3A_1946 = arith.index_cast %parallel_loop3A_1869 : i32 to index
        %parallel_loop3A_1947 = arith.index_cast %parallel_loop3A_1945 : i32 to index
        %parallel_loop3A_1948 = arith.constant 112 : index
        %parallel_loop3A_1949 = tpu.vector_load %arg7[%parallel_loop3A_1946, %parallel_loop3A_1947, %parallel_loop3A_1948] {strides = array<i32>} : memref<256x2x128xf32, #tpu.memory_space<vmem>>, vector<16xf32>,
        tpu.vector_store %arg7[%parallel_loop3A_1946, %parallel_loop3A_1947, %parallel_loop3A_1948], %broadcast_in_dim3A_936 {strides = array<i32>} : memref<256x2x128xf32, #tpu.memory_space<vmem>>, vector<16xf32>,
      } {sc.loop_unroll_factor = 2 : i64, sc.parallel_access}
      %gt3A_940 = arith.constant 0 : i32
      %gt3A_941 = arith.cmpi sgt, %scan3A_894, %gt3A_940 : i32
      %convert_element_type3A_942 = arith.extui %gt3A_941 : i1 to i32
      %cond3A_943 = arith.constant 0 : i32
      %cond3A_944 = arith.cmpi ne, %convert_element_type3A_942, %cond3A_943 : i32
      scf.if %cond3A_944 {
        %sub3A_1869 = arith.constant 1 : i32
        %sub3A_1870 = arith.subi %scan3A_894, %sub3A_1869 : i32
        %add3A_1871 = arith.addi %mul3A_2, %sub3A_1870 : i32
        %jit3A_1872 = arith.constant 96 : i32
        %div3A_1873 = arith.divsi %add3A_1871, %jit3A_1872 : i32
        %sign3A_1874 = arith.constant 0 : i32
        %sign3A_1875 = arith.cmpi sgt, %add3A_1871, %sign3A_1874 : i32
        %sign3A_1876 = arith.extui %sign3A_1875 : i1 to i32
        %sign3A_1877 = arith.constant 0 : i32
        %sign3A_1878 = arith.cmpi slt, %add3A_1871, %sign3A_1877 : i32
        %sign3A_1879 = arith.extui %sign3A_1878 : i1 to i32
        %sign3A_1880 = arith.subi %sign3A_1876, %sign3A_1879 : i32
        %sign3A_1881 = arith.constant 0 : i32
        %sign3A_1882 = arith.cmpi sgt, %jit3A_1872, %sign3A_1881 : i32
        %sign3A_1883 = arith.extui %sign3A_1882 : i1 to i32
        %sign3A_1884 = arith.constant 0 : i32
        %sign3A_1885 = arith.cmpi slt, %jit3A_1872, %sign3A_1884 : i32
        %sign3A_1886 = arith.extui %sign3A_1885 : i1 to i32
        %sign3A_1887 = arith.subi %sign3A_1883, %sign3A_1886 : i32
        %ne3A_1888 = arith.cmpi ne, %sign3A_1880, %sign3A_1887 : i32
        %rem3A_1889 = arith.remsi %add3A_1871, %jit3A_1872 : i32
        %ne3A_1890 = arith.constant 0 : i32
        %ne3A_1891 = arith.cmpi ne, %rem3A_1889, %ne3A_1890 : i32
        %and3A_1892 = arith.andi %ne3A_1888, %ne3A_1891 : i1
        %sub3A_1893 = arith.constant 1 : i32
        %sub3A_1894 = arith.subi %div3A_1873, %sub3A_1893 : i32
        %select_n3A_1895 = arith.select %and3A_1892, %sub3A_1894, %div3A_1873 : i32
        %jit3A_1896 = arith.constant 96 : i32
        %eq3A_1897 = arith.constant 0 : i32
        %eq3A_1898 = arith.cmpi eq, %jit3A_1896, %eq3A_1897 : i32
        %jit3A_1899 = arith.constant 1 : i32
        %select_n3A_1900 = arith.select %eq3A_1898, %jit3A_1899, %jit3A_1896 : i32
        %rem3A_1901 = arith.remsi %add3A_1871, %select_n3A_1900 : i32
        %ne3A_1902 = arith.constant 0 : i32
        %ne3A_1903 = arith.cmpi ne, %rem3A_1901, %ne3A_1902 : i32
        %lt3A_1904 = arith.constant 0 : i32
        %lt3A_1905 = arith.cmpi slt, %rem3A_1901, %lt3A_1904 : i32
        %lt3A_1906 = arith.constant 0 : i32
        %lt3A_1907 = arith.cmpi slt, %select_n3A_1900, %lt3A_1906 : i32
        %ne3A_1908 = arith.xori %lt3A_1905, %lt3A_1907 : i1
        %and3A_1909 = arith.andi %ne3A_1908, %ne3A_1903 : i1
        %add3A_1910 = arith.addi %rem3A_1901, %select_n3A_1900 : i32
        %select_n3A_1911 = arith.select %and3A_1909, %add3A_1910, %rem3A_1901 : i32
        %jit3A_1912 = arith.constant 8 : i32
        %div3A_1913 = arith.divsi %select_n3A_1911, %jit3A_1912 : i32
        %sign3A_1914 = arith.constant 0 : i32
        %sign3A_1915 = arith.cmpi sgt, %select_n3A_1911, %sign3A_1914 : i32
        %sign3A_1916 = arith.extui %sign3A_1915 : i1 to i32
        %sign3A_1917 = arith.constant 0 : i32
        %sign3A_1918 = arith.cmpi slt, %select_n3A_1911, %sign3A_1917 : i32
        %sign3A_1919 = arith.extui %sign3A_1918 : i1 to i32
        %sign3A_1920 = arith.subi %sign3A_1916, %sign3A_1919 : i32
        %sign3A_1921 = arith.constant 0 : i32
        %sign3A_1922 = arith.cmpi sgt, %jit3A_1912, %sign3A_1921 : i32
        %sign3A_1923 = arith.extui %sign3A_1922 : i1 to i32
        %sign3A_1924 = arith.constant 0 : i32
        %sign3A_1925 = arith.cmpi slt, %jit3A_1912, %sign3A_1924 : i32
        %sign3A_1926 = arith.extui %sign3A_1925 : i1 to i32
        %sign3A_1927 = arith.subi %sign3A_1923, %sign3A_1926 : i32
        %ne3A_1928 = arith.cmpi ne, %sign3A_1920, %sign3A_1927 : i32
        %rem3A_1929 = arith.remsi %select_n3A_1911, %jit3A_1912 : i32
        %ne3A_1930 = arith.constant 0 : i32
        %ne3A_1931 = arith.cmpi ne, %rem3A_1929, %ne3A_1930 : i32
        %and3A_1932 = arith.andi %ne3A_1928, %ne3A_1931 : i1
        %sub3A_1933 = arith.constant 1 : i32
        %sub3A_1934 = arith.subi %div3A_1913, %sub3A_1933 : i32
        %select_n3A_1935 = arith.select %and3A_1932, %sub3A_1934, %div3A_1913 : i32
        %jit3A_1936 = arith.constant 8 : i32
        %eq3A_1937 = arith.constant 0 : i32
        %eq3A_1938 = arith.cmpi eq, %jit3A_1936, %eq3A_1937 : i32
        %jit3A_1939 = arith.constant 1 : i32
        %select_n3A_1940 = arith.select %eq3A_1938, %jit3A_1939, %jit3A_1936 : i32
        %rem3A_1941 = arith.remsi %select_n3A_1911, %select_n3A_1940 : i32
        %ne3A_1942 = arith.constant 0 : i32
        %ne3A_1943 = arith.cmpi ne, %rem3A_1941, %ne3A_1942 : i32
        %lt3A_1944 = arith.constant 0 : i32
        %lt3A_1945 = arith.cmpi slt, %rem3A_1941, %lt3A_1944 : i32
        %lt3A_1946 = arith.constant 0 : i32
        %lt3A_1947 = arith.cmpi slt, %select_n3A_1940, %lt3A_1946 : i32
        %ne3A_1948 = arith.xori %lt3A_1945, %lt3A_1947 : i1
        %and3A_1949 = arith.andi %ne3A_1948, %ne3A_1943 : i1
        %add3A_1950 = arith.addi %rem3A_1941, %select_n3A_1940 : i32
        %select_n3A_1951 = arith.select %and3A_1949, %add3A_1950, %rem3A_1941 : i32
        %dma_wait3A_1952 = arith.constant 160 : i32
        %dma_wait3A_1953 = arith.constant 0 : i32
        %dma_wait3A_1954 = arith.constant 0 : i32
        %dma_wait3A_1955 = tpu.memref_slice %arg7[%dma_wait3A_1952, %dma_wait3A_1953, %dma_wait3A_1954] : memref<256x2x128xf32, #tpu.memory_space<vmem>> -> memref<32x2x128xf32, #tpu.memory_space<vmem>>
        %dma_wait3A_1956 = arith.constant 160 : i32
        %dma_wait3A_1957 = arith.constant 0 : i32
        %dma_wait3A_1958 = arith.constant 0 : i32
        %dma_wait3A_1959 = tpu.memref_slice %arg4[%select_n3A_1895, %dma_wait3A_1956, %select_n3A_1935, %dma_wait3A_1957, %select_n3A_1951, %dma_wait3A_1958] : memref<4x256x12x2x8x128xf32, #tpu.memory_space<hbm>> -> memref<1x32x1x2x1x128xf32, #tpu.memory_space<hbm>>
        %dma_wait3A_1960 = tpu.memref_squeeze %dma_wait3A_1959 : memref<1x32x1x2x1x128xf32, #tpu.memory_space<hbm>> -> memref<32x2x128xf32, #tpu.memory_space<hbm>>
        %dma_wait3A_1961 = arith.constant 160 : i32
        %dma_wait3A_1962 = arith.constant 0 : i32
        %dma_wait3A_1963 = arith.constant 0 : i32
        %dma_wait3A_1964 = tpu.memref_slice %arg4[%select_n3A_1895, %dma_wait3A_1961, %select_n3A_1935, %dma_wait3A_1962, %select_n3A_1951, %dma_wait3A_1963] : memref<4x256x12x2x8x128xf32, #tpu.memory_space<hbm>> -> memref<1x32x1x2x1x128xf32, #tpu.memory_space<hbm>>
        %dma_wait3A_1965 = tpu.memref_squeeze %dma_wait3A_1964 : memref<1x32x1x2x1x128xf32, #tpu.memory_space<hbm>> -> memref<32x2x128xf32, #tpu.memory_space<hbm>>
        %dma_wait3A_1966 = arith.constant 160 : i32
        %dma_wait3A_1967 = arith.constant 0 : i32
        %dma_wait3A_1968 = arith.constant 0 : i32
        %dma_wait3A_1969 = tpu.memref_slice %arg7[%dma_wait3A_1966, %dma_wait3A_1967, %dma_wait3A_1968] : memref<256x2x128xf32, #tpu.memory_space<vmem>> -> memref<32x2x128xf32, #tpu.memory_space<vmem>>
        tpu.wait_dma2 semaphore(%arg14 : memref<!tpu.dma_semaphore, #tpu.memory_space<semaphore_mem>>) src(%dma_wait3A_1969 : memref<32x2x128xf32, #tpu.memory_space<vmem>>) dst(%dma_wait3A_1965 : memref<32x2x128xf32, #tpu.memory_space<hbm>>)
      } else {
      }
      %broadcast_in_dim3A_945 = arith.constant 0.000000e+00 : f32
      %broadcast_in_dim3A_946 = vector.broadcast %broadcast_in_dim3A_945 : f32 to vector<16xf32>
      %parallel_loop3A_947 = arith.constant 160 : i32
      %parallel_loop3A_948 = arith.constant 192 : i32
      %parallel_loop3A_949 = arith.constant 1 : i32
      scf.for %parallel_loop3A_1869 = %parallel_loop3A_947 to %parallel_loop3A_948 step %parallel_loop3A_949  : i32 {
        %parallel_loop3A_1870 = arith.constant 0 : i32
        %parallel_loop3A_1871 = arith.index_cast %parallel_loop3A_1869 : i32 to index
        %parallel_loop3A_1872 = arith.index_cast %parallel_loop3A_1870 : i32 to index
        %parallel_loop3A_1873 = arith.constant 0 : index
        %parallel_loop3A_1874 = tpu.vector_load %arg7[%parallel_loop3A_1871, %parallel_loop3A_1872, %parallel_loop3A_1873] {strides = array<i32>} : memref<256x2x128xf32, #tpu.memory_space<vmem>>, vector<16xf32>,
        tpu.vector_store %arg7[%parallel_loop3A_1871, %parallel_loop3A_1872, %parallel_loop3A_1873], %broadcast_in_dim3A_946 {strides = array<i32>} : memref<256x2x128xf32, #tpu.memory_space<vmem>>, vector<16xf32>,
        %parallel_loop3A_1875 = arith.constant 0 : i32
        %parallel_loop3A_1876 = arith.index_cast %parallel_loop3A_1869 : i32 to index
        %parallel_loop3A_1877 = arith.index_cast %parallel_loop3A_1875 : i32 to index
        %parallel_loop3A_1878 = arith.constant 16 : index
        %parallel_loop3A_1879 = tpu.vector_load %arg7[%parallel_loop3A_1876, %parallel_loop3A_1877, %parallel_loop3A_1878] {strides = array<i32>} : memref<256x2x128xf32, #tpu.memory_space<vmem>>, vector<16xf32>,
        tpu.vector_store %arg7[%parallel_loop3A_1876, %parallel_loop3A_1877, %parallel_loop3A_1878], %broadcast_in_dim3A_946 {strides = array<i32>} : memref<256x2x128xf32, #tpu.memory_space<vmem>>, vector<16xf32>,
        %parallel_loop3A_1880 = arith.constant 0 : i32
        %parallel_loop3A_1881 = arith.index_cast %parallel_loop3A_1869 : i32 to index
        %parallel_loop3A_1882 = arith.index_cast %parallel_loop3A_1880 : i32 to index
        %parallel_loop3A_1883 = arith.constant 32 : index
        %parallel_loop3A_1884 = tpu.vector_load %arg7[%parallel_loop3A_1881, %parallel_loop3A_1882, %parallel_loop3A_1883] {strides = array<i32>} : memref<256x2x128xf32, #tpu.memory_space<vmem>>, vector<16xf32>,
        tpu.vector_store %arg7[%parallel_loop3A_1881, %parallel_loop3A_1882, %parallel_loop3A_1883], %broadcast_in_dim3A_946 {strides = array<i32>} : memref<256x2x128xf32, #tpu.memory_space<vmem>>, vector<16xf32>,
        %parallel_loop3A_1885 = arith.constant 0 : i32
        %parallel_loop3A_1886 = arith.index_cast %parallel_loop3A_1869 : i32 to index
        %parallel_loop3A_1887 = arith.index_cast %parallel_loop3A_1885 : i32 to index
        %parallel_loop3A_1888 = arith.constant 48 : index
        %parallel_loop3A_1889 = tpu.vector_load %arg7[%parallel_loop3A_1886, %parallel_loop3A_1887, %parallel_loop3A_1888] {strides = array<i32>} : memref<256x2x128xf32, #tpu.memory_space<vmem>>, vector<16xf32>,
        tpu.vector_store %arg7[%parallel_loop3A_1886, %parallel_loop3A_1887, %parallel_loop3A_1888], %broadcast_in_dim3A_946 {strides = array<i32>} : memref<256x2x128xf32, #tpu.memory_space<vmem>>, vector<16xf32>,
        %parallel_loop3A_1890 = arith.constant 0 : i32
        %parallel_loop3A_1891 = arith.index_cast %parallel_loop3A_1869 : i32 to index
        %parallel_loop3A_1892 = arith.index_cast %parallel_loop3A_1890 : i32 to index
        %parallel_loop3A_1893 = arith.constant 64 : index
        %parallel_loop3A_1894 = tpu.vector_load %arg7[%parallel_loop3A_1891, %parallel_loop3A_1892, %parallel_loop3A_1893] {strides = array<i32>} : memref<256x2x128xf32, #tpu.memory_space<vmem>>, vector<16xf32>,
        tpu.vector_store %arg7[%parallel_loop3A_1891, %parallel_loop3A_1892, %parallel_loop3A_1893], %broadcast_in_dim3A_946 {strides = array<i32>} : memref<256x2x128xf32, #tpu.memory_space<vmem>>, vector<16xf32>,
        %parallel_loop3A_1895 = arith.constant 0 : i32
        %parallel_loop3A_1896 = arith.index_cast %parallel_loop3A_1869 : i32 to index
        %parallel_loop3A_1897 = arith.index_cast %parallel_loop3A_1895 : i32 to index
        %parallel_loop3A_1898 = arith.constant 80 : index
        %parallel_loop3A_1899 = tpu.vector_load %arg7[%parallel_loop3A_1896, %parallel_loop3A_1897, %parallel_loop3A_1898] {strides = array<i32>} : memref<256x2x128xf32, #tpu.memory_space<vmem>>, vector<16xf32>,
        tpu.vector_store %arg7[%parallel_loop3A_1896, %parallel_loop3A_1897, %parallel_loop3A_1898], %broadcast_in_dim3A_946 {strides = array<i32>} : memref<256x2x128xf32, #tpu.memory_space<vmem>>, vector<16xf32>,
        %parallel_loop3A_1900 = arith.constant 0 : i32
        %parallel_loop3A_1901 = arith.index_cast %parallel_loop3A_1869 : i32 to index
        %parallel_loop3A_1902 = arith.index_cast %parallel_loop3A_1900 : i32 to index
        %parallel_loop3A_1903 = arith.constant 96 : index
        %parallel_loop3A_1904 = tpu.vector_load %arg7[%parallel_loop3A_1901, %parallel_loop3A_1902, %parallel_loop3A_1903] {strides = array<i32>} : memref<256x2x128xf32, #tpu.memory_space<vmem>>, vector<16xf32>,
        tpu.vector_store %arg7[%parallel_loop3A_1901, %parallel_loop3A_1902, %parallel_loop3A_1903], %broadcast_in_dim3A_946 {strides = array<i32>} : memref<256x2x128xf32, #tpu.memory_space<vmem>>, vector<16xf32>,
        %parallel_loop3A_1905 = arith.constant 0 : i32
        %parallel_loop3A_1906 = arith.index_cast %parallel_loop3A_1869 : i32 to index
        %parallel_loop3A_1907 = arith.index_cast %parallel_loop3A_1905 : i32 to index
        %parallel_loop3A_1908 = arith.constant 112 : index
        %parallel_loop3A_1909 = tpu.vector_load %arg7[%parallel_loop3A_1906, %parallel_loop3A_1907, %parallel_loop3A_1908] {strides = array<i32>} : memref<256x2x128xf32, #tpu.memory_space<vmem>>, vector<16xf32>,
        tpu.vector_store %arg7[%parallel_loop3A_1906, %parallel_loop3A_1907, %parallel_loop3A_1908], %broadcast_in_dim3A_946 {strides = array<i32>} : memref<256x2x128xf32, #tpu.memory_space<vmem>>, vector<16xf32>,
        %parallel_loop3A_1910 = arith.constant 1 : i32
        %parallel_loop3A_1911 = arith.index_cast %parallel_loop3A_1869 : i32 to index
        %parallel_loop3A_1912 = arith.index_cast %parallel_loop3A_1910 : i32 to index
        %parallel_loop3A_1913 = arith.constant 0 : index
        %parallel_loop3A_1914 = tpu.vector_load %arg7[%parallel_loop3A_1911, %parallel_loop3A_1912, %parallel_loop3A_1913] {strides = array<i32>} : memref<256x2x128xf32, #tpu.memory_space<vmem>>, vector<16xf32>,
        tpu.vector_store %arg7[%parallel_loop3A_1911, %parallel_loop3A_1912, %parallel_loop3A_1913], %broadcast_in_dim3A_946 {strides = array<i32>} : memref<256x2x128xf32, #tpu.memory_space<vmem>>, vector<16xf32>,
        %parallel_loop3A_1915 = arith.constant 1 : i32
        %parallel_loop3A_1916 = arith.index_cast %parallel_loop3A_1869 : i32 to index
        %parallel_loop3A_1917 = arith.index_cast %parallel_loop3A_1915 : i32 to index
        %parallel_loop3A_1918 = arith.constant 16 : index
        %parallel_loop3A_1919 = tpu.vector_load %arg7[%parallel_loop3A_1916, %parallel_loop3A_1917, %parallel_loop3A_1918] {strides = array<i32>} : memref<256x2x128xf32, #tpu.memory_space<vmem>>, vector<16xf32>,
        tpu.vector_store %arg7[%parallel_loop3A_1916, %parallel_loop3A_1917, %parallel_loop3A_1918], %broadcast_in_dim3A_946 {strides = array<i32>} : memref<256x2x128xf32, #tpu.memory_space<vmem>>, vector<16xf32>,
        %parallel_loop3A_1920 = arith.constant 1 : i32
        %parallel_loop3A_1921 = arith.index_cast %parallel_loop3A_1869 : i32 to index
        %parallel_loop3A_1922 = arith.index_cast %parallel_loop3A_1920 : i32 to index
        %parallel_loop3A_1923 = arith.constant 32 : index
        %parallel_loop3A_1924 = tpu.vector_load %arg7[%parallel_loop3A_1921, %parallel_loop3A_1922, %parallel_loop3A_1923] {strides = array<i32>} : memref<256x2x128xf32, #tpu.memory_space<vmem>>, vector<16xf32>,
        tpu.vector_store %arg7[%parallel_loop3A_1921, %parallel_loop3A_1922, %parallel_loop3A_1923], %broadcast_in_dim3A_946 {strides = array<i32>} : memref<256x2x128xf32, #tpu.memory_space<vmem>>, vector<16xf32>,
        %parallel_loop3A_1925 = arith.constant 1 : i32
        %parallel_loop3A_1926 = arith.index_cast %parallel_loop3A_1869 : i32 to index
        %parallel_loop3A_1927 = arith.index_cast %parallel_loop3A_1925 : i32 to index
        %parallel_loop3A_1928 = arith.constant 48 : index
        %parallel_loop3A_1929 = tpu.vector_load %arg7[%parallel_loop3A_1926, %parallel_loop3A_1927, %parallel_loop3A_1928] {strides = array<i32>} : memref<256x2x128xf32, #tpu.memory_space<vmem>>, vector<16xf32>,
        tpu.vector_store %arg7[%parallel_loop3A_1926, %parallel_loop3A_1927, %parallel_loop3A_1928], %broadcast_in_dim3A_946 {strides = array<i32>} : memref<256x2x128xf32, #tpu.memory_space<vmem>>, vector<16xf32>,
        %parallel_loop3A_1930 = arith.constant 1 : i32
        %parallel_loop3A_1931 = arith.index_cast %parallel_loop3A_1869 : i32 to index
        %parallel_loop3A_1932 = arith.index_cast %parallel_loop3A_1930 : i32 to index
        %parallel_loop3A_1933 = arith.constant 64 : index
        %parallel_loop3A_1934 = tpu.vector_load %arg7[%parallel_loop3A_1931, %parallel_loop3A_1932, %parallel_loop3A_1933] {strides = array<i32>} : memref<256x2x128xf32, #tpu.memory_space<vmem>>, vector<16xf32>,
        tpu.vector_store %arg7[%parallel_loop3A_1931, %parallel_loop3A_1932, %parallel_loop3A_1933], %broadcast_in_dim3A_946 {strides = array<i32>} : memref<256x2x128xf32, #tpu.memory_space<vmem>>, vector<16xf32>,
        %parallel_loop3A_1935 = arith.constant 1 : i32
        %parallel_loop3A_1936 = arith.index_cast %parallel_loop3A_1869 : i32 to index
        %parallel_loop3A_1937 = arith.index_cast %parallel_loop3A_1935 : i32 to index
        %parallel_loop3A_1938 = arith.constant 80 : index
        %parallel_loop3A_1939 = tpu.vector_load %arg7[%parallel_loop3A_1936, %parallel_loop3A_1937, %parallel_loop3A_1938] {strides = array<i32>} : memref<256x2x128xf32, #tpu.memory_space<vmem>>, vector<16xf32>,
        tpu.vector_store %arg7[%parallel_loop3A_1936, %parallel_loop3A_1937, %parallel_loop3A_1938], %broadcast_in_dim3A_946 {strides = array<i32>} : memref<256x2x128xf32, #tpu.memory_space<vmem>>, vector<16xf32>,
        %parallel_loop3A_1940 = arith.constant 1 : i32
        %parallel_loop3A_1941 = arith.index_cast %parallel_loop3A_1869 : i32 to index
        %parallel_loop3A_1942 = arith.index_cast %parallel_loop3A_1940 : i32 to index
        %parallel_loop3A_1943 = arith.constant 96 : index
        %parallel_loop3A_1944 = tpu.vector_load %arg7[%parallel_loop3A_1941, %parallel_loop3A_1942, %parallel_loop3A_1943] {strides = array<i32>} : memref<256x2x128xf32, #tpu.memory_space<vmem>>, vector<16xf32>,
        tpu.vector_store %arg7[%parallel_loop3A_1941, %parallel_loop3A_1942, %parallel_loop3A_1943], %broadcast_in_dim3A_946 {strides = array<i32>} : memref<256x2x128xf32, #tpu.memory_space<vmem>>, vector<16xf32>,
        %parallel_loop3A_1945 = arith.constant 1 : i32
        %parallel_loop3A_1946 = arith.index_cast %parallel_loop3A_1869 : i32 to index
        %parallel_loop3A_1947 = arith.index_cast %parallel_loop3A_1945 : i32 to index
        %parallel_loop3A_1948 = arith.constant 112 : index
        %parallel_loop3A_1949 = tpu.vector_load %arg7[%parallel_loop3A_1946, %parallel_loop3A_1947, %parallel_loop3A_1948] {strides = array<i32>} : memref<256x2x128xf32, #tpu.memory_space<vmem>>, vector<16xf32>,
        tpu.vector_store %arg7[%parallel_loop3A_1946, %parallel_loop3A_1947, %parallel_loop3A_1948], %broadcast_in_dim3A_946 {strides = array<i32>} : memref<256x2x128xf32, #tpu.memory_space<vmem>>, vector<16xf32>,
      } {sc.loop_unroll_factor = 2 : i64, sc.parallel_access}
      %gt3A_950 = arith.constant 0 : i32
      %gt3A_951 = arith.cmpi sgt, %scan3A_894, %gt3A_950 : i32
      %convert_element_type3A_952 = arith.extui %gt3A_951 : i1 to i32
      %cond3A_953 = arith.constant 0 : i32
      %cond3A_954 = arith.cmpi ne, %convert_element_type3A_952, %cond3A_953 : i32
      scf.if %cond3A_954 {
        %sub3A_1869 = arith.constant 1 : i32
        %sub3A_1870 = arith.subi %scan3A_894, %sub3A_1869 : i32
        %add3A_1871 = arith.addi %mul3A_2, %sub3A_1870 : i32
        %jit3A_1872 = arith.constant 96 : i32
        %div3A_1873 = arith.divsi %add3A_1871, %jit3A_1872 : i32
        %sign3A_1874 = arith.constant 0 : i32
        %sign3A_1875 = arith.cmpi sgt, %add3A_1871, %sign3A_1874 : i32
        %sign3A_1876 = arith.extui %sign3A_1875 : i1 to i32
        %sign3A_1877 = arith.constant 0 : i32
        %sign3A_1878 = arith.cmpi slt, %add3A_1871, %sign3A_1877 : i32
        %sign3A_1879 = arith.extui %sign3A_1878 : i1 to i32
        %sign3A_1880 = arith.subi %sign3A_1876, %sign3A_1879 : i32
        %sign3A_1881 = arith.constant 0 : i32
        %sign3A_1882 = arith.cmpi sgt, %jit3A_1872, %sign3A_1881 : i32
        %sign3A_1883 = arith.extui %sign3A_1882 : i1 to i32
        %sign3A_1884 = arith.constant 0 : i32
        %sign3A_1885 = arith.cmpi slt, %jit3A_1872, %sign3A_1884 : i32
        %sign3A_1886 = arith.extui %sign3A_1885 : i1 to i32
        %sign3A_1887 = arith.subi %sign3A_1883, %sign3A_1886 : i32
        %ne3A_1888 = arith.cmpi ne, %sign3A_1880, %sign3A_1887 : i32
        %rem3A_1889 = arith.remsi %add3A_1871, %jit3A_1872 : i32
        %ne3A_1890 = arith.constant 0 : i32
        %ne3A_1891 = arith.cmpi ne, %rem3A_1889, %ne3A_1890 : i32
        %and3A_1892 = arith.andi %ne3A_1888, %ne3A_1891 : i1
        %sub3A_1893 = arith.constant 1 : i32
        %sub3A_1894 = arith.subi %div3A_1873, %sub3A_1893 : i32
        %select_n3A_1895 = arith.select %and3A_1892, %sub3A_1894, %div3A_1873 : i32
        %jit3A_1896 = arith.constant 96 : i32
        %eq3A_1897 = arith.constant 0 : i32
        %eq3A_1898 = arith.cmpi eq, %jit3A_1896, %eq3A_1897 : i32
        %jit3A_1899 = arith.constant 1 : i32
        %select_n3A_1900 = arith.select %eq3A_1898, %jit3A_1899, %jit3A_1896 : i32
        %rem3A_1901 = arith.remsi %add3A_1871, %select_n3A_1900 : i32
        %ne3A_1902 = arith.constant 0 : i32
        %ne3A_1903 = arith.cmpi ne, %rem3A_1901, %ne3A_1902 : i32
        %lt3A_1904 = arith.constant 0 : i32
        %lt3A_1905 = arith.cmpi slt, %rem3A_1901, %lt3A_1904 : i32
        %lt3A_1906 = arith.constant 0 : i32
        %lt3A_1907 = arith.cmpi slt, %select_n3A_1900, %lt3A_1906 : i32
        %ne3A_1908 = arith.xori %lt3A_1905, %lt3A_1907 : i1
        %and3A_1909 = arith.andi %ne3A_1908, %ne3A_1903 : i1
        %add3A_1910 = arith.addi %rem3A_1901, %select_n3A_1900 : i32
        %select_n3A_1911 = arith.select %and3A_1909, %add3A_1910, %rem3A_1901 : i32
        %jit3A_1912 = arith.constant 8 : i32
        %div3A_1913 = arith.divsi %select_n3A_1911, %jit3A_1912 : i32
        %sign3A_1914 = arith.constant 0 : i32
        %sign3A_1915 = arith.cmpi sgt, %select_n3A_1911, %sign3A_1914 : i32
        %sign3A_1916 = arith.extui %sign3A_1915 : i1 to i32
        %sign3A_1917 = arith.constant 0 : i32
        %sign3A_1918 = arith.cmpi slt, %select_n3A_1911, %sign3A_1917 : i32
        %sign3A_1919 = arith.extui %sign3A_1918 : i1 to i32
        %sign3A_1920 = arith.subi %sign3A_1916, %sign3A_1919 : i32
        %sign3A_1921 = arith.constant 0 : i32
        %sign3A_1922 = arith.cmpi sgt, %jit3A_1912, %sign3A_1921 : i32
        %sign3A_1923 = arith.extui %sign3A_1922 : i1 to i32
        %sign3A_1924 = arith.constant 0 : i32
        %sign3A_1925 = arith.cmpi slt, %jit3A_1912, %sign3A_1924 : i32
        %sign3A_1926 = arith.extui %sign3A_1925 : i1 to i32
        %sign3A_1927 = arith.subi %sign3A_1923, %sign3A_1926 : i32
        %ne3A_1928 = arith.cmpi ne, %sign3A_1920, %sign3A_1927 : i32
        %rem3A_1929 = arith.remsi %select_n3A_1911, %jit3A_1912 : i32
        %ne3A_1930 = arith.constant 0 : i32
        %ne3A_1931 = arith.cmpi ne, %rem3A_1929, %ne3A_1930 : i32
        %and3A_1932 = arith.andi %ne3A_1928, %ne3A_1931 : i1
        %sub3A_1933 = arith.constant 1 : i32
        %sub3A_1934 = arith.subi %div3A_1913, %sub3A_1933 : i32
        %select_n3A_1935 = arith.select %and3A_1932, %sub3A_1934, %div3A_1913 : i32
        %jit3A_1936 = arith.constant 8 : i32
        %eq3A_1937 = arith.constant 0 : i32
        %eq3A_1938 = arith.cmpi eq, %jit3A_1936, %eq3A_1937 : i32
        %jit3A_1939 = arith.constant 1 : i32
        %select_n3A_1940 = arith.select %eq3A_1938, %jit3A_1939, %jit3A_1936 : i32
        %rem3A_1941 = arith.remsi %select_n3A_1911, %select_n3A_1940 : i32
        %ne3A_1942 = arith.constant 0 : i32
        %ne3A_1943 = arith.cmpi ne, %rem3A_1941, %ne3A_1942 : i32
        %lt3A_1944 = arith.constant 0 : i32
        %lt3A_1945 = arith.cmpi slt, %rem3A_1941, %lt3A_1944 : i32
        %lt3A_1946 = arith.constant 0 : i32
        %lt3A_1947 = arith.cmpi slt, %select_n3A_1940, %lt3A_1946 : i32
        %ne3A_1948 = arith.xori %lt3A_1945, %lt3A_1947 : i1
        %and3A_1949 = arith.andi %ne3A_1948, %ne3A_1943 : i1
        %add3A_1950 = arith.addi %rem3A_1941, %select_n3A_1940 : i32
        %select_n3A_1951 = arith.select %and3A_1949, %add3A_1950, %rem3A_1941 : i32
        %dma_wait3A_1952 = arith.constant 192 : i32
        %dma_wait3A_1953 = arith.constant 0 : i32
        %dma_wait3A_1954 = arith.constant 0 : i32
        %dma_wait3A_1955 = tpu.memref_slice %arg7[%dma_wait3A_1952, %dma_wait3A_1953, %dma_wait3A_1954] : memref<256x2x128xf32, #tpu.memory_space<vmem>> -> memref<32x2x128xf32, #tpu.memory_space<vmem>>
        %dma_wait3A_1956 = arith.constant 192 : i32
        %dma_wait3A_1957 = arith.constant 0 : i32
        %dma_wait3A_1958 = arith.constant 0 : i32
        %dma_wait3A_1959 = tpu.memref_slice %arg4[%select_n3A_1895, %dma_wait3A_1956, %select_n3A_1935, %dma_wait3A_1957, %select_n3A_1951, %dma_wait3A_1958] : memref<4x256x12x2x8x128xf32, #tpu.memory_space<hbm>> -> memref<1x32x1x2x1x128xf32, #tpu.memory_space<hbm>>
        %dma_wait3A_1960 = tpu.memref_squeeze %dma_wait3A_1959 : memref<1x32x1x2x1x128xf32, #tpu.memory_space<hbm>> -> memref<32x2x128xf32, #tpu.memory_space<hbm>>
        %dma_wait3A_1961 = arith.constant 192 : i32
        %dma_wait3A_1962 = arith.constant 0 : i32
        %dma_wait3A_1963 = arith.constant 0 : i32
        %dma_wait3A_1964 = tpu.memref_slice %arg4[%select_n3A_1895, %dma_wait3A_1961, %select_n3A_1935, %dma_wait3A_1962, %select_n3A_1951, %dma_wait3A_1963] : memref<4x256x12x2x8x128xf32, #tpu.memory_space<hbm>> -> memref<1x32x1x2x1x128xf32, #tpu.memory_space<hbm>>
        %dma_wait3A_1965 = tpu.memref_squeeze %dma_wait3A_1964 : memref<1x32x1x2x1x128xf32, #tpu.memory_space<hbm>> -> memref<32x2x128xf32, #tpu.memory_space<hbm>>
        %dma_wait3A_1966 = arith.constant 192 : i32
        %dma_wait3A_1967 = arith.constant 0 : i32
        %dma_wait3A_1968 = arith.constant 0 : i32
        %dma_wait3A_1969 = tpu.memref_slice %arg7[%dma_wait3A_1966, %dma_wait3A_1967, %dma_wait3A_1968] : memref<256x2x128xf32, #tpu.memory_space<vmem>> -> memref<32x2x128xf32, #tpu.memory_space<vmem>>
        tpu.wait_dma2 semaphore(%arg15 : memref<!tpu.dma_semaphore, #tpu.memory_space<semaphore_mem>>) src(%dma_wait3A_1969 : memref<32x2x128xf32, #tpu.memory_space<vmem>>) dst(%dma_wait3A_1965 : memref<32x2x128xf32, #tpu.memory_space<hbm>>)
      } else {
      }
      %broadcast_in_dim3A_955 = arith.constant 0.000000e+00 : f32
      %broadcast_in_dim3A_956 = vector.broadcast %broadcast_in_dim3A_955 : f32 to vector<16xf32>
      %parallel_loop3A_957 = arith.constant 192 : i32
      %parallel_loop3A_958 = arith.constant 224 : i32
      %parallel_loop3A_959 = arith.constant 1 : i32
      scf.for %parallel_loop3A_1869 = %parallel_loop3A_957 to %parallel_loop3A_958 step %parallel_loop3A_959  : i32 {
        %parallel_loop3A_1870 = arith.constant 0 : i32
        %parallel_loop3A_1871 = arith.index_cast %parallel_loop3A_1869 : i32 to index
        %parallel_loop3A_1872 = arith.index_cast %parallel_loop3A_1870 : i32 to index
        %parallel_loop3A_1873 = arith.constant 0 : index
        %parallel_loop3A_1874 = tpu.vector_load %arg7[%parallel_loop3A_1871, %parallel_loop3A_1872, %parallel_loop3A_1873] {strides = array<i32>} : memref<256x2x128xf32, #tpu.memory_space<vmem>>, vector<16xf32>,
        tpu.vector_store %arg7[%parallel_loop3A_1871, %parallel_loop3A_1872, %parallel_loop3A_1873], %broadcast_in_dim3A_956 {strides = array<i32>} : memref<256x2x128xf32, #tpu.memory_space<vmem>>, vector<16xf32>,
        %parallel_loop3A_1875 = arith.constant 0 : i32
        %parallel_loop3A_1876 = arith.index_cast %parallel_loop3A_1869 : i32 to index
        %parallel_loop3A_1877 = arith.index_cast %parallel_loop3A_1875 : i32 to index
        %parallel_loop3A_1878 = arith.constant 16 : index
        %parallel_loop3A_1879 = tpu.vector_load %arg7[%parallel_loop3A_1876, %parallel_loop3A_1877, %parallel_loop3A_1878] {strides = array<i32>} : memref<256x2x128xf32, #tpu.memory_space<vmem>>, vector<16xf32>,
        tpu.vector_store %arg7[%parallel_loop3A_1876, %parallel_loop3A_1877, %parallel_loop3A_1878], %broadcast_in_dim3A_956 {strides = array<i32>} : memref<256x2x128xf32, #tpu.memory_space<vmem>>, vector<16xf32>,
        %parallel_loop3A_1880 = arith.constant 0 : i32
        %parallel_loop3A_1881 = arith.index_cast %parallel_loop3A_1869 : i32 to index
        %parallel_loop3A_1882 = arith.index_cast %parallel_loop3A_1880 : i32 to index
        %parallel_loop3A_1883 = arith.constant 32 : index
        %parallel_loop3A_1884 = tpu.vector_load %arg7[%parallel_loop3A_1881, %parallel_loop3A_1882, %parallel_loop3A_1883] {strides = array<i32>} : memref<256x2x128xf32, #tpu.memory_space<vmem>>, vector<16xf32>,
        tpu.vector_store %arg7[%parallel_loop3A_1881, %parallel_loop3A_1882, %parallel_loop3A_1883], %broadcast_in_dim3A_956 {strides = array<i32>} : memref<256x2x128xf32, #tpu.memory_space<vmem>>, vector<16xf32>,
        %parallel_loop3A_1885 = arith.constant 0 : i32
        %parallel_loop3A_1886 = arith.index_cast %parallel_loop3A_1869 : i32 to index
        %parallel_loop3A_1887 = arith.index_cast %parallel_loop3A_1885 : i32 to index
        %parallel_loop3A_1888 = arith.constant 48 : index
        %parallel_loop3A_1889 = tpu.vector_load %arg7[%parallel_loop3A_1886, %parallel_loop3A_1887, %parallel_loop3A_1888] {strides = array<i32>} : memref<256x2x128xf32, #tpu.memory_space<vmem>>, vector<16xf32>,
        tpu.vector_store %arg7[%parallel_loop3A_1886, %parallel_loop3A_1887, %parallel_loop3A_1888], %broadcast_in_dim3A_956 {strides = array<i32>} : memref<256x2x128xf32, #tpu.memory_space<vmem>>, vector<16xf32>,
        %parallel_loop3A_1890 = arith.constant 0 : i32
        %parallel_loop3A_1891 = arith.index_cast %parallel_loop3A_1869 : i32 to index
        %parallel_loop3A_1892 = arith.index_cast %parallel_loop3A_1890 : i32 to index
        %parallel_loop3A_1893 = arith.constant 64 : index
        %parallel_loop3A_1894 = tpu.vector_load %arg7[%parallel_loop3A_1891, %parallel_loop3A_1892, %parallel_loop3A_1893] {strides = array<i32>} : memref<256x2x128xf32, #tpu.memory_space<vmem>>, vector<16xf32>,
        tpu.vector_store %arg7[%parallel_loop3A_1891, %parallel_loop3A_1892, %parallel_loop3A_1893], %broadcast_in_dim3A_956 {strides = array<i32>} : memref<256x2x128xf32, #tpu.memory_space<vmem>>, vector<16xf32>,
        %parallel_loop3A_1895 = arith.constant 0 : i32
        %parallel_loop3A_1896 = arith.index_cast %parallel_loop3A_1869 : i32 to index
        %parallel_loop3A_1897 = arith.index_cast %parallel_loop3A_1895 : i32 to index
        %parallel_loop3A_1898 = arith.constant 80 : index
        %parallel_loop3A_1899 = tpu.vector_load %arg7[%parallel_loop3A_1896, %parallel_loop3A_1897, %parallel_loop3A_1898] {strides = array<i32>} : memref<256x2x128xf32, #tpu.memory_space<vmem>>, vector<16xf32>,
        tpu.vector_store %arg7[%parallel_loop3A_1896, %parallel_loop3A_1897, %parallel_loop3A_1898], %broadcast_in_dim3A_956 {strides = array<i32>} : memref<256x2x128xf32, #tpu.memory_space<vmem>>, vector<16xf32>,
        %parallel_loop3A_1900 = arith.constant 0 : i32
        %parallel_loop3A_1901 = arith.index_cast %parallel_loop3A_1869 : i32 to index
        %parallel_loop3A_1902 = arith.index_cast %parallel_loop3A_1900 : i32 to index
        %parallel_loop3A_1903 = arith.constant 96 : index
        %parallel_loop3A_1904 = tpu.vector_load %arg7[%parallel_loop3A_1901, %parallel_loop3A_1902, %parallel_loop3A_1903] {strides = array<i32>} : memref<256x2x128xf32, #tpu.memory_space<vmem>>, vector<16xf32>,
        tpu.vector_store %arg7[%parallel_loop3A_1901, %parallel_loop3A_1902, %parallel_loop3A_1903], %broadcast_in_dim3A_956 {strides = array<i32>} : memref<256x2x128xf32, #tpu.memory_space<vmem>>, vector<16xf32>,
        %parallel_loop3A_1905 = arith.constant 0 : i32
        %parallel_loop3A_1906 = arith.index_cast %parallel_loop3A_1869 : i32 to index
        %parallel_loop3A_1907 = arith.index_cast %parallel_loop3A_1905 : i32 to index
        %parallel_loop3A_1908 = arith.constant 112 : index
        %parallel_loop3A_1909 = tpu.vector_load %arg7[%parallel_loop3A_1906, %parallel_loop3A_1907, %parallel_loop3A_1908] {strides = array<i32>} : memref<256x2x128xf32, #tpu.memory_space<vmem>>, vector<16xf32>,
        tpu.vector_store %arg7[%parallel_loop3A_1906, %parallel_loop3A_1907, %parallel_loop3A_1908], %broadcast_in_dim3A_956 {strides = array<i32>} : memref<256x2x128xf32, #tpu.memory_space<vmem>>, vector<16xf32>,
        %parallel_loop3A_1910 = arith.constant 1 : i32
        %parallel_loop3A_1911 = arith.index_cast %parallel_loop3A_1869 : i32 to index
        %parallel_loop3A_1912 = arith.index_cast %parallel_loop3A_1910 : i32 to index
        %parallel_loop3A_1913 = arith.constant 0 : index
        %parallel_loop3A_1914 = tpu.vector_load %arg7[%parallel_loop3A_1911, %parallel_loop3A_1912, %parallel_loop3A_1913] {strides = array<i32>} : memref<256x2x128xf32, #tpu.memory_space<vmem>>, vector<16xf32>,
        tpu.vector_store %arg7[%parallel_loop3A_1911, %parallel_loop3A_1912, %parallel_loop3A_1913], %broadcast_in_dim3A_956 {strides = array<i32>} : memref<256x2x128xf32, #tpu.memory_space<vmem>>, vector<16xf32>,
        %parallel_loop3A_1915 = arith.constant 1 : i32
        %parallel_loop3A_1916 = arith.index_cast %parallel_loop3A_1869 : i32 to index
        %parallel_loop3A_1917 = arith.index_cast %parallel_loop3A_1915 : i32 to index
        %parallel_loop3A_1918 = arith.constant 16 : index
        %parallel_loop3A_1919 = tpu.vector_load %arg7[%parallel_loop3A_1916, %parallel_loop3A_1917, %parallel_loop3A_1918] {strides = array<i32>} : memref<256x2x128xf32, #tpu.memory_space<vmem>>, vector<16xf32>,
        tpu.vector_store %arg7[%parallel_loop3A_1916, %parallel_loop3A_1917, %parallel_loop3A_1918], %broadcast_in_dim3A_956 {strides = array<i32>} : memref<256x2x128xf32, #tpu.memory_space<vmem>>, vector<16xf32>,
        %parallel_loop3A_1920 = arith.constant 1 : i32
        %parallel_loop3A_1921 = arith.index_cast %parallel_loop3A_1869 : i32 to index
        %parallel_loop3A_1922 = arith.index_cast %parallel_loop3A_1920 : i32 to index
        %parallel_loop3A_1923 = arith.constant 32 : index
        %parallel_loop3A_1924 = tpu.vector_load %arg7[%parallel_loop3A_1921, %parallel_loop3A_1922, %parallel_loop3A_1923] {strides = array<i32>} : memref<256x2x128xf32, #tpu.memory_space<vmem>>, vector<16xf32>,
        tpu.vector_store %arg7[%parallel_loop3A_1921, %parallel_loop3A_1922, %parallel_loop3A_1923], %broadcast_in_dim3A_956 {strides = array<i32>} : memref<256x2x128xf32, #tpu.memory_space<vmem>>, vector<16xf32>,
        %parallel_loop3A_1925 = arith.constant 1 : i32
        %parallel_loop3A_1926 = arith.index_cast %parallel_loop3A_1869 : i32 to index
        %parallel_loop3A_1927 = arith.index_cast %parallel_loop3A_1925 : i32 to index
        %parallel_loop3A_1928 = arith.constant 48 : index
        %parallel_loop3A_1929 = tpu.vector_load %arg7[%parallel_loop3A_1926, %parallel_loop3A_1927, %parallel_loop3A_1928] {strides = array<i32>} : memref<256x2x128xf32, #tpu.memory_space<vmem>>, vector<16xf32>,
        tpu.vector_store %arg7[%parallel_loop3A_1926, %parallel_loop3A_1927, %parallel_loop3A_1928], %broadcast_in_dim3A_956 {strides = array<i32>} : memref<256x2x128xf32, #tpu.memory_space<vmem>>, vector<16xf32>,
        %parallel_loop3A_1930 = arith.constant 1 : i32
        %parallel_loop3A_1931 = arith.index_cast %parallel_loop3A_1869 : i32 to index
        %parallel_loop3A_1932 = arith.index_cast %parallel_loop3A_1930 : i32 to index
        %parallel_loop3A_1933 = arith.constant 64 : index
        %parallel_loop3A_1934 = tpu.vector_load %arg7[%parallel_loop3A_1931, %parallel_loop3A_1932, %parallel_loop3A_1933] {strides = array<i32>} : memref<256x2x128xf32, #tpu.memory_space<vmem>>, vector<16xf32>,
        tpu.vector_store %arg7[%parallel_loop3A_1931, %parallel_loop3A_1932, %parallel_loop3A_1933], %broadcast_in_dim3A_956 {strides = array<i32>} : memref<256x2x128xf32, #tpu.memory_space<vmem>>, vector<16xf32>,
        %parallel_loop3A_1935 = arith.constant 1 : i32
        %parallel_loop3A_1936 = arith.index_cast %parallel_loop3A_1869 : i32 to index
        %parallel_loop3A_1937 = arith.index_cast %parallel_loop3A_1935 : i32 to index
        %parallel_loop3A_1938 = arith.constant 80 : index
        %parallel_loop3A_1939 = tpu.vector_load %arg7[%parallel_loop3A_1936, %parallel_loop3A_1937, %parallel_loop3A_1938] {strides = array<i32>} : memref<256x2x128xf32, #tpu.memory_space<vmem>>, vector<16xf32>,
        tpu.vector_store %arg7[%parallel_loop3A_1936, %parallel_loop3A_1937, %parallel_loop3A_1938], %broadcast_in_dim3A_956 {strides = array<i32>} : memref<256x2x128xf32, #tpu.memory_space<vmem>>, vector<16xf32>,
        %parallel_loop3A_1940 = arith.constant 1 : i32
        %parallel_loop3A_1941 = arith.index_cast %parallel_loop3A_1869 : i32 to index
        %parallel_loop3A_1942 = arith.index_cast %parallel_loop3A_1940 : i32 to index
        %parallel_loop3A_1943 = arith.constant 96 : index
        %parallel_loop3A_1944 = tpu.vector_load %arg7[%parallel_loop3A_1941, %parallel_loop3A_1942, %parallel_loop3A_1943] {strides = array<i32>} : memref<256x2x128xf32, #tpu.memory_space<vmem>>, vector<16xf32>,
        tpu.vector_store %arg7[%parallel_loop3A_1941, %parallel_loop3A_1942, %parallel_loop3A_1943], %broadcast_in_dim3A_956 {strides = array<i32>} : memref<256x2x128xf32, #tpu.memory_space<vmem>>, vector<16xf32>,
        %parallel_loop3A_1945 = arith.constant 1 : i32
        %parallel_loop3A_1946 = arith.index_cast %parallel_loop3A_1869 : i32 to index
        %parallel_loop3A_1947 = arith.index_cast %parallel_loop3A_1945 : i32 to index
        %parallel_loop3A_1948 = arith.constant 112 : index
        %parallel_loop3A_1949 = tpu.vector_load %arg7[%parallel_loop3A_1946, %parallel_loop3A_1947, %parallel_loop3A_1948] {strides = array<i32>} : memref<256x2x128xf32, #tpu.memory_space<vmem>>, vector<16xf32>,
        tpu.vector_store %arg7[%parallel_loop3A_1946, %parallel_loop3A_1947, %parallel_loop3A_1948], %broadcast_in_dim3A_956 {strides = array<i32>} : memref<256x2x128xf32, #tpu.memory_space<vmem>>, vector<16xf32>,
      } {sc.loop_unroll_factor = 2 : i64, sc.parallel_access}
      %gt3A_960 = arith.constant 0 : i32
      %gt3A_961 = arith.cmpi sgt, %scan3A_894, %gt3A_960 : i32
      %convert_element_type3A_962 = arith.extui %gt3A_961 : i1 to i32
      %cond3A_963 = arith.constant 0 : i32
      %cond3A_964 = arith.cmpi ne, %convert_element_type3A_962, %cond3A_963 : i32
      scf.if %cond3A_964 {
        %sub3A_1869 = arith.constant 1 : i32
        %sub3A_1870 = arith.subi %scan3A_894, %sub3A_1869 : i32
        %add3A_1871 = arith.addi %mul3A_2, %sub3A_1870 : i32
        %jit3A_1872 = arith.constant 96 : i32
        %div3A_1873 = arith.divsi %add3A_1871, %jit3A_1872 : i32
        %sign3A_1874 = arith.constant 0 : i32
        %sign3A_1875 = arith.cmpi sgt, %add3A_1871, %sign3A_1874 : i32
        %sign3A_1876 = arith.extui %sign3A_1875 : i1 to i32
        %sign3A_1877 = arith.constant 0 : i32
        %sign3A_1878 = arith.cmpi slt, %add3A_1871, %sign3A_1877 : i32
        %sign3A_1879 = arith.extui %sign3A_1878 : i1 to i32
        %sign3A_1880 = arith.subi %sign3A_1876, %sign3A_1879 : i32
        %sign3A_1881 = arith.constant 0 : i32
        %sign3A_1882 = arith.cmpi sgt, %jit3A_1872, %sign3A_1881 : i32
        %sign3A_1883 = arith.extui %sign3A_1882 : i1 to i32
        %sign3A_1884 = arith.constant 0 : i32
        %sign3A_1885 = arith.cmpi slt, %jit3A_1872, %sign3A_1884 : i32
        %sign3A_1886 = arith.extui %sign3A_1885 : i1 to i32
        %sign3A_1887 = arith.subi %sign3A_1883, %sign3A_1886 : i32
        %ne3A_1888 = arith.cmpi ne, %sign3A_1880, %sign3A_1887 : i32
        %rem3A_1889 = arith.remsi %add3A_1871, %jit3A_1872 : i32
        %ne3A_1890 = arith.constant 0 : i32
        %ne3A_1891 = arith.cmpi ne, %rem3A_1889, %ne3A_1890 : i32
        %and3A_1892 = arith.andi %ne3A_1888, %ne3A_1891 : i1
        %sub3A_1893 = arith.constant 1 : i32
        %sub3A_1894 = arith.subi %div3A_1873, %sub3A_1893 : i32
        %select_n3A_1895 = arith.select %and3A_1892, %sub3A_1894, %div3A_1873 : i32
        %jit3A_1896 = arith.constant 96 : i32
        %eq3A_1897 = arith.constant 0 : i32
        %eq3A_1898 = arith.cmpi eq, %jit3A_1896, %eq3A_1897 : i32
        %jit3A_1899 = arith.constant 1 : i32
        %select_n3A_1900 = arith.select %eq3A_1898, %jit3A_1899, %jit3A_1896 : i32
        %rem3A_1901 = arith.remsi %add3A_1871, %select_n3A_1900 : i32
        %ne3A_1902 = arith.constant 0 : i32
        %ne3A_1903 = arith.cmpi ne, %rem3A_1901, %ne3A_1902 : i32
        %lt3A_1904 = arith.constant 0 : i32
        %lt3A_1905 = arith.cmpi slt, %rem3A_1901, %lt3A_1904 : i32
        %lt3A_1906 = arith.constant 0 : i32
        %lt3A_1907 = arith.cmpi slt, %select_n3A_1900, %lt3A_1906 : i32
        %ne3A_1908 = arith.xori %lt3A_1905, %lt3A_1907 : i1
        %and3A_1909 = arith.andi %ne3A_1908, %ne3A_1903 : i1
        %add3A_1910 = arith.addi %rem3A_1901, %select_n3A_1900 : i32
        %select_n3A_1911 = arith.select %and3A_1909, %add3A_1910, %rem3A_1901 : i32
        %jit3A_1912 = arith.constant 8 : i32
        %div3A_1913 = arith.divsi %select_n3A_1911, %jit3A_1912 : i32
        %sign3A_1914 = arith.constant 0 : i32
        %sign3A_1915 = arith.cmpi sgt, %select_n3A_1911, %sign3A_1914 : i32
        %sign3A_1916 = arith.extui %sign3A_1915 : i1 to i32
        %sign3A_1917 = arith.constant 0 : i32
        %sign3A_1918 = arith.cmpi slt, %select_n3A_1911, %sign3A_1917 : i32
        %sign3A_1919 = arith.extui %sign3A_1918 : i1 to i32
        %sign3A_1920 = arith.subi %sign3A_1916, %sign3A_1919 : i32
        %sign3A_1921 = arith.constant 0 : i32
        %sign3A_1922 = arith.cmpi sgt, %jit3A_1912, %sign3A_1921 : i32
        %sign3A_1923 = arith.extui %sign3A_1922 : i1 to i32
        %sign3A_1924 = arith.constant 0 : i32
        %sign3A_1925 = arith.cmpi slt, %jit3A_1912, %sign3A_1924 : i32
        %sign3A_1926 = arith.extui %sign3A_1925 : i1 to i32
        %sign3A_1927 = arith.subi %sign3A_1923, %sign3A_1926 : i32
        %ne3A_1928 = arith.cmpi ne, %sign3A_1920, %sign3A_1927 : i32
        %rem3A_1929 = arith.remsi %select_n3A_1911, %jit3A_1912 : i32
        %ne3A_1930 = arith.constant 0 : i32
        %ne3A_1931 = arith.cmpi ne, %rem3A_1929, %ne3A_1930 : i32
        %and3A_1932 = arith.andi %ne3A_1928, %ne3A_1931 : i1
        %sub3A_1933 = arith.constant 1 : i32
        %sub3A_1934 = arith.subi %div3A_1913, %sub3A_1933 : i32
        %select_n3A_1935 = arith.select %and3A_1932, %sub3A_1934, %div3A_1913 : i32
        %jit3A_1936 = arith.constant 8 : i32
        %eq3A_1937 = arith.constant 0 : i32
        %eq3A_1938 = arith.cmpi eq, %jit3A_1936, %eq3A_1937 : i32
        %jit3A_1939 = arith.constant 1 : i32
        %select_n3A_1940 = arith.select %eq3A_1938, %jit3A_1939, %jit3A_1936 : i32
        %rem3A_1941 = arith.remsi %select_n3A_1911, %select_n3A_1940 : i32
        %ne3A_1942 = arith.constant 0 : i32
        %ne3A_1943 = arith.cmpi ne, %rem3A_1941, %ne3A_1942 : i32
        %lt3A_1944 = arith.constant 0 : i32
        %lt3A_1945 = arith.cmpi slt, %rem3A_1941, %lt3A_1944 : i32
        %lt3A_1946 = arith.constant 0 : i32
        %lt3A_1947 = arith.cmpi slt, %select_n3A_1940, %lt3A_1946 : i32
        %ne3A_1948 = arith.xori %lt3A_1945, %lt3A_1947 : i1
        %and3A_1949 = arith.andi %ne3A_1948, %ne3A_1943 : i1
        %add3A_1950 = arith.addi %rem3A_1941, %select_n3A_1940 : i32
        %select_n3A_1951 = arith.select %and3A_1949, %add3A_1950, %rem3A_1941 : i32
        %dma_wait3A_1952 = arith.constant 224 : i32
        %dma_wait3A_1953 = arith.constant 0 : i32
        %dma_wait3A_1954 = arith.constant 0 : i32
        %dma_wait3A_1955 = tpu.memref_slice %arg7[%dma_wait3A_1952, %dma_wait3A_1953, %dma_wait3A_1954] : memref<256x2x128xf32, #tpu.memory_space<vmem>> -> memref<32x2x128xf32, #tpu.memory_space<vmem>>
        %dma_wait3A_1956 = arith.constant 224 : i32
        %dma_wait3A_1957 = arith.constant 0 : i32
        %dma_wait3A_1958 = arith.constant 0 : i32
        %dma_wait3A_1959 = tpu.memref_slice %arg4[%select_n3A_1895, %dma_wait3A_1956, %select_n3A_1935, %dma_wait3A_1957, %select_n3A_1951, %dma_wait3A_1958] : memref<4x256x12x2x8x128xf32, #tpu.memory_space<hbm>> -> memref<1x32x1x2x1x128xf32, #tpu.memory_space<hbm>>
        %dma_wait3A_1960 = tpu.memref_squeeze %dma_wait3A_1959 : memref<1x32x1x2x1x128xf32, #tpu.memory_space<hbm>> -> memref<32x2x128xf32, #tpu.memory_space<hbm>>
        %dma_wait3A_1961 = arith.constant 224 : i32
        %dma_wait3A_1962 = arith.constant 0 : i32
        %dma_wait3A_1963 = arith.constant 0 : i32
        %dma_wait3A_1964 = tpu.memref_slice %arg4[%select_n3A_1895, %dma_wait3A_1961, %select_n3A_1935, %dma_wait3A_1962, %select_n3A_1951, %dma_wait3A_1963] : memref<4x256x12x2x8x128xf32, #tpu.memory_space<hbm>> -> memref<1x32x1x2x1x128xf32, #tpu.memory_space<hbm>>
        %dma_wait3A_1965 = tpu.memref_squeeze %dma_wait3A_1964 : memref<1x32x1x2x1x128xf32, #tpu.memory_space<hbm>> -> memref<32x2x128xf32, #tpu.memory_space<hbm>>
        %dma_wait3A_1966 = arith.constant 224 : i32
        %dma_wait3A_1967 = arith.constant 0 : i32
        %dma_wait3A_1968 = arith.constant 0 : i32
        %dma_wait3A_1969 = tpu.memref_slice %arg7[%dma_wait3A_1966, %dma_wait3A_1967, %dma_wait3A_1968] : memref<256x2x128xf32, #tpu.memory_space<vmem>> -> memref<32x2x128xf32, #tpu.memory_space<vmem>>
        tpu.wait_dma2 semaphore(%arg16 : memref<!tpu.dma_semaphore, #tpu.memory_space<semaphore_mem>>) src(%dma_wait3A_1969 : memref<32x2x128xf32, #tpu.memory_space<vmem>>) dst(%dma_wait3A_1965 : memref<32x2x128xf32, #tpu.memory_space<hbm>>)
      } else {
      }
      %broadcast_in_dim3A_965 = arith.constant 0.000000e+00 : f32
      %broadcast_in_dim3A_966 = vector.broadcast %broadcast_in_dim3A_965 : f32 to vector<16xf32>
      %parallel_loop3A_967 = arith.constant 224 : i32
      %parallel_loop3A_968 = arith.constant 256 : i32
      %parallel_loop3A_969 = arith.constant 1 : i32
      scf.for %parallel_loop3A_1869 = %parallel_loop3A_967 to %parallel_loop3A_968 step %parallel_loop3A_969  : i32 {
        %parallel_loop3A_1870 = arith.constant 0 : i32
        %parallel_loop3A_1871 = arith.index_cast %parallel_loop3A_1869 : i32 to index
        %parallel_loop3A_1872 = arith.index_cast %parallel_loop3A_1870 : i32 to index
        %parallel_loop3A_1873 = arith.constant 0 : index
        %parallel_loop3A_1874 = tpu.vector_load %arg7[%parallel_loop3A_1871, %parallel_loop3A_1872, %parallel_loop3A_1873] {strides = array<i32>} : memref<256x2x128xf32, #tpu.memory_space<vmem>>, vector<16xf32>,
        tpu.vector_store %arg7[%parallel_loop3A_1871, %parallel_loop3A_1872, %parallel_loop3A_1873], %broadcast_in_dim3A_966 {strides = array<i32>} : memref<256x2x128xf32, #tpu.memory_space<vmem>>, vector<16xf32>,
        %parallel_loop3A_1875 = arith.constant 0 : i32
        %parallel_loop3A_1876 = arith.index_cast %parallel_loop3A_1869 : i32 to index
        %parallel_loop3A_1877 = arith.index_cast %parallel_loop3A_1875 : i32 to index
        %parallel_loop3A_1878 = arith.constant 16 : index
        %parallel_loop3A_1879 = tpu.vector_load %arg7[%parallel_loop3A_1876, %parallel_loop3A_1877, %parallel_loop3A_1878] {strides = array<i32>} : memref<256x2x128xf32, #tpu.memory_space<vmem>>, vector<16xf32>,
        tpu.vector_store %arg7[%parallel_loop3A_1876, %parallel_loop3A_1877, %parallel_loop3A_1878], %broadcast_in_dim3A_966 {strides = array<i32>} : memref<256x2x128xf32, #tpu.memory_space<vmem>>, vector<16xf32>,
        %parallel_loop3A_1880 = arith.constant 0 : i32
        %parallel_loop3A_1881 = arith.index_cast %parallel_loop3A_1869 : i32 to index
        %parallel_loop3A_1882 = arith.index_cast %parallel_loop3A_1880 : i32 to index
        %parallel_loop3A_1883 = arith.constant 32 : index
        %parallel_loop3A_1884 = tpu.vector_load %arg7[%parallel_loop3A_1881, %parallel_loop3A_1882, %parallel_loop3A_1883] {strides = array<i32>} : memref<256x2x128xf32, #tpu.memory_space<vmem>>, vector<16xf32>,
        tpu.vector_store %arg7[%parallel_loop3A_1881, %parallel_loop3A_1882, %parallel_loop3A_1883], %broadcast_in_dim3A_966 {strides = array<i32>} : memref<256x2x128xf32, #tpu.memory_space<vmem>>, vector<16xf32>,
        %parallel_loop3A_1885 = arith.constant 0 : i32
        %parallel_loop3A_1886 = arith.index_cast %parallel_loop3A_1869 : i32 to index
        %parallel_loop3A_1887 = arith.index_cast %parallel_loop3A_1885 : i32 to index
        %parallel_loop3A_1888 = arith.constant 48 : index
        %parallel_loop3A_1889 = tpu.vector_load %arg7[%parallel_loop3A_1886, %parallel_loop3A_1887, %parallel_loop3A_1888] {strides = array<i32>} : memref<256x2x128xf32, #tpu.memory_space<vmem>>, vector<16xf32>,
        tpu.vector_store %arg7[%parallel_loop3A_1886, %parallel_loop3A_1887, %parallel_loop3A_1888], %broadcast_in_dim3A_966 {strides = array<i32>} : memref<256x2x128xf32, #tpu.memory_space<vmem>>, vector<16xf32>,
        %parallel_loop3A_1890 = arith.constant 0 : i32
        %parallel_loop3A_1891 = arith.index_cast %parallel_loop3A_1869 : i32 to index
        %parallel_loop3A_1892 = arith.index_cast %parallel_loop3A_1890 : i32 to index
        %parallel_loop3A_1893 = arith.constant 64 : index
        %parallel_loop3A_1894 = tpu.vector_load %arg7[%parallel_loop3A_1891, %parallel_loop3A_1892, %parallel_loop3A_1893] {strides = array<i32>} : memref<256x2x128xf32, #tpu.memory_space<vmem>>, vector<16xf32>,
        tpu.vector_store %arg7[%parallel_loop3A_1891, %parallel_loop3A_1892, %parallel_loop3A_1893], %broadcast_in_dim3A_966 {strides = array<i32>} : memref<256x2x128xf32, #tpu.memory_space<vmem>>, vector<16xf32>,
        %parallel_loop3A_1895 = arith.constant 0 : i32
        %parallel_loop3A_1896 = arith.index_cast %parallel_loop3A_1869 : i32 to index
        %parallel_loop3A_1897 = arith.index_cast %parallel_loop3A_1895 : i32 to index
        %parallel_loop3A_1898 = arith.constant 80 : index
        %parallel_loop3A_1899 = tpu.vector_load %arg7[%parallel_loop3A_1896, %parallel_loop3A_1897, %parallel_loop3A_1898] {strides = array<i32>} : memref<256x2x128xf32, #tpu.memory_space<vmem>>, vector<16xf32>,
        tpu.vector_store %arg7[%parallel_loop3A_1896, %parallel_loop3A_1897, %parallel_loop3A_1898], %broadcast_in_dim3A_966 {strides = array<i32>} : memref<256x2x128xf32, #tpu.memory_space<vmem>>, vector<16xf32>,
        %parallel_loop3A_1900 = arith.constant 0 : i32
        %parallel_loop3A_1901 = arith.index_cast %parallel_loop3A_1869 : i32 to index
        %parallel_loop3A_1902 = arith.index_cast %parallel_loop3A_1900 : i32 to index
        %parallel_loop3A_1903 = arith.constant 96 : index
        %parallel_loop3A_1904 = tpu.vector_load %arg7[%parallel_loop3A_1901, %parallel_loop3A_1902, %parallel_loop3A_1903] {strides = array<i32>} : memref<256x2x128xf32, #tpu.memory_space<vmem>>, vector<16xf32>,
        tpu.vector_store %arg7[%parallel_loop3A_1901, %parallel_loop3A_1902, %parallel_loop3A_1903], %broadcast_in_dim3A_966 {strides = array<i32>} : memref<256x2x128xf32, #tpu.memory_space<vmem>>, vector<16xf32>,
        %parallel_loop3A_1905 = arith.constant 0 : i32
        %parallel_loop3A_1906 = arith.index_cast %parallel_loop3A_1869 : i32 to index
        %parallel_loop3A_1907 = arith.index_cast %parallel_loop3A_1905 : i32 to index
        %parallel_loop3A_1908 = arith.constant 112 : index
        %parallel_loop3A_1909 = tpu.vector_load %arg7[%parallel_loop3A_1906, %parallel_loop3A_1907, %parallel_loop3A_1908] {strides = array<i32>} : memref<256x2x128xf32, #tpu.memory_space<vmem>>, vector<16xf32>,
        tpu.vector_store %arg7[%parallel_loop3A_1906, %parallel_loop3A_1907, %parallel_loop3A_1908], %broadcast_in_dim3A_966 {strides = array<i32>} : memref<256x2x128xf32, #tpu.memory_space<vmem>>, vector<16xf32>,
        %parallel_loop3A_1910 = arith.constant 1 : i32
        %parallel_loop3A_1911 = arith.index_cast %parallel_loop3A_1869 : i32 to index
        %parallel_loop3A_1912 = arith.index_cast %parallel_loop3A_1910 : i32 to index
        %parallel_loop3A_1913 = arith.constant 0 : index
        %parallel_loop3A_1914 = tpu.vector_load %arg7[%parallel_loop3A_1911, %parallel_loop3A_1912, %parallel_loop3A_1913] {strides = array<i32>} : memref<256x2x128xf32, #tpu.memory_space<vmem>>, vector<16xf32>,
        tpu.vector_store %arg7[%parallel_loop3A_1911, %parallel_loop3A_1912, %parallel_loop3A_1913], %broadcast_in_dim3A_966 {strides = array<i32>} : memref<256x2x128xf32, #tpu.memory_space<vmem>>, vector<16xf32>,
        %parallel_loop3A_1915 = arith.constant 1 : i32
        %parallel_loop3A_1916 = arith.index_cast %parallel_loop3A_1869 : i32 to index
        %parallel_loop3A_1917 = arith.index_cast %parallel_loop3A_1915 : i32 to index
        %parallel_loop3A_1918 = arith.constant 16 : index
        %parallel_loop3A_1919 = tpu.vector_load %arg7[%parallel_loop3A_1916, %parallel_loop3A_1917, %parallel_loop3A_1918] {strides = array<i32>} : memref<256x2x128xf32, #tpu.memory_space<vmem>>, vector<16xf32>,
        tpu.vector_store %arg7[%parallel_loop3A_1916, %parallel_loop3A_1917, %parallel_loop3A_1918], %broadcast_in_dim3A_966 {strides = array<i32>} : memref<256x2x128xf32, #tpu.memory_space<vmem>>, vector<16xf32>,
        %parallel_loop3A_1920 = arith.constant 1 : i32
        %parallel_loop3A_1921 = arith.index_cast %parallel_loop3A_1869 : i32 to index
        %parallel_loop3A_1922 = arith.index_cast %parallel_loop3A_1920 : i32 to index
        %parallel_loop3A_1923 = arith.constant 32 : index
        %parallel_loop3A_1924 = tpu.vector_load %arg7[%parallel_loop3A_1921, %parallel_loop3A_1922, %parallel_loop3A_1923] {strides = array<i32>} : memref<256x2x128xf32, #tpu.memory_space<vmem>>, vector<16xf32>,
        tpu.vector_store %arg7[%parallel_loop3A_1921, %parallel_loop3A_1922, %parallel_loop3A_1923], %broadcast_in_dim3A_966 {strides = array<i32>} : memref<256x2x128xf32, #tpu.memory_space<vmem>>, vector<16xf32>,
        %parallel_loop3A_1925 = arith.constant 1 : i32
        %parallel_loop3A_1926 = arith.index_cast %parallel_loop3A_1869 : i32 to index
        %parallel_loop3A_1927 = arith.index_cast %parallel_loop3A_1925 : i32 to index
        %parallel_loop3A_1928 = arith.constant 48 : index
        %parallel_loop3A_1929 = tpu.vector_load %arg7[%parallel_loop3A_1926, %parallel_loop3A_1927, %parallel_loop3A_1928] {strides = array<i32>} : memref<256x2x128xf32, #tpu.memory_space<vmem>>, vector<16xf32>,
        tpu.vector_store %arg7[%parallel_loop3A_1926, %parallel_loop3A_1927, %parallel_loop3A_1928], %broadcast_in_dim3A_966 {strides = array<i32>} : memref<256x2x128xf32, #tpu.memory_space<vmem>>, vector<16xf32>,
        %parallel_loop3A_1930 = arith.constant 1 : i32
        %parallel_loop3A_1931 = arith.index_cast %parallel_loop3A_1869 : i32 to index
        %parallel_loop3A_1932 = arith.index_cast %parallel_loop3A_1930 : i32 to index
        %parallel_loop3A_1933 = arith.constant 64 : index
        %parallel_loop3A_1934 = tpu.vector_load %arg7[%parallel_loop3A_1931, %parallel_loop3A_1932, %parallel_loop3A_1933] {strides = array<i32>} : memref<256x2x128xf32, #tpu.memory_space<vmem>>, vector<16xf32>,
        tpu.vector_store %arg7[%parallel_loop3A_1931, %parallel_loop3A_1932, %parallel_loop3A_1933], %broadcast_in_dim3A_966 {strides = array<i32>} : memref<256x2x128xf32, #tpu.memory_space<vmem>>, vector<16xf32>,
        %parallel_loop3A_1935 = arith.constant 1 : i32
        %parallel_loop3A_1936 = arith.index_cast %parallel_loop3A_1869 : i32 to index
        %parallel_loop3A_1937 = arith.index_cast %parallel_loop3A_1935 : i32 to index
        %parallel_loop3A_1938 = arith.constant 80 : index
        %parallel_loop3A_1939 = tpu.vector_load %arg7[%parallel_loop3A_1936, %parallel_loop3A_1937, %parallel_loop3A_1938] {strides = array<i32>} : memref<256x2x128xf32, #tpu.memory_space<vmem>>, vector<16xf32>,
        tpu.vector_store %arg7[%parallel_loop3A_1936, %parallel_loop3A_1937, %parallel_loop3A_1938], %broadcast_in_dim3A_966 {strides = array<i32>} : memref<256x2x128xf32, #tpu.memory_space<vmem>>, vector<16xf32>,
        %parallel_loop3A_1940 = arith.constant 1 : i32
        %parallel_loop3A_1941 = arith.index_cast %parallel_loop3A_1869 : i32 to index
        %parallel_loop3A_1942 = arith.index_cast %parallel_loop3A_1940 : i32 to index
        %parallel_loop3A_1943 = arith.constant 96 : index
        %parallel_loop3A_1944 = tpu.vector_load %arg7[%parallel_loop3A_1941, %parallel_loop3A_1942, %parallel_loop3A_1943] {strides = array<i32>} : memref<256x2x128xf32, #tpu.memory_space<vmem>>, vector<16xf32>,
        tpu.vector_store %arg7[%parallel_loop3A_1941, %parallel_loop3A_1942, %parallel_loop3A_1943], %broadcast_in_dim3A_966 {strides = array<i32>} : memref<256x2x128xf32, #tpu.memory_space<vmem>>, vector<16xf32>,
        %parallel_loop3A_1945 = arith.constant 1 : i32
        %parallel_loop3A_1946 = arith.index_cast %parallel_loop3A_1869 : i32 to index
        %parallel_loop3A_1947 = arith.index_cast %parallel_loop3A_1945 : i32 to index
        %parallel_loop3A_1948 = arith.constant 112 : index
        %parallel_loop3A_1949 = tpu.vector_load %arg7[%parallel_loop3A_1946, %parallel_loop3A_1947, %parallel_loop3A_1948] {strides = array<i32>} : memref<256x2x128xf32, #tpu.memory_space<vmem>>, vector<16xf32>,
        tpu.vector_store %arg7[%parallel_loop3A_1946, %parallel_loop3A_1947, %parallel_loop3A_1948], %broadcast_in_dim3A_966 {strides = array<i32>} : memref<256x2x128xf32, #tpu.memory_space<vmem>>, vector<16xf32>,
      } {sc.loop_unroll_factor = 2 : i64, sc.parallel_access}
      %add3A_970 = arith.addi %mul3A_2, %scan3A_894 : i32
      %jit3A_971 = arith.constant 96 : i32
      %div3A_972 = arith.divsi %add3A_970, %jit3A_971 : i32
      %sign3A_973 = arith.constant 0 : i32
      %sign3A_974 = arith.cmpi sgt, %add3A_970, %sign3A_973 : i32
      %sign3A_975 = arith.extui %sign3A_974 : i1 to i32
      %sign3A_976 = arith.constant 0 : i32
      %sign3A_977 = arith.cmpi slt, %add3A_970, %sign3A_976 : i32
      %sign3A_978 = arith.extui %sign3A_977 : i1 to i32
      %sign3A_979 = arith.subi %sign3A_975, %sign3A_978 : i32
      %sign3A_980 = arith.constant 0 : i32
      %sign3A_981 = arith.cmpi sgt, %jit3A_971, %sign3A_980 : i32
      %sign3A_982 = arith.extui %sign3A_981 : i1 to i32
      %sign3A_983 = arith.constant 0 : i32
      %sign3A_984 = arith.cmpi slt, %jit3A_971, %sign3A_983 : i32
      %sign3A_985 = arith.extui %sign3A_984 : i1 to i32
      %sign3A_986 = arith.subi %sign3A_982, %sign3A_985 : i32
      %ne3A_987 = arith.cmpi ne, %sign3A_979, %sign3A_986 : i32
      %rem3A_988 = arith.remsi %add3A_970, %jit3A_971 : i32
      %ne3A_989 = arith.constant 0 : i32
      %ne3A_990 = arith.cmpi ne, %rem3A_988, %ne3A_989 : i32
      %and3A_991 = arith.andi %ne3A_987, %ne3A_990 : i1
      %sub3A_992 = arith.constant 1 : i32
      %sub3A_993 = arith.subi %div3A_972, %sub3A_992 : i32
      %select_n3A_994 = arith.select %and3A_991, %sub3A_993, %div3A_972 : i32
      %jit3A_995 = arith.constant 96 : i32
      %eq3A_996 = arith.constant 0 : i32
      %eq3A_997 = arith.cmpi eq, %jit3A_995, %eq3A_996 : i32
      %jit3A_998 = arith.constant 1 : i32
      %select_n3A_999 = arith.select %eq3A_997, %jit3A_998, %jit3A_995 : i32
      %rem3A_1000 = arith.remsi %add3A_970, %select_n3A_999 : i32
      %ne3A_1001 = arith.constant 0 : i32
      %ne3A_1002 = arith.cmpi ne, %rem3A_1000, %ne3A_1001 : i32
      %lt3A_1003 = arith.constant 0 : i32
      %lt3A_1004 = arith.cmpi slt, %rem3A_1000, %lt3A_1003 : i32
      %lt3A_1005 = arith.constant 0 : i32
      %lt3A_1006 = arith.cmpi slt, %select_n3A_999, %lt3A_1005 : i32
      %ne3A_1007 = arith.xori %lt3A_1004, %lt3A_1006 : i1
      %and3A_1008 = arith.andi %ne3A_1007, %ne3A_1002 : i1
      %add3A_1009 = arith.addi %rem3A_1000, %select_n3A_999 : i32
      %select_n3A_1010 = arith.select %and3A_1008, %add3A_1009, %rem3A_1000 : i32
      %jit3A_1011 = arith.constant 8 : i32
      %div3A_1012 = arith.divsi %select_n3A_1010, %jit3A_1011 : i32
      %sign3A_1013 = arith.constant 0 : i32
      %sign3A_1014 = arith.cmpi sgt, %select_n3A_1010, %sign3A_1013 : i32
      %sign3A_1015 = arith.extui %sign3A_1014 : i1 to i32
      %sign3A_1016 = arith.constant 0 : i32
      %sign3A_1017 = arith.cmpi slt, %select_n3A_1010, %sign3A_1016 : i32
      %sign3A_1018 = arith.extui %sign3A_1017 : i1 to i32
      %sign3A_1019 = arith.subi %sign3A_1015, %sign3A_1018 : i32
      %sign3A_1020 = arith.constant 0 : i32
      %sign3A_1021 = arith.cmpi sgt, %jit3A_1011, %sign3A_1020 : i32
      %sign3A_1022 = arith.extui %sign3A_1021 : i1 to i32
      %sign3A_1023 = arith.constant 0 : i32
      %sign3A_1024 = arith.cmpi slt, %jit3A_1011, %sign3A_1023 : i32
      %sign3A_1025 = arith.extui %sign3A_1024 : i1 to i32
      %sign3A_1026 = arith.subi %sign3A_1022, %sign3A_1025 : i32
      %ne3A_1027 = arith.cmpi ne, %sign3A_1019, %sign3A_1026 : i32
      %rem3A_1028 = arith.remsi %select_n3A_1010, %jit3A_1011 : i32
      %ne3A_1029 = arith.constant 0 : i32
      %ne3A_1030 = arith.cmpi ne, %rem3A_1028, %ne3A_1029 : i32
      %and3A_1031 = arith.andi %ne3A_1027, %ne3A_1030 : i1
      %sub3A_1032 = arith.constant 1 : i32
      %sub3A_1033 = arith.subi %div3A_1012, %sub3A_1032 : i32
      %select_n3A_1034 = arith.select %and3A_1031, %sub3A_1033, %div3A_1012 : i32
      %jit3A_1035 = arith.constant 8 : i32
      %eq3A_1036 = arith.constant 0 : i32
      %eq3A_1037 = arith.cmpi eq, %jit3A_1035, %eq3A_1036 : i32
      %jit3A_1038 = arith.constant 1 : i32
      %select_n3A_1039 = arith.select %eq3A_1037, %jit3A_1038, %jit3A_1035 : i32
      %rem3A_1040 = arith.remsi %select_n3A_1010, %select_n3A_1039 : i32
      %ne3A_1041 = arith.constant 0 : i32
      %ne3A_1042 = arith.cmpi ne, %rem3A_1040, %ne3A_1041 : i32
      %lt3A_1043 = arith.constant 0 : i32
      %lt3A_1044 = arith.cmpi slt, %rem3A_1040, %lt3A_1043 : i32
      %lt3A_1045 = arith.constant 0 : i32
      %lt3A_1046 = arith.cmpi slt, %select_n3A_1039, %lt3A_1045 : i32
      %ne3A_1047 = arith.xori %lt3A_1044, %lt3A_1046 : i1
      %and3A_1048 = arith.andi %ne3A_1047, %ne3A_1042 : i1
      %add3A_1049 = arith.addi %rem3A_1040, %select_n3A_1039 : i32
      %select_n3A_1050 = arith.select %and3A_1048, %add3A_1049, %rem3A_1040 : i32
      %dma_wait3A_1051 = arith.constant 0 : i32
      %dma_wait3A_1052 = arith.constant 0 : i32
      %dma_wait3A_1053 = tpu.memref_slice %arg2[%select_n3A_994, %dma_wait3A_1051, %select_n3A_1034, %select_n3A_1050, %dma_wait3A_1052] : memref<4x128x12x8x128xi32, #tpu.memory_space<hbm>> -> memref<1x128x1x1x128xi32, #tpu.memory_space<hbm>>
      %dma_wait3A_1054 = tpu.memref_squeeze %dma_wait3A_1053 : memref<1x128x1x1x128xi32, #tpu.memory_space<hbm>> -> memref<128x128xi32, #tpu.memory_space<hbm>>
      %dma_wait3A_1055 = arith.constant 0 : i32
      %dma_wait3A_1056 = arith.constant 0 : i32
      %dma_wait3A_1057 = tpu.memref_slice %arg2[%select_n3A_994, %dma_wait3A_1055, %select_n3A_1034, %select_n3A_1050, %dma_wait3A_1056] : memref<4x128x12x8x128xi32, #tpu.memory_space<hbm>> -> memref<1x128x1x1x128xi32, #tpu.memory_space<hbm>>
      %dma_wait3A_1058 = tpu.memref_squeeze %dma_wait3A_1057 : memref<1x128x1x1x128xi32, #tpu.memory_space<hbm>> -> memref<128x128xi32, #tpu.memory_space<hbm>>
      tpu.wait_dma2 semaphore(%arg8 : memref<!tpu.dma_semaphore, #tpu.memory_space<semaphore_mem>>) src(%dma_wait3A_1058 : memref<128x128xi32, #tpu.memory_space<hbm>>) dst(%arg5 : memref<128x128xi32, #tpu.memory_space<vmem>>)
      %dma_wait3A_1059 = arith.constant 0 : i32
      %dma_wait3A_1060 = arith.constant 0 : i32
      %dma_wait3A_1061 = tpu.memref_slice %arg3[%select_n3A_994, %dma_wait3A_1059, %select_n3A_1034, %select_n3A_1050, %dma_wait3A_1060] : memref<4x128x12x8x128xf32, #tpu.memory_space<hbm>> -> memref<1x128x1x1x128xf32, #tpu.memory_space<hbm>>
      %dma_wait3A_1062 = tpu.memref_squeeze %dma_wait3A_1061 : memref<1x128x1x1x128xf32, #tpu.memory_space<hbm>> -> memref<128x128xf32, #tpu.memory_space<hbm>>
      %dma_wait3A_1063 = arith.constant 0 : i32
      %dma_wait3A_1064 = arith.constant 0 : i32
      %dma_wait3A_1065 = tpu.memref_slice %arg3[%select_n3A_994, %dma_wait3A_1063, %select_n3A_1034, %select_n3A_1050, %dma_wait3A_1064] : memref<4x128x12x8x128xf32, #tpu.memory_space<hbm>> -> memref<1x128x1x1x128xf32, #tpu.memory_space<hbm>>
      %dma_wait3A_1066 = tpu.memref_squeeze %dma_wait3A_1065 : memref<1x128x1x1x128xf32, #tpu.memory_space<hbm>> -> memref<128x128xf32, #tpu.memory_space<hbm>>
      tpu.wait_dma2 semaphore(%arg8 : memref<!tpu.dma_semaphore, #tpu.memory_space<semaphore_mem>>) src(%dma_wait3A_1066 : memref<128x128xf32, #tpu.memory_space<hbm>>) dst(%arg6 : memref<128x128xf32, #tpu.memory_space<vmem>>)
      %parallel_loop3A_1067 = arith.constant 0 : i32
      %parallel_loop3A_1068 = arith.constant 128 : i32
      %parallel_loop3A_1069 = arith.constant 1 : i32
      scf.for %parallel_loop3A_1869 = %parallel_loop3A_1067 to %parallel_loop3A_1068 step %parallel_loop3A_1069  : i32 {
        %parallel_loop3A_1870 = arith.index_cast %parallel_loop3A_1869 : i32 to index
        %parallel_loop3A_1871 = arith.constant 0 : index
        %parallel_loop3A_1872 = tpu.vector_load %arg5[%parallel_loop3A_1870, %parallel_loop3A_1871] {strides = array<i32>} : memref<128x128xi32, #tpu.memory_space<vmem>>, vector<16xi32>,
        %parallel_loop3A_1873 = arith.index_cast %parallel_loop3A_1869 : i32 to index
        %parallel_loop3A_1874 = arith.constant 0 : index
        %parallel_loop3A_1875 = tpu.vector_load %arg6[%parallel_loop3A_1873, %parallel_loop3A_1874] {strides = array<i32>} : memref<128x128xf32, #tpu.memory_space<vmem>>, vector<16xf32>,
        %parallel_loop3A_1876 = arith.constant 96 : i32
        %parallel_loop3A_1877 = vector.broadcast %parallel_loop3A_1876 : i32 to vector<16xi32>
        %parallel_loop3A_1878 = arith.divui %parallel_loop3A_1872, %parallel_loop3A_1877 : vector<16xi32>
        %parallel_loop3A_1879 = arith.constant 8 : i32
        %parallel_loop3A_1880 = vector.broadcast %parallel_loop3A_1879 : i32 to vector<16xi32>
        %parallel_loop3A_1881 = arith.shrui %parallel_loop3A_1878, %parallel_loop3A_1880 : vector<16xi32>
        %parallel_loop3A_1882 = arith.constant 7 : i32
        %parallel_loop3A_1883 = vector.broadcast %parallel_loop3A_1882 : i32 to vector<16xi32>
        %parallel_loop3A_1884 = arith.shrui %parallel_loop3A_1878, %parallel_loop3A_1883 : vector<16xi32>
        %parallel_loop3A_1885 = arith.constant 1 : i32
        %parallel_loop3A_1886 = vector.broadcast %parallel_loop3A_1885 : i32 to vector<16xi32>
        %parallel_loop3A_1887 = arith.andi %parallel_loop3A_1884, %parallel_loop3A_1886 : vector<16xi32>
        %parallel_loop3A_1888 = arith.constant 127 : i32
        %parallel_loop3A_1889 = vector.broadcast %parallel_loop3A_1888 : i32 to vector<16xi32>
        %parallel_loop3A_1890 = arith.andi %parallel_loop3A_1878, %parallel_loop3A_1889 : vector<16xi32>
        tpu.vector_store_idx %arg7[%parallel_loop3A_1881, %parallel_loop3A_1887, %parallel_loop3A_1890], %parallel_loop3A_1875 {add = true} : memref<256x2x128xf32, #tpu.memory_space<vmem>>[vector<16xi32>, vector<16xi32>, vector<16xi32>], vector<16xf32>,
        %parallel_loop3A_1891 = arith.index_cast %parallel_loop3A_1869 : i32 to index
        %parallel_loop3A_1892 = arith.constant 16 : index
        %parallel_loop3A_1893 = tpu.vector_load %arg5[%parallel_loop3A_1891, %parallel_loop3A_1892] {strides = array<i32>} : memref<128x128xi32, #tpu.memory_space<vmem>>, vector<16xi32>,
        %parallel_loop3A_1894 = arith.index_cast %parallel_loop3A_1869 : i32 to index
        %parallel_loop3A_1895 = arith.constant 16 : index
        %parallel_loop3A_1896 = tpu.vector_load %arg6[%parallel_loop3A_1894, %parallel_loop3A_1895] {strides = array<i32>} : memref<128x128xf32, #tpu.memory_space<vmem>>, vector<16xf32>,
        %parallel_loop3A_1897 = arith.constant 96 : i32
        %parallel_loop3A_1898 = vector.broadcast %parallel_loop3A_1897 : i32 to vector<16xi32>
        %parallel_loop3A_1899 = arith.divui %parallel_loop3A_1893, %parallel_loop3A_1898 : vector<16xi32>
        %parallel_loop3A_1900 = arith.constant 8 : i32
        %parallel_loop3A_1901 = vector.broadcast %parallel_loop3A_1900 : i32 to vector<16xi32>
        %parallel_loop3A_1902 = arith.shrui %parallel_loop3A_1899, %parallel_loop3A_1901 : vector<16xi32>
        %parallel_loop3A_1903 = arith.constant 7 : i32
        %parallel_loop3A_1904 = vector.broadcast %parallel_loop3A_1903 : i32 to vector<16xi32>
        %parallel_loop3A_1905 = arith.shrui %parallel_loop3A_1899, %parallel_loop3A_1904 : vector<16xi32>
        %parallel_loop3A_1906 = arith.constant 1 : i32
        %parallel_loop3A_1907 = vector.broadcast %parallel_loop3A_1906 : i32 to vector<16xi32>
        %parallel_loop3A_1908 = arith.andi %parallel_loop3A_1905, %parallel_loop3A_1907 : vector<16xi32>
        %parallel_loop3A_1909 = arith.constant 127 : i32
        %parallel_loop3A_1910 = vector.broadcast %parallel_loop3A_1909 : i32 to vector<16xi32>
        %parallel_loop3A_1911 = arith.andi %parallel_loop3A_1899, %parallel_loop3A_1910 : vector<16xi32>
        tpu.vector_store_idx %arg7[%parallel_loop3A_1902, %parallel_loop3A_1908, %parallel_loop3A_1911], %parallel_loop3A_1896 {add = true} : memref<256x2x128xf32, #tpu.memory_space<vmem>>[vector<16xi32>, vector<16xi32>, vector<16xi32>], vector<16xf32>,
        %parallel_loop3A_1912 = arith.index_cast %parallel_loop3A_1869 : i32 to index
        %parallel_loop3A_1913 = arith.constant 32 : index
        %parallel_loop3A_1914 = tpu.vector_load %arg5[%parallel_loop3A_1912, %parallel_loop3A_1913] {strides = array<i32>} : memref<128x128xi32, #tpu.memory_space<vmem>>, vector<16xi32>,
        %parallel_loop3A_1915 = arith.index_cast %parallel_loop3A_1869 : i32 to index
        %parallel_loop3A_1916 = arith.constant 32 : index
        %parallel_loop3A_1917 = tpu.vector_load %arg6[%parallel_loop3A_1915, %parallel_loop3A_1916] {strides = array<i32>} : memref<128x128xf32, #tpu.memory_space<vmem>>, vector<16xf32>,
        %parallel_loop3A_1918 = arith.constant 96 : i32
        %parallel_loop3A_1919 = vector.broadcast %parallel_loop3A_1918 : i32 to vector<16xi32>
        %parallel_loop3A_1920 = arith.divui %parallel_loop3A_1914, %parallel_loop3A_1919 : vector<16xi32>
        %parallel_loop3A_1921 = arith.constant 8 : i32
        %parallel_loop3A_1922 = vector.broadcast %parallel_loop3A_1921 : i32 to vector<16xi32>
        %parallel_loop3A_1923 = arith.shrui %parallel_loop3A_1920, %parallel_loop3A_1922 : vector<16xi32>
        %parallel_loop3A_1924 = arith.constant 7 : i32
        %parallel_loop3A_1925 = vector.broadcast %parallel_loop3A_1924 : i32 to vector<16xi32>
        %parallel_loop3A_1926 = arith.shrui %parallel_loop3A_1920, %parallel_loop3A_1925 : vector<16xi32>
        %parallel_loop3A_1927 = arith.constant 1 : i32
        %parallel_loop3A_1928 = vector.broadcast %parallel_loop3A_1927 : i32 to vector<16xi32>
        %parallel_loop3A_1929 = arith.andi %parallel_loop3A_1926, %parallel_loop3A_1928 : vector<16xi32>
        %parallel_loop3A_1930 = arith.constant 127 : i32
        %parallel_loop3A_1931 = vector.broadcast %parallel_loop3A_1930 : i32 to vector<16xi32>
        %parallel_loop3A_1932 = arith.andi %parallel_loop3A_1920, %parallel_loop3A_1931 : vector<16xi32>
        tpu.vector_store_idx %arg7[%parallel_loop3A_1923, %parallel_loop3A_1929, %parallel_loop3A_1932], %parallel_loop3A_1917 {add = true} : memref<256x2x128xf32, #tpu.memory_space<vmem>>[vector<16xi32>, vector<16xi32>, vector<16xi32>], vector<16xf32>,
        %parallel_loop3A_1933 = arith.index_cast %parallel_loop3A_1869 : i32 to index
        %parallel_loop3A_1934 = arith.constant 48 : index
        %parallel_loop3A_1935 = tpu.vector_load %arg5[%parallel_loop3A_1933, %parallel_loop3A_1934] {strides = array<i32>} : memref<128x128xi32, #tpu.memory_space<vmem>>, vector<16xi32>,
        %parallel_loop3A_1936 = arith.index_cast %parallel_loop3A_1869 : i32 to index
        %parallel_loop3A_1937 = arith.constant 48 : index
        %parallel_loop3A_1938 = tpu.vector_load %arg6[%parallel_loop3A_1936, %parallel_loop3A_1937] {strides = array<i32>} : memref<128x128xf32, #tpu.memory_space<vmem>>, vector<16xf32>,
        %parallel_loop3A_1939 = arith.constant 96 : i32
        %parallel_loop3A_1940 = vector.broadcast %parallel_loop3A_1939 : i32 to vector<16xi32>
        %parallel_loop3A_1941 = arith.divui %parallel_loop3A_1935, %parallel_loop3A_1940 : vector<16xi32>
        %parallel_loop3A_1942 = arith.constant 8 : i32
        %parallel_loop3A_1943 = vector.broadcast %parallel_loop3A_1942 : i32 to vector<16xi32>
        %parallel_loop3A_1944 = arith.shrui %parallel_loop3A_1941, %parallel_loop3A_1943 : vector<16xi32>
        %parallel_loop3A_1945 = arith.constant 7 : i32
        %parallel_loop3A_1946 = vector.broadcast %parallel_loop3A_1945 : i32 to vector<16xi32>
        %parallel_loop3A_1947 = arith.shrui %parallel_loop3A_1941, %parallel_loop3A_1946 : vector<16xi32>
        %parallel_loop3A_1948 = arith.constant 1 : i32
        %parallel_loop3A_1949 = vector.broadcast %parallel_loop3A_1948 : i32 to vector<16xi32>
        %parallel_loop3A_1950 = arith.andi %parallel_loop3A_1947, %parallel_loop3A_1949 : vector<16xi32>
        %parallel_loop3A_1951 = arith.constant 127 : i32
        %parallel_loop3A_1952 = vector.broadcast %parallel_loop3A_1951 : i32 to vector<16xi32>
        %parallel_loop3A_1953 = arith.andi %parallel_loop3A_1941, %parallel_loop3A_1952 : vector<16xi32>
        tpu.vector_store_idx %arg7[%parallel_loop3A_1944, %parallel_loop3A_1950, %parallel_loop3A_1953], %parallel_loop3A_1938 {add = true} : memref<256x2x128xf32, #tpu.memory_space<vmem>>[vector<16xi32>, vector<16xi32>, vector<16xi32>], vector<16xf32>,
        %parallel_loop3A_1954 = arith.index_cast %parallel_loop3A_1869 : i32 to index
        %parallel_loop3A_1955 = arith.constant 64 : index
        %parallel_loop3A_1956 = tpu.vector_load %arg5[%parallel_loop3A_1954, %parallel_loop3A_1955] {strides = array<i32>} : memref<128x128xi32, #tpu.memory_space<vmem>>, vector<16xi32>,
        %parallel_loop3A_1957 = arith.index_cast %parallel_loop3A_1869 : i32 to index
        %parallel_loop3A_1958 = arith.constant 64 : index
        %parallel_loop3A_1959 = tpu.vector_load %arg6[%parallel_loop3A_1957, %parallel_loop3A_1958] {strides = array<i32>} : memref<128x128xf32, #tpu.memory_space<vmem>>, vector<16xf32>,
        %parallel_loop3A_1960 = arith.constant 96 : i32
        %parallel_loop3A_1961 = vector.broadcast %parallel_loop3A_1960 : i32 to vector<16xi32>
        %parallel_loop3A_1962 = arith.divui %parallel_loop3A_1956, %parallel_loop3A_1961 : vector<16xi32>
        %parallel_loop3A_1963 = arith.constant 8 : i32
        %parallel_loop3A_1964 = vector.broadcast %parallel_loop3A_1963 : i32 to vector<16xi32>
        %parallel_loop3A_1965 = arith.shrui %parallel_loop3A_1962, %parallel_loop3A_1964 : vector<16xi32>
        %parallel_loop3A_1966 = arith.constant 7 : i32
        %parallel_loop3A_1967 = vector.broadcast %parallel_loop3A_1966 : i32 to vector<16xi32>
        %parallel_loop3A_1968 = arith.shrui %parallel_loop3A_1962, %parallel_loop3A_1967 : vector<16xi32>
        %parallel_loop3A_1969 = arith.constant 1 : i32
        %parallel_loop3A_1970 = vector.broadcast %parallel_loop3A_1969 : i32 to vector<16xi32>
        %parallel_loop3A_1971 = arith.andi %parallel_loop3A_1968, %parallel_loop3A_1970 : vector<16xi32>
        %parallel_loop3A_1972 = arith.constant 127 : i32
        %parallel_loop3A_1973 = vector.broadcast %parallel_loop3A_1972 : i32 to vector<16xi32>
        %parallel_loop3A_1974 = arith.andi %parallel_loop3A_1962, %parallel_loop3A_1973 : vector<16xi32>
        tpu.vector_store_idx %arg7[%parallel_loop3A_1965, %parallel_loop3A_1971, %parallel_loop3A_1974], %parallel_loop3A_1959 {add = true} : memref<256x2x128xf32, #tpu.memory_space<vmem>>[vector<16xi32>, vector<16xi32>, vector<16xi32>], vector<16xf32>,
        %parallel_loop3A_1975 = arith.index_cast %parallel_loop3A_1869 : i32 to index
        %parallel_loop3A_1976 = arith.constant 80 : index
        %parallel_loop3A_1977 = tpu.vector_load %arg5[%parallel_loop3A_1975, %parallel_loop3A_1976] {strides = array<i32>} : memref<128x128xi32, #tpu.memory_space<vmem>>, vector<16xi32>,
        %parallel_loop3A_1978 = arith.index_cast %parallel_loop3A_1869 : i32 to index
        %parallel_loop3A_1979 = arith.constant 80 : index
        %parallel_loop3A_1980 = tpu.vector_load %arg6[%parallel_loop3A_1978, %parallel_loop3A_1979] {strides = array<i32>} : memref<128x128xf32, #tpu.memory_space<vmem>>, vector<16xf32>,
        %parallel_loop3A_1981 = arith.constant 96 : i32
        %parallel_loop3A_1982 = vector.broadcast %parallel_loop3A_1981 : i32 to vector<16xi32>
        %parallel_loop3A_1983 = arith.divui %parallel_loop3A_1977, %parallel_loop3A_1982 : vector<16xi32>
        %parallel_loop3A_1984 = arith.constant 8 : i32
        %parallel_loop3A_1985 = vector.broadcast %parallel_loop3A_1984 : i32 to vector<16xi32>
        %parallel_loop3A_1986 = arith.shrui %parallel_loop3A_1983, %parallel_loop3A_1985 : vector<16xi32>
        %parallel_loop3A_1987 = arith.constant 7 : i32
        %parallel_loop3A_1988 = vector.broadcast %parallel_loop3A_1987 : i32 to vector<16xi32>
        %parallel_loop3A_1989 = arith.shrui %parallel_loop3A_1983, %parallel_loop3A_1988 : vector<16xi32>
        %parallel_loop3A_1990 = arith.constant 1 : i32
        %parallel_loop3A_1991 = vector.broadcast %parallel_loop3A_1990 : i32 to vector<16xi32>
        %parallel_loop3A_1992 = arith.andi %parallel_loop3A_1989, %parallel_loop3A_1991 : vector<16xi32>
        %parallel_loop3A_1993 = arith.constant 127 : i32
        %parallel_loop3A_1994 = vector.broadcast %parallel_loop3A_1993 : i32 to vector<16xi32>
        %parallel_loop3A_1995 = arith.andi %parallel_loop3A_1983, %parallel_loop3A_1994 : vector<16xi32>
        tpu.vector_store_idx %arg7[%parallel_loop3A_1986, %parallel_loop3A_1992, %parallel_loop3A_1995], %parallel_loop3A_1980 {add = true} : memref<256x2x128xf32, #tpu.memory_space<vmem>>[vector<16xi32>, vector<16xi32>, vector<16xi32>], vector<16xf32>,
        %parallel_loop3A_1996 = arith.index_cast %parallel_loop3A_1869 : i32 to index
        %parallel_loop3A_1997 = arith.constant 96 : index
        %parallel_loop3A_1998 = tpu.vector_load %arg5[%parallel_loop3A_1996, %parallel_loop3A_1997] {strides = array<i32>} : memref<128x128xi32, #tpu.memory_space<vmem>>, vector<16xi32>,
        %parallel_loop3A_1999 = arith.index_cast %parallel_loop3A_1869 : i32 to index
        %parallel_loop3A_2000 = arith.constant 96 : index
        %parallel_loop3A_2001 = tpu.vector_load %arg6[%parallel_loop3A_1999, %parallel_loop3A_2000] {strides = array<i32>} : memref<128x128xf32, #tpu.memory_space<vmem>>, vector<16xf32>,
        %parallel_loop3A_2002 = arith.constant 96 : i32
        %parallel_loop3A_2003 = vector.broadcast %parallel_loop3A_2002 : i32 to vector<16xi32>
        %parallel_loop3A_2004 = arith.divui %parallel_loop3A_1998, %parallel_loop3A_2003 : vector<16xi32>
        %parallel_loop3A_2005 = arith.constant 8 : i32
        %parallel_loop3A_2006 = vector.broadcast %parallel_loop3A_2005 : i32 to vector<16xi32>
        %parallel_loop3A_2007 = arith.shrui %parallel_loop3A_2004, %parallel_loop3A_2006 : vector<16xi32>
        %parallel_loop3A_2008 = arith.constant 7 : i32
        %parallel_loop3A_2009 = vector.broadcast %parallel_loop3A_2008 : i32 to vector<16xi32>
        %parallel_loop3A_2010 = arith.shrui %parallel_loop3A_2004, %parallel_loop3A_2009 : vector<16xi32>
        %parallel_loop3A_2011 = arith.constant 1 : i32
        %parallel_loop3A_2012 = vector.broadcast %parallel_loop3A_2011 : i32 to vector<16xi32>
        %parallel_loop3A_2013 = arith.andi %parallel_loop3A_2010, %parallel_loop3A_2012 : vector<16xi32>
        %parallel_loop3A_2014 = arith.constant 127 : i32
        %parallel_loop3A_2015 = vector.broadcast %parallel_loop3A_2014 : i32 to vector<16xi32>
        %parallel_loop3A_2016 = arith.andi %parallel_loop3A_2004, %parallel_loop3A_2015 : vector<16xi32>
        tpu.vector_store_idx %arg7[%parallel_loop3A_2007, %parallel_loop3A_2013, %parallel_loop3A_2016], %parallel_loop3A_2001 {add = true} : memref<256x2x128xf32, #tpu.memory_space<vmem>>[vector<16xi32>, vector<16xi32>, vector<16xi32>], vector<16xf32>,
        %parallel_loop3A_2017 = arith.index_cast %parallel_loop3A_1869 : i32 to index
        %parallel_loop3A_2018 = arith.constant 112 : index
        %parallel_loop3A_2019 = tpu.vector_load %arg5[%parallel_loop3A_2017, %parallel_loop3A_2018] {strides = array<i32>} : memref<128x128xi32, #tpu.memory_space<vmem>>, vector<16xi32>,
        %parallel_loop3A_2020 = arith.index_cast %parallel_loop3A_1869 : i32 to index
        %parallel_loop3A_2021 = arith.constant 112 : index
        %parallel_loop3A_2022 = tpu.vector_load %arg6[%parallel_loop3A_2020, %parallel_loop3A_2021] {strides = array<i32>} : memref<128x128xf32, #tpu.memory_space<vmem>>, vector<16xf32>,
        %parallel_loop3A_2023 = arith.constant 96 : i32
        %parallel_loop3A_2024 = vector.broadcast %parallel_loop3A_2023 : i32 to vector<16xi32>
        %parallel_loop3A_2025 = arith.divui %parallel_loop3A_2019, %parallel_loop3A_2024 : vector<16xi32>
        %parallel_loop3A_2026 = arith.constant 8 : i32
        %parallel_loop3A_2027 = vector.broadcast %parallel_loop3A_2026 : i32 to vector<16xi32>
        %parallel_loop3A_2028 = arith.shrui %parallel_loop3A_2025, %parallel_loop3A_2027 : vector<16xi32>
        %parallel_loop3A_2029 = arith.constant 7 : i32
        %parallel_loop3A_2030 = vector.broadcast %parallel_loop3A_2029 : i32 to vector<16xi32>
        %parallel_loop3A_2031 = arith.shrui %parallel_loop3A_2025, %parallel_loop3A_2030 : vector<16xi32>
        %parallel_loop3A_2032 = arith.constant 1 : i32
        %parallel_loop3A_2033 = vector.broadcast %parallel_loop3A_2032 : i32 to vector<16xi32>
        %parallel_loop3A_2034 = arith.andi %parallel_loop3A_2031, %parallel_loop3A_2033 : vector<16xi32>
        %parallel_loop3A_2035 = arith.constant 127 : i32
        %parallel_loop3A_2036 = vector.broadcast %parallel_loop3A_2035 : i32 to vector<16xi32>
        %parallel_loop3A_2037 = arith.andi %parallel_loop3A_2025, %parallel_loop3A_2036 : vector<16xi32>
        tpu.vector_store_idx %arg7[%parallel_loop3A_2028, %parallel_loop3A_2034, %parallel_loop3A_2037], %parallel_loop3A_2022 {add = true} : memref<256x2x128xf32, #tpu.memory_space<vmem>>[vector<16xi32>, vector<16xi32>, vector<16xi32>], vector<16xf32>,
      } {sc.loop_unroll_factor = 2 : i64, sc.parallel_access}
      %add3A_1070 = arith.constant 1 : i32
      %add3A_1071 = arith.addi %scan3A_894, %add3A_1070 : i32
      %lt3A_1072 = arith.constant 12 : i32
      %lt3A_1073 = arith.cmpi slt, %add3A_1071, %lt3A_1072 : i32
      %convert_element_type3A_1074 = arith.extui %lt3A_1073 : i1 to i32
      %cond3A_1075 = arith.constant 0 : i32
      %cond3A_1076 = arith.cmpi ne, %convert_element_type3A_1074, %cond3A_1075 : i32
      scf.if %cond3A_1076 {
        %add3A_1869 = arith.constant 1 : i32
        %add3A_1870 = arith.addi %scan3A_894, %add3A_1869 : i32
        %add3A_1871 = arith.addi %mul3A_2, %add3A_1870 : i32
        %jit3A_1872 = arith.constant 96 : i32
        %div3A_1873 = arith.divsi %add3A_1871, %jit3A_1872 : i32
        %sign3A_1874 = arith.constant 0 : i32
        %sign3A_1875 = arith.cmpi sgt, %add3A_1871, %sign3A_1874 : i32
        %sign3A_1876 = arith.extui %sign3A_1875 : i1 to i32
        %sign3A_1877 = arith.constant 0 : i32
        %sign3A_1878 = arith.cmpi slt, %add3A_1871, %sign3A_1877 : i32
        %sign3A_1879 = arith.extui %sign3A_1878 : i1 to i32
        %sign3A_1880 = arith.subi %sign3A_1876, %sign3A_1879 : i32
        %sign3A_1881 = arith.constant 0 : i32
        %sign3A_1882 = arith.cmpi sgt, %jit3A_1872, %sign3A_1881 : i32
        %sign3A_1883 = arith.extui %sign3A_1882 : i1 to i32
        %sign3A_1884 = arith.constant 0 : i32
        %sign3A_1885 = arith.cmpi slt, %jit3A_1872, %sign3A_1884 : i32
        %sign3A_1886 = arith.extui %sign3A_1885 : i1 to i32
        %sign3A_1887 = arith.subi %sign3A_1883, %sign3A_1886 : i32
        %ne3A_1888 = arith.cmpi ne, %sign3A_1880, %sign3A_1887 : i32
        %rem3A_1889 = arith.remsi %add3A_1871, %jit3A_1872 : i32
        %ne3A_1890 = arith.constant 0 : i32
        %ne3A_1891 = arith.cmpi ne, %rem3A_1889, %ne3A_1890 : i32
        %and3A_1892 = arith.andi %ne3A_1888, %ne3A_1891 : i1
        %sub3A_1893 = arith.constant 1 : i32
        %sub3A_1894 = arith.subi %div3A_1873, %sub3A_1893 : i32
        %select_n3A_1895 = arith.select %and3A_1892, %sub3A_1894, %div3A_1873 : i32
        %jit3A_1896 = arith.constant 96 : i32
        %eq3A_1897 = arith.constant 0 : i32
        %eq3A_1898 = arith.cmpi eq, %jit3A_1896, %eq3A_1897 : i32
        %jit3A_1899 = arith.constant 1 : i32
        %select_n3A_1900 = arith.select %eq3A_1898, %jit3A_1899, %jit3A_1896 : i32
        %rem3A_1901 = arith.remsi %add3A_1871, %select_n3A_1900 : i32
        %ne3A_1902 = arith.constant 0 : i32
        %ne3A_1903 = arith.cmpi ne, %rem3A_1901, %ne3A_1902 : i32
        %lt3A_1904 = arith.constant 0 : i32
        %lt3A_1905 = arith.cmpi slt, %rem3A_1901, %lt3A_1904 : i32
        %lt3A_1906 = arith.constant 0 : i32
        %lt3A_1907 = arith.cmpi slt, %select_n3A_1900, %lt3A_1906 : i32
        %ne3A_1908 = arith.xori %lt3A_1905, %lt3A_1907 : i1
        %and3A_1909 = arith.andi %ne3A_1908, %ne3A_1903 : i1
        %add3A_1910 = arith.addi %rem3A_1901, %select_n3A_1900 : i32
        %select_n3A_1911 = arith.select %and3A_1909, %add3A_1910, %rem3A_1901 : i32
        %jit3A_1912 = arith.constant 8 : i32
        %div3A_1913 = arith.divsi %select_n3A_1911, %jit3A_1912 : i32
        %sign3A_1914 = arith.constant 0 : i32
        %sign3A_1915 = arith.cmpi sgt, %select_n3A_1911, %sign3A_1914 : i32
        %sign3A_1916 = arith.extui %sign3A_1915 : i1 to i32
        %sign3A_1917 = arith.constant 0 : i32
        %sign3A_1918 = arith.cmpi slt, %select_n3A_1911, %sign3A_1917 : i32
        %sign3A_1919 = arith.extui %sign3A_1918 : i1 to i32
        %sign3A_1920 = arith.subi %sign3A_1916, %sign3A_1919 : i32
        %sign3A_1921 = arith.constant 0 : i32
        %sign3A_1922 = arith.cmpi sgt, %jit3A_1912, %sign3A_1921 : i32
        %sign3A_1923 = arith.extui %sign3A_1922 : i1 to i32
        %sign3A_1924 = arith.constant 0 : i32
        %sign3A_1925 = arith.cmpi slt, %jit3A_1912, %sign3A_1924 : i32
        %sign3A_1926 = arith.extui %sign3A_1925 : i1 to i32
        %sign3A_1927 = arith.subi %sign3A_1923, %sign3A_1926 : i32
        %ne3A_1928 = arith.cmpi ne, %sign3A_1920, %sign3A_1927 : i32
        %rem3A_1929 = arith.remsi %select_n3A_1911, %jit3A_1912 : i32
        %ne3A_1930 = arith.constant 0 : i32
        %ne3A_1931 = arith.cmpi ne, %rem3A_1929, %ne3A_1930 : i32
        %and3A_1932 = arith.andi %ne3A_1928, %ne3A_1931 : i1
        %sub3A_1933 = arith.constant 1 : i32
        %sub3A_1934 = arith.subi %div3A_1913, %sub3A_1933 : i32
        %select_n3A_1935 = arith.select %and3A_1932, %sub3A_1934, %div3A_1913 : i32
        %jit3A_1936 = arith.constant 8 : i32
        %eq3A_1937 = arith.constant 0 : i32
        %eq3A_1938 = arith.cmpi eq, %jit3A_1936, %eq3A_1937 : i32
        %jit3A_1939 = arith.constant 1 : i32
        %select_n3A_1940 = arith.select %eq3A_1938, %jit3A_1939, %jit3A_1936 : i32
        %rem3A_1941 = arith.remsi %select_n3A_1911, %select_n3A_1940 : i32
        %ne3A_1942 = arith.constant 0 : i32
        %ne3A_1943 = arith.cmpi ne, %rem3A_1941, %ne3A_1942 : i32
        %lt3A_1944 = arith.constant 0 : i32
        %lt3A_1945 = arith.cmpi slt, %rem3A_1941, %lt3A_1944 : i32
        %lt3A_1946 = arith.constant 0 : i32
        %lt3A_1947 = arith.cmpi slt, %select_n3A_1940, %lt3A_1946 : i32
        %ne3A_1948 = arith.xori %lt3A_1945, %lt3A_1947 : i1
        %and3A_1949 = arith.andi %ne3A_1948, %ne3A_1943 : i1
        %add3A_1950 = arith.addi %rem3A_1941, %select_n3A_1940 : i32
        %select_n3A_1951 = arith.select %and3A_1949, %add3A_1950, %rem3A_1941 : i32
        %dma_start3A_1952 = arith.constant 0 : i32
        %dma_start3A_1953 = arith.constant 0 : i32
        %dma_start3A_1954 = tpu.memref_slice %arg2[%select_n3A_1895, %dma_start3A_1952, %select_n3A_1935, %select_n3A_1951, %dma_start3A_1953] : memref<4x128x12x8x128xi32, #tpu.memory_space<hbm>> -> memref<1x128x1x1x128xi32, #tpu.memory_space<hbm>>
        %dma_start3A_1955 = tpu.memref_squeeze %dma_start3A_1954 : memref<1x128x1x1x128xi32, #tpu.memory_space<hbm>> -> memref<128x128xi32, #tpu.memory_space<hbm>>
        %dma_start3A_1956 = arith.constant 0 : i32
        %dma_start3A_1957 = arith.constant 0 : i32
        %dma_start3A_1958 = tpu.memref_slice %arg2[%select_n3A_1895, %dma_start3A_1956, %select_n3A_1935, %select_n3A_1951, %dma_start3A_1957] : memref<4x128x12x8x128xi32, #tpu.memory_space<hbm>> -> memref<1x128x1x1x128xi32, #tpu.memory_space<hbm>>
        %dma_start3A_1959 = tpu.memref_squeeze %dma_start3A_1958 : memref<1x128x1x1x128xi32, #tpu.memory_space<hbm>> -> memref<128x128xi32, #tpu.memory_space<hbm>>
        tpu.enqueue_dma source(%dma_start3A_1959 : memref<128x128xi32, #tpu.memory_space<hbm>>) target(%arg5 : memref<128x128xi32, #tpu.memory_space<vmem>>) target_semaphore(%arg8 : memref<!tpu.dma_semaphore, #tpu.memory_space<semaphore_mem>>)
        %dma_start3A_1960 = arith.constant 0 : i32
        %dma_start3A_1961 = arith.constant 0 : i32
        %dma_start3A_1962 = tpu.memref_slice %arg3[%select_n3A_1895, %dma_start3A_1960, %select_n3A_1935, %select_n3A_1951, %dma_start3A_1961] : memref<4x128x12x8x128xf32, #tpu.memory_space<hbm>> -> memref<1x128x1x1x128xf32, #tpu.memory_space<hbm>>
        %dma_start3A_1963 = tpu.memref_squeeze %dma_start3A_1962 : memref<1x128x1x1x128xf32, #tpu.memory_space<hbm>> -> memref<128x128xf32, #tpu.memory_space<hbm>>
        %dma_start3A_1964 = arith.constant 0 : i32
        %dma_start3A_1965 = arith.constant 0 : i32
        %dma_start3A_1966 = tpu.memref_slice %arg3[%select_n3A_1895, %dma_start3A_1964, %select_n3A_1935, %select_n3A_1951, %dma_start3A_1965] : memref<4x128x12x8x128xf32, #tpu.memory_space<hbm>> -> memref<1x128x1x1x128xf32, #tpu.memory_space<hbm>>
        %dma_start3A_1967 = tpu.memref_squeeze %dma_start3A_1966 : memref<1x128x1x1x128xf32, #tpu.memory_space<hbm>> -> memref<128x128xf32, #tpu.memory_space<hbm>>
        tpu.enqueue_dma source(%dma_start3A_1967 : memref<128x128xf32, #tpu.memory_space<hbm>>) target(%arg6 : memref<128x128xf32, #tpu.memory_space<vmem>>) target_semaphore(%arg8 : memref<!tpu.dma_semaphore, #tpu.memory_space<semaphore_mem>>)
      } else {
      }
      %add3A_1077 = arith.addi %mul3A_2, %scan3A_894 : i32
      %jit3A_1078 = arith.constant 96 : i32
      %div3A_1079 = arith.divsi %add3A_1077, %jit3A_1078 : i32
      %sign3A_1080 = arith.constant 0 : i32
      %sign3A_1081 = arith.cmpi sgt, %add3A_1077, %sign3A_1080 : i32
      %sign3A_1082 = arith.extui %sign3A_1081 : i1 to i32
      %sign3A_1083 = arith.constant 0 : i32
      %sign3A_1084 = arith.cmpi slt, %add3A_1077, %sign3A_1083 : i32
      %sign3A_1085 = arith.extui %sign3A_1084 : i1 to i32
      %sign3A_1086 = arith.subi %sign3A_1082, %sign3A_1085 : i32
      %sign3A_1087 = arith.constant 0 : i32
      %sign3A_1088 = arith.cmpi sgt, %jit3A_1078, %sign3A_1087 : i32
      %sign3A_1089 = arith.extui %sign3A_1088 : i1 to i32
      %sign3A_1090 = arith.constant 0 : i32
      %sign3A_1091 = arith.cmpi slt, %jit3A_1078, %sign3A_1090 : i32
      %sign3A_1092 = arith.extui %sign3A_1091 : i1 to i32
      %sign3A_1093 = arith.subi %sign3A_1089, %sign3A_1092 : i32
      %ne3A_1094 = arith.cmpi ne, %sign3A_1086, %sign3A_1093 : i32
      %rem3A_1095 = arith.remsi %add3A_1077, %jit3A_1078 : i32
      %ne3A_1096 = arith.constant 0 : i32
      %ne3A_1097 = arith.cmpi ne, %rem3A_1095, %ne3A_1096 : i32
      %and3A_1098 = arith.andi %ne3A_1094, %ne3A_1097 : i1
      %sub3A_1099 = arith.constant 1 : i32
      %sub3A_1100 = arith.subi %div3A_1079, %sub3A_1099 : i32
      %select_n3A_1101 = arith.select %and3A_1098, %sub3A_1100, %div3A_1079 : i32
      %jit3A_1102 = arith.constant 96 : i32
      %eq3A_1103 = arith.constant 0 : i32
      %eq3A_1104 = arith.cmpi eq, %jit3A_1102, %eq3A_1103 : i32
      %jit3A_1105 = arith.constant 1 : i32
      %select_n3A_1106 = arith.select %eq3A_1104, %jit3A_1105, %jit3A_1102 : i32
      %rem3A_1107 = arith.remsi %add3A_1077, %select_n3A_1106 : i32
      %ne3A_1108 = arith.constant 0 : i32
      %ne3A_1109 = arith.cmpi ne, %rem3A_1107, %ne3A_1108 : i32
      %lt3A_1110 = arith.constant 0 : i32
      %lt3A_1111 = arith.cmpi slt, %rem3A_1107, %lt3A_1110 : i32
      %lt3A_1112 = arith.constant 0 : i32
      %lt3A_1113 = arith.cmpi slt, %select_n3A_1106, %lt3A_1112 : i32
      %ne3A_1114 = arith.xori %lt3A_1111, %lt3A_1113 : i1
      %and3A_1115 = arith.andi %ne3A_1114, %ne3A_1109 : i1
      %add3A_1116 = arith.addi %rem3A_1107, %select_n3A_1106 : i32
      %select_n3A_1117 = arith.select %and3A_1115, %add3A_1116, %rem3A_1107 : i32
      %jit3A_1118 = arith.constant 8 : i32
      %div3A_1119 = arith.divsi %select_n3A_1117, %jit3A_1118 : i32
      %sign3A_1120 = arith.constant 0 : i32
      %sign3A_1121 = arith.cmpi sgt, %select_n3A_1117, %sign3A_1120 : i32
      %sign3A_1122 = arith.extui %sign3A_1121 : i1 to i32
      %sign3A_1123 = arith.constant 0 : i32
      %sign3A_1124 = arith.cmpi slt, %select_n3A_1117, %sign3A_1123 : i32
      %sign3A_1125 = arith.extui %sign3A_1124 : i1 to i32
      %sign3A_1126 = arith.subi %sign3A_1122, %sign3A_1125 : i32
      %sign3A_1127 = arith.constant 0 : i32
      %sign3A_1128 = arith.cmpi sgt, %jit3A_1118, %sign3A_1127 : i32
      %sign3A_1129 = arith.extui %sign3A_1128 : i1 to i32
      %sign3A_1130 = arith.constant 0 : i32
      %sign3A_1131 = arith.cmpi slt, %jit3A_1118, %sign3A_1130 : i32
      %sign3A_1132 = arith.extui %sign3A_1131 : i1 to i32
      %sign3A_1133 = arith.subi %sign3A_1129, %sign3A_1132 : i32
      %ne3A_1134 = arith.cmpi ne, %sign3A_1126, %sign3A_1133 : i32
      %rem3A_1135 = arith.remsi %select_n3A_1117, %jit3A_1118 : i32
      %ne3A_1136 = arith.constant 0 : i32
      %ne3A_1137 = arith.cmpi ne, %rem3A_1135, %ne3A_1136 : i32
      %and3A_1138 = arith.andi %ne3A_1134, %ne3A_1137 : i1
      %sub3A_1139 = arith.constant 1 : i32
      %sub3A_1140 = arith.subi %div3A_1119, %sub3A_1139 : i32
      %select_n3A_1141 = arith.select %and3A_1138, %sub3A_1140, %div3A_1119 : i32
      %jit3A_1142 = arith.constant 8 : i32
      %eq3A_1143 = arith.constant 0 : i32
      %eq3A_1144 = arith.cmpi eq, %jit3A_1142, %eq3A_1143 : i32
      %jit3A_1145 = arith.constant 1 : i32
      %select_n3A_1146 = arith.select %eq3A_1144, %jit3A_1145, %jit3A_1142 : i32
      %rem3A_1147 = arith.remsi %select_n3A_1117, %select_n3A_1146 : i32
      %ne3A_1148 = arith.constant 0 : i32
      %ne3A_1149 = arith.cmpi ne, %rem3A_1147, %ne3A_1148 : i32
      %lt3A_1150 = arith.constant 0 : i32
      %lt3A_1151 = arith.cmpi slt, %rem3A_1147, %lt3A_1150 : i32
      %lt3A_1152 = arith.constant 0 : i32
      %lt3A_1153 = arith.cmpi slt, %select_n3A_1146, %lt3A_1152 : i32
      %ne3A_1154 = arith.xori %lt3A_1151, %lt3A_1153 : i1
      %and3A_1155 = arith.andi %ne3A_1154, %ne3A_1149 : i1
      %add3A_1156 = arith.addi %rem3A_1147, %select_n3A_1146 : i32
      %select_n3A_1157 = arith.select %and3A_1155, %add3A_1156, %rem3A_1147 : i32
      %dma_start3A_1158 = arith.constant 0 : i32
      %dma_start3A_1159 = arith.constant 0 : i32
      %dma_start3A_1160 = arith.constant 0 : i32
      %dma_start3A_1161 = tpu.memref_slice %arg7[%dma_start3A_1158, %dma_start3A_1159, %dma_start3A_1160] : memref<256x2x128xf32, #tpu.memory_space<vmem>> -> memref<32x2x128xf32, #tpu.memory_space<vmem>>
      %dma_start3A_1162 = arith.constant 0 : i32
      %dma_start3A_1163 = arith.constant 0 : i32
      %dma_start3A_1164 = arith.constant 0 : i32
      %dma_start3A_1165 = tpu.memref_slice %arg4[%select_n3A_1101, %dma_start3A_1162, %select_n3A_1141, %dma_start3A_1163, %select_n3A_1157, %dma_start3A_1164] : memref<4x256x12x2x8x128xf32, #tpu.memory_space<hbm>> -> memref<1x32x1x2x1x128xf32, #tpu.memory_space<hbm>>
      %dma_start3A_1166 = tpu.memref_squeeze %dma_start3A_1165 : memref<1x32x1x2x1x128xf32, #tpu.memory_space<hbm>> -> memref<32x2x128xf32, #tpu.memory_space<hbm>>
      %dma_start3A_1167 = arith.constant 0 : i32
      %dma_start3A_1168 = arith.constant 0 : i32
      %dma_start3A_1169 = arith.constant 0 : i32
      %dma_start3A_1170 = tpu.memref_slice %arg4[%select_n3A_1101, %dma_start3A_1167, %select_n3A_1141, %dma_start3A_1168, %select_n3A_1157, %dma_start3A_1169] : memref<4x256x12x2x8x128xf32, #tpu.memory_space<hbm>> -> memref<1x32x1x2x1x128xf32, #tpu.memory_space<hbm>>
      %dma_start3A_1171 = tpu.memref_squeeze %dma_start3A_1170 : memref<1x32x1x2x1x128xf32, #tpu.memory_space<hbm>> -> memref<32x2x128xf32, #tpu.memory_space<hbm>>
      %dma_start3A_1172 = arith.constant 0 : i32
      %dma_start3A_1173 = arith.constant 0 : i32
      %dma_start3A_1174 = arith.constant 0 : i32
      %dma_start3A_1175 = tpu.memref_slice %arg7[%dma_start3A_1172, %dma_start3A_1173, %dma_start3A_1174] : memref<256x2x128xf32, #tpu.memory_space<vmem>> -> memref<32x2x128xf32, #tpu.memory_space<vmem>>
      tpu.enqueue_dma source(%dma_start3A_1175 : memref<32x2x128xf32, #tpu.memory_space<vmem>>) target(%dma_start3A_1171 : memref<32x2x128xf32, #tpu.memory_space<hbm>>) target_semaphore(%arg9 : memref<!tpu.dma_semaphore, #tpu.memory_space<semaphore_mem>>)
      %add3A_1176 = arith.addi %mul3A_2, %scan3A_894 : i32
      %jit3A_1177 = arith.constant 96 : i32
      %div3A_1178 = arith.divsi %add3A_1176, %jit3A_1177 : i32
      %sign3A_1179 = arith.constant 0 : i32
      %sign3A_1180 = arith.cmpi sgt, %add3A_1176, %sign3A_1179 : i32
      %sign3A_1181 = arith.extui %sign3A_1180 : i1 to i32
      %sign3A_1182 = arith.constant 0 : i32
      %sign3A_1183 = arith.cmpi slt, %add3A_1176, %sign3A_1182 : i32
      %sign3A_1184 = arith.extui %sign3A_1183 : i1 to i32
      %sign3A_1185 = arith.subi %sign3A_1181, %sign3A_1184 : i32
      %sign3A_1186 = arith.constant 0 : i32
      %sign3A_1187 = arith.cmpi sgt, %jit3A_1177, %sign3A_1186 : i32
      %sign3A_1188 = arith.extui %sign3A_1187 : i1 to i32
      %sign3A_1189 = arith.constant 0 : i32
      %sign3A_1190 = arith.cmpi slt, %jit3A_1177, %sign3A_1189 : i32
      %sign3A_1191 = arith.extui %sign3A_1190 : i1 to i32
      %sign3A_1192 = arith.subi %sign3A_1188, %sign3A_1191 : i32
      %ne3A_1193 = arith.cmpi ne, %sign3A_1185, %sign3A_1192 : i32
      %rem3A_1194 = arith.remsi %add3A_1176, %jit3A_1177 : i32
      %ne3A_1195 = arith.constant 0 : i32
      %ne3A_1196 = arith.cmpi ne, %rem3A_1194, %ne3A_1195 : i32
      %and3A_1197 = arith.andi %ne3A_1193, %ne3A_1196 : i1
      %sub3A_1198 = arith.constant 1 : i32
      %sub3A_1199 = arith.subi %div3A_1178, %sub3A_1198 : i32
      %select_n3A_1200 = arith.select %and3A_1197, %sub3A_1199, %div3A_1178 : i32
      %jit3A_1201 = arith.constant 96 : i32
      %eq3A_1202 = arith.constant 0 : i32
      %eq3A_1203 = arith.cmpi eq, %jit3A_1201, %eq3A_1202 : i32
      %jit3A_1204 = arith.constant 1 : i32
      %select_n3A_1205 = arith.select %eq3A_1203, %jit3A_1204, %jit3A_1201 : i32
      %rem3A_1206 = arith.remsi %add3A_1176, %select_n3A_1205 : i32
      %ne3A_1207 = arith.constant 0 : i32
      %ne3A_1208 = arith.cmpi ne, %rem3A_1206, %ne3A_1207 : i32
      %lt3A_1209 = arith.constant 0 : i32
      %lt3A_1210 = arith.cmpi slt, %rem3A_1206, %lt3A_1209 : i32
      %lt3A_1211 = arith.constant 0 : i32
      %lt3A_1212 = arith.cmpi slt, %select_n3A_1205, %lt3A_1211 : i32
      %ne3A_1213 = arith.xori %lt3A_1210, %lt3A_1212 : i1
      %and3A_1214 = arith.andi %ne3A_1213, %ne3A_1208 : i1
      %add3A_1215 = arith.addi %rem3A_1206, %select_n3A_1205 : i32
      %select_n3A_1216 = arith.select %and3A_1214, %add3A_1215, %rem3A_1206 : i32
      %jit3A_1217 = arith.constant 8 : i32
      %div3A_1218 = arith.divsi %select_n3A_1216, %jit3A_1217 : i32
      %sign3A_1219 = arith.constant 0 : i32
      %sign3A_1220 = arith.cmpi sgt, %select_n3A_1216, %sign3A_1219 : i32
      %sign3A_1221 = arith.extui %sign3A_1220 : i1 to i32
      %sign3A_1222 = arith.constant 0 : i32
      %sign3A_1223 = arith.cmpi slt, %select_n3A_1216, %sign3A_1222 : i32
      %sign3A_1224 = arith.extui %sign3A_1223 : i1 to i32
      %sign3A_1225 = arith.subi %sign3A_1221, %sign3A_1224 : i32
      %sign3A_1226 = arith.constant 0 : i32
      %sign3A_1227 = arith.cmpi sgt, %jit3A_1217, %sign3A_1226 : i32
      %sign3A_1228 = arith.extui %sign3A_1227 : i1 to i32
      %sign3A_1229 = arith.constant 0 : i32
      %sign3A_1230 = arith.cmpi slt, %jit3A_1217, %sign3A_1229 : i32
      %sign3A_1231 = arith.extui %sign3A_1230 : i1 to i32
      %sign3A_1232 = arith.subi %sign3A_1228, %sign3A_1231 : i32
      %ne3A_1233 = arith.cmpi ne, %sign3A_1225, %sign3A_1232 : i32
      %rem3A_1234 = arith.remsi %select_n3A_1216, %jit3A_1217 : i32
      %ne3A_1235 = arith.constant 0 : i32
      %ne3A_1236 = arith.cmpi ne, %rem3A_1234, %ne3A_1235 : i32
      %and3A_1237 = arith.andi %ne3A_1233, %ne3A_1236 : i1
      %sub3A_1238 = arith.constant 1 : i32
      %sub3A_1239 = arith.subi %div3A_1218, %sub3A_1238 : i32
      %select_n3A_1240 = arith.select %and3A_1237, %sub3A_1239, %div3A_1218 : i32
      %jit3A_1241 = arith.constant 8 : i32
      %eq3A_1242 = arith.constant 0 : i32
      %eq3A_1243 = arith.cmpi eq, %jit3A_1241, %eq3A_1242 : i32
      %jit3A_1244 = arith.constant 1 : i32
      %select_n3A_1245 = arith.select %eq3A_1243, %jit3A_1244, %jit3A_1241 : i32
      %rem3A_1246 = arith.remsi %select_n3A_1216, %select_n3A_1245 : i32
      %ne3A_1247 = arith.constant 0 : i32
      %ne3A_1248 = arith.cmpi ne, %rem3A_1246, %ne3A_1247 : i32
      %lt3A_1249 = arith.constant 0 : i32
      %lt3A_1250 = arith.cmpi slt, %rem3A_1246, %lt3A_1249 : i32
      %lt3A_1251 = arith.constant 0 : i32
      %lt3A_1252 = arith.cmpi slt, %select_n3A_1245, %lt3A_1251 : i32
      %ne3A_1253 = arith.xori %lt3A_1250, %lt3A_1252 : i1
      %and3A_1254 = arith.andi %ne3A_1253, %ne3A_1248 : i1
      %add3A_1255 = arith.addi %rem3A_1246, %select_n3A_1245 : i32
      %select_n3A_1256 = arith.select %and3A_1254, %add3A_1255, %rem3A_1246 : i32
      %dma_start3A_1257 = arith.constant 32 : i32
      %dma_start3A_1258 = arith.constant 0 : i32
      %dma_start3A_1259 = arith.constant 0 : i32
      %dma_start3A_1260 = tpu.memref_slice %arg7[%dma_start3A_1257, %dma_start3A_1258, %dma_start3A_1259] : memref<256x2x128xf32, #tpu.memory_space<vmem>> -> memref<32x2x128xf32, #tpu.memory_space<vmem>>
      %dma_start3A_1261 = arith.constant 32 : i32
      %dma_start3A_1262 = arith.constant 0 : i32
      %dma_start3A_1263 = arith.constant 0 : i32
      %dma_start3A_1264 = tpu.memref_slice %arg4[%select_n3A_1200, %dma_start3A_1261, %select_n3A_1240, %dma_start3A_1262, %select_n3A_1256, %dma_start3A_1263] : memref<4x256x12x2x8x128xf32, #tpu.memory_space<hbm>> -> memref<1x32x1x2x1x128xf32, #tpu.memory_space<hbm>>
      %dma_start3A_1265 = tpu.memref_squeeze %dma_start3A_1264 : memref<1x32x1x2x1x128xf32, #tpu.memory_space<hbm>> -> memref<32x2x128xf32, #tpu.memory_space<hbm>>
      %dma_start3A_1266 = arith.constant 32 : i32
      %dma_start3A_1267 = arith.constant 0 : i32
      %dma_start3A_1268 = arith.constant 0 : i32
      %dma_start3A_1269 = tpu.memref_slice %arg4[%select_n3A_1200, %dma_start3A_1266, %select_n3A_1240, %dma_start3A_1267, %select_n3A_1256, %dma_start3A_1268] : memref<4x256x12x2x8x128xf32, #tpu.memory_space<hbm>> -> memref<1x32x1x2x1x128xf32, #tpu.memory_space<hbm>>
      %dma_start3A_1270 = tpu.memref_squeeze %dma_start3A_1269 : memref<1x32x1x2x1x128xf32, #tpu.memory_space<hbm>> -> memref<32x2x128xf32, #tpu.memory_space<hbm>>
      %dma_start3A_1271 = arith.constant 32 : i32
      %dma_start3A_1272 = arith.constant 0 : i32
      %dma_start3A_1273 = arith.constant 0 : i32
      %dma_start3A_1274 = tpu.memref_slice %arg7[%dma_start3A_1271, %dma_start3A_1272, %dma_start3A_1273] : memref<256x2x128xf32, #tpu.memory_space<vmem>> -> memref<32x2x128xf32, #tpu.memory_space<vmem>>
      tpu.enqueue_dma source(%dma_start3A_1274 : memref<32x2x128xf32, #tpu.memory_space<vmem>>) target(%dma_start3A_1270 : memref<32x2x128xf32, #tpu.memory_space<hbm>>) target_semaphore(%arg10 : memref<!tpu.dma_semaphore, #tpu.memory_space<semaphore_mem>>)
      %add3A_1275 = arith.addi %mul3A_2, %scan3A_894 : i32
      %jit3A_1276 = arith.constant 96 : i32
      %div3A_1277 = arith.divsi %add3A_1275, %jit3A_1276 : i32
      %sign3A_1278 = arith.constant 0 : i32
      %sign3A_1279 = arith.cmpi sgt, %add3A_1275, %sign3A_1278 : i32
      %sign3A_1280 = arith.extui %sign3A_1279 : i1 to i32
      %sign3A_1281 = arith.constant 0 : i32
      %sign3A_1282 = arith.cmpi slt, %add3A_1275, %sign3A_1281 : i32
      %sign3A_1283 = arith.extui %sign3A_1282 : i1 to i32
      %sign3A_1284 = arith.subi %sign3A_1280, %sign3A_1283 : i32
      %sign3A_1285 = arith.constant 0 : i32
      %sign3A_1286 = arith.cmpi sgt, %jit3A_1276, %sign3A_1285 : i32
      %sign3A_1287 = arith.extui %sign3A_1286 : i1 to i32
      %sign3A_1288 = arith.constant 0 : i32
      %sign3A_1289 = arith.cmpi slt, %jit3A_1276, %sign3A_1288 : i32
      %sign3A_1290 = arith.extui %sign3A_1289 : i1 to i32
      %sign3A_1291 = arith.subi %sign3A_1287, %sign3A_1290 : i32
      %ne3A_1292 = arith.cmpi ne, %sign3A_1284, %sign3A_1291 : i32
      %rem3A_1293 = arith.remsi %add3A_1275, %jit3A_1276 : i32
      %ne3A_1294 = arith.constant 0 : i32
      %ne3A_1295 = arith.cmpi ne, %rem3A_1293, %ne3A_1294 : i32
      %and3A_1296 = arith.andi %ne3A_1292, %ne3A_1295 : i1
      %sub3A_1297 = arith.constant 1 : i32
      %sub3A_1298 = arith.subi %div3A_1277, %sub3A_1297 : i32
      %select_n3A_1299 = arith.select %and3A_1296, %sub3A_1298, %div3A_1277 : i32
      %jit3A_1300 = arith.constant 96 : i32
      %eq3A_1301 = arith.constant 0 : i32
      %eq3A_1302 = arith.cmpi eq, %jit3A_1300, %eq3A_1301 : i32
      %jit3A_1303 = arith.constant 1 : i32
      %select_n3A_1304 = arith.select %eq3A_1302, %jit3A_1303, %jit3A_1300 : i32
      %rem3A_1305 = arith.remsi %add3A_1275, %select_n3A_1304 : i32
      %ne3A_1306 = arith.constant 0 : i32
      %ne3A_1307 = arith.cmpi ne, %rem3A_1305, %ne3A_1306 : i32
      %lt3A_1308 = arith.constant 0 : i32
      %lt3A_1309 = arith.cmpi slt, %rem3A_1305, %lt3A_1308 : i32
      %lt3A_1310 = arith.constant 0 : i32
      %lt3A_1311 = arith.cmpi slt, %select_n3A_1304, %lt3A_1310 : i32
      %ne3A_1312 = arith.xori %lt3A_1309, %lt3A_1311 : i1
      %and3A_1313 = arith.andi %ne3A_1312, %ne3A_1307 : i1
      %add3A_1314 = arith.addi %rem3A_1305, %select_n3A_1304 : i32
      %select_n3A_1315 = arith.select %and3A_1313, %add3A_1314, %rem3A_1305 : i32
      %jit3A_1316 = arith.constant 8 : i32
      %div3A_1317 = arith.divsi %select_n3A_1315, %jit3A_1316 : i32
      %sign3A_1318 = arith.constant 0 : i32
      %sign3A_1319 = arith.cmpi sgt, %select_n3A_1315, %sign3A_1318 : i32
      %sign3A_1320 = arith.extui %sign3A_1319 : i1 to i32
      %sign3A_1321 = arith.constant 0 : i32
      %sign3A_1322 = arith.cmpi slt, %select_n3A_1315, %sign3A_1321 : i32
      %sign3A_1323 = arith.extui %sign3A_1322 : i1 to i32
      %sign3A_1324 = arith.subi %sign3A_1320, %sign3A_1323 : i32
      %sign3A_1325 = arith.constant 0 : i32
      %sign3A_1326 = arith.cmpi sgt, %jit3A_1316, %sign3A_1325 : i32
      %sign3A_1327 = arith.extui %sign3A_1326 : i1 to i32
      %sign3A_1328 = arith.constant 0 : i32
      %sign3A_1329 = arith.cmpi slt, %jit3A_1316, %sign3A_1328 : i32
      %sign3A_1330 = arith.extui %sign3A_1329 : i1 to i32
      %sign3A_1331 = arith.subi %sign3A_1327, %sign3A_1330 : i32
      %ne3A_1332 = arith.cmpi ne, %sign3A_1324, %sign3A_1331 : i32
      %rem3A_1333 = arith.remsi %select_n3A_1315, %jit3A_1316 : i32
      %ne3A_1334 = arith.constant 0 : i32
      %ne3A_1335 = arith.cmpi ne, %rem3A_1333, %ne3A_1334 : i32
      %and3A_1336 = arith.andi %ne3A_1332, %ne3A_1335 : i1
      %sub3A_1337 = arith.constant 1 : i32
      %sub3A_1338 = arith.subi %div3A_1317, %sub3A_1337 : i32
      %select_n3A_1339 = arith.select %and3A_1336, %sub3A_1338, %div3A_1317 : i32
      %jit3A_1340 = arith.constant 8 : i32
      %eq3A_1341 = arith.constant 0 : i32
      %eq3A_1342 = arith.cmpi eq, %jit3A_1340, %eq3A_1341 : i32
      %jit3A_1343 = arith.constant 1 : i32
      %select_n3A_1344 = arith.select %eq3A_1342, %jit3A_1343, %jit3A_1340 : i32
      %rem3A_1345 = arith.remsi %select_n3A_1315, %select_n3A_1344 : i32
      %ne3A_1346 = arith.constant 0 : i32
      %ne3A_1347 = arith.cmpi ne, %rem3A_1345, %ne3A_1346 : i32
      %lt3A_1348 = arith.constant 0 : i32
      %lt3A_1349 = arith.cmpi slt, %rem3A_1345, %lt3A_1348 : i32
      %lt3A_1350 = arith.constant 0 : i32
      %lt3A_1351 = arith.cmpi slt, %select_n3A_1344, %lt3A_1350 : i32
      %ne3A_1352 = arith.xori %lt3A_1349, %lt3A_1351 : i1
      %and3A_1353 = arith.andi %ne3A_1352, %ne3A_1347 : i1
      %add3A_1354 = arith.addi %rem3A_1345, %select_n3A_1344 : i32
      %select_n3A_1355 = arith.select %and3A_1353, %add3A_1354, %rem3A_1345 : i32
      %dma_start3A_1356 = arith.constant 64 : i32
      %dma_start3A_1357 = arith.constant 0 : i32
      %dma_start3A_1358 = arith.constant 0 : i32
      %dma_start3A_1359 = tpu.memref_slice %arg7[%dma_start3A_1356, %dma_start3A_1357, %dma_start3A_1358] : memref<256x2x128xf32, #tpu.memory_space<vmem>> -> memref<32x2x128xf32, #tpu.memory_space<vmem>>
      %dma_start3A_1360 = arith.constant 64 : i32
      %dma_start3A_1361 = arith.constant 0 : i32
      %dma_start3A_1362 = arith.constant 0 : i32
      %dma_start3A_1363 = tpu.memref_slice %arg4[%select_n3A_1299, %dma_start3A_1360, %select_n3A_1339, %dma_start3A_1361, %select_n3A_1355, %dma_start3A_1362] : memref<4x256x12x2x8x128xf32, #tpu.memory_space<hbm>> -> memref<1x32x1x2x1x128xf32, #tpu.memory_space<hbm>>
      %dma_start3A_1364 = tpu.memref_squeeze %dma_start3A_1363 : memref<1x32x1x2x1x128xf32, #tpu.memory_space<hbm>> -> memref<32x2x128xf32, #tpu.memory_space<hbm>>
      %dma_start3A_1365 = arith.constant 64 : i32
      %dma_start3A_1366 = arith.constant 0 : i32
      %dma_start3A_1367 = arith.constant 0 : i32
      %dma_start3A_1368 = tpu.memref_slice %arg4[%select_n3A_1299, %dma_start3A_1365, %select_n3A_1339, %dma_start3A_1366, %select_n3A_1355, %dma_start3A_1367] : memref<4x256x12x2x8x128xf32, #tpu.memory_space<hbm>> -> memref<1x32x1x2x1x128xf32, #tpu.memory_space<hbm>>
      %dma_start3A_1369 = tpu.memref_squeeze %dma_start3A_1368 : memref<1x32x1x2x1x128xf32, #tpu.memory_space<hbm>> -> memref<32x2x128xf32, #tpu.memory_space<hbm>>
      %dma_start3A_1370 = arith.constant 64 : i32
      %dma_start3A_1371 = arith.constant 0 : i32
      %dma_start3A_1372 = arith.constant 0 : i32
      %dma_start3A_1373 = tpu.memref_slice %arg7[%dma_start3A_1370, %dma_start3A_1371, %dma_start3A_1372] : memref<256x2x128xf32, #tpu.memory_space<vmem>> -> memref<32x2x128xf32, #tpu.memory_space<vmem>>
      tpu.enqueue_dma source(%dma_start3A_1373 : memref<32x2x128xf32, #tpu.memory_space<vmem>>) target(%dma_start3A_1369 : memref<32x2x128xf32, #tpu.memory_space<hbm>>) target_semaphore(%arg11 : memref<!tpu.dma_semaphore, #tpu.memory_space<semaphore_mem>>)
      %add3A_1374 = arith.addi %mul3A_2, %scan3A_894 : i32
      %jit3A_1375 = arith.constant 96 : i32
      %div3A_1376 = arith.divsi %add3A_1374, %jit3A_1375 : i32
      %sign3A_1377 = arith.constant 0 : i32
      %sign3A_1378 = arith.cmpi sgt, %add3A_1374, %sign3A_1377 : i32
      %sign3A_1379 = arith.extui %sign3A_1378 : i1 to i32
      %sign3A_1380 = arith.constant 0 : i32
      %sign3A_1381 = arith.cmpi slt, %add3A_1374, %sign3A_1380 : i32
      %sign3A_1382 = arith.extui %sign3A_1381 : i1 to i32
      %sign3A_1383 = arith.subi %sign3A_1379, %sign3A_1382 : i32
      %sign3A_1384 = arith.constant 0 : i32
      %sign3A_1385 = arith.cmpi sgt, %jit3A_1375, %sign3A_1384 : i32
      %sign3A_1386 = arith.extui %sign3A_1385 : i1 to i32
      %sign3A_1387 = arith.constant 0 : i32
      %sign3A_1388 = arith.cmpi slt, %jit3A_1375, %sign3A_1387 : i32
      %sign3A_1389 = arith.extui %sign3A_1388 : i1 to i32
      %sign3A_1390 = arith.subi %sign3A_1386, %sign3A_1389 : i32
      %ne3A_1391 = arith.cmpi ne, %sign3A_1383, %sign3A_1390 : i32
      %rem3A_1392 = arith.remsi %add3A_1374, %jit3A_1375 : i32
      %ne3A_1393 = arith.constant 0 : i32
      %ne3A_1394 = arith.cmpi ne, %rem3A_1392, %ne3A_1393 : i32
      %and3A_1395 = arith.andi %ne3A_1391, %ne3A_1394 : i1
      %sub3A_1396 = arith.constant 1 : i32
      %sub3A_1397 = arith.subi %div3A_1376, %sub3A_1396 : i32
      %select_n3A_1398 = arith.select %and3A_1395, %sub3A_1397, %div3A_1376 : i32
      %jit3A_1399 = arith.constant 96 : i32
      %eq3A_1400 = arith.constant 0 : i32
      %eq3A_1401 = arith.cmpi eq, %jit3A_1399, %eq3A_1400 : i32
      %jit3A_1402 = arith.constant 1 : i32
      %select_n3A_1403 = arith.select %eq3A_1401, %jit3A_1402, %jit3A_1399 : i32
      %rem3A_1404 = arith.remsi %add3A_1374, %select_n3A_1403 : i32
      %ne3A_1405 = arith.constant 0 : i32
      %ne3A_1406 = arith.cmpi ne, %rem3A_1404, %ne3A_1405 : i32
      %lt3A_1407 = arith.constant 0 : i32
      %lt3A_1408 = arith.cmpi slt, %rem3A_1404, %lt3A_1407 : i32
      %lt3A_1409 = arith.constant 0 : i32
      %lt3A_1410 = arith.cmpi slt, %select_n3A_1403, %lt3A_1409 : i32
      %ne3A_1411 = arith.xori %lt3A_1408, %lt3A_1410 : i1
      %and3A_1412 = arith.andi %ne3A_1411, %ne3A_1406 : i1
      %add3A_1413 = arith.addi %rem3A_1404, %select_n3A_1403 : i32
      %select_n3A_1414 = arith.select %and3A_1412, %add3A_1413, %rem3A_1404 : i32
      %jit3A_1415 = arith.constant 8 : i32
      %div3A_1416 = arith.divsi %select_n3A_1414, %jit3A_1415 : i32
      %sign3A_1417 = arith.constant 0 : i32
      %sign3A_1418 = arith.cmpi sgt, %select_n3A_1414, %sign3A_1417 : i32
      %sign3A_1419 = arith.extui %sign3A_1418 : i1 to i32
      %sign3A_1420 = arith.constant 0 : i32
      %sign3A_1421 = arith.cmpi slt, %select_n3A_1414, %sign3A_1420 : i32
      %sign3A_1422 = arith.extui %sign3A_1421 : i1 to i32
      %sign3A_1423 = arith.subi %sign3A_1419, %sign3A_1422 : i32
      %sign3A_1424 = arith.constant 0 : i32
      %sign3A_1425 = arith.cmpi sgt, %jit3A_1415, %sign3A_1424 : i32
      %sign3A_1426 = arith.extui %sign3A_1425 : i1 to i32
      %sign3A_1427 = arith.constant 0 : i32
      %sign3A_1428 = arith.cmpi slt, %jit3A_1415, %sign3A_1427 : i32
      %sign3A_1429 = arith.extui %sign3A_1428 : i1 to i32
      %sign3A_1430 = arith.subi %sign3A_1426, %sign3A_1429 : i32
      %ne3A_1431 = arith.cmpi ne, %sign3A_1423, %sign3A_1430 : i32
      %rem3A_1432 = arith.remsi %select_n3A_1414, %jit3A_1415 : i32
      %ne3A_1433 = arith.constant 0 : i32
      %ne3A_1434 = arith.cmpi ne, %rem3A_1432, %ne3A_1433 : i32
      %and3A_1435 = arith.andi %ne3A_1431, %ne3A_1434 : i1
      %sub3A_1436 = arith.constant 1 : i32
      %sub3A_1437 = arith.subi %div3A_1416, %sub3A_1436 : i32
      %select_n3A_1438 = arith.select %and3A_1435, %sub3A_1437, %div3A_1416 : i32
      %jit3A_1439 = arith.constant 8 : i32
      %eq3A_1440 = arith.constant 0 : i32
      %eq3A_1441 = arith.cmpi eq, %jit3A_1439, %eq3A_1440 : i32
      %jit3A_1442 = arith.constant 1 : i32
      %select_n3A_1443 = arith.select %eq3A_1441, %jit3A_1442, %jit3A_1439 : i32
      %rem3A_1444 = arith.remsi %select_n3A_1414, %select_n3A_1443 : i32
      %ne3A_1445 = arith.constant 0 : i32
      %ne3A_1446 = arith.cmpi ne, %rem3A_1444, %ne3A_1445 : i32
      %lt3A_1447 = arith.constant 0 : i32
      %lt3A_1448 = arith.cmpi slt, %rem3A_1444, %lt3A_1447 : i32
      %lt3A_1449 = arith.constant 0 : i32
      %lt3A_1450 = arith.cmpi slt, %select_n3A_1443, %lt3A_1449 : i32
      %ne3A_1451 = arith.xori %lt3A_1448, %lt3A_1450 : i1
      %and3A_1452 = arith.andi %ne3A_1451, %ne3A_1446 : i1
      %add3A_1453 = arith.addi %rem3A_1444, %select_n3A_1443 : i32
      %select_n3A_1454 = arith.select %and3A_1452, %add3A_1453, %rem3A_1444 : i32
      %dma_start3A_1455 = arith.constant 96 : i32
      %dma_start3A_1456 = arith.constant 0 : i32
      %dma_start3A_1457 = arith.constant 0 : i32
      %dma_start3A_1458 = tpu.memref_slice %arg7[%dma_start3A_1455, %dma_start3A_1456, %dma_start3A_1457] : memref<256x2x128xf32, #tpu.memory_space<vmem>> -> memref<32x2x128xf32, #tpu.memory_space<vmem>>
      %dma_start3A_1459 = arith.constant 96 : i32
      %dma_start3A_1460 = arith.constant 0 : i32
      %dma_start3A_1461 = arith.constant 0 : i32
      %dma_start3A_1462 = tpu.memref_slice %arg4[%select_n3A_1398, %dma_start3A_1459, %select_n3A_1438, %dma_start3A_1460, %select_n3A_1454, %dma_start3A_1461] : memref<4x256x12x2x8x128xf32, #tpu.memory_space<hbm>> -> memref<1x32x1x2x1x128xf32, #tpu.memory_space<hbm>>
      %dma_start3A_1463 = tpu.memref_squeeze %dma_start3A_1462 : memref<1x32x1x2x1x128xf32, #tpu.memory_space<hbm>> -> memref<32x2x128xf32, #tpu.memory_space<hbm>>
      %dma_start3A_1464 = arith.constant 96 : i32
      %dma_start3A_1465 = arith.constant 0 : i32
      %dma_start3A_1466 = arith.constant 0 : i32
      %dma_start3A_1467 = tpu.memref_slice %arg4[%select_n3A_1398, %dma_start3A_1464, %select_n3A_1438, %dma_start3A_1465, %select_n3A_1454, %dma_start3A_1466] : memref<4x256x12x2x8x128xf32, #tpu.memory_space<hbm>> -> memref<1x32x1x2x1x128xf32, #tpu.memory_space<hbm>>
      %dma_start3A_1468 = tpu.memref_squeeze %dma_start3A_1467 : memref<1x32x1x2x1x128xf32, #tpu.memory_space<hbm>> -> memref<32x2x128xf32, #tpu.memory_space<hbm>>
      %dma_start3A_1469 = arith.constant 96 : i32
      %dma_start3A_1470 = arith.constant 0 : i32
      %dma_start3A_1471 = arith.constant 0 : i32
      %dma_start3A_1472 = tpu.memref_slice %arg7[%dma_start3A_1469, %dma_start3A_1470, %dma_start3A_1471] : memref<256x2x128xf32, #tpu.memory_space<vmem>> -> memref<32x2x128xf32, #tpu.memory_space<vmem>>
      tpu.enqueue_dma source(%dma_start3A_1472 : memref<32x2x128xf32, #tpu.memory_space<vmem>>) target(%dma_start3A_1468 : memref<32x2x128xf32, #tpu.memory_space<hbm>>) target_semaphore(%arg12 : memref<!tpu.dma_semaphore, #tpu.memory_space<semaphore_mem>>)
      %add3A_1473 = arith.addi %mul3A_2, %scan3A_894 : i32
      %jit3A_1474 = arith.constant 96 : i32
      %div3A_1475 = arith.divsi %add3A_1473, %jit3A_1474 : i32
      %sign3A_1476 = arith.constant 0 : i32
      %sign3A_1477 = arith.cmpi sgt, %add3A_1473, %sign3A_1476 : i32
      %sign3A_1478 = arith.extui %sign3A_1477 : i1 to i32
      %sign3A_1479 = arith.constant 0 : i32
      %sign3A_1480 = arith.cmpi slt, %add3A_1473, %sign3A_1479 : i32
      %sign3A_1481 = arith.extui %sign3A_1480 : i1 to i32
      %sign3A_1482 = arith.subi %sign3A_1478, %sign3A_1481 : i32
      %sign3A_1483 = arith.constant 0 : i32
      %sign3A_1484 = arith.cmpi sgt, %jit3A_1474, %sign3A_1483 : i32
      %sign3A_1485 = arith.extui %sign3A_1484 : i1 to i32
      %sign3A_1486 = arith.constant 0 : i32
      %sign3A_1487 = arith.cmpi slt, %jit3A_1474, %sign3A_1486 : i32
      %sign3A_1488 = arith.extui %sign3A_1487 : i1 to i32
      %sign3A_1489 = arith.subi %sign3A_1485, %sign3A_1488 : i32
      %ne3A_1490 = arith.cmpi ne, %sign3A_1482, %sign3A_1489 : i32
      %rem3A_1491 = arith.remsi %add3A_1473, %jit3A_1474 : i32
      %ne3A_1492 = arith.constant 0 : i32
      %ne3A_1493 = arith.cmpi ne, %rem3A_1491, %ne3A_1492 : i32
      %and3A_1494 = arith.andi %ne3A_1490, %ne3A_1493 : i1
      %sub3A_1495 = arith.constant 1 : i32
      %sub3A_1496 = arith.subi %div3A_1475, %sub3A_1495 : i32
      %select_n3A_1497 = arith.select %and3A_1494, %sub3A_1496, %div3A_1475 : i32
      %jit3A_1498 = arith.constant 96 : i32
      %eq3A_1499 = arith.constant 0 : i32
      %eq3A_1500 = arith.cmpi eq, %jit3A_1498, %eq3A_1499 : i32
      %jit3A_1501 = arith.constant 1 : i32
      %select_n3A_1502 = arith.select %eq3A_1500, %jit3A_1501, %jit3A_1498 : i32
      %rem3A_1503 = arith.remsi %add3A_1473, %select_n3A_1502 : i32
      %ne3A_1504 = arith.constant 0 : i32
      %ne3A_1505 = arith.cmpi ne, %rem3A_1503, %ne3A_1504 : i32
      %lt3A_1506 = arith.constant 0 : i32
      %lt3A_1507 = arith.cmpi slt, %rem3A_1503, %lt3A_1506 : i32
      %lt3A_1508 = arith.constant 0 : i32
      %lt3A_1509 = arith.cmpi slt, %select_n3A_1502, %lt3A_1508 : i32
      %ne3A_1510 = arith.xori %lt3A_1507, %lt3A_1509 : i1
      %and3A_1511 = arith.andi %ne3A_1510, %ne3A_1505 : i1
      %add3A_1512 = arith.addi %rem3A_1503, %select_n3A_1502 : i32
      %select_n3A_1513 = arith.select %and3A_1511, %add3A_1512, %rem3A_1503 : i32
      %jit3A_1514 = arith.constant 8 : i32
      %div3A_1515 = arith.divsi %select_n3A_1513, %jit3A_1514 : i32
      %sign3A_1516 = arith.constant 0 : i32
      %sign3A_1517 = arith.cmpi sgt, %select_n3A_1513, %sign3A_1516 : i32
      %sign3A_1518 = arith.extui %sign3A_1517 : i1 to i32
      %sign3A_1519 = arith.constant 0 : i32
      %sign3A_1520 = arith.cmpi slt, %select_n3A_1513, %sign3A_1519 : i32
      %sign3A_1521 = arith.extui %sign3A_1520 : i1 to i32
      %sign3A_1522 = arith.subi %sign3A_1518, %sign3A_1521 : i32
      %sign3A_1523 = arith.constant 0 : i32
      %sign3A_1524 = arith.cmpi sgt, %jit3A_1514, %sign3A_1523 : i32
      %sign3A_1525 = arith.extui %sign3A_1524 : i1 to i32
      %sign3A_1526 = arith.constant 0 : i32
      %sign3A_1527 = arith.cmpi slt, %jit3A_1514, %sign3A_1526 : i32
      %sign3A_1528 = arith.extui %sign3A_1527 : i1 to i32
      %sign3A_1529 = arith.subi %sign3A_1525, %sign3A_1528 : i32
      %ne3A_1530 = arith.cmpi ne, %sign3A_1522, %sign3A_1529 : i32
      %rem3A_1531 = arith.remsi %select_n3A_1513, %jit3A_1514 : i32
      %ne3A_1532 = arith.constant 0 : i32
      %ne3A_1533 = arith.cmpi ne, %rem3A_1531, %ne3A_1532 : i32
      %and3A_1534 = arith.andi %ne3A_1530, %ne3A_1533 : i1
      %sub3A_1535 = arith.constant 1 : i32
      %sub3A_1536 = arith.subi %div3A_1515, %sub3A_1535 : i32
      %select_n3A_1537 = arith.select %and3A_1534, %sub3A_1536, %div3A_1515 : i32
      %jit3A_1538 = arith.constant 8 : i32
      %eq3A_1539 = arith.constant 0 : i32
      %eq3A_1540 = arith.cmpi eq, %jit3A_1538, %eq3A_1539 : i32
      %jit3A_1541 = arith.constant 1 : i32
      %select_n3A_1542 = arith.select %eq3A_1540, %jit3A_1541, %jit3A_1538 : i32
      %rem3A_1543 = arith.remsi %select_n3A_1513, %select_n3A_1542 : i32
      %ne3A_1544 = arith.constant 0 : i32
      %ne3A_1545 = arith.cmpi ne, %rem3A_1543, %ne3A_1544 : i32
      %lt3A_1546 = arith.constant 0 : i32
      %lt3A_1547 = arith.cmpi slt, %rem3A_1543, %lt3A_1546 : i32
      %lt3A_1548 = arith.constant 0 : i32
      %lt3A_1549 = arith.cmpi slt, %select_n3A_1542, %lt3A_1548 : i32
      %ne3A_1550 = arith.xori %lt3A_1547, %lt3A_1549 : i1
      %and3A_1551 = arith.andi %ne3A_1550, %ne3A_1545 : i1
      %add3A_1552 = arith.addi %rem3A_1543, %select_n3A_1542 : i32
      %select_n3A_1553 = arith.select %and3A_1551, %add3A_1552, %rem3A_1543 : i32
      %dma_start3A_1554 = arith.constant 128 : i32
      %dma_start3A_1555 = arith.constant 0 : i32
      %dma_start3A_1556 = arith.constant 0 : i32
      %dma_start3A_1557 = tpu.memref_slice %arg7[%dma_start3A_1554, %dma_start3A_1555, %dma_start3A_1556] : memref<256x2x128xf32, #tpu.memory_space<vmem>> -> memref<32x2x128xf32, #tpu.memory_space<vmem>>
      %dma_start3A_1558 = arith.constant 128 : i32
      %dma_start3A_1559 = arith.constant 0 : i32
      %dma_start3A_1560 = arith.constant 0 : i32
      %dma_start3A_1561 = tpu.memref_slice %arg4[%select_n3A_1497, %dma_start3A_1558, %select_n3A_1537, %dma_start3A_1559, %select_n3A_1553, %dma_start3A_1560] : memref<4x256x12x2x8x128xf32, #tpu.memory_space<hbm>> -> memref<1x32x1x2x1x128xf32, #tpu.memory_space<hbm>>
      %dma_start3A_1562 = tpu.memref_squeeze %dma_start3A_1561 : memref<1x32x1x2x1x128xf32, #tpu.memory_space<hbm>> -> memref<32x2x128xf32, #tpu.memory_space<hbm>>
      %dma_start3A_1563 = arith.constant 128 : i32
      %dma_start3A_1564 = arith.constant 0 : i32
      %dma_start3A_1565 = arith.constant 0 : i32
      %dma_start3A_1566 = tpu.memref_slice %arg4[%select_n3A_1497, %dma_start3A_1563, %select_n3A_1537, %dma_start3A_1564, %select_n3A_1553, %dma_start3A_1565] : memref<4x256x12x2x8x128xf32, #tpu.memory_space<hbm>> -> memref<1x32x1x2x1x128xf32, #tpu.memory_space<hbm>>
      %dma_start3A_1567 = tpu.memref_squeeze %dma_start3A_1566 : memref<1x32x1x2x1x128xf32, #tpu.memory_space<hbm>> -> memref<32x2x128xf32, #tpu.memory_space<hbm>>
      %dma_start3A_1568 = arith.constant 128 : i32
      %dma_start3A_1569 = arith.constant 0 : i32
      %dma_start3A_1570 = arith.constant 0 : i32
      %dma_start3A_1571 = tpu.memref_slice %arg7[%dma_start3A_1568, %dma_start3A_1569, %dma_start3A_1570] : memref<256x2x128xf32, #tpu.memory_space<vmem>> -> memref<32x2x128xf32, #tpu.memory_space<vmem>>
      tpu.enqueue_dma source(%dma_start3A_1571 : memref<32x2x128xf32, #tpu.memory_space<vmem>>) target(%dma_start3A_1567 : memref<32x2x128xf32, #tpu.memory_space<hbm>>) target_semaphore(%arg13 : memref<!tpu.dma_semaphore, #tpu.memory_space<semaphore_mem>>)
      %add3A_1572 = arith.addi %mul3A_2, %scan3A_894 : i32
      %jit3A_1573 = arith.constant 96 : i32
      %div3A_1574 = arith.divsi %add3A_1572, %jit3A_1573 : i32
      %sign3A_1575 = arith.constant 0 : i32
      %sign3A_1576 = arith.cmpi sgt, %add3A_1572, %sign3A_1575 : i32
      %sign3A_1577 = arith.extui %sign3A_1576 : i1 to i32
      %sign3A_1578 = arith.constant 0 : i32
      %sign3A_1579 = arith.cmpi slt, %add3A_1572, %sign3A_1578 : i32
      %sign3A_1580 = arith.extui %sign3A_1579 : i1 to i32
      %sign3A_1581 = arith.subi %sign3A_1577, %sign3A_1580 : i32
      %sign3A_1582 = arith.constant 0 : i32
      %sign3A_1583 = arith.cmpi sgt, %jit3A_1573, %sign3A_1582 : i32
      %sign3A_1584 = arith.extui %sign3A_1583 : i1 to i32
      %sign3A_1585 = arith.constant 0 : i32
      %sign3A_1586 = arith.cmpi slt, %jit3A_1573, %sign3A_1585 : i32
      %sign3A_1587 = arith.extui %sign3A_1586 : i1 to i32
      %sign3A_1588 = arith.subi %sign3A_1584, %sign3A_1587 : i32
      %ne3A_1589 = arith.cmpi ne, %sign3A_1581, %sign3A_1588 : i32
      %rem3A_1590 = arith.remsi %add3A_1572, %jit3A_1573 : i32
      %ne3A_1591 = arith.constant 0 : i32
      %ne3A_1592 = arith.cmpi ne, %rem3A_1590, %ne3A_1591 : i32
      %and3A_1593 = arith.andi %ne3A_1589, %ne3A_1592 : i1
      %sub3A_1594 = arith.constant 1 : i32
      %sub3A_1595 = arith.subi %div3A_1574, %sub3A_1594 : i32
      %select_n3A_1596 = arith.select %and3A_1593, %sub3A_1595, %div3A_1574 : i32
      %jit3A_1597 = arith.constant 96 : i32
      %eq3A_1598 = arith.constant 0 : i32
      %eq3A_1599 = arith.cmpi eq, %jit3A_1597, %eq3A_1598 : i32
      %jit3A_1600 = arith.constant 1 : i32
      %select_n3A_1601 = arith.select %eq3A_1599, %jit3A_1600, %jit3A_1597 : i32
      %rem3A_1602 = arith.remsi %add3A_1572, %select_n3A_1601 : i32
      %ne3A_1603 = arith.constant 0 : i32
      %ne3A_1604 = arith.cmpi ne, %rem3A_1602, %ne3A_1603 : i32
      %lt3A_1605 = arith.constant 0 : i32
      %lt3A_1606 = arith.cmpi slt, %rem3A_1602, %lt3A_1605 : i32
      %lt3A_1607 = arith.constant 0 : i32
      %lt3A_1608 = arith.cmpi slt, %select_n3A_1601, %lt3A_1607 : i32
      %ne3A_1609 = arith.xori %lt3A_1606, %lt3A_1608 : i1
      %and3A_1610 = arith.andi %ne3A_1609, %ne3A_1604 : i1
      %add3A_1611 = arith.addi %rem3A_1602, %select_n3A_1601 : i32
      %select_n3A_1612 = arith.select %and3A_1610, %add3A_1611, %rem3A_1602 : i32
      %jit3A_1613 = arith.constant 8 : i32
      %div3A_1614 = arith.divsi %select_n3A_1612, %jit3A_1613 : i32
      %sign3A_1615 = arith.constant 0 : i32
      %sign3A_1616 = arith.cmpi sgt, %select_n3A_1612, %sign3A_1615 : i32
      %sign3A_1617 = arith.extui %sign3A_1616 : i1 to i32
      %sign3A_1618 = arith.constant 0 : i32
      %sign3A_1619 = arith.cmpi slt, %select_n3A_1612, %sign3A_1618 : i32
      %sign3A_1620 = arith.extui %sign3A_1619 : i1 to i32
      %sign3A_1621 = arith.subi %sign3A_1617, %sign3A_1620 : i32
      %sign3A_1622 = arith.constant 0 : i32
      %sign3A_1623 = arith.cmpi sgt, %jit3A_1613, %sign3A_1622 : i32
      %sign3A_1624 = arith.extui %sign3A_1623 : i1 to i32
      %sign3A_1625 = arith.constant 0 : i32
      %sign3A_1626 = arith.cmpi slt, %jit3A_1613, %sign3A_1625 : i32
      %sign3A_1627 = arith.extui %sign3A_1626 : i1 to i32
      %sign3A_1628 = arith.subi %sign3A_1624, %sign3A_1627 : i32
      %ne3A_1629 = arith.cmpi ne, %sign3A_1621, %sign3A_1628 : i32
      %rem3A_1630 = arith.remsi %select_n3A_1612, %jit3A_1613 : i32
      %ne3A_1631 = arith.constant 0 : i32
      %ne3A_1632 = arith.cmpi ne, %rem3A_1630, %ne3A_1631 : i32
      %and3A_1633 = arith.andi %ne3A_1629, %ne3A_1632 : i1
      %sub3A_1634 = arith.constant 1 : i32
      %sub3A_1635 = arith.subi %div3A_1614, %sub3A_1634 : i32
      %select_n3A_1636 = arith.select %and3A_1633, %sub3A_1635, %div3A_1614 : i32
      %jit3A_1637 = arith.constant 8 : i32
      %eq3A_1638 = arith.constant 0 : i32
      %eq3A_1639 = arith.cmpi eq, %jit3A_1637, %eq3A_1638 : i32
      %jit3A_1640 = arith.constant 1 : i32
      %select_n3A_1641 = arith.select %eq3A_1639, %jit3A_1640, %jit3A_1637 : i32
      %rem3A_1642 = arith.remsi %select_n3A_1612, %select_n3A_1641 : i32
      %ne3A_1643 = arith.constant 0 : i32
      %ne3A_1644 = arith.cmpi ne, %rem3A_1642, %ne3A_1643 : i32
      %lt3A_1645 = arith.constant 0 : i32
      %lt3A_1646 = arith.cmpi slt, %rem3A_1642, %lt3A_1645 : i32
      %lt3A_1647 = arith.constant 0 : i32
      %lt3A_1648 = arith.cmpi slt, %select_n3A_1641, %lt3A_1647 : i32
      %ne3A_1649 = arith.xori %lt3A_1646, %lt3A_1648 : i1
      %and3A_1650 = arith.andi %ne3A_1649, %ne3A_1644 : i1
      %add3A_1651 = arith.addi %rem3A_1642, %select_n3A_1641 : i32
      %select_n3A_1652 = arith.select %and3A_1650, %add3A_1651, %rem3A_1642 : i32
      %dma_start3A_1653 = arith.constant 160 : i32
      %dma_start3A_1654 = arith.constant 0 : i32
      %dma_start3A_1655 = arith.constant 0 : i32
      %dma_start3A_1656 = tpu.memref_slice %arg7[%dma_start3A_1653, %dma_start3A_1654, %dma_start3A_1655] : memref<256x2x128xf32, #tpu.memory_space<vmem>> -> memref<32x2x128xf32, #tpu.memory_space<vmem>>
      %dma_start3A_1657 = arith.constant 160 : i32
      %dma_start3A_1658 = arith.constant 0 : i32
      %dma_start3A_1659 = arith.constant 0 : i32
      %dma_start3A_1660 = tpu.memref_slice %arg4[%select_n3A_1596, %dma_start3A_1657, %select_n3A_1636, %dma_start3A_1658, %select_n3A_1652, %dma_start3A_1659] : memref<4x256x12x2x8x128xf32, #tpu.memory_space<hbm>> -> memref<1x32x1x2x1x128xf32, #tpu.memory_space<hbm>>
      %dma_start3A_1661 = tpu.memref_squeeze %dma_start3A_1660 : memref<1x32x1x2x1x128xf32, #tpu.memory_space<hbm>> -> memref<32x2x128xf32, #tpu.memory_space<hbm>>
      %dma_start3A_1662 = arith.constant 160 : i32
      %dma_start3A_1663 = arith.constant 0 : i32
      %dma_start3A_1664 = arith.constant 0 : i32
      %dma_start3A_1665 = tpu.memref_slice %arg4[%select_n3A_1596, %dma_start3A_1662, %select_n3A_1636, %dma_start3A_1663, %select_n3A_1652, %dma_start3A_1664] : memref<4x256x12x2x8x128xf32, #tpu.memory_space<hbm>> -> memref<1x32x1x2x1x128xf32, #tpu.memory_space<hbm>>
      %dma_start3A_1666 = tpu.memref_squeeze %dma_start3A_1665 : memref<1x32x1x2x1x128xf32, #tpu.memory_space<hbm>> -> memref<32x2x128xf32, #tpu.memory_space<hbm>>
      %dma_start3A_1667 = arith.constant 160 : i32
      %dma_start3A_1668 = arith.constant 0 : i32
      %dma_start3A_1669 = arith.constant 0 : i32
      %dma_start3A_1670 = tpu.memref_slice %arg7[%dma_start3A_1667, %dma_start3A_1668, %dma_start3A_1669] : memref<256x2x128xf32, #tpu.memory_space<vmem>> -> memref<32x2x128xf32, #tpu.memory_space<vmem>>
      tpu.enqueue_dma source(%dma_start3A_1670 : memref<32x2x128xf32, #tpu.memory_space<vmem>>) target(%dma_start3A_1666 : memref<32x2x128xf32, #tpu.memory_space<hbm>>) target_semaphore(%arg14 : memref<!tpu.dma_semaphore, #tpu.memory_space<semaphore_mem>>)
      %add3A_1671 = arith.addi %mul3A_2, %scan3A_894 : i32
      %jit3A_1672 = arith.constant 96 : i32
      %div3A_1673 = arith.divsi %add3A_1671, %jit3A_1672 : i32
      %sign3A_1674 = arith.constant 0 : i32
      %sign3A_1675 = arith.cmpi sgt, %add3A_1671, %sign3A_1674 : i32
      %sign3A_1676 = arith.extui %sign3A_1675 : i1 to i32
      %sign3A_1677 = arith.constant 0 : i32
      %sign3A_1678 = arith.cmpi slt, %add3A_1671, %sign3A_1677 : i32
      %sign3A_1679 = arith.extui %sign3A_1678 : i1 to i32
      %sign3A_1680 = arith.subi %sign3A_1676, %sign3A_1679 : i32
      %sign3A_1681 = arith.constant 0 : i32
      %sign3A_1682 = arith.cmpi sgt, %jit3A_1672, %sign3A_1681 : i32
      %sign3A_1683 = arith.extui %sign3A_1682 : i1 to i32
      %sign3A_1684 = arith.constant 0 : i32
      %sign3A_1685 = arith.cmpi slt, %jit3A_1672, %sign3A_1684 : i32
      %sign3A_1686 = arith.extui %sign3A_1685 : i1 to i32
      %sign3A_1687 = arith.subi %sign3A_1683, %sign3A_1686 : i32
      %ne3A_1688 = arith.cmpi ne, %sign3A_1680, %sign3A_1687 : i32
      %rem3A_1689 = arith.remsi %add3A_1671, %jit3A_1672 : i32
      %ne3A_1690 = arith.constant 0 : i32
      %ne3A_1691 = arith.cmpi ne, %rem3A_1689, %ne3A_1690 : i32
      %and3A_1692 = arith.andi %ne3A_1688, %ne3A_1691 : i1
      %sub3A_1693 = arith.constant 1 : i32
      %sub3A_1694 = arith.subi %div3A_1673, %sub3A_1693 : i32
      %select_n3A_1695 = arith.select %and3A_1692, %sub3A_1694, %div3A_1673 : i32
      %jit3A_1696 = arith.constant 96 : i32
      %eq3A_1697 = arith.constant 0 : i32
      %eq3A_1698 = arith.cmpi eq, %jit3A_1696, %eq3A_1697 : i32
      %jit3A_1699 = arith.constant 1 : i32
      %select_n3A_1700 = arith.select %eq3A_1698, %jit3A_1699, %jit3A_1696 : i32
      %rem3A_1701 = arith.remsi %add3A_1671, %select_n3A_1700 : i32
      %ne3A_1702 = arith.constant 0 : i32
      %ne3A_1703 = arith.cmpi ne, %rem3A_1701, %ne3A_1702 : i32
      %lt3A_1704 = arith.constant 0 : i32
      %lt3A_1705 = arith.cmpi slt, %rem3A_1701, %lt3A_1704 : i32
      %lt3A_1706 = arith.constant 0 : i32
      %lt3A_1707 = arith.cmpi slt, %select_n3A_1700, %lt3A_1706 : i32
      %ne3A_1708 = arith.xori %lt3A_1705, %lt3A_1707 : i1
      %and3A_1709 = arith.andi %ne3A_1708, %ne3A_1703 : i1
      %add3A_1710 = arith.addi %rem3A_1701, %select_n3A_1700 : i32
      %select_n3A_1711 = arith.select %and3A_1709, %add3A_1710, %rem3A_1701 : i32
      %jit3A_1712 = arith.constant 8 : i32
      %div3A_1713 = arith.divsi %select_n3A_1711, %jit3A_1712 : i32
      %sign3A_1714 = arith.constant 0 : i32
      %sign3A_1715 = arith.cmpi sgt, %select_n3A_1711, %sign3A_1714 : i32
      %sign3A_1716 = arith.extui %sign3A_1715 : i1 to i32
      %sign3A_1717 = arith.constant 0 : i32
      %sign3A_1718 = arith.cmpi slt, %select_n3A_1711, %sign3A_1717 : i32
      %sign3A_1719 = arith.extui %sign3A_1718 : i1 to i32
      %sign3A_1720 = arith.subi %sign3A_1716, %sign3A_1719 : i32
      %sign3A_1721 = arith.constant 0 : i32
      %sign3A_1722 = arith.cmpi sgt, %jit3A_1712, %sign3A_1721 : i32
      %sign3A_1723 = arith.extui %sign3A_1722 : i1 to i32
      %sign3A_1724 = arith.constant 0 : i32
      %sign3A_1725 = arith.cmpi slt, %jit3A_1712, %sign3A_1724 : i32
      %sign3A_1726 = arith.extui %sign3A_1725 : i1 to i32
      %sign3A_1727 = arith.subi %sign3A_1723, %sign3A_1726 : i32
      %ne3A_1728 = arith.cmpi ne, %sign3A_1720, %sign3A_1727 : i32
      %rem3A_1729 = arith.remsi %select_n3A_1711, %jit3A_1712 : i32
      %ne3A_1730 = arith.constant 0 : i32
      %ne3A_1731 = arith.cmpi ne, %rem3A_1729, %ne3A_1730 : i32
      %and3A_1732 = arith.andi %ne3A_1728, %ne3A_1731 : i1
      %sub3A_1733 = arith.constant 1 : i32
      %sub3A_1734 = arith.subi %div3A_1713, %sub3A_1733 : i32
      %select_n3A_1735 = arith.select %and3A_1732, %sub3A_1734, %div3A_1713 : i32
      %jit3A_1736 = arith.constant 8 : i32
      %eq3A_1737 = arith.constant 0 : i32
      %eq3A_1738 = arith.cmpi eq, %jit3A_1736, %eq3A_1737 : i32
      %jit3A_1739 = arith.constant 1 : i32
      %select_n3A_1740 = arith.select %eq3A_1738, %jit3A_1739, %jit3A_1736 : i32
      %rem3A_1741 = arith.remsi %select_n3A_1711, %select_n3A_1740 : i32
      %ne3A_1742 = arith.constant 0 : i32
      %ne3A_1743 = arith.cmpi ne, %rem3A_1741, %ne3A_1742 : i32
      %lt3A_1744 = arith.constant 0 : i32
      %lt3A_1745 = arith.cmpi slt, %rem3A_1741, %lt3A_1744 : i32
      %lt3A_1746 = arith.constant 0 : i32
      %lt3A_1747 = arith.cmpi slt, %select_n3A_1740, %lt3A_1746 : i32
      %ne3A_1748 = arith.xori %lt3A_1745, %lt3A_1747 : i1
      %and3A_1749 = arith.andi %ne3A_1748, %ne3A_1743 : i1
      %add3A_1750 = arith.addi %rem3A_1741, %select_n3A_1740 : i32
      %select_n3A_1751 = arith.select %and3A_1749, %add3A_1750, %rem3A_1741 : i32
      %dma_start3A_1752 = arith.constant 192 : i32
      %dma_start3A_1753 = arith.constant 0 : i32
      %dma_start3A_1754 = arith.constant 0 : i32
      %dma_start3A_1755 = tpu.memref_slice %arg7[%dma_start3A_1752, %dma_start3A_1753, %dma_start3A_1754] : memref<256x2x128xf32, #tpu.memory_space<vmem>> -> memref<32x2x128xf32, #tpu.memory_space<vmem>>
      %dma_start3A_1756 = arith.constant 192 : i32
      %dma_start3A_1757 = arith.constant 0 : i32
      %dma_start3A_1758 = arith.constant 0 : i32
      %dma_start3A_1759 = tpu.memref_slice %arg4[%select_n3A_1695, %dma_start3A_1756, %select_n3A_1735, %dma_start3A_1757, %select_n3A_1751, %dma_start3A_1758] : memref<4x256x12x2x8x128xf32, #tpu.memory_space<hbm>> -> memref<1x32x1x2x1x128xf32, #tpu.memory_space<hbm>>
      %dma_start3A_1760 = tpu.memref_squeeze %dma_start3A_1759 : memref<1x32x1x2x1x128xf32, #tpu.memory_space<hbm>> -> memref<32x2x128xf32, #tpu.memory_space<hbm>>
      %dma_start3A_1761 = arith.constant 192 : i32
      %dma_start3A_1762 = arith.constant 0 : i32
      %dma_start3A_1763 = arith.constant 0 : i32
      %dma_start3A_1764 = tpu.memref_slice %arg4[%select_n3A_1695, %dma_start3A_1761, %select_n3A_1735, %dma_start3A_1762, %select_n3A_1751, %dma_start3A_1763] : memref<4x256x12x2x8x128xf32, #tpu.memory_space<hbm>> -> memref<1x32x1x2x1x128xf32, #tpu.memory_space<hbm>>
      %dma_start3A_1765 = tpu.memref_squeeze %dma_start3A_1764 : memref<1x32x1x2x1x128xf32, #tpu.memory_space<hbm>> -> memref<32x2x128xf32, #tpu.memory_space<hbm>>
      %dma_start3A_1766 = arith.constant 192 : i32
      %dma_start3A_1767 = arith.constant 0 : i32
      %dma_start3A_1768 = arith.constant 0 : i32
      %dma_start3A_1769 = tpu.memref_slice %arg7[%dma_start3A_1766, %dma_start3A_1767, %dma_start3A_1768] : memref<256x2x128xf32, #tpu.memory_space<vmem>> -> memref<32x2x128xf32, #tpu.memory_space<vmem>>
      tpu.enqueue_dma source(%dma_start3A_1769 : memref<32x2x128xf32, #tpu.memory_space<vmem>>) target(%dma_start3A_1765 : memref<32x2x128xf32, #tpu.memory_space<hbm>>) target_semaphore(%arg15 : memref<!tpu.dma_semaphore, #tpu.memory_space<semaphore_mem>>)
      %add3A_1770 = arith.addi %mul3A_2, %scan3A_894 : i32
      %jit3A_1771 = arith.constant 96 : i32
      %div3A_1772 = arith.divsi %add3A_1770, %jit3A_1771 : i32
      %sign3A_1773 = arith.constant 0 : i32
      %sign3A_1774 = arith.cmpi sgt, %add3A_1770, %sign3A_1773 : i32
      %sign3A_1775 = arith.extui %sign3A_1774 : i1 to i32
      %sign3A_1776 = arith.constant 0 : i32
      %sign3A_1777 = arith.cmpi slt, %add3A_1770, %sign3A_1776 : i32
      %sign3A_1778 = arith.extui %sign3A_1777 : i1 to i32
      %sign3A_1779 = arith.subi %sign3A_1775, %sign3A_1778 : i32
      %sign3A_1780 = arith.constant 0 : i32
      %sign3A_1781 = arith.cmpi sgt, %jit3A_1771, %sign3A_1780 : i32
      %sign3A_1782 = arith.extui %sign3A_1781 : i1 to i32
      %sign3A_1783 = arith.constant 0 : i32
      %sign3A_1784 = arith.cmpi slt, %jit3A_1771, %sign3A_1783 : i32
      %sign3A_1785 = arith.extui %sign3A_1784 : i1 to i32
      %sign3A_1786 = arith.subi %sign3A_1782, %sign3A_1785 : i32
      %ne3A_1787 = arith.cmpi ne, %sign3A_1779, %sign3A_1786 : i32
      %rem3A_1788 = arith.remsi %add3A_1770, %jit3A_1771 : i32
      %ne3A_1789 = arith.constant 0 : i32
      %ne3A_1790 = arith.cmpi ne, %rem3A_1788, %ne3A_1789 : i32
      %and3A_1791 = arith.andi %ne3A_1787, %ne3A_1790 : i1
      %sub3A_1792 = arith.constant 1 : i32
      %sub3A_1793 = arith.subi %div3A_1772, %sub3A_1792 : i32
      %select_n3A_1794 = arith.select %and3A_1791, %sub3A_1793, %div3A_1772 : i32
      %jit3A_1795 = arith.constant 96 : i32
      %eq3A_1796 = arith.constant 0 : i32
      %eq3A_1797 = arith.cmpi eq, %jit3A_1795, %eq3A_1796 : i32
      %jit3A_1798 = arith.constant 1 : i32
      %select_n3A_1799 = arith.select %eq3A_1797, %jit3A_1798, %jit3A_1795 : i32
      %rem3A_1800 = arith.remsi %add3A_1770, %select_n3A_1799 : i32
      %ne3A_1801 = arith.constant 0 : i32
      %ne3A_1802 = arith.cmpi ne, %rem3A_1800, %ne3A_1801 : i32
      %lt3A_1803 = arith.constant 0 : i32
      %lt3A_1804 = arith.cmpi slt, %rem3A_1800, %lt3A_1803 : i32
      %lt3A_1805 = arith.constant 0 : i32
      %lt3A_1806 = arith.cmpi slt, %select_n3A_1799, %lt3A_1805 : i32
      %ne3A_1807 = arith.xori %lt3A_1804, %lt3A_1806 : i1
      %and3A_1808 = arith.andi %ne3A_1807, %ne3A_1802 : i1
      %add3A_1809 = arith.addi %rem3A_1800, %select_n3A_1799 : i32
      %select_n3A_1810 = arith.select %and3A_1808, %add3A_1809, %rem3A_1800 : i32
      %jit3A_1811 = arith.constant 8 : i32
      %div3A_1812 = arith.divsi %select_n3A_1810, %jit3A_1811 : i32
      %sign3A_1813 = arith.constant 0 : i32
      %sign3A_1814 = arith.cmpi sgt, %select_n3A_1810, %sign3A_1813 : i32
      %sign3A_1815 = arith.extui %sign3A_1814 : i1 to i32
      %sign3A_1816 = arith.constant 0 : i32
      %sign3A_1817 = arith.cmpi slt, %select_n3A_1810, %sign3A_1816 : i32
      %sign3A_1818 = arith.extui %sign3A_1817 : i1 to i32
      %sign3A_1819 = arith.subi %sign3A_1815, %sign3A_1818 : i32
      %sign3A_1820 = arith.constant 0 : i32
      %sign3A_1821 = arith.cmpi sgt, %jit3A_1811, %sign3A_1820 : i32
      %sign3A_1822 = arith.extui %sign3A_1821 : i1 to i32
      %sign3A_1823 = arith.constant 0 : i32
      %sign3A_1824 = arith.cmpi slt, %jit3A_1811, %sign3A_1823 : i32
      %sign3A_1825 = arith.extui %sign3A_1824 : i1 to i32
      %sign3A_1826 = arith.subi %sign3A_1822, %sign3A_1825 : i32
      %ne3A_1827 = arith.cmpi ne, %sign3A_1819, %sign3A_1826 : i32
      %rem3A_1828 = arith.remsi %select_n3A_1810, %jit3A_1811 : i32
      %ne3A_1829 = arith.constant 0 : i32
      %ne3A_1830 = arith.cmpi ne, %rem3A_1828, %ne3A_1829 : i32
      %and3A_1831 = arith.andi %ne3A_1827, %ne3A_1830 : i1
      %sub3A_1832 = arith.constant 1 : i32
      %sub3A_1833 = arith.subi %div3A_1812, %sub3A_1832 : i32
      %select_n3A_1834 = arith.select %and3A_1831, %sub3A_1833, %div3A_1812 : i32
      %jit3A_1835 = arith.constant 8 : i32
      %eq3A_1836 = arith.constant 0 : i32
      %eq3A_1837 = arith.cmpi eq, %jit3A_1835, %eq3A_1836 : i32
      %jit3A_1838 = arith.constant 1 : i32
      %select_n3A_1839 = arith.select %eq3A_1837, %jit3A_1838, %jit3A_1835 : i32
      %rem3A_1840 = arith.remsi %select_n3A_1810, %select_n3A_1839 : i32
      %ne3A_1841 = arith.constant 0 : i32
      %ne3A_1842 = arith.cmpi ne, %rem3A_1840, %ne3A_1841 : i32
      %lt3A_1843 = arith.constant 0 : i32
      %lt3A_1844 = arith.cmpi slt, %rem3A_1840, %lt3A_1843 : i32
      %lt3A_1845 = arith.constant 0 : i32
      %lt3A_1846 = arith.cmpi slt, %select_n3A_1839, %lt3A_1845 : i32
      %ne3A_1847 = arith.xori %lt3A_1844, %lt3A_1846 : i1
      %and3A_1848 = arith.andi %ne3A_1847, %ne3A_1842 : i1
      %add3A_1849 = arith.addi %rem3A_1840, %select_n3A_1839 : i32
      %select_n3A_1850 = arith.select %and3A_1848, %add3A_1849, %rem3A_1840 : i32
      %dma_start3A_1851 = arith.constant 224 : i32
      %dma_start3A_1852 = arith.constant 0 : i32
      %dma_start3A_1853 = arith.constant 0 : i32
      %dma_start3A_1854 = tpu.memref_slice %arg7[%dma_start3A_1851, %dma_start3A_1852, %dma_start3A_1853] : memref<256x2x128xf32, #tpu.memory_space<vmem>> -> memref<32x2x128xf32, #tpu.memory_space<vmem>>
      %dma_start3A_1855 = arith.constant 224 : i32
      %dma_start3A_1856 = arith.constant 0 : i32
      %dma_start3A_1857 = arith.constant 0 : i32
      %dma_start3A_1858 = tpu.memref_slice %arg4[%select_n3A_1794, %dma_start3A_1855, %select_n3A_1834, %dma_start3A_1856, %select_n3A_1850, %dma_start3A_1857] : memref<4x256x12x2x8x128xf32, #tpu.memory_space<hbm>> -> memref<1x32x1x2x1x128xf32, #tpu.memory_space<hbm>>
      %dma_start3A_1859 = tpu.memref_squeeze %dma_start3A_1858 : memref<1x32x1x2x1x128xf32, #tpu.memory_space<hbm>> -> memref<32x2x128xf32, #tpu.memory_space<hbm>>
      %dma_start3A_1860 = arith.constant 224 : i32
      %dma_start3A_1861 = arith.constant 0 : i32
      %dma_start3A_1862 = arith.constant 0 : i32
      %dma_start3A_1863 = tpu.memref_slice %arg4[%select_n3A_1794, %dma_start3A_1860, %select_n3A_1834, %dma_start3A_1861, %select_n3A_1850, %dma_start3A_1862] : memref<4x256x12x2x8x128xf32, #tpu.memory_space<hbm>> -> memref<1x32x1x2x1x128xf32, #tpu.memory_space<hbm>>
      %dma_start3A_1864 = tpu.memref_squeeze %dma_start3A_1863 : memref<1x32x1x2x1x128xf32, #tpu.memory_space<hbm>> -> memref<32x2x128xf32, #tpu.memory_space<hbm>>
      %dma_start3A_1865 = arith.constant 224 : i32
      %dma_start3A_1866 = arith.constant 0 : i32
      %dma_start3A_1867 = arith.constant 0 : i32
      %dma_start3A_1868 = tpu.memref_slice %arg7[%dma_start3A_1865, %dma_start3A_1866, %dma_start3A_1867] : memref<256x2x128xf32, #tpu.memory_space<vmem>> -> memref<32x2x128xf32, #tpu.memory_space<vmem>>
      tpu.enqueue_dma source(%dma_start3A_1868 : memref<32x2x128xf32, #tpu.memory_space<vmem>>) target(%dma_start3A_1864 : memref<32x2x128xf32, #tpu.memory_space<hbm>>) target_semaphore(%arg16 : memref<!tpu.dma_semaphore, #tpu.memory_space<semaphore_mem>>)
    }
    %scan3A_94 = arith.constant 12 : i32
    %add3A_95 = arith.constant 11 : i32
    %add3A_96 = arith.addi %mul3A_2, %add3A_95 : i32
    %jit3A_97 = arith.constant 96 : i32
    %div3A_98 = arith.divsi %add3A_96, %jit3A_97 : i32
    %sign3A_99 = arith.constant 0 : i32
    %sign3A_100 = arith.cmpi sgt, %add3A_96, %sign3A_99 : i32
    %sign3A_101 = arith.extui %sign3A_100 : i1 to i32
    %sign3A_102 = arith.constant 0 : i32
    %sign3A_103 = arith.cmpi slt, %add3A_96, %sign3A_102 : i32
    %sign3A_104 = arith.extui %sign3A_103 : i1 to i32
    %sign3A_105 = arith.subi %sign3A_101, %sign3A_104 : i32
    %sign3A_106 = arith.constant 0 : i32
    %sign3A_107 = arith.cmpi sgt, %jit3A_97, %sign3A_106 : i32
    %sign3A_108 = arith.extui %sign3A_107 : i1 to i32
    %sign3A_109 = arith.constant 0 : i32
    %sign3A_110 = arith.cmpi slt, %jit3A_97, %sign3A_109 : i32
    %sign3A_111 = arith.extui %sign3A_110 : i1 to i32
    %sign3A_112 = arith.subi %sign3A_108, %sign3A_111 : i32
    %ne3A_113 = arith.cmpi ne, %sign3A_105, %sign3A_112 : i32
    %rem3A_114 = arith.remsi %add3A_96, %jit3A_97 : i32
    %ne3A_115 = arith.constant 0 : i32
    %ne3A_116 = arith.cmpi ne, %rem3A_114, %ne3A_115 : i32
    %and3A_117 = arith.andi %ne3A_113, %ne3A_116 : i1
    %sub3A_118 = arith.constant 1 : i32
    %sub3A_119 = arith.subi %div3A_98, %sub3A_118 : i32
    %select_n3A_120 = arith.select %and3A_117, %sub3A_119, %div3A_98 : i32
    %jit3A_121 = arith.constant 96 : i32
    %eq3A_122 = arith.constant 0 : i32
    %eq3A_123 = arith.cmpi eq, %jit3A_121, %eq3A_122 : i32
    %jit3A_124 = arith.constant 1 : i32
    %select_n3A_125 = arith.select %eq3A_123, %jit3A_124, %jit3A_121 : i32
    %rem3A_126 = arith.remsi %add3A_96, %select_n3A_125 : i32
    %ne3A_127 = arith.constant 0 : i32
    %ne3A_128 = arith.cmpi ne, %rem3A_126, %ne3A_127 : i32
    %lt3A_129 = arith.constant 0 : i32
    %lt3A_130 = arith.cmpi slt, %rem3A_126, %lt3A_129 : i32
    %lt3A_131 = arith.constant 0 : i32
    %lt3A_132 = arith.cmpi slt, %select_n3A_125, %lt3A_131 : i32
    %ne3A_133 = arith.xori %lt3A_130, %lt3A_132 : i1
    %and3A_134 = arith.andi %ne3A_133, %ne3A_128 : i1
    %add3A_135 = arith.addi %rem3A_126, %select_n3A_125 : i32
    %select_n3A_136 = arith.select %and3A_134, %add3A_135, %rem3A_126 : i32
    %jit3A_137 = arith.constant 8 : i32
    %div3A_138 = arith.divsi %select_n3A_136, %jit3A_137 : i32
    %sign3A_139 = arith.constant 0 : i32
    %sign3A_140 = arith.cmpi sgt, %select_n3A_136, %sign3A_139 : i32
    %sign3A_141 = arith.extui %sign3A_140 : i1 to i32
    %sign3A_142 = arith.constant 0 : i32
    %sign3A_143 = arith.cmpi slt, %select_n3A_136, %sign3A_142 : i32
    %sign3A_144 = arith.extui %sign3A_143 : i1 to i32
    %sign3A_145 = arith.subi %sign3A_141, %sign3A_144 : i32
    %sign3A_146 = arith.constant 0 : i32
    %sign3A_147 = arith.cmpi sgt, %jit3A_137, %sign3A_146 : i32
    %sign3A_148 = arith.extui %sign3A_147 : i1 to i32
    %sign3A_149 = arith.constant 0 : i32
    %sign3A_150 = arith.cmpi slt, %jit3A_137, %sign3A_149 : i32
    %sign3A_151 = arith.extui %sign3A_150 : i1 to i32
    %sign3A_152 = arith.subi %sign3A_148, %sign3A_151 : i32
    %ne3A_153 = arith.cmpi ne, %sign3A_145, %sign3A_152 : i32
    %rem3A_154 = arith.remsi %select_n3A_136, %jit3A_137 : i32
    %ne3A_155 = arith.constant 0 : i32
    %ne3A_156 = arith.cmpi ne, %rem3A_154, %ne3A_155 : i32
    %and3A_157 = arith.andi %ne3A_153, %ne3A_156 : i1
    %sub3A_158 = arith.constant 1 : i32
    %sub3A_159 = arith.subi %div3A_138, %sub3A_158 : i32
    %select_n3A_160 = arith.select %and3A_157, %sub3A_159, %div3A_138 : i32
    %jit3A_161 = arith.constant 8 : i32
    %eq3A_162 = arith.constant 0 : i32
    %eq3A_163 = arith.cmpi eq, %jit3A_161, %eq3A_162 : i32
    %jit3A_164 = arith.constant 1 : i32
    %select_n3A_165 = arith.select %eq3A_163, %jit3A_164, %jit3A_161 : i32
    %rem3A_166 = arith.remsi %select_n3A_136, %select_n3A_165 : i32
    %ne3A_167 = arith.constant 0 : i32
    %ne3A_168 = arith.cmpi ne, %rem3A_166, %ne3A_167 : i32
    %lt3A_169 = arith.constant 0 : i32
    %lt3A_170 = arith.cmpi slt, %rem3A_166, %lt3A_169 : i32
    %lt3A_171 = arith.constant 0 : i32
    %lt3A_172 = arith.cmpi slt, %select_n3A_165, %lt3A_171 : i32
    %ne3A_173 = arith.xori %lt3A_170, %lt3A_172 : i1
    %and3A_174 = arith.andi %ne3A_173, %ne3A_168 : i1
    %add3A_175 = arith.addi %rem3A_166, %select_n3A_165 : i32
    %select_n3A_176 = arith.select %and3A_174, %add3A_175, %rem3A_166 : i32
    %dma_wait3A = arith.constant 0 : i32
    %dma_wait3A_177 = arith.constant 0 : i32
    %dma_wait3A_178 = arith.constant 0 : i32
    %dma_wait3A_179 = tpu.memref_slice %arg7[%dma_wait3A, %dma_wait3A_177, %dma_wait3A_178] : memref<256x2x128xf32, #tpu.memory_space<vmem>> -> memref<32x2x128xf32, #tpu.memory_space<vmem>>
    %dma_wait3A_180 = arith.constant 0 : i32
    %dma_wait3A_181 = arith.constant 0 : i32
    %dma_wait3A_182 = arith.constant 0 : i32
    %dma_wait3A_183 = tpu.memref_slice %arg4[%select_n3A_120, %dma_wait3A_180, %select_n3A_160, %dma_wait3A_181, %select_n3A_176, %dma_wait3A_182] : memref<4x256x12x2x8x128xf32, #tpu.memory_space<hbm>> -> memref<1x32x1x2x1x128xf32, #tpu.memory_space<hbm>>
    %dma_wait3A_184 = tpu.memref_squeeze %dma_wait3A_183 : memref<1x32x1x2x1x128xf32, #tpu.memory_space<hbm>> -> memref<32x2x128xf32, #tpu.memory_space<hbm>>
    %dma_wait3A_185 = arith.constant 0 : i32
    %dma_wait3A_186 = arith.constant 0 : i32
    %dma_wait3A_187 = arith.constant 0 : i32
    %dma_wait3A_188 = tpu.memref_slice %arg4[%select_n3A_120, %dma_wait3A_185, %select_n3A_160, %dma_wait3A_186, %select_n3A_176, %dma_wait3A_187] : memref<4x256x12x2x8x128xf32, #tpu.memory_space<hbm>> -> memref<1x32x1x2x1x128xf32, #tpu.memory_space<hbm>>
    %dma_wait3A_189 = tpu.memref_squeeze %dma_wait3A_188 : memref<1x32x1x2x1x128xf32, #tpu.memory_space<hbm>> -> memref<32x2x128xf32, #tpu.memory_space<hbm>>
    %dma_wait3A_190 = arith.constant 0 : i32
    %dma_wait3A_191 = arith.constant 0 : i32
    %dma_wait3A_192 = arith.constant 0 : i32
    %dma_wait3A_193 = tpu.memref_slice %arg7[%dma_wait3A_190, %dma_wait3A_191, %dma_wait3A_192] : memref<256x2x128xf32, #tpu.memory_space<vmem>> -> memref<32x2x128xf32, #tpu.memory_space<vmem>>
    tpu.wait_dma2 semaphore(%arg9 : memref<!tpu.dma_semaphore, #tpu.memory_space<semaphore_mem>>) src(%dma_wait3A_193 : memref<32x2x128xf32, #tpu.memory_space<vmem>>) dst(%dma_wait3A_189 : memref<32x2x128xf32, #tpu.memory_space<hbm>>)
    %add3A_194 = arith.constant 11 : i32
    %add3A_195 = arith.addi %mul3A_2, %add3A_194 : i32
    %jit3A_196 = arith.constant 96 : i32
    %div3A_197 = arith.divsi %add3A_195, %jit3A_196 : i32
    %sign3A_198 = arith.constant 0 : i32
    %sign3A_199 = arith.cmpi sgt, %add3A_195, %sign3A_198 : i32
    %sign3A_200 = arith.extui %sign3A_199 : i1 to i32
    %sign3A_201 = arith.constant 0 : i32
    %sign3A_202 = arith.cmpi slt, %add3A_195, %sign3A_201 : i32
    %sign3A_203 = arith.extui %sign3A_202 : i1 to i32
    %sign3A_204 = arith.subi %sign3A_200, %sign3A_203 : i32
    %sign3A_205 = arith.constant 0 : i32
    %sign3A_206 = arith.cmpi sgt, %jit3A_196, %sign3A_205 : i32
    %sign3A_207 = arith.extui %sign3A_206 : i1 to i32
    %sign3A_208 = arith.constant 0 : i32
    %sign3A_209 = arith.cmpi slt, %jit3A_196, %sign3A_208 : i32
    %sign3A_210 = arith.extui %sign3A_209 : i1 to i32
    %sign3A_211 = arith.subi %sign3A_207, %sign3A_210 : i32
    %ne3A_212 = arith.cmpi ne, %sign3A_204, %sign3A_211 : i32
    %rem3A_213 = arith.remsi %add3A_195, %jit3A_196 : i32
    %ne3A_214 = arith.constant 0 : i32
    %ne3A_215 = arith.cmpi ne, %rem3A_213, %ne3A_214 : i32
    %and3A_216 = arith.andi %ne3A_212, %ne3A_215 : i1
    %sub3A_217 = arith.constant 1 : i32
    %sub3A_218 = arith.subi %div3A_197, %sub3A_217 : i32
    %select_n3A_219 = arith.select %and3A_216, %sub3A_218, %div3A_197 : i32
    %jit3A_220 = arith.constant 96 : i32
    %eq3A_221 = arith.constant 0 : i32
    %eq3A_222 = arith.cmpi eq, %jit3A_220, %eq3A_221 : i32
    %jit3A_223 = arith.constant 1 : i32
    %select_n3A_224 = arith.select %eq3A_222, %jit3A_223, %jit3A_220 : i32
    %rem3A_225 = arith.remsi %add3A_195, %select_n3A_224 : i32
    %ne3A_226 = arith.constant 0 : i32
    %ne3A_227 = arith.cmpi ne, %rem3A_225, %ne3A_226 : i32
    %lt3A_228 = arith.constant 0 : i32
    %lt3A_229 = arith.cmpi slt, %rem3A_225, %lt3A_228 : i32
    %lt3A_230 = arith.constant 0 : i32
    %lt3A_231 = arith.cmpi slt, %select_n3A_224, %lt3A_230 : i32
    %ne3A_232 = arith.xori %lt3A_229, %lt3A_231 : i1
    %and3A_233 = arith.andi %ne3A_232, %ne3A_227 : i1
    %add3A_234 = arith.addi %rem3A_225, %select_n3A_224 : i32
    %select_n3A_235 = arith.select %and3A_233, %add3A_234, %rem3A_225 : i32
    %jit3A_236 = arith.constant 8 : i32
    %div3A_237 = arith.divsi %select_n3A_235, %jit3A_236 : i32
    %sign3A_238 = arith.constant 0 : i32
    %sign3A_239 = arith.cmpi sgt, %select_n3A_235, %sign3A_238 : i32
    %sign3A_240 = arith.extui %sign3A_239 : i1 to i32
    %sign3A_241 = arith.constant 0 : i32
    %sign3A_242 = arith.cmpi slt, %select_n3A_235, %sign3A_241 : i32
    %sign3A_243 = arith.extui %sign3A_242 : i1 to i32
    %sign3A_244 = arith.subi %sign3A_240, %sign3A_243 : i32
    %sign3A_245 = arith.constant 0 : i32
    %sign3A_246 = arith.cmpi sgt, %jit3A_236, %sign3A_245 : i32
    %sign3A_247 = arith.extui %sign3A_246 : i1 to i32
    %sign3A_248 = arith.constant 0 : i32
    %sign3A_249 = arith.cmpi slt, %jit3A_236, %sign3A_248 : i32
    %sign3A_250 = arith.extui %sign3A_249 : i1 to i32
    %sign3A_251 = arith.subi %sign3A_247, %sign3A_250 : i32
    %ne3A_252 = arith.cmpi ne, %sign3A_244, %sign3A_251 : i32
    %rem3A_253 = arith.remsi %select_n3A_235, %jit3A_236 : i32
    %ne3A_254 = arith.constant 0 : i32
    %ne3A_255 = arith.cmpi ne, %rem3A_253, %ne3A_254 : i32
    %and3A_256 = arith.andi %ne3A_252, %ne3A_255 : i1
    %sub3A_257 = arith.constant 1 : i32
    %sub3A_258 = arith.subi %div3A_237, %sub3A_257 : i32
    %select_n3A_259 = arith.select %and3A_256, %sub3A_258, %div3A_237 : i32
    %jit3A_260 = arith.constant 8 : i32
    %eq3A_261 = arith.constant 0 : i32
    %eq3A_262 = arith.cmpi eq, %jit3A_260, %eq3A_261 : i32
    %jit3A_263 = arith.constant 1 : i32
    %select_n3A_264 = arith.select %eq3A_262, %jit3A_263, %jit3A_260 : i32
    %rem3A_265 = arith.remsi %select_n3A_235, %select_n3A_264 : i32
    %ne3A_266 = arith.constant 0 : i32
    %ne3A_267 = arith.cmpi ne, %rem3A_265, %ne3A_266 : i32
    %lt3A_268 = arith.constant 0 : i32
    %lt3A_269 = arith.cmpi slt, %rem3A_265, %lt3A_268 : i32
    %lt3A_270 = arith.constant 0 : i32
    %lt3A_271 = arith.cmpi slt, %select_n3A_264, %lt3A_270 : i32
    %ne3A_272 = arith.xori %lt3A_269, %lt3A_271 : i1
    %and3A_273 = arith.andi %ne3A_272, %ne3A_267 : i1
    %add3A_274 = arith.addi %rem3A_265, %select_n3A_264 : i32
    %select_n3A_275 = arith.select %and3A_273, %add3A_274, %rem3A_265 : i32
    %dma_wait3A_276 = arith.constant 32 : i32
    %dma_wait3A_277 = arith.constant 0 : i32
    %dma_wait3A_278 = arith.constant 0 : i32
    %dma_wait3A_279 = tpu.memref_slice %arg7[%dma_wait3A_276, %dma_wait3A_277, %dma_wait3A_278] : memref<256x2x128xf32, #tpu.memory_space<vmem>> -> memref<32x2x128xf32, #tpu.memory_space<vmem>>
    %dma_wait3A_280 = arith.constant 32 : i32
    %dma_wait3A_281 = arith.constant 0 : i32
    %dma_wait3A_282 = arith.constant 0 : i32
    %dma_wait3A_283 = tpu.memref_slice %arg4[%select_n3A_219, %dma_wait3A_280, %select_n3A_259, %dma_wait3A_281, %select_n3A_275, %dma_wait3A_282] : memref<4x256x12x2x8x128xf32, #tpu.memory_space<hbm>> -> memref<1x32x1x2x1x128xf32, #tpu.memory_space<hbm>>
    %dma_wait3A_284 = tpu.memref_squeeze %dma_wait3A_283 : memref<1x32x1x2x1x128xf32, #tpu.memory_space<hbm>> -> memref<32x2x128xf32, #tpu.memory_space<hbm>>
    %dma_wait3A_285 = arith.constant 32 : i32
    %dma_wait3A_286 = arith.constant 0 : i32
    %dma_wait3A_287 = arith.constant 0 : i32
    %dma_wait3A_288 = tpu.memref_slice %arg4[%select_n3A_219, %dma_wait3A_285, %select_n3A_259, %dma_wait3A_286, %select_n3A_275, %dma_wait3A_287] : memref<4x256x12x2x8x128xf32, #tpu.memory_space<hbm>> -> memref<1x32x1x2x1x128xf32, #tpu.memory_space<hbm>>
    %dma_wait3A_289 = tpu.memref_squeeze %dma_wait3A_288 : memref<1x32x1x2x1x128xf32, #tpu.memory_space<hbm>> -> memref<32x2x128xf32, #tpu.memory_space<hbm>>
    %dma_wait3A_290 = arith.constant 32 : i32
    %dma_wait3A_291 = arith.constant 0 : i32
    %dma_wait3A_292 = arith.constant 0 : i32
    %dma_wait3A_293 = tpu.memref_slice %arg7[%dma_wait3A_290, %dma_wait3A_291, %dma_wait3A_292] : memref<256x2x128xf32, #tpu.memory_space<vmem>> -> memref<32x2x128xf32, #tpu.memory_space<vmem>>
    tpu.wait_dma2 semaphore(%arg10 : memref<!tpu.dma_semaphore, #tpu.memory_space<semaphore_mem>>) src(%dma_wait3A_293 : memref<32x2x128xf32, #tpu.memory_space<vmem>>) dst(%dma_wait3A_289 : memref<32x2x128xf32, #tpu.memory_space<hbm>>)
    %add3A_294 = arith.constant 11 : i32
    %add3A_295 = arith.addi %mul3A_2, %add3A_294 : i32
    %jit3A_296 = arith.constant 96 : i32
    %div3A_297 = arith.divsi %add3A_295, %jit3A_296 : i32
    %sign3A_298 = arith.constant 0 : i32
    %sign3A_299 = arith.cmpi sgt, %add3A_295, %sign3A_298 : i32
    %sign3A_300 = arith.extui %sign3A_299 : i1 to i32
    %sign3A_301 = arith.constant 0 : i32
    %sign3A_302 = arith.cmpi slt, %add3A_295, %sign3A_301 : i32
    %sign3A_303 = arith.extui %sign3A_302 : i1 to i32
    %sign3A_304 = arith.subi %sign3A_300, %sign3A_303 : i32
    %sign3A_305 = arith.constant 0 : i32
    %sign3A_306 = arith.cmpi sgt, %jit3A_296, %sign3A_305 : i32
    %sign3A_307 = arith.extui %sign3A_306 : i1 to i32
    %sign3A_308 = arith.constant 0 : i32
    %sign3A_309 = arith.cmpi slt, %jit3A_296, %sign3A_308 : i32
    %sign3A_310 = arith.extui %sign3A_309 : i1 to i32
    %sign3A_311 = arith.subi %sign3A_307, %sign3A_310 : i32
    %ne3A_312 = arith.cmpi ne, %sign3A_304, %sign3A_311 : i32
    %rem3A_313 = arith.remsi %add3A_295, %jit3A_296 : i32
    %ne3A_314 = arith.constant 0 : i32
    %ne3A_315 = arith.cmpi ne, %rem3A_313, %ne3A_314 : i32
    %and3A_316 = arith.andi %ne3A_312, %ne3A_315 : i1
    %sub3A_317 = arith.constant 1 : i32
    %sub3A_318 = arith.subi %div3A_297, %sub3A_317 : i32
    %select_n3A_319 = arith.select %and3A_316, %sub3A_318, %div3A_297 : i32
    %jit3A_320 = arith.constant 96 : i32
    %eq3A_321 = arith.constant 0 : i32
    %eq3A_322 = arith.cmpi eq, %jit3A_320, %eq3A_321 : i32
    %jit3A_323 = arith.constant 1 : i32
    %select_n3A_324 = arith.select %eq3A_322, %jit3A_323, %jit3A_320 : i32
    %rem3A_325 = arith.remsi %add3A_295, %select_n3A_324 : i32
    %ne3A_326 = arith.constant 0 : i32
    %ne3A_327 = arith.cmpi ne, %rem3A_325, %ne3A_326 : i32
    %lt3A_328 = arith.constant 0 : i32
    %lt3A_329 = arith.cmpi slt, %rem3A_325, %lt3A_328 : i32
    %lt3A_330 = arith.constant 0 : i32
    %lt3A_331 = arith.cmpi slt, %select_n3A_324, %lt3A_330 : i32
    %ne3A_332 = arith.xori %lt3A_329, %lt3A_331 : i1
    %and3A_333 = arith.andi %ne3A_332, %ne3A_327 : i1
    %add3A_334 = arith.addi %rem3A_325, %select_n3A_324 : i32
    %select_n3A_335 = arith.select %and3A_333, %add3A_334, %rem3A_325 : i32
    %jit3A_336 = arith.constant 8 : i32
    %div3A_337 = arith.divsi %select_n3A_335, %jit3A_336 : i32
    %sign3A_338 = arith.constant 0 : i32
    %sign3A_339 = arith.cmpi sgt, %select_n3A_335, %sign3A_338 : i32
    %sign3A_340 = arith.extui %sign3A_339 : i1 to i32
    %sign3A_341 = arith.constant 0 : i32
    %sign3A_342 = arith.cmpi slt, %select_n3A_335, %sign3A_341 : i32
    %sign3A_343 = arith.extui %sign3A_342 : i1 to i32
    %sign3A_344 = arith.subi %sign3A_340, %sign3A_343 : i32
    %sign3A_345 = arith.constant 0 : i32
    %sign3A_346 = arith.cmpi sgt, %jit3A_336, %sign3A_345 : i32
    %sign3A_347 = arith.extui %sign3A_346 : i1 to i32
    %sign3A_348 = arith.constant 0 : i32
    %sign3A_349 = arith.cmpi slt, %jit3A_336, %sign3A_348 : i32
    %sign3A_350 = arith.extui %sign3A_349 : i1 to i32
    %sign3A_351 = arith.subi %sign3A_347, %sign3A_350 : i32
    %ne3A_352 = arith.cmpi ne, %sign3A_344, %sign3A_351 : i32
    %rem3A_353 = arith.remsi %select_n3A_335, %jit3A_336 : i32
    %ne3A_354 = arith.constant 0 : i32
    %ne3A_355 = arith.cmpi ne, %rem3A_353, %ne3A_354 : i32
    %and3A_356 = arith.andi %ne3A_352, %ne3A_355 : i1
    %sub3A_357 = arith.constant 1 : i32
    %sub3A_358 = arith.subi %div3A_337, %sub3A_357 : i32
    %select_n3A_359 = arith.select %and3A_356, %sub3A_358, %div3A_337 : i32
    %jit3A_360 = arith.constant 8 : i32
    %eq3A_361 = arith.constant 0 : i32
    %eq3A_362 = arith.cmpi eq, %jit3A_360, %eq3A_361 : i32
    %jit3A_363 = arith.constant 1 : i32
    %select_n3A_364 = arith.select %eq3A_362, %jit3A_363, %jit3A_360 : i32
    %rem3A_365 = arith.remsi %select_n3A_335, %select_n3A_364 : i32
    %ne3A_366 = arith.constant 0 : i32
    %ne3A_367 = arith.cmpi ne, %rem3A_365, %ne3A_366 : i32
    %lt3A_368 = arith.constant 0 : i32
    %lt3A_369 = arith.cmpi slt, %rem3A_365, %lt3A_368 : i32
    %lt3A_370 = arith.constant 0 : i32
    %lt3A_371 = arith.cmpi slt, %select_n3A_364, %lt3A_370 : i32
    %ne3A_372 = arith.xori %lt3A_369, %lt3A_371 : i1
    %and3A_373 = arith.andi %ne3A_372, %ne3A_367 : i1
    %add3A_374 = arith.addi %rem3A_365, %select_n3A_364 : i32
    %select_n3A_375 = arith.select %and3A_373, %add3A_374, %rem3A_365 : i32
    %dma_wait3A_376 = arith.constant 64 : i32
    %dma_wait3A_377 = arith.constant 0 : i32
    %dma_wait3A_378 = arith.constant 0 : i32
    %dma_wait3A_379 = tpu.memref_slice %arg7[%dma_wait3A_376, %dma_wait3A_377, %dma_wait3A_378] : memref<256x2x128xf32, #tpu.memory_space<vmem>> -> memref<32x2x128xf32, #tpu.memory_space<vmem>>
    %dma_wait3A_380 = arith.constant 64 : i32
    %dma_wait3A_381 = arith.constant 0 : i32
    %dma_wait3A_382 = arith.constant 0 : i32
    %dma_wait3A_383 = tpu.memref_slice %arg4[%select_n3A_319, %dma_wait3A_380, %select_n3A_359, %dma_wait3A_381, %select_n3A_375, %dma_wait3A_382] : memref<4x256x12x2x8x128xf32, #tpu.memory_space<hbm>> -> memref<1x32x1x2x1x128xf32, #tpu.memory_space<hbm>>
    %dma_wait3A_384 = tpu.memref_squeeze %dma_wait3A_383 : memref<1x32x1x2x1x128xf32, #tpu.memory_space<hbm>> -> memref<32x2x128xf32, #tpu.memory_space<hbm>>
    %dma_wait3A_385 = arith.constant 64 : i32
    %dma_wait3A_386 = arith.constant 0 : i32
    %dma_wait3A_387 = arith.constant 0 : i32
    %dma_wait3A_388 = tpu.memref_slice %arg4[%select_n3A_319, %dma_wait3A_385, %select_n3A_359, %dma_wait3A_386, %select_n3A_375, %dma_wait3A_387] : memref<4x256x12x2x8x128xf32, #tpu.memory_space<hbm>> -> memref<1x32x1x2x1x128xf32, #tpu.memory_space<hbm>>
    %dma_wait3A_389 = tpu.memref_squeeze %dma_wait3A_388 : memref<1x32x1x2x1x128xf32, #tpu.memory_space<hbm>> -> memref<32x2x128xf32, #tpu.memory_space<hbm>>
    %dma_wait3A_390 = arith.constant 64 : i32
    %dma_wait3A_391 = arith.constant 0 : i32
    %dma_wait3A_392 = arith.constant 0 : i32
    %dma_wait3A_393 = tpu.memref_slice %arg7[%dma_wait3A_390, %dma_wait3A_391, %dma_wait3A_392] : memref<256x2x128xf32, #tpu.memory_space<vmem>> -> memref<32x2x128xf32, #tpu.memory_space<vmem>>
    tpu.wait_dma2 semaphore(%arg11 : memref<!tpu.dma_semaphore, #tpu.memory_space<semaphore_mem>>) src(%dma_wait3A_393 : memref<32x2x128xf32, #tpu.memory_space<vmem>>) dst(%dma_wait3A_389 : memref<32x2x128xf32, #tpu.memory_space<hbm>>)
    %add3A_394 = arith.constant 11 : i32
    %add3A_395 = arith.addi %mul3A_2, %add3A_394 : i32
    %jit3A_396 = arith.constant 96 : i32
    %div3A_397 = arith.divsi %add3A_395, %jit3A_396 : i32
    %sign3A_398 = arith.constant 0 : i32
    %sign3A_399 = arith.cmpi sgt, %add3A_395, %sign3A_398 : i32
    %sign3A_400 = arith.extui %sign3A_399 : i1 to i32
    %sign3A_401 = arith.constant 0 : i32
    %sign3A_402 = arith.cmpi slt, %add3A_395, %sign3A_401 : i32
    %sign3A_403 = arith.extui %sign3A_402 : i1 to i32
    %sign3A_404 = arith.subi %sign3A_400, %sign3A_403 : i32
    %sign3A_405 = arith.constant 0 : i32
    %sign3A_406 = arith.cmpi sgt, %jit3A_396, %sign3A_405 : i32
    %sign3A_407 = arith.extui %sign3A_406 : i1 to i32
    %sign3A_408 = arith.constant 0 : i32
    %sign3A_409 = arith.cmpi slt, %jit3A_396, %sign3A_408 : i32
    %sign3A_410 = arith.extui %sign3A_409 : i1 to i32
    %sign3A_411 = arith.subi %sign3A_407, %sign3A_410 : i32
    %ne3A_412 = arith.cmpi ne, %sign3A_404, %sign3A_411 : i32
    %rem3A_413 = arith.remsi %add3A_395, %jit3A_396 : i32
    %ne3A_414 = arith.constant 0 : i32
    %ne3A_415 = arith.cmpi ne, %rem3A_413, %ne3A_414 : i32
    %and3A_416 = arith.andi %ne3A_412, %ne3A_415 : i1
    %sub3A_417 = arith.constant 1 : i32
    %sub3A_418 = arith.subi %div3A_397, %sub3A_417 : i32
    %select_n3A_419 = arith.select %and3A_416, %sub3A_418, %div3A_397 : i32
    %jit3A_420 = arith.constant 96 : i32
    %eq3A_421 = arith.constant 0 : i32
    %eq3A_422 = arith.cmpi eq, %jit3A_420, %eq3A_421 : i32
    %jit3A_423 = arith.constant 1 : i32
    %select_n3A_424 = arith.select %eq3A_422, %jit3A_423, %jit3A_420 : i32
    %rem3A_425 = arith.remsi %add3A_395, %select_n3A_424 : i32
    %ne3A_426 = arith.constant 0 : i32
    %ne3A_427 = arith.cmpi ne, %rem3A_425, %ne3A_426 : i32
    %lt3A_428 = arith.constant 0 : i32
    %lt3A_429 = arith.cmpi slt, %rem3A_425, %lt3A_428 : i32
    %lt3A_430 = arith.constant 0 : i32
    %lt3A_431 = arith.cmpi slt, %select_n3A_424, %lt3A_430 : i32
    %ne3A_432 = arith.xori %lt3A_429, %lt3A_431 : i1
    %and3A_433 = arith.andi %ne3A_432, %ne3A_427 : i1
    %add3A_434 = arith.addi %rem3A_425, %select_n3A_424 : i32
    %select_n3A_435 = arith.select %and3A_433, %add3A_434, %rem3A_425 : i32
    %jit3A_436 = arith.constant 8 : i32
    %div3A_437 = arith.divsi %select_n3A_435, %jit3A_436 : i32
    %sign3A_438 = arith.constant 0 : i32
    %sign3A_439 = arith.cmpi sgt, %select_n3A_435, %sign3A_438 : i32
    %sign3A_440 = arith.extui %sign3A_439 : i1 to i32
    %sign3A_441 = arith.constant 0 : i32
    %sign3A_442 = arith.cmpi slt, %select_n3A_435, %sign3A_441 : i32
    %sign3A_443 = arith.extui %sign3A_442 : i1 to i32
    %sign3A_444 = arith.subi %sign3A_440, %sign3A_443 : i32
    %sign3A_445 = arith.constant 0 : i32
    %sign3A_446 = arith.cmpi sgt, %jit3A_436, %sign3A_445 : i32
    %sign3A_447 = arith.extui %sign3A_446 : i1 to i32
    %sign3A_448 = arith.constant 0 : i32
    %sign3A_449 = arith.cmpi slt, %jit3A_436, %sign3A_448 : i32
    %sign3A_450 = arith.extui %sign3A_449 : i1 to i32
    %sign3A_451 = arith.subi %sign3A_447, %sign3A_450 : i32
    %ne3A_452 = arith.cmpi ne, %sign3A_444, %sign3A_451 : i32
    %rem3A_453 = arith.remsi %select_n3A_435, %jit3A_436 : i32
    %ne3A_454 = arith.constant 0 : i32
    %ne3A_455 = arith.cmpi ne, %rem3A_453, %ne3A_454 : i32
    %and3A_456 = arith.andi %ne3A_452, %ne3A_455 : i1
    %sub3A_457 = arith.constant 1 : i32
    %sub3A_458 = arith.subi %div3A_437, %sub3A_457 : i32
    %select_n3A_459 = arith.select %and3A_456, %sub3A_458, %div3A_437 : i32
    %jit3A_460 = arith.constant 8 : i32
    %eq3A_461 = arith.constant 0 : i32
    %eq3A_462 = arith.cmpi eq, %jit3A_460, %eq3A_461 : i32
    %jit3A_463 = arith.constant 1 : i32
    %select_n3A_464 = arith.select %eq3A_462, %jit3A_463, %jit3A_460 : i32
    %rem3A_465 = arith.remsi %select_n3A_435, %select_n3A_464 : i32
    %ne3A_466 = arith.constant 0 : i32
    %ne3A_467 = arith.cmpi ne, %rem3A_465, %ne3A_466 : i32
    %lt3A_468 = arith.constant 0 : i32
    %lt3A_469 = arith.cmpi slt, %rem3A_465, %lt3A_468 : i32
    %lt3A_470 = arith.constant 0 : i32
    %lt3A_471 = arith.cmpi slt, %select_n3A_464, %lt3A_470 : i32
    %ne3A_472 = arith.xori %lt3A_469, %lt3A_471 : i1
    %and3A_473 = arith.andi %ne3A_472, %ne3A_467 : i1
    %add3A_474 = arith.addi %rem3A_465, %select_n3A_464 : i32
    %select_n3A_475 = arith.select %and3A_473, %add3A_474, %rem3A_465 : i32
    %dma_wait3A_476 = arith.constant 96 : i32
    %dma_wait3A_477 = arith.constant 0 : i32
    %dma_wait3A_478 = arith.constant 0 : i32
    %dma_wait3A_479 = tpu.memref_slice %arg7[%dma_wait3A_476, %dma_wait3A_477, %dma_wait3A_478] : memref<256x2x128xf32, #tpu.memory_space<vmem>> -> memref<32x2x128xf32, #tpu.memory_space<vmem>>
    %dma_wait3A_480 = arith.constant 96 : i32
    %dma_wait3A_481 = arith.constant 0 : i32
    %dma_wait3A_482 = arith.constant 0 : i32
    %dma_wait3A_483 = tpu.memref_slice %arg4[%select_n3A_419, %dma_wait3A_480, %select_n3A_459, %dma_wait3A_481, %select_n3A_475, %dma_wait3A_482] : memref<4x256x12x2x8x128xf32, #tpu.memory_space<hbm>> -> memref<1x32x1x2x1x128xf32, #tpu.memory_space<hbm>>
    %dma_wait3A_484 = tpu.memref_squeeze %dma_wait3A_483 : memref<1x32x1x2x1x128xf32, #tpu.memory_space<hbm>> -> memref<32x2x128xf32, #tpu.memory_space<hbm>>
    %dma_wait3A_485 = arith.constant 96 : i32
    %dma_wait3A_486 = arith.constant 0 : i32
    %dma_wait3A_487 = arith.constant 0 : i32
    %dma_wait3A_488 = tpu.memref_slice %arg4[%select_n3A_419, %dma_wait3A_485, %select_n3A_459, %dma_wait3A_486, %select_n3A_475, %dma_wait3A_487] : memref<4x256x12x2x8x128xf32, #tpu.memory_space<hbm>> -> memref<1x32x1x2x1x128xf32, #tpu.memory_space<hbm>>
    %dma_wait3A_489 = tpu.memref_squeeze %dma_wait3A_488 : memref<1x32x1x2x1x128xf32, #tpu.memory_space<hbm>> -> memref<32x2x128xf32, #tpu.memory_space<hbm>>
    %dma_wait3A_490 = arith.constant 96 : i32
    %dma_wait3A_491 = arith.constant 0 : i32
    %dma_wait3A_492 = arith.constant 0 : i32
    %dma_wait3A_493 = tpu.memref_slice %arg7[%dma_wait3A_490, %dma_wait3A_491, %dma_wait3A_492] : memref<256x2x128xf32, #tpu.memory_space<vmem>> -> memref<32x2x128xf32, #tpu.memory_space<vmem>>
    tpu.wait_dma2 semaphore(%arg12 : memref<!tpu.dma_semaphore, #tpu.memory_space<semaphore_mem>>) src(%dma_wait3A_493 : memref<32x2x128xf32, #tpu.memory_space<vmem>>) dst(%dma_wait3A_489 : memref<32x2x128xf32, #tpu.memory_space<hbm>>)
    %add3A_494 = arith.constant 11 : i32
    %add3A_495 = arith.addi %mul3A_2, %add3A_494 : i32
    %jit3A_496 = arith.constant 96 : i32
    %div3A_497 = arith.divsi %add3A_495, %jit3A_496 : i32
    %sign3A_498 = arith.constant 0 : i32
    %sign3A_499 = arith.cmpi sgt, %add3A_495, %sign3A_498 : i32
    %sign3A_500 = arith.extui %sign3A_499 : i1 to i32
    %sign3A_501 = arith.constant 0 : i32
    %sign3A_502 = arith.cmpi slt, %add3A_495, %sign3A_501 : i32
    %sign3A_503 = arith.extui %sign3A_502 : i1 to i32
    %sign3A_504 = arith.subi %sign3A_500, %sign3A_503 : i32
    %sign3A_505 = arith.constant 0 : i32
    %sign3A_506 = arith.cmpi sgt, %jit3A_496, %sign3A_505 : i32
    %sign3A_507 = arith.extui %sign3A_506 : i1 to i32
    %sign3A_508 = arith.constant 0 : i32
    %sign3A_509 = arith.cmpi slt, %jit3A_496, %sign3A_508 : i32
    %sign3A_510 = arith.extui %sign3A_509 : i1 to i32
    %sign3A_511 = arith.subi %sign3A_507, %sign3A_510 : i32
    %ne3A_512 = arith.cmpi ne, %sign3A_504, %sign3A_511 : i32
    %rem3A_513 = arith.remsi %add3A_495, %jit3A_496 : i32
    %ne3A_514 = arith.constant 0 : i32
    %ne3A_515 = arith.cmpi ne, %rem3A_513, %ne3A_514 : i32
    %and3A_516 = arith.andi %ne3A_512, %ne3A_515 : i1
    %sub3A_517 = arith.constant 1 : i32
    %sub3A_518 = arith.subi %div3A_497, %sub3A_517 : i32
    %select_n3A_519 = arith.select %and3A_516, %sub3A_518, %div3A_497 : i32
    %jit3A_520 = arith.constant 96 : i32
    %eq3A_521 = arith.constant 0 : i32
    %eq3A_522 = arith.cmpi eq, %jit3A_520, %eq3A_521 : i32
    %jit3A_523 = arith.constant 1 : i32
    %select_n3A_524 = arith.select %eq3A_522, %jit3A_523, %jit3A_520 : i32
    %rem3A_525 = arith.remsi %add3A_495, %select_n3A_524 : i32
    %ne3A_526 = arith.constant 0 : i32
    %ne3A_527 = arith.cmpi ne, %rem3A_525, %ne3A_526 : i32
    %lt3A_528 = arith.constant 0 : i32
    %lt3A_529 = arith.cmpi slt, %rem3A_525, %lt3A_528 : i32
    %lt3A_530 = arith.constant 0 : i32
    %lt3A_531 = arith.cmpi slt, %select_n3A_524, %lt3A_530 : i32
    %ne3A_532 = arith.xori %lt3A_529, %lt3A_531 : i1
    %and3A_533 = arith.andi %ne3A_532, %ne3A_527 : i1
    %add3A_534 = arith.addi %rem3A_525, %select_n3A_524 : i32
    %select_n3A_535 = arith.select %and3A_533, %add3A_534, %rem3A_525 : i32
    %jit3A_536 = arith.constant 8 : i32
    %div3A_537 = arith.divsi %select_n3A_535, %jit3A_536 : i32
    %sign3A_538 = arith.constant 0 : i32
    %sign3A_539 = arith.cmpi sgt, %select_n3A_535, %sign3A_538 : i32
    %sign3A_540 = arith.extui %sign3A_539 : i1 to i32
    %sign3A_541 = arith.constant 0 : i32
    %sign3A_542 = arith.cmpi slt, %select_n3A_535, %sign3A_541 : i32
    %sign3A_543 = arith.extui %sign3A_542 : i1 to i32
    %sign3A_544 = arith.subi %sign3A_540, %sign3A_543 : i32
    %sign3A_545 = arith.constant 0 : i32
    %sign3A_546 = arith.cmpi sgt, %jit3A_536, %sign3A_545 : i32
    %sign3A_547 = arith.extui %sign3A_546 : i1 to i32
    %sign3A_548 = arith.constant 0 : i32
    %sign3A_549 = arith.cmpi slt, %jit3A_536, %sign3A_548 : i32
    %sign3A_550 = arith.extui %sign3A_549 : i1 to i32
    %sign3A_551 = arith.subi %sign3A_547, %sign3A_550 : i32
    %ne3A_552 = arith.cmpi ne, %sign3A_544, %sign3A_551 : i32
    %rem3A_553 = arith.remsi %select_n3A_535, %jit3A_536 : i32
    %ne3A_554 = arith.constant 0 : i32
    %ne3A_555 = arith.cmpi ne, %rem3A_553, %ne3A_554 : i32
    %and3A_556 = arith.andi %ne3A_552, %ne3A_555 : i1
    %sub3A_557 = arith.constant 1 : i32
    %sub3A_558 = arith.subi %div3A_537, %sub3A_557 : i32
    %select_n3A_559 = arith.select %and3A_556, %sub3A_558, %div3A_537 : i32
    %jit3A_560 = arith.constant 8 : i32
    %eq3A_561 = arith.constant 0 : i32
    %eq3A_562 = arith.cmpi eq, %jit3A_560, %eq3A_561 : i32
    %jit3A_563 = arith.constant 1 : i32
    %select_n3A_564 = arith.select %eq3A_562, %jit3A_563, %jit3A_560 : i32
    %rem3A_565 = arith.remsi %select_n3A_535, %select_n3A_564 : i32
    %ne3A_566 = arith.constant 0 : i32
    %ne3A_567 = arith.cmpi ne, %rem3A_565, %ne3A_566 : i32
    %lt3A_568 = arith.constant 0 : i32
    %lt3A_569 = arith.cmpi slt, %rem3A_565, %lt3A_568 : i32
    %lt3A_570 = arith.constant 0 : i32
    %lt3A_571 = arith.cmpi slt, %select_n3A_564, %lt3A_570 : i32
    %ne3A_572 = arith.xori %lt3A_569, %lt3A_571 : i1
    %and3A_573 = arith.andi %ne3A_572, %ne3A_567 : i1
    %add3A_574 = arith.addi %rem3A_565, %select_n3A_564 : i32
    %select_n3A_575 = arith.select %and3A_573, %add3A_574, %rem3A_565 : i32
    %dma_wait3A_576 = arith.constant 128 : i32
    %dma_wait3A_577 = arith.constant 0 : i32
    %dma_wait3A_578 = arith.constant 0 : i32
    %dma_wait3A_579 = tpu.memref_slice %arg7[%dma_wait3A_576, %dma_wait3A_577, %dma_wait3A_578] : memref<256x2x128xf32, #tpu.memory_space<vmem>> -> memref<32x2x128xf32, #tpu.memory_space<vmem>>
    %dma_wait3A_580 = arith.constant 128 : i32
    %dma_wait3A_581 = arith.constant 0 : i32
    %dma_wait3A_582 = arith.constant 0 : i32
    %dma_wait3A_583 = tpu.memref_slice %arg4[%select_n3A_519, %dma_wait3A_580, %select_n3A_559, %dma_wait3A_581, %select_n3A_575, %dma_wait3A_582] : memref<4x256x12x2x8x128xf32, #tpu.memory_space<hbm>> -> memref<1x32x1x2x1x128xf32, #tpu.memory_space<hbm>>
    %dma_wait3A_584 = tpu.memref_squeeze %dma_wait3A_583 : memref<1x32x1x2x1x128xf32, #tpu.memory_space<hbm>> -> memref<32x2x128xf32, #tpu.memory_space<hbm>>
    %dma_wait3A_585 = arith.constant 128 : i32
    %dma_wait3A_586 = arith.constant 0 : i32
    %dma_wait3A_587 = arith.constant 0 : i32
    %dma_wait3A_588 = tpu.memref_slice %arg4[%select_n3A_519, %dma_wait3A_585, %select_n3A_559, %dma_wait3A_586, %select_n3A_575, %dma_wait3A_587] : memref<4x256x12x2x8x128xf32, #tpu.memory_space<hbm>> -> memref<1x32x1x2x1x128xf32, #tpu.memory_space<hbm>>
    %dma_wait3A_589 = tpu.memref_squeeze %dma_wait3A_588 : memref<1x32x1x2x1x128xf32, #tpu.memory_space<hbm>> -> memref<32x2x128xf32, #tpu.memory_space<hbm>>
    %dma_wait3A_590 = arith.constant 128 : i32
    %dma_wait3A_591 = arith.constant 0 : i32
    %dma_wait3A_592 = arith.constant 0 : i32
    %dma_wait3A_593 = tpu.memref_slice %arg7[%dma_wait3A_590, %dma_wait3A_591, %dma_wait3A_592] : memref<256x2x128xf32, #tpu.memory_space<vmem>> -> memref<32x2x128xf32, #tpu.memory_space<vmem>>
    tpu.wait_dma2 semaphore(%arg13 : memref<!tpu.dma_semaphore, #tpu.memory_space<semaphore_mem>>) src(%dma_wait3A_593 : memref<32x2x128xf32, #tpu.memory_space<vmem>>) dst(%dma_wait3A_589 : memref<32x2x128xf32, #tpu.memory_space<hbm>>)
    %add3A_594 = arith.constant 11 : i32
    %add3A_595 = arith.addi %mul3A_2, %add3A_594 : i32
    %jit3A_596 = arith.constant 96 : i32
    %div3A_597 = arith.divsi %add3A_595, %jit3A_596 : i32
    %sign3A_598 = arith.constant 0 : i32
    %sign3A_599 = arith.cmpi sgt, %add3A_595, %sign3A_598 : i32
    %sign3A_600 = arith.extui %sign3A_599 : i1 to i32
    %sign3A_601 = arith.constant 0 : i32
    %sign3A_602 = arith.cmpi slt, %add3A_595, %sign3A_601 : i32
    %sign3A_603 = arith.extui %sign3A_602 : i1 to i32
    %sign3A_604 = arith.subi %sign3A_600, %sign3A_603 : i32
    %sign3A_605 = arith.constant 0 : i32
    %sign3A_606 = arith.cmpi sgt, %jit3A_596, %sign3A_605 : i32
    %sign3A_607 = arith.extui %sign3A_606 : i1 to i32
    %sign3A_608 = arith.constant 0 : i32
    %sign3A_609 = arith.cmpi slt, %jit3A_596, %sign3A_608 : i32
    %sign3A_610 = arith.extui %sign3A_609 : i1 to i32
    %sign3A_611 = arith.subi %sign3A_607, %sign3A_610 : i32
    %ne3A_612 = arith.cmpi ne, %sign3A_604, %sign3A_611 : i32
    %rem3A_613 = arith.remsi %add3A_595, %jit3A_596 : i32
    %ne3A_614 = arith.constant 0 : i32
    %ne3A_615 = arith.cmpi ne, %rem3A_613, %ne3A_614 : i32
    %and3A_616 = arith.andi %ne3A_612, %ne3A_615 : i1
    %sub3A_617 = arith.constant 1 : i32
    %sub3A_618 = arith.subi %div3A_597, %sub3A_617 : i32
    %select_n3A_619 = arith.select %and3A_616, %sub3A_618, %div3A_597 : i32
    %jit3A_620 = arith.constant 96 : i32
    %eq3A_621 = arith.constant 0 : i32
    %eq3A_622 = arith.cmpi eq, %jit3A_620, %eq3A_621 : i32
    %jit3A_623 = arith.constant 1 : i32
    %select_n3A_624 = arith.select %eq3A_622, %jit3A_623, %jit3A_620 : i32
    %rem3A_625 = arith.remsi %add3A_595, %select_n3A_624 : i32
    %ne3A_626 = arith.constant 0 : i32
    %ne3A_627 = arith.cmpi ne, %rem3A_625, %ne3A_626 : i32
    %lt3A_628 = arith.constant 0 : i32
    %lt3A_629 = arith.cmpi slt, %rem3A_625, %lt3A_628 : i32
    %lt3A_630 = arith.constant 0 : i32
    %lt3A_631 = arith.cmpi slt, %select_n3A_624, %lt3A_630 : i32
    %ne3A_632 = arith.xori %lt3A_629, %lt3A_631 : i1
    %and3A_633 = arith.andi %ne3A_632, %ne3A_627 : i1
    %add3A_634 = arith.addi %rem3A_625, %select_n3A_624 : i32
    %select_n3A_635 = arith.select %and3A_633, %add3A_634, %rem3A_625 : i32
    %jit3A_636 = arith.constant 8 : i32
    %div3A_637 = arith.divsi %select_n3A_635, %jit3A_636 : i32
    %sign3A_638 = arith.constant 0 : i32
    %sign3A_639 = arith.cmpi sgt, %select_n3A_635, %sign3A_638 : i32
    %sign3A_640 = arith.extui %sign3A_639 : i1 to i32
    %sign3A_641 = arith.constant 0 : i32
    %sign3A_642 = arith.cmpi slt, %select_n3A_635, %sign3A_641 : i32
    %sign3A_643 = arith.extui %sign3A_642 : i1 to i32
    %sign3A_644 = arith.subi %sign3A_640, %sign3A_643 : i32
    %sign3A_645 = arith.constant 0 : i32
    %sign3A_646 = arith.cmpi sgt, %jit3A_636, %sign3A_645 : i32
    %sign3A_647 = arith.extui %sign3A_646 : i1 to i32
    %sign3A_648 = arith.constant 0 : i32
    %sign3A_649 = arith.cmpi slt, %jit3A_636, %sign3A_648 : i32
    %sign3A_650 = arith.extui %sign3A_649 : i1 to i32
    %sign3A_651 = arith.subi %sign3A_647, %sign3A_650 : i32
    %ne3A_652 = arith.cmpi ne, %sign3A_644, %sign3A_651 : i32
    %rem3A_653 = arith.remsi %select_n3A_635, %jit3A_636 : i32
    %ne3A_654 = arith.constant 0 : i32
    %ne3A_655 = arith.cmpi ne, %rem3A_653, %ne3A_654 : i32
    %and3A_656 = arith.andi %ne3A_652, %ne3A_655 : i1
    %sub3A_657 = arith.constant 1 : i32
    %sub3A_658 = arith.subi %div3A_637, %sub3A_657 : i32
    %select_n3A_659 = arith.select %and3A_656, %sub3A_658, %div3A_637 : i32
    %jit3A_660 = arith.constant 8 : i32
    %eq3A_661 = arith.constant 0 : i32
    %eq3A_662 = arith.cmpi eq, %jit3A_660, %eq3A_661 : i32
    %jit3A_663 = arith.constant 1 : i32
    %select_n3A_664 = arith.select %eq3A_662, %jit3A_663, %jit3A_660 : i32
    %rem3A_665 = arith.remsi %select_n3A_635, %select_n3A_664 : i32
    %ne3A_666 = arith.constant 0 : i32
    %ne3A_667 = arith.cmpi ne, %rem3A_665, %ne3A_666 : i32
    %lt3A_668 = arith.constant 0 : i32
    %lt3A_669 = arith.cmpi slt, %rem3A_665, %lt3A_668 : i32
    %lt3A_670 = arith.constant 0 : i32
    %lt3A_671 = arith.cmpi slt, %select_n3A_664, %lt3A_670 : i32
    %ne3A_672 = arith.xori %lt3A_669, %lt3A_671 : i1
    %and3A_673 = arith.andi %ne3A_672, %ne3A_667 : i1
    %add3A_674 = arith.addi %rem3A_665, %select_n3A_664 : i32
    %select_n3A_675 = arith.select %and3A_673, %add3A_674, %rem3A_665 : i32
    %dma_wait3A_676 = arith.constant 160 : i32
    %dma_wait3A_677 = arith.constant 0 : i32
    %dma_wait3A_678 = arith.constant 0 : i32
    %dma_wait3A_679 = tpu.memref_slice %arg7[%dma_wait3A_676, %dma_wait3A_677, %dma_wait3A_678] : memref<256x2x128xf32, #tpu.memory_space<vmem>> -> memref<32x2x128xf32, #tpu.memory_space<vmem>>
    %dma_wait3A_680 = arith.constant 160 : i32
    %dma_wait3A_681 = arith.constant 0 : i32
    %dma_wait3A_682 = arith.constant 0 : i32
    %dma_wait3A_683 = tpu.memref_slice %arg4[%select_n3A_619, %dma_wait3A_680, %select_n3A_659, %dma_wait3A_681, %select_n3A_675, %dma_wait3A_682] : memref<4x256x12x2x8x128xf32, #tpu.memory_space<hbm>> -> memref<1x32x1x2x1x128xf32, #tpu.memory_space<hbm>>
    %dma_wait3A_684 = tpu.memref_squeeze %dma_wait3A_683 : memref<1x32x1x2x1x128xf32, #tpu.memory_space<hbm>> -> memref<32x2x128xf32, #tpu.memory_space<hbm>>
    %dma_wait3A_685 = arith.constant 160 : i32
    %dma_wait3A_686 = arith.constant 0 : i32
    %dma_wait3A_687 = arith.constant 0 : i32
    %dma_wait3A_688 = tpu.memref_slice %arg4[%select_n3A_619, %dma_wait3A_685, %select_n3A_659, %dma_wait3A_686, %select_n3A_675, %dma_wait3A_687] : memref<4x256x12x2x8x128xf32, #tpu.memory_space<hbm>> -> memref<1x32x1x2x1x128xf32, #tpu.memory_space<hbm>>
    %dma_wait3A_689 = tpu.memref_squeeze %dma_wait3A_688 : memref<1x32x1x2x1x128xf32, #tpu.memory_space<hbm>> -> memref<32x2x128xf32, #tpu.memory_space<hbm>>
    %dma_wait3A_690 = arith.constant 160 : i32
    %dma_wait3A_691 = arith.constant 0 : i32
    %dma_wait3A_692 = arith.constant 0 : i32
    %dma_wait3A_693 = tpu.memref_slice %arg7[%dma_wait3A_690, %dma_wait3A_691, %dma_wait3A_692] : memref<256x2x128xf32, #tpu.memory_space<vmem>> -> memref<32x2x128xf32, #tpu.memory_space<vmem>>
    tpu.wait_dma2 semaphore(%arg14 : memref<!tpu.dma_semaphore, #tpu.memory_space<semaphore_mem>>) src(%dma_wait3A_693 : memref<32x2x128xf32, #tpu.memory_space<vmem>>) dst(%dma_wait3A_689 : memref<32x2x128xf32, #tpu.memory_space<hbm>>)
    %add3A_694 = arith.constant 11 : i32
    %add3A_695 = arith.addi %mul3A_2, %add3A_694 : i32
    %jit3A_696 = arith.constant 96 : i32
    %div3A_697 = arith.divsi %add3A_695, %jit3A_696 : i32
    %sign3A_698 = arith.constant 0 : i32
    %sign3A_699 = arith.cmpi sgt, %add3A_695, %sign3A_698 : i32
    %sign3A_700 = arith.extui %sign3A_699 : i1 to i32
    %sign3A_701 = arith.constant 0 : i32
    %sign3A_702 = arith.cmpi slt, %add3A_695, %sign3A_701 : i32
    %sign3A_703 = arith.extui %sign3A_702 : i1 to i32
    %sign3A_704 = arith.subi %sign3A_700, %sign3A_703 : i32
    %sign3A_705 = arith.constant 0 : i32
    %sign3A_706 = arith.cmpi sgt, %jit3A_696, %sign3A_705 : i32
    %sign3A_707 = arith.extui %sign3A_706 : i1 to i32
    %sign3A_708 = arith.constant 0 : i32
    %sign3A_709 = arith.cmpi slt, %jit3A_696, %sign3A_708 : i32
    %sign3A_710 = arith.extui %sign3A_709 : i1 to i32
    %sign3A_711 = arith.subi %sign3A_707, %sign3A_710 : i32
    %ne3A_712 = arith.cmpi ne, %sign3A_704, %sign3A_711 : i32
    %rem3A_713 = arith.remsi %add3A_695, %jit3A_696 : i32
    %ne3A_714 = arith.constant 0 : i32
    %ne3A_715 = arith.cmpi ne, %rem3A_713, %ne3A_714 : i32
    %and3A_716 = arith.andi %ne3A_712, %ne3A_715 : i1
    %sub3A_717 = arith.constant 1 : i32
    %sub3A_718 = arith.subi %div3A_697, %sub3A_717 : i32
    %select_n3A_719 = arith.select %and3A_716, %sub3A_718, %div3A_697 : i32
    %jit3A_720 = arith.constant 96 : i32
    %eq3A_721 = arith.constant 0 : i32
    %eq3A_722 = arith.cmpi eq, %jit3A_720, %eq3A_721 : i32
    %jit3A_723 = arith.constant 1 : i32
    %select_n3A_724 = arith.select %eq3A_722, %jit3A_723, %jit3A_720 : i32
    %rem3A_725 = arith.remsi %add3A_695, %select_n3A_724 : i32
    %ne3A_726 = arith.constant 0 : i32
    %ne3A_727 = arith.cmpi ne, %rem3A_725, %ne3A_726 : i32
    %lt3A_728 = arith.constant 0 : i32
    %lt3A_729 = arith.cmpi slt, %rem3A_725, %lt3A_728 : i32
    %lt3A_730 = arith.constant 0 : i32
    %lt3A_731 = arith.cmpi slt, %select_n3A_724, %lt3A_730 : i32
    %ne3A_732 = arith.xori %lt3A_729, %lt3A_731 : i1
    %and3A_733 = arith.andi %ne3A_732, %ne3A_727 : i1
    %add3A_734 = arith.addi %rem3A_725, %select_n3A_724 : i32
    %select_n3A_735 = arith.select %and3A_733, %add3A_734, %rem3A_725 : i32
    %jit3A_736 = arith.constant 8 : i32
    %div3A_737 = arith.divsi %select_n3A_735, %jit3A_736 : i32
    %sign3A_738 = arith.constant 0 : i32
    %sign3A_739 = arith.cmpi sgt, %select_n3A_735, %sign3A_738 : i32
    %sign3A_740 = arith.extui %sign3A_739 : i1 to i32
    %sign3A_741 = arith.constant 0 : i32
    %sign3A_742 = arith.cmpi slt, %select_n3A_735, %sign3A_741 : i32
    %sign3A_743 = arith.extui %sign3A_742 : i1 to i32
    %sign3A_744 = arith.subi %sign3A_740, %sign3A_743 : i32
    %sign3A_745 = arith.constant 0 : i32
    %sign3A_746 = arith.cmpi sgt, %jit3A_736, %sign3A_745 : i32
    %sign3A_747 = arith.extui %sign3A_746 : i1 to i32
    %sign3A_748 = arith.constant 0 : i32
    %sign3A_749 = arith.cmpi slt, %jit3A_736, %sign3A_748 : i32
    %sign3A_750 = arith.extui %sign3A_749 : i1 to i32
    %sign3A_751 = arith.subi %sign3A_747, %sign3A_750 : i32
    %ne3A_752 = arith.cmpi ne, %sign3A_744, %sign3A_751 : i32
    %rem3A_753 = arith.remsi %select_n3A_735, %jit3A_736 : i32
    %ne3A_754 = arith.constant 0 : i32
    %ne3A_755 = arith.cmpi ne, %rem3A_753, %ne3A_754 : i32
    %and3A_756 = arith.andi %ne3A_752, %ne3A_755 : i1
    %sub3A_757 = arith.constant 1 : i32
    %sub3A_758 = arith.subi %div3A_737, %sub3A_757 : i32
    %select_n3A_759 = arith.select %and3A_756, %sub3A_758, %div3A_737 : i32
    %jit3A_760 = arith.constant 8 : i32
    %eq3A_761 = arith.constant 0 : i32
    %eq3A_762 = arith.cmpi eq, %jit3A_760, %eq3A_761 : i32
    %jit3A_763 = arith.constant 1 : i32
    %select_n3A_764 = arith.select %eq3A_762, %jit3A_763, %jit3A_760 : i32
    %rem3A_765 = arith.remsi %select_n3A_735, %select_n3A_764 : i32
    %ne3A_766 = arith.constant 0 : i32
    %ne3A_767 = arith.cmpi ne, %rem3A_765, %ne3A_766 : i32
    %lt3A_768 = arith.constant 0 : i32
    %lt3A_769 = arith.cmpi slt, %rem3A_765, %lt3A_768 : i32
    %lt3A_770 = arith.constant 0 : i32
    %lt3A_771 = arith.cmpi slt, %select_n3A_764, %lt3A_770 : i32
    %ne3A_772 = arith.xori %lt3A_769, %lt3A_771 : i1
    %and3A_773 = arith.andi %ne3A_772, %ne3A_767 : i1
    %add3A_774 = arith.addi %rem3A_765, %select_n3A_764 : i32
    %select_n3A_775 = arith.select %and3A_773, %add3A_774, %rem3A_765 : i32
    %dma_wait3A_776 = arith.constant 192 : i32
    %dma_wait3A_777 = arith.constant 0 : i32
    %dma_wait3A_778 = arith.constant 0 : i32
    %dma_wait3A_779 = tpu.memref_slice %arg7[%dma_wait3A_776, %dma_wait3A_777, %dma_wait3A_778] : memref<256x2x128xf32, #tpu.memory_space<vmem>> -> memref<32x2x128xf32, #tpu.memory_space<vmem>>
    %dma_wait3A_780 = arith.constant 192 : i32
    %dma_wait3A_781 = arith.constant 0 : i32
    %dma_wait3A_782 = arith.constant 0 : i32
    %dma_wait3A_783 = tpu.memref_slice %arg4[%select_n3A_719, %dma_wait3A_780, %select_n3A_759, %dma_wait3A_781, %select_n3A_775, %dma_wait3A_782] : memref<4x256x12x2x8x128xf32, #tpu.memory_space<hbm>> -> memref<1x32x1x2x1x128xf32, #tpu.memory_space<hbm>>
    %dma_wait3A_784 = tpu.memref_squeeze %dma_wait3A_783 : memref<1x32x1x2x1x128xf32, #tpu.memory_space<hbm>> -> memref<32x2x128xf32, #tpu.memory_space<hbm>>
    %dma_wait3A_785 = arith.constant 192 : i32
    %dma_wait3A_786 = arith.constant 0 : i32
    %dma_wait3A_787 = arith.constant 0 : i32
    %dma_wait3A_788 = tpu.memref_slice %arg4[%select_n3A_719, %dma_wait3A_785, %select_n3A_759, %dma_wait3A_786, %select_n3A_775, %dma_wait3A_787] : memref<4x256x12x2x8x128xf32, #tpu.memory_space<hbm>> -> memref<1x32x1x2x1x128xf32, #tpu.memory_space<hbm>>
    %dma_wait3A_789 = tpu.memref_squeeze %dma_wait3A_788 : memref<1x32x1x2x1x128xf32, #tpu.memory_space<hbm>> -> memref<32x2x128xf32, #tpu.memory_space<hbm>>
    %dma_wait3A_790 = arith.constant 192 : i32
    %dma_wait3A_791 = arith.constant 0 : i32
    %dma_wait3A_792 = arith.constant 0 : i32
    %dma_wait3A_793 = tpu.memref_slice %arg7[%dma_wait3A_790, %dma_wait3A_791, %dma_wait3A_792] : memref<256x2x128xf32, #tpu.memory_space<vmem>> -> memref<32x2x128xf32, #tpu.memory_space<vmem>>
    tpu.wait_dma2 semaphore(%arg15 : memref<!tpu.dma_semaphore, #tpu.memory_space<semaphore_mem>>) src(%dma_wait3A_793 : memref<32x2x128xf32, #tpu.memory_space<vmem>>) dst(%dma_wait3A_789 : memref<32x2x128xf32, #tpu.memory_space<hbm>>)
    %add3A_794 = arith.constant 11 : i32
    %add3A_795 = arith.addi %mul3A_2, %add3A_794 : i32
    %jit3A_796 = arith.constant 96 : i32
    %div3A_797 = arith.divsi %add3A_795, %jit3A_796 : i32
    %sign3A_798 = arith.constant 0 : i32
    %sign3A_799 = arith.cmpi sgt, %add3A_795, %sign3A_798 : i32
    %sign3A_800 = arith.extui %sign3A_799 : i1 to i32
    %sign3A_801 = arith.constant 0 : i32
    %sign3A_802 = arith.cmpi slt, %add3A_795, %sign3A_801 : i32
    %sign3A_803 = arith.extui %sign3A_802 : i1 to i32
    %sign3A_804 = arith.subi %sign3A_800, %sign3A_803 : i32
    %sign3A_805 = arith.constant 0 : i32
    %sign3A_806 = arith.cmpi sgt, %jit3A_796, %sign3A_805 : i32
    %sign3A_807 = arith.extui %sign3A_806 : i1 to i32
    %sign3A_808 = arith.constant 0 : i32
    %sign3A_809 = arith.cmpi slt, %jit3A_796, %sign3A_808 : i32
    %sign3A_810 = arith.extui %sign3A_809 : i1 to i32
    %sign3A_811 = arith.subi %sign3A_807, %sign3A_810 : i32
    %ne3A_812 = arith.cmpi ne, %sign3A_804, %sign3A_811 : i32
    %rem3A_813 = arith.remsi %add3A_795, %jit3A_796 : i32
    %ne3A_814 = arith.constant 0 : i32
    %ne3A_815 = arith.cmpi ne, %rem3A_813, %ne3A_814 : i32
    %and3A_816 = arith.andi %ne3A_812, %ne3A_815 : i1
    %sub3A_817 = arith.constant 1 : i32
    %sub3A_818 = arith.subi %div3A_797, %sub3A_817 : i32
    %select_n3A_819 = arith.select %and3A_816, %sub3A_818, %div3A_797 : i32
    %jit3A_820 = arith.constant 96 : i32
    %eq3A_821 = arith.constant 0 : i32
    %eq3A_822 = arith.cmpi eq, %jit3A_820, %eq3A_821 : i32
    %jit3A_823 = arith.constant 1 : i32
    %select_n3A_824 = arith.select %eq3A_822, %jit3A_823, %jit3A_820 : i32
    %rem3A_825 = arith.remsi %add3A_795, %select_n3A_824 : i32
    %ne3A_826 = arith.constant 0 : i32
    %ne3A_827 = arith.cmpi ne, %rem3A_825, %ne3A_826 : i32
    %lt3A_828 = arith.constant 0 : i32
    %lt3A_829 = arith.cmpi slt, %rem3A_825, %lt3A_828 : i32
    %lt3A_830 = arith.constant 0 : i32
    %lt3A_831 = arith.cmpi slt, %select_n3A_824, %lt3A_830 : i32
    %ne3A_832 = arith.xori %lt3A_829, %lt3A_831 : i1
    %and3A_833 = arith.andi %ne3A_832, %ne3A_827 : i1
    %add3A_834 = arith.addi %rem3A_825, %select_n3A_824 : i32
    %select_n3A_835 = arith.select %and3A_833, %add3A_834, %rem3A_825 : i32
    %jit3A_836 = arith.constant 8 : i32
    %div3A_837 = arith.divsi %select_n3A_835, %jit3A_836 : i32
    %sign3A_838 = arith.constant 0 : i32
    %sign3A_839 = arith.cmpi sgt, %select_n3A_835, %sign3A_838 : i32
    %sign3A_840 = arith.extui %sign3A_839 : i1 to i32
    %sign3A_841 = arith.constant 0 : i32
    %sign3A_842 = arith.cmpi slt, %select_n3A_835, %sign3A_841 : i32
    %sign3A_843 = arith.extui %sign3A_842 : i1 to i32
    %sign3A_844 = arith.subi %sign3A_840, %sign3A_843 : i32
    %sign3A_845 = arith.constant 0 : i32
    %sign3A_846 = arith.cmpi sgt, %jit3A_836, %sign3A_845 : i32
    %sign3A_847 = arith.extui %sign3A_846 : i1 to i32
    %sign3A_848 = arith.constant 0 : i32
    %sign3A_849 = arith.cmpi slt, %jit3A_836, %sign3A_848 : i32
    %sign3A_850 = arith.extui %sign3A_849 : i1 to i32
    %sign3A_851 = arith.subi %sign3A_847, %sign3A_850 : i32
    %ne3A_852 = arith.cmpi ne, %sign3A_844, %sign3A_851 : i32
    %rem3A_853 = arith.remsi %select_n3A_835, %jit3A_836 : i32
    %ne3A_854 = arith.constant 0 : i32
    %ne3A_855 = arith.cmpi ne, %rem3A_853, %ne3A_854 : i32
    %and3A_856 = arith.andi %ne3A_852, %ne3A_855 : i1
    %sub3A_857 = arith.constant 1 : i32
    %sub3A_858 = arith.subi %div3A_837, %sub3A_857 : i32
    %select_n3A_859 = arith.select %and3A_856, %sub3A_858, %div3A_837 : i32
    %jit3A_860 = arith.constant 8 : i32
    %eq3A_861 = arith.constant 0 : i32
    %eq3A_862 = arith.cmpi eq, %jit3A_860, %eq3A_861 : i32
    %jit3A_863 = arith.constant 1 : i32
    %select_n3A_864 = arith.select %eq3A_862, %jit3A_863, %jit3A_860 : i32
    %rem3A_865 = arith.remsi %select_n3A_835, %select_n3A_864 : i32
    %ne3A_866 = arith.constant 0 : i32
    %ne3A_867 = arith.cmpi ne, %rem3A_865, %ne3A_866 : i32
    %lt3A_868 = arith.constant 0 : i32
    %lt3A_869 = arith.cmpi slt, %rem3A_865, %lt3A_868 : i32
    %lt3A_870 = arith.constant 0 : i32
    %lt3A_871 = arith.cmpi slt, %select_n3A_864, %lt3A_870 : i32
    %ne3A_872 = arith.xori %lt3A_869, %lt3A_871 : i1
    %and3A_873 = arith.andi %ne3A_872, %ne3A_867 : i1
    %add3A_874 = arith.addi %rem3A_865, %select_n3A_864 : i32
    %select_n3A_875 = arith.select %and3A_873, %add3A_874, %rem3A_865 : i32
    %dma_wait3A_876 = arith.constant 224 : i32
    %dma_wait3A_877 = arith.constant 0 : i32
    %dma_wait3A_878 = arith.constant 0 : i32
    %dma_wait3A_879 = tpu.memref_slice %arg7[%dma_wait3A_876, %dma_wait3A_877, %dma_wait3A_878] : memref<256x2x128xf32, #tpu.memory_space<vmem>> -> memref<32x2x128xf32, #tpu.memory_space<vmem>>
    %dma_wait3A_880 = arith.constant 224 : i32
    %dma_wait3A_881 = arith.constant 0 : i32
    %dma_wait3A_882 = arith.constant 0 : i32
    %dma_wait3A_883 = tpu.memref_slice %arg4[%select_n3A_819, %dma_wait3A_880, %select_n3A_859, %dma_wait3A_881, %select_n3A_875, %dma_wait3A_882] : memref<4x256x12x2x8x128xf32, #tpu.memory_space<hbm>> -> memref<1x32x1x2x1x128xf32, #tpu.memory_space<hbm>>
    %dma_wait3A_884 = tpu.memref_squeeze %dma_wait3A_883 : memref<1x32x1x2x1x128xf32, #tpu.memory_space<hbm>> -> memref<32x2x128xf32, #tpu.memory_space<hbm>>
    %dma_wait3A_885 = arith.constant 224 : i32
    %dma_wait3A_886 = arith.constant 0 : i32
    %dma_wait3A_887 = arith.constant 0 : i32
    %dma_wait3A_888 = tpu.memref_slice %arg4[%select_n3A_819, %dma_wait3A_885, %select_n3A_859, %dma_wait3A_886, %select_n3A_875, %dma_wait3A_887] : memref<4x256x12x2x8x128xf32, #tpu.memory_space<hbm>> -> memref<1x32x1x2x1x128xf32, #tpu.memory_space<hbm>>
    %dma_wait3A_889 = tpu.memref_squeeze %dma_wait3A_888 : memref<1x32x1x2x1x128xf32, #tpu.memory_space<hbm>> -> memref<32x2x128xf32, #tpu.memory_space<hbm>>
    %dma_wait3A_890 = arith.constant 224 : i32
    %dma_wait3A_891 = arith.constant 0 : i32
    %dma_wait3A_892 = arith.constant 0 : i32
    %dma_wait3A_893 = tpu.memref_slice %arg7[%dma_wait3A_890, %dma_wait3A_891, %dma_wait3A_892] : memref<256x2x128xf32, #tpu.memory_space<vmem>> -> memref<32x2x128xf32, #tpu.memory_space<vmem>>
    tpu.wait_dma2 semaphore(%arg16 : memref<!tpu.dma_semaphore, #tpu.memory_space<semaphore_mem>>) src(%dma_wait3A_893 : memref<32x2x128xf32, #tpu.memory_space<vmem>>) dst(%dma_wait3A_889 : memref<32x2x128xf32, #tpu.memory_space<hbm>>)
    return
  }
}

</mosaic_0001>

<sc_bundles>
// kernel: kernel.3.cloned.1.call-start
scs
__scs_entry_jumppad:
0x0: {  	(pc) =	sbr.rel $0x88, $3  }
0x1: {  	(tag) =	ssettag $0x0;
	lr =	simm.s32 $0x1  }
0x2: {  	[smem:$0x3F9F] =	sst lr;
	_ =	strace $0xD0000000  }
0x3: {  	_ = 	snop  }
0x4: {  	_ = 	snop  }
0x5: {  	_ = 	snop  }
0x6: {  	_ = 	snop  }
0x7: {  	_ = 	snop  }
__scs_overlays_trampoline_lowered:
0x8: {  	[smem:$0x3FAE] =	sst s0  }
0x9: {  	[smem:$0x3FAF] =	sst s1  }
0xa: {  	[smem:$0x3FB0] =	sst s2  }
0xb: {  	[smem:$0x3FB1] =	sst s3  }
0xc: {  	[smem:$0x3FB2] =	sst s4  }
0xd: {  	[smem:$0x3FB3] =	sst s5  }
0xe: {  	[smem:$0x3FB4] =	sst s6  }
0xf: {  	[smem:$0x3FB5] =	sst s7  }
0x10: {  	[smem:$0x3FB6] =	sst s8  }
0x11: {  	[smem:$0x3FB7] =	sst s9;
	s0 =	simm.s32 @!p0 $0x0  }
0x12: {  	s1 =	sld [smem:$0x3F9D];
	s0 =	simm.s32 @p0 $0x1  }
0x13: {  	[smem:$0x3FB8] =	sst s0;
	s0 =	simm.s32 @!p1 $0x0  }
0x14: {  	s2 =	sld [smem:$0x3F9C];
	s0 =	simm.s32 @p1 $0x1  }
0x15: {  	[smem:$0x3FB9] =	sst s0;
	s0 =	simm.s32 @!p2 $0x0  }
0x16: {  	s3 =	sld [smem:$0x3FDB];
	s0 =	simm.s32 @p2 $0x1  }
0x17: {  	s4 =	simm.s32 $0x1BF5;
	[smem:$0x3FBB] =	sst s0  }
0x18: {  	s0 =	sld [smem:$0x3F9E];
	_ =	swait.ge [sflag:s4], $0x0  }
0x19: {  	s7 =	sld [smem:$0x3F9F]  }
0x1a: {  	s8 =	sadd.s32 $0xFFFFE003, lr  }
0x1b: {  	s9 =	sadd.s32 $0xFFFFFEF7, lr;
	s5 =	simm.s32 $0xFFFFFFFF;
	p2 =	slt.u32 s8, $0xFFFFF086  }
0x1c: {  	p1 =	slt.u32 s9, $0xF7A;
	s5 =	simm.s32 @!p2 $0x0  }
0x1d: {  	s5 =	simm.s32 @p1 $0x1;
	p0 =	seq.s32 s7, s2  }
0x1e: {  	s7 =	smul.u32 @!p0 $0xF7A, s2;
	p2 =	seq.s32 @!p0 s5, $0x0  }
0x1f: {  	s9 =	smul.u32 $0xF7A, s1;
	s8 =	simm.s32 @!p0 $0x1BF5;
	p2 =	por !p2, p0  }
0x20: {  	[sflag:s8] =	ssyncset.s32 @!p0 $0xFFFFF086;
	s6 =	sadd.s32 @!p0 s3, s7;
	s7 =	simm.s32 @!p0 $0x108  }
0x21: {  	s3 =	sadd.s32 s3, s9;
	s6 =	sadd.s32 @!p0 $0x88, s6;
	s7 =	simm.s32 @p2 $0x1082  }
0x22: {  	[simem:s7], [sflag:s8] =	dma.local @!p0 [hbm:s6], $0xF7A  }
0x23: {  	s9 =	sor.u32 $0xD0000000, s2;
	s6 =	simm.s32 $0x108;
	_ =	swait.ge @!p0 [sflag:s8], $0x0  }
0x24: {  	s3 =	sadd.s32 $0x88, s3;
	s6 =	simm.s32 @!p1 $0x1082;
	[sflag:s4] =	ssyncset.s32 $0xFFFFF086  }
0x25: {  	[simem:s6], [sflag:s4] =	dma.local [hbm:s3], $0xF7A  }
0x26: {  	[smem:$0x3F9F] =	sst s1;
	(tag) =	ssettag s2;
	_ =	strace s9  }
0x27: {  	s1 =	sld [smem:$0x3FAF]  }
0x28: {  	s2 =	sld [smem:$0x3FB0]  }
0x29: {  	s4 =	sld [smem:$0x3FB2]  }
0x2a: {  	p0 =	seq.s32 s5, $0x0;
	s5 =	sld [smem:$0x3FB3]  }
0x2b: {  	s6 =	sld [smem:$0x3FB4]  }
0x2c: {  	s7 =	sld [smem:$0x3FB5]  }
0x2d: {  	s3 =	simm.s32 $0x108;
	s8 =	sld [smem:$0x3FB6]  }
0x2e: {  	s3 =	simm.s32 @!p0 $0x1082;
	s9 =	sld [smem:$0x3FB7]  }
0x2f: {  	lr =	sadd.s32 s0, s3;
	s0 =	sld [smem:$0x3FAE]  }
0x30: {  	s3 =	sld [smem:$0x3FB1]  }
0x31: {  	[smem:$0x3FBA] =	sst s10  }
0x32: {  	s10 =	sld [smem:$0x3FB8];
	_ =	sdelay $0x3  }
0x33: {  	p0 =	seq.s32 s10, $0x1;
	s10 =	sld [smem:$0x3FBA];
	_ =	sdelay $0x3  }
0x34: {  	[smem:$0x3FBA] =	sst s10  }
0x35: {  	s10 =	sld [smem:$0x3FB9];
	_ =	sdelay $0x3  }
0x36: {  	p1 =	seq.s32 s10, $0x1;
	s10 =	sld [smem:$0x3FBA];
	_ =	sdelay $0x3  }
0x37: {  	[smem:$0x3FBA] =	sst s10  }
0x38: {  	s10 =	sld [smem:$0x3FBB]  }
0x39: {  	_ = 	snop;
	(pc) =	sbr.ind lr, $3  }
0x3a: {  	_ = 	snop  }
0x3b: {  	_ = 	snop  }
0x3c: {  	p2 =	seq.s32 s10, $0x1;
	s10 =	sld [smem:$0x3FBA]  }
0x3d: {  	_ =	shalt  }
0x3e: {  	_ =	shalt  }
0x3f: {  	_ =	shalt  }
0x40: {  	_ =	shalt  }
0x41: {  	_ =	shalt  }
0x42: {  	_ =	shalt  }
0x43: {  	_ =	shalt  }
0x44: {  	_ =	shalt  }
0x45: {  	_ =	shalt  }
0x46: {  	_ =	shalt  }
0x47: {  	_ =	shalt  }
0x48: {  	_ =	shalt  }
0x49: {  	_ =	shalt  }
0x4a: {  	_ =	shalt  }
0x4b: {  	_ =	shalt  }
0x4c: {  	_ =	shalt  }
0x4d: {  	_ =	shalt  }
0x4e: {  	_ =	shalt  }
0x4f: {  	_ =	shalt  }
0x50: {  	_ =	shalt  }
0x51: {  	_ =	shalt  }
0x52: {  	_ =	shalt  }
0x53: {  	_ =	shalt  }
0x54: {  	_ =	shalt  }
0x55: {  	_ =	shalt  }
0x56: {  	_ =	shalt  }
0x57: {  	_ =	shalt  }
0x58: {  	_ =	shalt  }
0x59: {  	_ =	shalt  }
0x5a: {  	_ =	shalt  }
0x5b: {  	_ =	shalt  }
0x5c: {  	_ =	shalt  }
0x5d: {  	_ =	shalt  }
0x5e: {  	_ =	shalt  }
0x5f: {  	_ =	shalt  }
0x60: {  	_ =	shalt  }
0x61: {  	_ =	shalt  }
0x62: {  	_ =	shalt  }
0x63: {  	_ =	shalt  }
0x64: {  	_ =	shalt  }
0x65: {  	_ =	shalt  }
0x66: {  	_ =	shalt  }
0x67: {  	_ =	shalt  }
0x68: {  	_ =	shalt  }
0x69: {  	_ =	shalt  }
0x6a: {  	_ =	shalt  }
0x6b: {  	_ =	shalt  }
0x6c: {  	_ =	shalt  }
0x6d: {  	_ =	shalt  }
0x6e: {  	_ =	shalt  }
0x6f: {  	_ =	shalt  }
0x70: {  	_ =	shalt  }
0x71: {  	_ =	shalt  }
0x72: {  	_ =	shalt  }
0x73: {  	_ =	shalt  }
0x74: {  	_ =	shalt  }
0x75: {  	_ =	shalt  }
0x76: {  	_ =	shalt  }
0x77: {  	_ =	shalt  }
0x78: {  	_ =	shalt  }
0x79: {  	_ =	shalt  }
0x7a: {  	_ =	shalt  }
0x7b: {  	_ =	shalt  }
0x7c: {  	_ =	shalt  }
0x7d: {  	_ =	shalt  }
0x7e: {  	_ =	shalt  }
0x7f: {  	_ =	shalt  }
0x80: {  	_ =	shalt  }
0x81: {  	_ =	shalt  }
0x82: {  	_ =	shalt  }
0x83: {  	_ =	shalt  }
0x84: {  	_ =	shalt  }
0x85: {  	_ =	shalt  }
0x86: {  	_ =	shalt  }
0x87: {  	_ =	shalt  }
.Lfunc_end0:
.L_simem_size_0:
called_computation_lowered:
.L_overlay_start_0:
0x88: {  	s2 =	sld [smem:$0x3FD9]  }
0x89: {  	s3 =	sld [smem:$0x3FFE];
	_ =	sdelay $0x1  }
0x8a: {  	s1 =	srdreg.scid  }
0x8b: {  	s0 =	sand.u32 $0x1, s1  }
0x8c: {  	s18 =	sshll.u32 s0, $0xA;
	s2 =	sadd.s32 s3, s2  }
0x8d: {  	s2 =	sadd.s32 s2, s18  }
0x8e: {  	[smem:$0x3FC6] =	sst s2  }
0x8f: {  	_ = 	snop  }
0x90: {  	s2 =	sld [smem:$0x3FC9]  }
0x91: {  	s19 =	sld [smem:$0x3FC8]  }
0x92: {  	s4 =	sld [smem:$0x3FD0];
	(tm) =	ssettm $0x1  }
0x93: {  	s5 =	sld [smem:$0x3FFB];
	_ =	sdelay $0x3  }
0x94: {  	_ =	strace s5  }
0x95: {  	s5 =	sld [smem:$0x3FFC];
	_ =	sdelay $0x3  }
0x96: {  	_ =	strace s5  }
0x97: {  	s5 =	sld [smem:$0x3FFD];
	_ =	sdelay $0x3  }
0x98: {  	_ =	strace s5  }
0x99: {  	_ =	strace $0x8FFFFFFF  }
0x9a: {  	s20 =	sld [smem:$0x3FDB];
	_ =	sdelay $0x1  }
0x9b: {  	s6 =	simm.s32 $_scs_section_size  }
0x9c: {  	s7 =	simm.s32 $_size__tile_overlayer_lowered;
	s8 =	simm.s32 $_tile_overlayer_lowered  }
0x9d: {  	s23 =	simm.s32 $0x1BFF;
	s22 =	sshll.u32 s8, $0x1;
	s5 =	sadd.s32 s6, s20  }
0x9e: {  	s9 =	simm.s32 $0x0;
	s21 =	sshll.u32 s7, $0x1;
	s7 =	sadd.s32 s22, s5  }
0x9f: {  	[timem:s9], [sflag:s23] =	dma.local [hbm:s7], s21  }
0xa0: {  	_ =	swait.ge [sflag:s23], s21  }
0xa1: {  	s6 =	ssub.s32 $0x0, s21;
	[sflag:s23] =	ssyncset.done $0x0  }
0xa2: {  	[sflag:s23] =	ssyncadd.s32 s6;
	_ =	sdelay $0x1  }
0xa3: {  	s24 =	simm.s32 $0x1B8B  }
0xa4: {  	_ =	swait.ge [sflag:s24], $0x1  }
0xa5: {  	[sflag:s24] =	ssyncset.done $0x0  }
0xa6: {  	s25 =	simm.s32 $0x1B8E;
	[sflag:s24] =	ssyncadd.s32 $0xFFFFFFFF  }
0xa7: {  	s26 =	simm.s32 $execute0_lowered;
	[smem:$0x3FD2] =	sst s25  }
0xa8: {  	s6 =	sshll.u32 s26, $0x1;
	_ =	strace $0x80000046;
	[dreg:$0x1] =	wrdreg $0xFFFFFFFF  }
0xa9: {  	s28 =	simm.s32 $_size_execute0_lowered;
	s5 =	sadd.s32 s5, s6;
	[dreg:$0x0] =	wrdreg $0x0  }
0xaa: {  	s6 =	sshll.u32 s28, $0x1;
	[dreg:$0x2] =	wrdreg s5  }
0xab: {  	[dreg:$0x3] =	wrdreg s6  }
0xac: {  	[dreg:$0x4] =	wrdreg $0xC0  }
0xad: {  	_ =	task [dreg:s9], $0x5FFFF  }
0xae: {  	[dreg:$0x1] =	wrdreg $0xFFFFFFFF  }
0xaf: {  	[dreg:$0x0] =	wrdreg $0x60  }
0xb0: {  	[dreg:$0x2] =	wrdreg s19  }
0xb1: {  	[dreg:$0x3] =	wrdreg s2  }
0xb2: {  	[dreg:$0x4] =	wrdreg s4  }
0xb3: {  	[dreg:$0x5] =	wrdreg $0x9  }
0xb4: {  	_ =	task.clear_ibuf [dreg:s9], $0x6FFFF;
	_ =	strace $0x90000046  }
0xb5: {  	s29 =	simm.s32 $0x9;
	_ =	strace $0x80000048  }
0xb6: {  	_ =	swait.ge [sflag:s29], $0x1  }
0xb7: {  	[sflag:s29] =	ssyncadd.s32 $0xFFFFFFFF  }
0xb8: {  	_ =	strace $0x90000048  }
0xb9: {  	_ =	sfence  }
0xba: {  	s30 =	sld [smem:$0x0];
	_ =	sdelay $0x2  }
0xbb: {  	s31 =	sshll.u32 s1, $0xD;
	s1 =	sshrl.u32 s1, $0x2  }
0xbc: {  	s3 =	sand.u32 $0x4000, s31;
	s1 =	sadd.s32 s1, s30  }
0xbd: {  	s0 =	sor.u32 s3, s0;
	s1 =	sshll.u32 s1, $0x11  }
0xbe: {  	s0 =	sor.u32 s1, s0  }
0xbf: {  	s0 =	sadd.s32 $0x8F2B, s0  }
0xc0: {  	[sflag:s0] =	ssyncadd.remote.s32 $0x1  }
0xc1: {  	_ =	sfence.sel $0xFFFF  }
0xc2: {  	[dreg:$0x0] =	wrdreg $0xFFFFFFFF;
	(pc) =	sbr.abs _section_cstart, $3  }
0xc3: {  	[dreg:$0x1] =	wrdreg $0xFFFFFFFF  }
0xc4: {  	_ =	task.clear_ibuf [dreg:s9], $0x2FFFF;
	_ =	strace $0x9FFFFFFF  }
0xc5: {  	(tm) =	ssettm $0x7FFFFFFF  }
tec
execute0_lowered:
.L_overlay_start_1:
0x0: {  	(tag) =	ssettag $0x1  }
0x1: {  	s0 =	srdreg.scid  }
0x2: {  	s5 =	stileid.u32;
	s4 =	rddreg [dreg:$0x1];
	s7 =	simm.s32 $0x0  }
0x3: {  	s12 =	simm.s32 $0x80;
	s0 =	sand.u32 $0x1, s0;
	s1 =	sshll.u32 s5, $0x1  }
0x4: {  	s15 =	simm.s32 $0x1;
	s16 =	simm.s32 $0x8000;
	s1 =	sor.u32 s0, s1  }
0x5: {  	s17 =	simm.s32 $0x400;
	s18 =	simm.s32 $0x2;
	s2 =	smul.u32 $0x2004, s1  }
0x6: {  	s19 =	simm.s32 $0x3;
	s20 =	simm.s32 $0x4;
	s21 =	simm.s32 $0x5  }
0x7: {  	s22 =	simm.s32 $0x6;
	s1 =	smul.u32 $0xC, s1;
	s2 =	sshrl.u32 s2, $0x10  }
0x8: {  	s23 =	simm.s32 $0x7;
	s24 =	simm.s32 $0x8;
	s3 =	smul.u32 $0x60, s2  }
0x9: {  	s25 =	simm.s32 $0x9;
	s6 =	sshrl.u32 s5, $0x2;
	s5 =	rddreg [dreg:$0x2]  }
0xa: {  	s26 =	simm.s32 $0x0;
	[smem:$0x7FF] =	sst s7;
	s3 =	ssub.s32 s1, s3  }
0xb: {  	s6 =	smul.u32 $0x180000, s6;
	s0 =	ssub.s32 $0x2, s0;
	s3 =	sshll.u32 s3, $0x7  }
0xc: {  	s9 =	sadd.s32 $0x18000, s5;
	s31 =	sshrl.u32 s0, $0x1;
	s3 =	sand.u32 $0xFE00, s3  }
0xd: {  	s10 =	sadd.s32 $0x30000, s5;
	s0 =	ssub.s32 s0, s31;
	s3 =	sor.u32 s3, s6  }
0xe: {  	s11 =	smax.u32 s0, $0x1;
	s2 =	rddreg [dreg:$0x0];
	s3 =	sshrl.u32 s3, $0x3  }
0xf: {  	v0 =	vimm.f32 $0.0e+00;
	_ =	strace $0x80000047;
	s7 =	sadd.s32 s2, s3;
	s8 =	sadd.s32 s4, s3  }
.LBB2_1:
0x10: {  	s0 =	simm.s32 $0x0;
	s3 =	simm.s32 $0x3000  }
0x11: {  	[tilespmem:s0], [sflag:$0x1] =	stream.strided.gather [hbm4b:s7+s12], $0x4000, s3, s12, $0x38;
	[tilespmem:$0x18000] =	vst v63  }
0x12: {  	s31 =	simm.s32 $0x4000  }
0x13: {  	[tilespmem:s31], [sflag:$0x1] =	stream.strided.gather [hbm4b:s8+s12], $0x4000, s3, s12, $0x38;
	[tilespmem:$0x18000] =	vst v63  }
0x14: {  	s3 =	simm.s32 $0x0  }
.LBB2_3:
0x15: {  	p0 =	seq.s32 s3, $0x0  }
0x16: {  	s0 =	simm.s32 @!p0 $0x2  }
0x17: {  	_ =	swait.ge @!p0 [sflag:s0], $0x2000  }
0x18: {  	[sflag:s0] =	ssyncset.done @!p0 $0x0  }
0x19: {  	[sflag:s0] =	ssyncadd.s32 @!p0 $0xFFFFE000;
	s0 =	simm.s32 $0x8100  }
0x1a: {  	[tilespmem:s0+$0xFFFFFF00] =	vst v0  }
0x1b: {  	[tilespmem:s0+$0xF0] =	vst v0  }
0x1c: {  	[tilespmem:s0+$0xE0] =	vst v0  }
0x1d: {  	[tilespmem:s0+$0xD0] =	vst v0  }
0x1e: {  	[tilespmem:s0+$0xC0] =	vst v0  }
0x1f: {  	[tilespmem:s0+$0xB0] =	vst v0  }
0x20: {  	[tilespmem:s0+$0xA0] =	vst v0  }
0x21: {  	[tilespmem:s0+$0x90] =	vst v0  }
0x22: {  	[tilespmem:s0+$0x80] =	vst v0  }
0x23: {  	[tilespmem:s0+$0x70] =	vst v0  }
0x24: {  	[tilespmem:s0+$0x60] =	vst v0  }
0x25: {  	[tilespmem:s0+$0x50] =	vst v0  }
0x26: {  	[tilespmem:s0+$0x40] =	vst v0  }
0x27: {  	[tilespmem:s0+$0x30] =	vst v0  }
0x28: {  	[tilespmem:s0+$0x20] =	vst v0  }
0x29: {  	[tilespmem:s0+$0x10] =	vst v0  }
0x2a: {  	[tilespmem:s0+$0x0] =	vst v0  }
0x2b: {  	[tilespmem:s0+$0xFFFFFFF0] =	vst v0  }
0x2c: {  	[tilespmem:s0+$0xFFFFFFE0] =	vst v0  }
0x2d: {  	[tilespmem:s0+$0xFFFFFFD0] =	vst v0  }
0x2e: {  	[tilespmem:s0+$0xFFFFFFC0] =	vst v0  }
0x2f: {  	[tilespmem:s0+$0xFFFFFFB0] =	vst v0  }
0x30: {  	[tilespmem:s0+$0xFFFFFFA0] =	vst v0  }
0x31: {  	[tilespmem:s0+$0xFFFFFF90] =	vst v0  }
0x32: {  	[tilespmem:s0+$0xFFFFFF80] =	vst v0  }
0x33: {  	[tilespmem:s0+$0xFFFFFF70] =	vst v0  }
0x34: {  	[tilespmem:s0+$0xFFFFFF60] =	vst v0  }
0x35: {  	[tilespmem:s0+$0xFFFFFF50] =	vst v0  }
0x36: {  	[tilespmem:s0+$0xFFFFFF40] =	vst v0  }
0x37: {  	[tilespmem:s0+$0xFFFFFF30] =	vst v0  }
0x38: {  	s28 =	smov.u32 s3;
	s3 =	simm.s32 $0x0;
	[tilespmem:s0+$0xFFFFFF20] =	vst v0  }
.LBB2_4:
0x39: {  	s3 =	sadd.s32 $0x2, s3;
	[tilespmem:s0+$0xFFFFFF10] =	vst v0;
	s0 =	sadd.s32 $0x200, s0  }
0x3a: {  	[tilespmem:s0+$0xFFFFFF00] =	vst v0;
	p1 =	slt.u32 s3, $0x1E  }
0x3b: {  	[tilespmem:s0+$0xF0] =	vst v0  }
0x3c: {  	[tilespmem:s0+$0xE0] =	vst v0  }
0x3d: {  	[tilespmem:s0+$0xD0] =	vst v0  }
0x3e: {  	[tilespmem:s0+$0xC0] =	vst v0  }
0x3f: {  	[tilespmem:s0+$0xB0] =	vst v0  }
0x40: {  	[tilespmem:s0+$0xA0] =	vst v0  }
0x41: {  	[tilespmem:s0+$0x90] =	vst v0  }
0x42: {  	[tilespmem:s0+$0x80] =	vst v0  }
0x43: {  	[tilespmem:s0+$0x70] =	vst v0  }
0x44: {  	[tilespmem:s0+$0x60] =	vst v0  }
0x45: {  	[tilespmem:s0+$0x50] =	vst v0  }
0x46: {  	[tilespmem:s0+$0x40] =	vst v0  }
0x47: {  	[tilespmem:s0+$0x30] =	vst v0  }
0x48: {  	[tilespmem:s0+$0x20] =	vst v0  }
0x49: {  	[tilespmem:s0+$0x10] =	vst v0  }
0x4a: {  	[tilespmem:s0+$0x0] =	vst v0  }
0x4b: {  	[tilespmem:s0+$0xFFFFFFF0] =	vst v0  }
0x4c: {  	[tilespmem:s0+$0xFFFFFFE0] =	vst v0  }
0x4d: {  	[tilespmem:s0+$0xFFFFFFD0] =	vst v0  }
0x4e: {  	[tilespmem:s0+$0xFFFFFFC0] =	vst v0  }
0x4f: {  	[tilespmem:s0+$0xFFFFFFB0] =	vst v0  }
0x50: {  	[tilespmem:s0+$0xFFFFFFA0] =	vst v0  }
0x51: {  	[tilespmem:s0+$0xFFFFFF90] =	vst v0  }
0x52: {  	[tilespmem:s0+$0xFFFFFF80] =	vst v0  }
0x53: {  	[tilespmem:s0+$0xFFFFFF70] =	vst v0  }
.Ltmp0:
0x54: {  	[tilespmem:s0+$0xFFFFFF60] =	vst v0;
	(pc) =	sbr.rel @p1 .LBB2_4-.Ltmp0, $4  }
0x55: {  	[tilespmem:s0+$0xFFFFFF50] =	vst v0  }
0x56: {  	[tilespmem:s0+$0xFFFFFF40] =	vst v0  }
0x57: {  	[tilespmem:s0+$0xFFFFFF30] =	vst v0  }
0x58: {  	[tilespmem:s0+$0xFFFFFF20] =	vst v0  }
0x59: {  	[tilespmem:s0+$0xFFFFFF10] =	vst v0;
	s0 =	simm.s32 @!p0 $0x3  }
0x5a: {  	_ =	swait.ge @!p0 [sflag:s0], $0x2000  }
0x5b: {  	[sflag:s0] =	ssyncset.done @!p0 $0x0  }
0x5c: {  	[sflag:s0] =	ssyncadd.s32 @!p0 $0xFFFFE000;
	s0 =	simm.s32 $0xA1F0  }
0x5d: {  	[tilespmem:s0+$0xFFFFFE10] =	vst v0  }
0x5e: {  	[tilespmem:s0+$0x0] =	vst v0  }
0x5f: {  	[tilespmem:s0+$0xFFFFFFF0] =	vst v0  }
0x60: {  	[tilespmem:s0+$0xFFFFFFE0] =	vst v0  }
0x61: {  	[tilespmem:s0+$0xFFFFFFD0] =	vst v0  }
0x62: {  	[tilespmem:s0+$0xFFFFFFC0] =	vst v0  }
0x63: {  	[tilespmem:s0+$0xFFFFFFB0] =	vst v0  }
0x64: {  	[tilespmem:s0+$0xFFFFFFA0] =	vst v0  }
0x65: {  	[tilespmem:s0+$0xFFFFFF90] =	vst v0  }
0x66: {  	[tilespmem:s0+$0xFFFFFF80] =	vst v0  }
0x67: {  	[tilespmem:s0+$0xFFFFFF70] =	vst v0  }
0x68: {  	[tilespmem:s0+$0xFFFFFF60] =	vst v0  }
0x69: {  	[tilespmem:s0+$0xFFFFFF50] =	vst v0  }
0x6a: {  	[tilespmem:s0+$0xFFFFFF40] =	vst v0  }
0x6b: {  	[tilespmem:s0+$0xFFFFFF30] =	vst v0  }
0x6c: {  	[tilespmem:s0+$0xFFFFFF20] =	vst v0  }
0x6d: {  	[tilespmem:s0+$0xFFFFFF10] =	vst v0  }
0x6e: {  	[tilespmem:s0+$0xFFFFFF00] =	vst v0  }
0x6f: {  	[tilespmem:s0+$0xFFFFFEF0] =	vst v0  }
0x70: {  	[tilespmem:s0+$0xFFFFFEE0] =	vst v0  }
0x71: {  	[tilespmem:s0+$0xFFFFFED0] =	vst v0  }
0x72: {  	[tilespmem:s0+$0xFFFFFEC0] =	vst v0  }
0x73: {  	[tilespmem:s0+$0xFFFFFEB0] =	vst v0  }
0x74: {  	[tilespmem:s0+$0xFFFFFEA0] =	vst v0  }
0x75: {  	[tilespmem:s0+$0xFFFFFE90] =	vst v0  }
0x76: {  	[tilespmem:s0+$0xFFFFFE80] =	vst v0  }
0x77: {  	[tilespmem:s0+$0xFFFFFE70] =	vst v0  }
0x78: {  	[tilespmem:s0+$0xFFFFFE60] =	vst v0  }
0x79: {  	[tilespmem:s0+$0xFFFFFE50] =	vst v0  }
0x7a: {  	[tilespmem:s0+$0xFFFFFE40] =	vst v0  }
0x7b: {  	s3 =	simm.s32 $0x20;
	[tilespmem:s0+$0xFFFFFE30] =	vst v0  }
.LBB2_6:
0x7c: {  	s3 =	sadd.s32 $0x2, s3;
	[tilespmem:s0+$0xFFFFFE20] =	vst v0;
	s0 =	sadd.s32 $0x200, s0  }
0x7d: {  	[tilespmem:s0+$0xFFFFFE10] =	vst v0;
	p1 =	slt.u32 s3, $0x3E  }
0x7e: {  	[tilespmem:s0+$0x0] =	vst v0  }
0x7f: {  	[tilespmem:s0+$0xFFFFFFF0] =	vst v0  }
0x80: {  	[tilespmem:s0+$0xFFFFFFE0] =	vst v0  }
0x81: {  	[tilespmem:s0+$0xFFFFFFD0] =	vst v0  }
0x82: {  	[tilespmem:s0+$0xFFFFFFC0] =	vst v0  }
0x83: {  	[tilespmem:s0+$0xFFFFFFB0] =	vst v0  }
0x84: {  	[tilespmem:s0+$0xFFFFFFA0] =	vst v0  }
0x85: {  	[tilespmem:s0+$0xFFFFFF90] =	vst v0  }
0x86: {  	[tilespmem:s0+$0xFFFFFF80] =	vst v0  }
0x87: {  	[tilespmem:s0+$0xFFFFFF70] =	vst v0  }
0x88: {  	[tilespmem:s0+$0xFFFFFF60] =	vst v0  }
0x89: {  	[tilespmem:s0+$0xFFFFFF50] =	vst v0  }
0x8a: {  	[tilespmem:s0+$0xFFFFFF40] =	vst v0  }
0x8b: {  	[tilespmem:s0+$0xFFFFFF30] =	vst v0  }
0x8c: {  	[tilespmem:s0+$0xFFFFFF20] =	vst v0  }
0x8d: {  	[tilespmem:s0+$0xFFFFFF10] =	vst v0  }
0x8e: {  	[tilespmem:s0+$0xFFFFFF00] =	vst v0  }
0x8f: {  	[tilespmem:s0+$0xFFFFFEF0] =	vst v0  }
0x90: {  	[tilespmem:s0+$0xFFFFFEE0] =	vst v0  }
0x91: {  	[tilespmem:s0+$0xFFFFFED0] =	vst v0  }
0x92: {  	[tilespmem:s0+$0xFFFFFEC0] =	vst v0  }
0x93: {  	[tilespmem:s0+$0xFFFFFEB0] =	vst v0  }
0x94: {  	[tilespmem:s0+$0xFFFFFEA0] =	vst v0  }
0x95: {  	[tilespmem:s0+$0xFFFFFE90] =	vst v0  }
0x96: {  	[tilespmem:s0+$0xFFFFFE80] =	vst v0  }
.Ltmp1:
0x97: {  	[tilespmem:s0+$0xFFFFFE70] =	vst v0;
	(pc) =	sbr.rel @p1 .LBB2_6-.Ltmp1, $4  }
0x98: {  	[tilespmem:s0+$0xFFFFFE60] =	vst v0  }
0x99: {  	[tilespmem:s0+$0xFFFFFE50] =	vst v0  }
0x9a: {  	[tilespmem:s0+$0xFFFFFE40] =	vst v0  }
0x9b: {  	[tilespmem:s0+$0xFFFFFE30] =	vst v0  }
0x9c: {  	[tilespmem:s0+$0xFFFFFE20] =	vst v0;
	s0 =	simm.s32 @!p0 $0x4  }
0x9d: {  	_ =	swait.ge @!p0 [sflag:s0], $0x2000  }
0x9e: {  	[sflag:s0] =	ssyncset.done @!p0 $0x0  }
0x9f: {  	[sflag:s0] =	ssyncadd.s32 @!p0 $0xFFFFE000;
	s0 =	simm.s32 $0xC000  }
0xa0: {  	[tilespmem:s0+$0x0] =	vst v0  }
0xa1: {  	[tilespmem:s0+$0x1F0] =	vst v0  }
0xa2: {  	[tilespmem:s0+$0x1E0] =	vst v0  }
0xa3: {  	[tilespmem:s0+$0x1D0] =	vst v0  }
0xa4: {  	[tilespmem:s0+$0x1C0] =	vst v0  }
0xa5: {  	[tilespmem:s0+$0x1B0] =	vst v0  }
0xa6: {  	[tilespmem:s0+$0x1A0] =	vst v0  }
0xa7: {  	[tilespmem:s0+$0x190] =	vst v0  }
0xa8: {  	[tilespmem:s0+$0x180] =	vst v0  }
0xa9: {  	[tilespmem:s0+$0x170] =	vst v0  }
0xaa: {  	[tilespmem:s0+$0x160] =	vst v0  }
0xab: {  	[tilespmem:s0+$0x150] =	vst v0  }
0xac: {  	[tilespmem:s0+$0x140] =	vst v0  }
0xad: {  	[tilespmem:s0+$0x130] =	vst v0  }
0xae: {  	[tilespmem:s0+$0x120] =	vst v0  }
0xaf: {  	[tilespmem:s0+$0x110] =	vst v0  }
0xb0: {  	[tilespmem:s0+$0x100] =	vst v0  }
0xb1: {  	[tilespmem:s0+$0xF0] =	vst v0  }
0xb2: {  	[tilespmem:s0+$0xE0] =	vst v0  }
0xb3: {  	[tilespmem:s0+$0xD0] =	vst v0  }
0xb4: {  	[tilespmem:s0+$0xC0] =	vst v0  }
0xb5: {  	[tilespmem:s0+$0xB0] =	vst v0  }
0xb6: {  	[tilespmem:s0+$0xA0] =	vst v0  }
0xb7: {  	[tilespmem:s0+$0x90] =	vst v0  }
0xb8: {  	[tilespmem:s0+$0x80] =	vst v0  }
0xb9: {  	[tilespmem:s0+$0x70] =	vst v0  }
0xba: {  	[tilespmem:s0+$0x60] =	vst v0  }
0xbb: {  	[tilespmem:s0+$0x50] =	vst v0  }
0xbc: {  	[tilespmem:s0+$0x40] =	vst v0  }
0xbd: {  	[tilespmem:s0+$0x30] =	vst v0  }
0xbe: {  	s3 =	simm.s32 $0x40;
	[tilespmem:s0+$0x20] =	vst v0  }
.LBB2_8:
0xbf: {  	s3 =	sadd.s32 $0x2, s3;
	[tilespmem:s0+$0x10] =	vst v0;
	s0 =	sadd.s32 $0x200, s0  }
0xc0: {  	[tilespmem:s0+$0x0] =	vst v0;
	p1 =	slt.u32 s3, $0x5E  }
0xc1: {  	[tilespmem:s0+$0x1F0] =	vst v0  }
0xc2: {  	[tilespmem:s0+$0x1E0] =	vst v0  }
0xc3: {  	[tilespmem:s0+$0x1D0] =	vst v0  }
0xc4: {  	[tilespmem:s0+$0x1C0] =	vst v0  }
0xc5: {  	[tilespmem:s0+$0x1B0] =	vst v0  }
0xc6: {  	[tilespmem:s0+$0x1A0] =	vst v0  }
0xc7: {  	[tilespmem:s0+$0x190] =	vst v0  }
0xc8: {  	[tilespmem:s0+$0x180] =	vst v0  }
0xc9: {  	[tilespmem:s0+$0x170] =	vst v0  }
0xca: {  	[tilespmem:s0+$0x160] =	vst v0  }
0xcb: {  	[tilespmem:s0+$0x150] =	vst v0  }
0xcc: {  	[tilespmem:s0+$0x140] =	vst v0  }
0xcd: {  	[tilespmem:s0+$0x130] =	vst v0  }
0xce: {  	[tilespmem:s0+$0x120] =	vst v0  }
0xcf: {  	[tilespmem:s0+$0x110] =	vst v0  }
0xd0: {  	[tilespmem:s0+$0x100] =	vst v0  }
0xd1: {  	[tilespmem:s0+$0xF0] =	vst v0  }
0xd2: {  	[tilespmem:s0+$0xE0] =	vst v0  }
0xd3: {  	[tilespmem:s0+$0xD0] =	vst v0  }
0xd4: {  	[tilespmem:s0+$0xC0] =	vst v0  }
0xd5: {  	[tilespmem:s0+$0xB0] =	vst v0  }
0xd6: {  	[tilespmem:s0+$0xA0] =	vst v0  }
0xd7: {  	[tilespmem:s0+$0x90] =	vst v0  }
0xd8: {  	[tilespmem:s0+$0x80] =	vst v0  }
0xd9: {  	[tilespmem:s0+$0x70] =	vst v0  }
.Ltmp2:
0xda: {  	[tilespmem:s0+$0x60] =	vst v0;
	(pc) =	sbr.rel @p1 .LBB2_8-.Ltmp2, $4  }
0xdb: {  	[tilespmem:s0+$0x50] =	vst v0  }
0xdc: {  	[tilespmem:s0+$0x40] =	vst v0  }
0xdd: {  	[tilespmem:s0+$0x30] =	vst v0  }
0xde: {  	[tilespmem:s0+$0x20] =	vst v0  }
0xdf: {  	[tilespmem:s0+$0x10] =	vst v0;
	s0 =	simm.s32 @!p0 $0x5  }
0xe0: {  	_ =	swait.ge @!p0 [sflag:s0], $0x2000  }
0xe1: {  	[sflag:s0] =	ssyncset.done @!p0 $0x0  }
0xe2: {  	[sflag:s0] =	ssyncadd.s32 @!p0 $0xFFFFE000;
	s0 =	simm.s32 $0xE000  }
0xe3: {  	[tilespmem:s0+$0x0] =	vst v0  }
0xe4: {  	[tilespmem:s0+$0x1F0] =	vst v0  }
0xe5: {  	[tilespmem:s0+$0x1E0] =	vst v0  }
0xe6: {  	[tilespmem:s0+$0x1D0] =	vst v0  }
0xe7: {  	[tilespmem:s0+$0x1C0] =	vst v0  }
0xe8: {  	[tilespmem:s0+$0x1B0] =	vst v0  }
0xe9: {  	[tilespmem:s0+$0x1A0] =	vst v0  }
0xea: {  	[tilespmem:s0+$0x190] =	vst v0  }
0xeb: {  	[tilespmem:s0+$0x180] =	vst v0  }
0xec: {  	[tilespmem:s0+$0x170] =	vst v0  }
0xed: {  	[tilespmem:s0+$0x160] =	vst v0  }
0xee: {  	[tilespmem:s0+$0x150] =	vst v0  }
0xef: {  	[tilespmem:s0+$0x140] =	vst v0  }
0xf0: {  	[tilespmem:s0+$0x130] =	vst v0  }
0xf1: {  	[tilespmem:s0+$0x120] =	vst v0  }
0xf2: {  	[tilespmem:s0+$0x110] =	vst v0  }
0xf3: {  	[tilespmem:s0+$0x100] =	vst v0  }
0xf4: {  	[tilespmem:s0+$0xF0] =	vst v0  }
0xf5: {  	[tilespmem:s0+$0xE0] =	vst v0  }
0xf6: {  	[tilespmem:s0+$0xD0] =	vst v0  }
0xf7: {  	[tilespmem:s0+$0xC0] =	vst v0  }
0xf8: {  	[tilespmem:s0+$0xB0] =	vst v0  }
0xf9: {  	[tilespmem:s0+$0xA0] =	vst v0  }
0xfa: {  	[tilespmem:s0+$0x90] =	vst v0  }
0xfb: {  	[tilespmem:s0+$0x80] =	vst v0  }
0xfc: {  	[tilespmem:s0+$0x70] =	vst v0  }
0xfd: {  	[tilespmem:s0+$0x60] =	vst v0  }
0xfe: {  	[tilespmem:s0+$0x50] =	vst v0  }
0xff: {  	[tilespmem:s0+$0x40] =	vst v0  }
0x100: {  	[tilespmem:s0+$0x30] =	vst v0  }
0x101: {  	s3 =	simm.s32 $0x60;
	[tilespmem:s0+$0x20] =	vst v0  }
.LBB2_10:
0x102: {  	s3 =	sadd.s32 $0x2, s3;
	[tilespmem:s0+$0x10] =	vst v0;
	s0 =	sadd.s32 $0x200, s0  }
0x103: {  	[tilespmem:s0+$0x0] =	vst v0;
	p1 =	slt.u32 s3, $0x7E  }
0x104: {  	[tilespmem:s0+$0x1F0] =	vst v0  }
0x105: {  	[tilespmem:s0+$0x1E0] =	vst v0  }
0x106: {  	[tilespmem:s0+$0x1D0] =	vst v0  }
0x107: {  	[tilespmem:s0+$0x1C0] =	vst v0  }
0x108: {  	[tilespmem:s0+$0x1B0] =	vst v0  }
0x109: {  	[tilespmem:s0+$0x1A0] =	vst v0  }
0x10a: {  	[tilespmem:s0+$0x190] =	vst v0  }
0x10b: {  	[tilespmem:s0+$0x180] =	vst v0  }
0x10c: {  	[tilespmem:s0+$0x170] =	vst v0  }
0x10d: {  	[tilespmem:s0+$0x160] =	vst v0  }
0x10e: {  	[tilespmem:s0+$0x150] =	vst v0  }
0x10f: {  	[tilespmem:s0+$0x140] =	vst v0  }
0x110: {  	[tilespmem:s0+$0x130] =	vst v0  }
0x111: {  	[tilespmem:s0+$0x120] =	vst v0  }
0x112: {  	[tilespmem:s0+$0x110] =	vst v0  }
0x113: {  	[tilespmem:s0+$0x100] =	vst v0  }
0x114: {  	[tilespmem:s0+$0xF0] =	vst v0  }
0x115: {  	[tilespmem:s0+$0xE0] =	vst v0  }
0x116: {  	[tilespmem:s0+$0xD0] =	vst v0  }
0x117: {  	[tilespmem:s0+$0xC0] =	vst v0  }
0x118: {  	[tilespmem:s0+$0xB0] =	vst v0  }
0x119: {  	[tilespmem:s0+$0xA0] =	vst v0  }
0x11a: {  	[tilespmem:s0+$0x90] =	vst v0  }
0x11b: {  	[tilespmem:s0+$0x80] =	vst v0  }
0x11c: {  	[tilespmem:s0+$0x70] =	vst v0  }
.Ltmp3:
0x11d: {  	[tilespmem:s0+$0x60] =	vst v0;
	(pc) =	sbr.rel @p1 .LBB2_10-.Ltmp3, $4  }
0x11e: {  	[tilespmem:s0+$0x50] =	vst v0  }
0x11f: {  	[tilespmem:s0+$0x40] =	vst v0  }
0x120: {  	[tilespmem:s0+$0x30] =	vst v0  }
0x121: {  	[tilespmem:s0+$0x20] =	vst v0  }
0x122: {  	[tilespmem:s0+$0x10] =	vst v0;
	s0 =	simm.s32 @!p0 $0x6  }
0x123: {  	_ =	swait.ge @!p0 [sflag:s0], $0x2000  }
0x124: {  	[sflag:s0] =	ssyncset.done @!p0 $0x0  }
0x125: {  	[sflag:s0] =	ssyncadd.s32 @!p0 $0xFFFFE000;
	s0 =	simm.s32 $0x10000  }
0x126: {  	[tilespmem:s0+$0x0] =	vst v0  }
0x127: {  	[tilespmem:s0+$0x1F0] =	vst v0  }
0x128: {  	[tilespmem:s0+$0x1E0] =	vst v0  }
0x129: {  	[tilespmem:s0+$0x1D0] =	vst v0  }
0x12a: {  	[tilespmem:s0+$0x1C0] =	vst v0  }
0x12b: {  	[tilespmem:s0+$0x1B0] =	vst v0  }
0x12c: {  	[tilespmem:s0+$0x1A0] =	vst v0  }
0x12d: {  	[tilespmem:s0+$0x190] =	vst v0  }
0x12e: {  	[tilespmem:s0+$0x180] =	vst v0  }
0x12f: {  	[tilespmem:s0+$0x170] =	vst v0  }
0x130: {  	[tilespmem:s0+$0x160] =	vst v0  }
0x131: {  	[tilespmem:s0+$0x150] =	vst v0  }
0x132: {  	[tilespmem:s0+$0x140] =	vst v0  }
0x133: {  	[tilespmem:s0+$0x130] =	vst v0  }
0x134: {  	[tilespmem:s0+$0x120] =	vst v0  }
0x135: {  	[tilespmem:s0+$0x110] =	vst v0  }
0x136: {  	[tilespmem:s0+$0x100] =	vst v0  }
0x137: {  	[tilespmem:s0+$0xF0] =	vst v0  }
0x138: {  	[tilespmem:s0+$0xE0] =	vst v0  }
0x139: {  	[tilespmem:s0+$0xD0] =	vst v0  }
0x13a: {  	[tilespmem:s0+$0xC0] =	vst v0  }
0x13b: {  	[tilespmem:s0+$0xB0] =	vst v0  }
0x13c: {  	[tilespmem:s0+$0xA0] =	vst v0  }
0x13d: {  	[tilespmem:s0+$0x90] =	vst v0  }
0x13e: {  	[tilespmem:s0+$0x80] =	vst v0  }
0x13f: {  	[tilespmem:s0+$0x70] =	vst v0  }
0x140: {  	[tilespmem:s0+$0x60] =	vst v0  }
0x141: {  	[tilespmem:s0+$0x50] =	vst v0  }
0x142: {  	[tilespmem:s0+$0x40] =	vst v0  }
0x143: {  	[tilespmem:s0+$0x30] =	vst v0  }
0x144: {  	s3 =	simm.s32 $0x80;
	[tilespmem:s0+$0x20] =	vst v0  }
.LBB2_12:
0x145: {  	s3 =	sadd.s32 $0x2, s3;
	[tilespmem:s0+$0x10] =	vst v0;
	s0 =	sadd.s32 $0x200, s0  }
0x146: {  	[tilespmem:s0+$0x0] =	vst v0;
	p1 =	slt.u32 s3, $0x9E  }
0x147: {  	[tilespmem:s0+$0x1F0] =	vst v0  }
0x148: {  	[tilespmem:s0+$0x1E0] =	vst v0  }
0x149: {  	[tilespmem:s0+$0x1D0] =	vst v0  }
0x14a: {  	[tilespmem:s0+$0x1C0] =	vst v0  }
0x14b: {  	[tilespmem:s0+$0x1B0] =	vst v0  }
0x14c: {  	[tilespmem:s0+$0x1A0] =	vst v0  }
0x14d: {  	[tilespmem:s0+$0x190] =	vst v0  }
0x14e: {  	[tilespmem:s0+$0x180] =	vst v0  }
0x14f: {  	[tilespmem:s0+$0x170] =	vst v0  }
0x150: {  	[tilespmem:s0+$0x160] =	vst v0  }
0x151: {  	[tilespmem:s0+$0x150] =	vst v0  }
0x152: {  	[tilespmem:s0+$0x140] =	vst v0  }
0x153: {  	[tilespmem:s0+$0x130] =	vst v0  }
0x154: {  	[tilespmem:s0+$0x120] =	vst v0  }
0x155: {  	[tilespmem:s0+$0x110] =	vst v0  }
0x156: {  	[tilespmem:s0+$0x100] =	vst v0  }
0x157: {  	[tilespmem:s0+$0xF0] =	vst v0  }
0x158: {  	[tilespmem:s0+$0xE0] =	vst v0  }
0x159: {  	[tilespmem:s0+$0xD0] =	vst v0  }
0x15a: {  	[tilespmem:s0+$0xC0] =	vst v0  }
0x15b: {  	[tilespmem:s0+$0xB0] =	vst v0  }
0x15c: {  	[tilespmem:s0+$0xA0] =	vst v0  }
0x15d: {  	[tilespmem:s0+$0x90] =	vst v0  }
0x15e: {  	[tilespmem:s0+$0x80] =	vst v0  }
0x15f: {  	[tilespmem:s0+$0x70] =	vst v0  }
.Ltmp4:
0x160: {  	[tilespmem:s0+$0x60] =	vst v0;
	(pc) =	sbr.rel @p1 .LBB2_12-.Ltmp4, $4  }
0x161: {  	[tilespmem:s0+$0x50] =	vst v0  }
0x162: {  	[tilespmem:s0+$0x40] =	vst v0  }
0x163: {  	[tilespmem:s0+$0x30] =	vst v0  }
0x164: {  	[tilespmem:s0+$0x20] =	vst v0  }
0x165: {  	[tilespmem:s0+$0x10] =	vst v0;
	s0 =	simm.s32 @!p0 $0x7  }
0x166: {  	_ =	swait.ge @!p0 [sflag:s0], $0x2000  }
0x167: {  	[sflag:s0] =	ssyncset.done @!p0 $0x0  }
0x168: {  	[sflag:s0] =	ssyncadd.s32 @!p0 $0xFFFFE000;
	s0 =	simm.s32 $0x12000  }
0x169: {  	[tilespmem:s0+$0x0] =	vst v0  }
0x16a: {  	[tilespmem:s0+$0x1F0] =	vst v0  }
0x16b: {  	[tilespmem:s0+$0x1E0] =	vst v0  }
0x16c: {  	[tilespmem:s0+$0x1D0] =	vst v0  }
0x16d: {  	[tilespmem:s0+$0x1C0] =	vst v0  }
0x16e: {  	[tilespmem:s0+$0x1B0] =	vst v0  }
0x16f: {  	[tilespmem:s0+$0x1A0] =	vst v0  }
0x170: {  	[tilespmem:s0+$0x190] =	vst v0  }
0x171: {  	[tilespmem:s0+$0x180] =	vst v0  }
0x172: {  	[tilespmem:s0+$0x170] =	vst v0  }
0x173: {  	[tilespmem:s0+$0x160] =	vst v0  }
0x174: {  	[tilespmem:s0+$0x150] =	vst v0  }
0x175: {  	[tilespmem:s0+$0x140] =	vst v0  }
0x176: {  	[tilespmem:s0+$0x130] =	vst v0  }
0x177: {  	[tilespmem:s0+$0x120] =	vst v0  }
0x178: {  	[tilespmem:s0+$0x110] =	vst v0  }
0x179: {  	[tilespmem:s0+$0x100] =	vst v0  }
0x17a: {  	[tilespmem:s0+$0xF0] =	vst v0  }
0x17b: {  	[tilespmem:s0+$0xE0] =	vst v0  }
0x17c: {  	[tilespmem:s0+$0xD0] =	vst v0  }
0x17d: {  	[tilespmem:s0+$0xC0] =	vst v0  }
0x17e: {  	[tilespmem:s0+$0xB0] =	vst v0  }
0x17f: {  	[tilespmem:s0+$0xA0] =	vst v0  }
0x180: {  	[tilespmem:s0+$0x90] =	vst v0  }
0x181: {  	[tilespmem:s0+$0x80] =	vst v0  }
0x182: {  	[tilespmem:s0+$0x70] =	vst v0  }
0x183: {  	[tilespmem:s0+$0x60] =	vst v0  }
0x184: {  	[tilespmem:s0+$0x50] =	vst v0  }
0x185: {  	[tilespmem:s0+$0x40] =	vst v0  }
0x186: {  	[tilespmem:s0+$0x30] =	vst v0  }
0x187: {  	s3 =	simm.s32 $0xA0;
	[tilespmem:s0+$0x20] =	vst v0  }
.LBB2_14:
0x188: {  	s3 =	sadd.s32 $0x2, s3;
	[tilespmem:s0+$0x10] =	vst v0;
	s0 =	sadd.s32 $0x200, s0  }
0x189: {  	[tilespmem:s0+$0x0] =	vst v0;
	p1 =	slt.u32 s3, $0xBE  }
0x18a: {  	[tilespmem:s0+$0x1F0] =	vst v0  }
0x18b: {  	[tilespmem:s0+$0x1E0] =	vst v0  }
0x18c: {  	[tilespmem:s0+$0x1D0] =	vst v0  }
0x18d: {  	[tilespmem:s0+$0x1C0] =	vst v0  }
0x18e: {  	[tilespmem:s0+$0x1B0] =	vst v0  }
0x18f: {  	[tilespmem:s0+$0x1A0] =	vst v0  }
0x190: {  	[tilespmem:s0+$0x190] =	vst v0  }
0x191: {  	[tilespmem:s0+$0x180] =	vst v0  }
0x192: {  	[tilespmem:s0+$0x170] =	vst v0  }
0x193: {  	[tilespmem:s0+$0x160] =	vst v0  }
0x194: {  	[tilespmem:s0+$0x150] =	vst v0  }
0x195: {  	[tilespmem:s0+$0x140] =	vst v0  }
0x196: {  	[tilespmem:s0+$0x130] =	vst v0  }
0x197: {  	[tilespmem:s0+$0x120] =	vst v0  }
0x198: {  	[tilespmem:s0+$0x110] =	vst v0  }
0x199: {  	[tilespmem:s0+$0x100] =	vst v0  }
0x19a: {  	[tilespmem:s0+$0xF0] =	vst v0  }
0x19b: {  	[tilespmem:s0+$0xE0] =	vst v0  }
0x19c: {  	[tilespmem:s0+$0xD0] =	vst v0  }
0x19d: {  	[tilespmem:s0+$0xC0] =	vst v0  }
0x19e: {  	[tilespmem:s0+$0xB0] =	vst v0  }
0x19f: {  	[tilespmem:s0+$0xA0] =	vst v0  }
0x1a0: {  	[tilespmem:s0+$0x90] =	vst v0  }
0x1a1: {  	[tilespmem:s0+$0x80] =	vst v0  }
0x1a2: {  	[tilespmem:s0+$0x70] =	vst v0  }
.Ltmp5:
0x1a3: {  	[tilespmem:s0+$0x60] =	vst v0;
	(pc) =	sbr.rel @p1 .LBB2_14-.Ltmp5, $4  }
0x1a4: {  	[tilespmem:s0+$0x50] =	vst v0  }
0x1a5: {  	[tilespmem:s0+$0x40] =	vst v0  }
0x1a6: {  	[tilespmem:s0+$0x30] =	vst v0  }
0x1a7: {  	[tilespmem:s0+$0x20] =	vst v0  }
0x1a8: {  	[tilespmem:s0+$0x10] =	vst v0;
	s0 =	simm.s32 @!p0 $0x8  }
0x1a9: {  	_ =	swait.ge @!p0 [sflag:s0], $0x2000  }
0x1aa: {  	[sflag:s0] =	ssyncset.done @!p0 $0x0  }
0x1ab: {  	[sflag:s0] =	ssyncadd.s32 @!p0 $0xFFFFE000;
	s0 =	simm.s32 $0x14000  }
0x1ac: {  	[tilespmem:s0+$0x0] =	vst v0  }
0x1ad: {  	[tilespmem:s0+$0x1F0] =	vst v0  }
0x1ae: {  	[tilespmem:s0+$0x1E0] =	vst v0  }
0x1af: {  	[tilespmem:s0+$0x1D0] =	vst v0  }
0x1b0: {  	[tilespmem:s0+$0x1C0] =	vst v0  }
0x1b1: {  	[tilespmem:s0+$0x1B0] =	vst v0  }
0x1b2: {  	[tilespmem:s0+$0x1A0] =	vst v0  }
0x1b3: {  	[tilespmem:s0+$0x190] =	vst v0  }
0x1b4: {  	[tilespmem:s0+$0x180] =	vst v0  }
0x1b5: {  	[tilespmem:s0+$0x170] =	vst v0  }
0x1b6: {  	[tilespmem:s0+$0x160] =	vst v0  }
0x1b7: {  	[tilespmem:s0+$0x150] =	vst v0  }
0x1b8: {  	[tilespmem:s0+$0x140] =	vst v0  }
0x1b9: {  	[tilespmem:s0+$0x130] =	vst v0  }
0x1ba: {  	[tilespmem:s0+$0x120] =	vst v0  }
0x1bb: {  	[tilespmem:s0+$0x110] =	vst v0  }
0x1bc: {  	[tilespmem:s0+$0x100] =	vst v0  }
0x1bd: {  	[tilespmem:s0+$0xF0] =	vst v0  }
0x1be: {  	[tilespmem:s0+$0xE0] =	vst v0  }
0x1bf: {  	[tilespmem:s0+$0xD0] =	vst v0  }
0x1c0: {  	[tilespmem:s0+$0xC0] =	vst v0  }
0x1c1: {  	[tilespmem:s0+$0xB0] =	vst v0  }
0x1c2: {  	[tilespmem:s0+$0xA0] =	vst v0  }
0x1c3: {  	[tilespmem:s0+$0x90] =	vst v0  }
0x1c4: {  	[tilespmem:s0+$0x80] =	vst v0  }
0x1c5: {  	[tilespmem:s0+$0x70] =	vst v0  }
0x1c6: {  	[tilespmem:s0+$0x60] =	vst v0  }
0x1c7: {  	[tilespmem:s0+$0x50] =	vst v0  }
0x1c8: {  	[tilespmem:s0+$0x40] =	vst v0  }
0x1c9: {  	[tilespmem:s0+$0x30] =	vst v0  }
0x1ca: {  	s3 =	simm.s32 $0xC0;
	[tilespmem:s0+$0x20] =	vst v0  }
.LBB2_16:
0x1cb: {  	s3 =	sadd.s32 $0x2, s3;
	[tilespmem:s0+$0x10] =	vst v0;
	s0 =	sadd.s32 $0x200, s0  }
0x1cc: {  	[tilespmem:s0+$0x0] =	vst v0;
	p1 =	slt.u32 s3, $0xDE  }
0x1cd: {  	[tilespmem:s0+$0x1F0] =	vst v0  }
0x1ce: {  	[tilespmem:s0+$0x1E0] =	vst v0  }
0x1cf: {  	[tilespmem:s0+$0x1D0] =	vst v0  }
0x1d0: {  	[tilespmem:s0+$0x1C0] =	vst v0  }
0x1d1: {  	[tilespmem:s0+$0x1B0] =	vst v0  }
0x1d2: {  	[tilespmem:s0+$0x1A0] =	vst v0  }
0x1d3: {  	[tilespmem:s0+$0x190] =	vst v0  }
0x1d4: {  	[tilespmem:s0+$0x180] =	vst v0  }
0x1d5: {  	[tilespmem:s0+$0x170] =	vst v0  }
0x1d6: {  	[tilespmem:s0+$0x160] =	vst v0  }
0x1d7: {  	[tilespmem:s0+$0x150] =	vst v0  }
0x1d8: {  	[tilespmem:s0+$0x140] =	vst v0  }
0x1d9: {  	[tilespmem:s0+$0x130] =	vst v0  }
0x1da: {  	[tilespmem:s0+$0x120] =	vst v0  }
0x1db: {  	[tilespmem:s0+$0x110] =	vst v0  }
0x1dc: {  	[tilespmem:s0+$0x100] =	vst v0  }
0x1dd: {  	[tilespmem:s0+$0xF0] =	vst v0  }
0x1de: {  	[tilespmem:s0+$0xE0] =	vst v0  }
0x1df: {  	[tilespmem:s0+$0xD0] =	vst v0  }
0x1e0: {  	[tilespmem:s0+$0xC0] =	vst v0  }
0x1e1: {  	[tilespmem:s0+$0xB0] =	vst v0  }
0x1e2: {  	[tilespmem:s0+$0xA0] =	vst v0  }
0x1e3: {  	[tilespmem:s0+$0x90] =	vst v0  }
0x1e4: {  	[tilespmem:s0+$0x80] =	vst v0  }
0x1e5: {  	[tilespmem:s0+$0x70] =	vst v0  }
.Ltmp6:
0x1e6: {  	[tilespmem:s0+$0x60] =	vst v0;
	(pc) =	sbr.rel @p1 .LBB2_16-.Ltmp6, $4  }
0x1e7: {  	[tilespmem:s0+$0x50] =	vst v0  }
0x1e8: {  	[tilespmem:s0+$0x40] =	vst v0  }
0x1e9: {  	[tilespmem:s0+$0x30] =	vst v0  }
0x1ea: {  	[tilespmem:s0+$0x20] =	vst v0  }
0x1eb: {  	[tilespmem:s0+$0x10] =	vst v0;
	s0 =	simm.s32 @!p0 $0x9  }
0x1ec: {  	_ =	swait.ge @!p0 [sflag:s0], $0x2000  }
0x1ed: {  	[sflag:s0] =	ssyncset.done @!p0 $0x0  }
0x1ee: {  	[sflag:s0] =	ssyncadd.s32 @!p0 $0xFFFFE000;
	s0 =	simm.s32 $0x16000  }
0x1ef: {  	[tilespmem:s0+$0x0] =	vst v0  }
0x1f0: {  	[tilespmem:s0+$0x1F0] =	vst v0  }
0x1f1: {  	[tilespmem:s0+$0x1E0] =	vst v0  }
0x1f2: {  	[tilespmem:s0+$0x1D0] =	vst v0  }
0x1f3: {  	[tilespmem:s0+$0x1C0] =	vst v0  }
0x1f4: {  	[tilespmem:s0+$0x1B0] =	vst v0  }
0x1f5: {  	[tilespmem:s0+$0x1A0] =	vst v0  }
0x1f6: {  	[tilespmem:s0+$0x190] =	vst v0  }
0x1f7: {  	[tilespmem:s0+$0x180] =	vst v0  }
0x1f8: {  	[tilespmem:s0+$0x170] =	vst v0  }
0x1f9: {  	[tilespmem:s0+$0x160] =	vst v0  }
0x1fa: {  	[tilespmem:s0+$0x150] =	vst v0  }
0x1fb: {  	[tilespmem:s0+$0x140] =	vst v0  }
0x1fc: {  	[tilespmem:s0+$0x130] =	vst v0  }
0x1fd: {  	[tilespmem:s0+$0x120] =	vst v0  }
0x1fe: {  	[tilespmem:s0+$0x110] =	vst v0  }
0x1ff: {  	[tilespmem:s0+$0x100] =	vst v0  }
0x200: {  	[tilespmem:s0+$0xF0] =	vst v0  }
0x201: {  	[tilespmem:s0+$0xE0] =	vst v0  }
0x202: {  	[tilespmem:s0+$0xD0] =	vst v0  }
0x203: {  	[tilespmem:s0+$0xC0] =	vst v0  }
0x204: {  	[tilespmem:s0+$0xB0] =	vst v0  }
0x205: {  	[tilespmem:s0+$0xA0] =	vst v0  }
0x206: {  	[tilespmem:s0+$0x90] =	vst v0  }
0x207: {  	[tilespmem:s0+$0x80] =	vst v0  }
0x208: {  	[tilespmem:s0+$0x70] =	vst v0  }
0x209: {  	[tilespmem:s0+$0x60] =	vst v0  }
0x20a: {  	[tilespmem:s0+$0x50] =	vst v0  }
0x20b: {  	[tilespmem:s0+$0x40] =	vst v0  }
0x20c: {  	[tilespmem:s0+$0x30] =	vst v0  }
0x20d: {  	s3 =	simm.s32 $0xE0;
	[tilespmem:s0+$0x20] =	vst v0  }
.LBB2_18:
0x20e: {  	s3 =	sadd.s32 $0x2, s3;
	[tilespmem:s0+$0x10] =	vst v0;
	s0 =	sadd.s32 $0x200, s0  }
0x20f: {  	[tilespmem:s0+$0x0] =	vst v0;
	p0 =	slt.u32 s3, $0xFE  }
0x210: {  	[tilespmem:s0+$0x1F0] =	vst v0  }
0x211: {  	[tilespmem:s0+$0x1E0] =	vst v0  }
0x212: {  	[tilespmem:s0+$0x1D0] =	vst v0  }
0x213: {  	[tilespmem:s0+$0x1C0] =	vst v0  }
0x214: {  	[tilespmem:s0+$0x1B0] =	vst v0  }
0x215: {  	[tilespmem:s0+$0x1A0] =	vst v0  }
0x216: {  	[tilespmem:s0+$0x190] =	vst v0  }
0x217: {  	[tilespmem:s0+$0x180] =	vst v0  }
0x218: {  	[tilespmem:s0+$0x170] =	vst v0  }
0x219: {  	[tilespmem:s0+$0x160] =	vst v0  }
0x21a: {  	[tilespmem:s0+$0x150] =	vst v0  }
0x21b: {  	[tilespmem:s0+$0x140] =	vst v0  }
0x21c: {  	[tilespmem:s0+$0x130] =	vst v0  }
0x21d: {  	[tilespmem:s0+$0x120] =	vst v0  }
0x21e: {  	[tilespmem:s0+$0x110] =	vst v0  }
0x21f: {  	[tilespmem:s0+$0x100] =	vst v0  }
0x220: {  	[tilespmem:s0+$0xF0] =	vst v0  }
0x221: {  	[tilespmem:s0+$0xE0] =	vst v0  }
0x222: {  	[tilespmem:s0+$0xD0] =	vst v0  }
0x223: {  	[tilespmem:s0+$0xC0] =	vst v0  }
0x224: {  	[tilespmem:s0+$0xB0] =	vst v0  }
0x225: {  	[tilespmem:s0+$0xA0] =	vst v0  }
0x226: {  	[tilespmem:s0+$0x90] =	vst v0  }
0x227: {  	[tilespmem:s0+$0x80] =	vst v0  }
0x228: {  	[tilespmem:s0+$0x70] =	vst v0  }
.Ltmp7:
0x229: {  	[tilespmem:s0+$0x60] =	vst v0;
	(pc) =	sbr.rel @p0 .LBB2_18-.Ltmp7, $4  }
0x22a: {  	[tilespmem:s0+$0x50] =	vst v0  }
0x22b: {  	[tilespmem:s0+$0x40] =	vst v0  }
0x22c: {  	[tilespmem:s0+$0x30] =	vst v0  }
0x22d: {  	[tilespmem:s0+$0x20] =	vst v0  }
0x22e: {  	[tilespmem:s0+$0x10] =	vst v0  }
0x22f: {  	_ =	swait.ge [sflag:s15], $0x4000  }
0x230: {  	[sflag:s15] =	ssyncset.done $0x0  }
0x231: {  	[sflag:s15] =	ssyncadd.s32 $0xFFFFC000  }
0x232: {  	_ =	swait.ge [sflag:s15], $0x4000  }
0x233: {  	[sflag:s15] =	ssyncset.done $0x0  }
0x234: {  	s30 =	simm.s32 $0x80;
	[sflag:s15] =	ssyncadd.s32 $0xFFFFC000  }
0x235: {  	v1 =	vld [tilespmem:s30+$0x0];
	_ =	sdelay $0x2  }
0x236: {  	v2 =	vld [tilespmem:s30+$0xFFFFFF80];
	_ =	sdelay $0x1  }
0x237: {  	v1 =	vmulhi.u32 $0xAAAAAAAB, v1  }
0x238: {  	s29 =	simm.s32 $0x4080  }
0x239: {  	v3 =	vld [tilespmem:s29+$0x0];
	v1 =	vshrl.u32 v1, $0x6  }
0x23a: {  	v2 =	vmulhi.u32 $0xAAAAAAAB, v2;
	_ =	sdelay $0x1  }
0x23b: {  	v4 =	vld [tilespmem:s29+$0xFFFFFF80];
	v2 =	vshrl.u32 v2, $0x6;
	_ =	sdelay $0x1  }
0x23c: {  	[tilespmem:v1+s16+$0x0] =	vst.idx.add.f32.msk $0xffff, v3  }
0x23d: {  	v1 =	vld [tilespmem:s30+$0x10];
	_ =	sdelay $0x1  }
0x23e: {  	[tilespmem:v2+s16+$0x0] =	vst.idx.add.f32.msk $0xffff, v4  }
0x23f: {  	v2 =	vld [tilespmem:s30+$0xFFFFFF90];
	_ =	sdelay $0x1  }
0x240: {  	v1 =	vmulhi.u32 $0xAAAAAAAB, v1;
	_ =	sdelay $0x1  }
0x241: {  	v3 =	vld [tilespmem:s29+$0x10];
	v1 =	vshrl.u32 v1, $0x6  }
0x242: {  	v2 =	vmulhi.u32 $0xAAAAAAAB, v2;
	_ =	sdelay $0x1  }
0x243: {  	v4 =	vld [tilespmem:s29+$0xFFFFFF90];
	v2 =	vshrl.u32 v2, $0x6;
	_ =	sdelay $0x1  }
0x244: {  	[tilespmem:v1+s16+$0x0] =	vst.idx.add.f32.msk $0xffff, v3  }
0x245: {  	v1 =	vld [tilespmem:s30+$0x20];
	_ =	sdelay $0x1  }
0x246: {  	[tilespmem:v2+s16+$0x0] =	vst.idx.add.f32.msk $0xffff, v4  }
0x247: {  	v2 =	vld [tilespmem:s30+$0xFFFFFFA0];
	_ =	sdelay $0x1  }
0x248: {  	v1 =	vmulhi.u32 $0xAAAAAAAB, v1;
	_ =	sdelay $0x1  }
0x249: {  	v3 =	vld [tilespmem:s29+$0x20];
	v1 =	vshrl.u32 v1, $0x6  }
0x24a: {  	v2 =	vmulhi.u32 $0xAAAAAAAB, v2;
	_ =	sdelay $0x1  }
0x24b: {  	v4 =	vld [tilespmem:s29+$0xFFFFFFA0];
	v2 =	vshrl.u32 v2, $0x6;
	_ =	sdelay $0x1  }
0x24c: {  	[tilespmem:v1+s16+$0x0] =	vst.idx.add.f32.msk $0xffff, v3  }
0x24d: {  	v1 =	vld [tilespmem:s30+$0x30];
	_ =	sdelay $0x1  }
0x24e: {  	[tilespmem:v2+s16+$0x0] =	vst.idx.add.f32.msk $0xffff, v4  }
0x24f: {  	v2 =	vld [tilespmem:s30+$0xFFFFFFB0];
	_ =	sdelay $0x1  }
0x250: {  	v1 =	vmulhi.u32 $0xAAAAAAAB, v1;
	_ =	sdelay $0x1  }
0x251: {  	v3 =	vld [tilespmem:s29+$0x30];
	v1 =	vshrl.u32 v1, $0x6  }
0x252: {  	s31 =	simm.s32 $0x180;
	v2 =	vmulhi.u32 $0xAAAAAAAB, v2  }
0x253: {  	v4 =	vld [tilespmem:s31+$0x0]  }
0x254: {  	v5 =	vld [tilespmem:s29+$0xFFFFFFB0];
	v2 =	vshrl.u32 v2, $0x6  }
0x255: {  	v6 =	vld [tilespmem:s31+$0xFFFFFF80]  }
0x256: {  	[tilespmem:v1+s16+$0x0] =	vst.idx.add.f32.msk $0xffff, v3  }
0x257: {  	v1 =	vld [tilespmem:s30+$0x40]  }
0x258: {  	v3 =	vmulhi.u32 $0xAAAAAAAB, v4  }
0x259: {  	s3 =	simm.s32 $0x4180;
	[tilespmem:v2+s16+$0x0] =	vst.idx.add.f32.msk $0xffff, v5  }
0x25a: {  	v2 =	vmulhi.u32 $0xAAAAAAAB, v6;
	v4 =	vld [tilespmem:s3+$0x0];
	v3 =	vshrl.u32 v3, $0x6  }
0x25b: {  	v6 =	vld [tilespmem:s3+$0xFFFFFF80]  }
0x25c: {  	v5 =	vld [tilespmem:s30+$0xFFFFFFC0];
	v2 =	vshrl.u32 v2, $0x6;
	v1 =	vmulhi.u32 $0xAAAAAAAB, v1  }
0x25d: {  	v7 =	vld [tilespmem:s29+$0xFFFFFFC0]  }
0x25e: {  	v8 =	vld [tilespmem:s29+$0x40];
	v1 =	vshrl.u32 v1, $0x6  }
0x25f: {  	[tilespmem:v3+s16+$0x0] =	vst.idx.add.f32.msk $0xffff, v4  }
0x260: {  	v3 =	vld [tilespmem:s31+$0x10]  }
0x261: {  	v4 =	vmulhi.u32 $0xAAAAAAAB, v5;
	[tilespmem:v2+s16+$0x0] =	vst.idx.add.f32.msk $0xffff, v6  }
0x262: {  	v2 =	vld [tilespmem:s31+$0xFFFFFF90]  }
0x263: {  	v4 =	vshrl.u32 v4, $0x6;
	[tilespmem:v1+s16+$0x0] =	vst.idx.add.f32.msk $0xffff, v8  }
0x264: {  	v1 =	vld [tilespmem:s30+$0x50]  }
0x265: {  	v3 =	vmulhi.u32 $0xAAAAAAAB, v3  }
0x266: {  	v5 =	vld [tilespmem:s3+$0x10]  }
0x267: {  	v6 =	vld [tilespmem:s3+$0xFFFFFF90];
	v2 =	vmulhi.u32 $0xAAAAAAAB, v2;
	v3 =	vshrl.u32 v3, $0x6  }
0x268: {  	[tilespmem:v4+s16+$0x0] =	vst.idx.add.f32.msk $0xffff, v7  }
0x269: {  	v4 =	vld [tilespmem:s30+$0xFFFFFFD0];
	v2 =	vshrl.u32 v2, $0x6;
	v1 =	vmulhi.u32 $0xAAAAAAAB, v1  }
0x26a: {  	v8 =	vld [tilespmem:s29+$0x50]  }
0x26b: {  	v7 =	vld [tilespmem:s29+$0xFFFFFFD0];
	v1 =	vshrl.u32 v1, $0x6  }
0x26c: {  	[tilespmem:v3+s16+$0x0] =	vst.idx.add.f32.msk $0xffff, v5  }
0x26d: {  	v3 =	vld [tilespmem:s31+$0x20]  }
0x26e: {  	v4 =	vmulhi.u32 $0xAAAAAAAB, v4;
	[tilespmem:v2+s16+$0x0] =	vst.idx.add.f32.msk $0xffff, v6  }
0x26f: {  	v2 =	vld [tilespmem:s31+$0xFFFFFFA0]  }
0x270: {  	v4 =	vshrl.u32 v4, $0x6;
	[tilespmem:v1+s16+$0x0] =	vst.idx.add.f32.msk $0xffff, v8  }
0x271: {  	v1 =	vld [tilespmem:s30+$0x60]  }
0x272: {  	v3 =	vmulhi.u32 $0xAAAAAAAB, v3  }
0x273: {  	v5 =	vld [tilespmem:s3+$0x20]  }
0x274: {  	v6 =	vld [tilespmem:s3+$0xFFFFFFA0];
	v2 =	vmulhi.u32 $0xAAAAAAAB, v2;
	v3 =	vshrl.u32 v3, $0x6  }
0x275: {  	[tilespmem:v4+s16+$0x0] =	vst.idx.add.f32.msk $0xffff, v7  }
0x276: {  	v4 =	vld [tilespmem:s30+$0xFFFFFFE0];
	v2 =	vshrl.u32 v2, $0x6;
	v1 =	vmulhi.u32 $0xAAAAAAAB, v1  }
0x277: {  	v8 =	vld [tilespmem:s29+$0x60]  }
0x278: {  	v7 =	vld [tilespmem:s29+$0xFFFFFFE0];
	v1 =	vshrl.u32 v1, $0x6  }
0x279: {  	[tilespmem:v3+s16+$0x0] =	vst.idx.add.f32.msk $0xffff, v5  }
0x27a: {  	v3 =	vld [tilespmem:s31+$0x30]  }
0x27b: {  	v4 =	vmulhi.u32 $0xAAAAAAAB, v4;
	[tilespmem:v2+s16+$0x0] =	vst.idx.add.f32.msk $0xffff, v6  }
0x27c: {  	v5 =	vld [tilespmem:s31+$0xFFFFFFB0]  }
0x27d: {  	v6 =	vshrl.u32 v4, $0x6;
	[tilespmem:v1+s16+$0x0] =	vst.idx.add.f32.msk $0xffff, v8  }
0x27e: {  	v1 =	vld [tilespmem:s30+$0x70]  }
0x27f: {  	v4 =	vmulhi.u32 $0xAAAAAAAB, v3  }
0x280: {  	v2 =	vld [tilespmem:s3+$0xFFFFFFB0]  }
0x281: {  	v3 =	vld [tilespmem:s3+$0x30];
	v5 =	vmulhi.u32 $0xAAAAAAAB, v5;
	v4 =	vshrl.u32 v4, $0x6  }
0x282: {  	s14 =	simm.s32 $0x2;
	s6 =	simm.s32 $0x280;
	s0 =	simm.s32 $0x4180;
	[tilespmem:v6+s16+$0x0] =	vst.idx.add.f32.msk $0xffff, v7  }
.LBB2_20:
0x283: {  	v6 =	vld [tilespmem:s6+$0x0];
	s14 =	sadd.s32 $0x2, s14;
	v5 =	vshrl.u32 v5, $0x6;
	v1 =	vmulhi.u32 $0xAAAAAAAB, v1  }
0x284: {  	v7 =	vld [tilespmem:s6+$0xFFFFFF80];
	p0 =	slt.u32 s14, $0x7E  }
0x285: {  	v8 =	vld [tilespmem:s29+$0x70];
	v1 =	vshrl.u32 v1, $0x6  }
0x286: {  	[tilespmem:v4+s16+$0x0] =	vst.idx.add.f32.msk $0xffff, v3  }
0x287: {  	v3 =	vld [tilespmem:s31+$0x40]  }
0x288: {  	s3 =	sadd.s32 $0x100, s3;
	v4 =	vmulhi.u32 $0xAAAAAAAB, v6;
	[tilespmem:v5+s16+$0x0] =	vst.idx.add.f32.msk $0xffff, v2  }
0x289: {  	v2 =	vmulhi.u32 $0xAAAAAAAB, v7;
	v5 =	vld [tilespmem:s3+$0x0]  }
0x28a: {  	v4 =	vshrl.u32 v4, $0x6;
	[tilespmem:v1+s16+$0x0] =	vst.idx.add.f32.msk $0xffff, v8  }
0x28b: {  	v1 =	vld [tilespmem:s3+$0xFFFFFF80];
	v2 =	vshrl.u32 v2, $0x6  }
0x28c: {  	v6 =	vld [tilespmem:s31+$0xFFFFFFC0];
	v3 =	vmulhi.u32 $0xAAAAAAAB, v3  }
0x28d: {  	v7 =	vld [tilespmem:s0+$0xFFFFFFC0]  }
0x28e: {  	v8 =	vld [tilespmem:s0+$0x40];
	v3 =	vshrl.u32 v3, $0x6  }
0x28f: {  	[tilespmem:v4+s16+$0x0] =	vst.idx.add.f32.msk $0xffff, v5  }
0x290: {  	v4 =	vld [tilespmem:s6+$0x10]  }
0x291: {  	[tilespmem:v2+s16+$0x0] =	vst.idx.add.f32.msk $0xffff, v1;
	v1 =	vmulhi.u32 $0xAAAAAAAB, v6  }
0x292: {  	v2 =	vld [tilespmem:s6+$0xFFFFFF90]  }
0x293: {  	v1 =	vshrl.u32 v1, $0x6;
	[tilespmem:v3+s16+$0x0] =	vst.idx.add.f32.msk $0xffff, v8  }
0x294: {  	v3 =	vld [tilespmem:s31+$0x50]  }
0x295: {  	v5 =	vld [tilespmem:s3+$0xFFFFFF90];
	v4 =	vmulhi.u32 $0xAAAAAAAB, v4  }
0x296: {  	v6 =	vld [tilespmem:s30+$0xFFFFFFF0];
	s30 =	smov.u32 s31;
	s31 =	smov.u32 s6  }
0x297: {  	v2 =	vmulhi.u32 $0xAAAAAAAB, v2;
	v8 =	vld [tilespmem:s3+$0x10];
	v4 =	vshrl.u32 v4, $0x6  }
0x298: {  	[tilespmem:v1+s16+$0x0] =	vst.idx.add.f32.msk $0xffff, v7  }
0x299: {  	v1 =	vshrl.u32 v2, $0x6;
	v2 =	vld [tilespmem:s30+$0xFFFFFFD0];
	v3 =	vmulhi.u32 $0xAAAAAAAB, v3  }
0x29a: {  	v7 =	vld [tilespmem:s0+$0xFFFFFFD0]  }
0x29b: {  	v9 =	vld [tilespmem:s0+$0x50];
	v3 =	vshrl.u32 v3, $0x6;
	v6 =	vmulhi.u32 $0xAAAAAAAB, v6  }
0x29c: {  	[tilespmem:v4+s16+$0x0] =	vst.idx.add.f32.msk $0xffff, v8  }
0x29d: {  	v4 =	vld [tilespmem:s6+$0x20];
	v6 =	vshrl.u32 v6, $0x6  }
0x29e: {  	[tilespmem:v1+s16+$0x0] =	vst.idx.add.f32.msk $0xffff, v5;
	v1 =	vmulhi.u32 $0xAAAAAAAB, v2  }
0x29f: {  	v2 =	vld [tilespmem:s6+$0xFFFFFFA0]  }
0x2a0: {  	v1 =	vshrl.u32 v1, $0x6;
	[tilespmem:v3+s16+$0x0] =	vst.idx.add.f32.msk $0xffff, v9  }
0x2a1: {  	v3 =	vld [tilespmem:s30+$0x60]  }
0x2a2: {  	v5 =	vld [tilespmem:s3+$0xFFFFFFA0];
	v4 =	vmulhi.u32 $0xAAAAAAAB, v4  }
0x2a3: {  	v8 =	vld [tilespmem:s29+$0xFFFFFFF0];
	s29 =	smov.u32 s0;
	s0 =	smov.u32 s3  }
0x2a4: {  	v2 =	vmulhi.u32 $0xAAAAAAAB, v2;
	v9 =	vld [tilespmem:s3+$0x20];
	v4 =	vshrl.u32 v4, $0x6  }
0x2a5: {  	[tilespmem:v1+s16+$0x0] =	vst.idx.add.f32.msk $0xffff, v7  }
0x2a6: {  	v1 =	vshrl.u32 v2, $0x6;
	v2 =	vld [tilespmem:s30+$0xFFFFFFE0];
	v3 =	vmulhi.u32 $0xAAAAAAAB, v3  }
0x2a7: {  	v7 =	vld [tilespmem:s29+$0xFFFFFFE0]  }
0x2a8: {  	v10 =	vld [tilespmem:s29+$0x60];
	v3 =	vshrl.u32 v3, $0x6  }
0x2a9: {  	[tilespmem:v4+s16+$0x0] =	vst.idx.add.f32.msk $0xffff, v9  }
0x2aa: {  	v4 =	vld [tilespmem:s6+$0x30]  }
0x2ab: {  	[tilespmem:v1+s16+$0x0] =	vst.idx.add.f32.msk $0xffff, v5;
	v1 =	vmulhi.u32 $0xAAAAAAAB, v2  }
0x2ac: {  	v5 =	vld [tilespmem:s6+$0xFFFFFFB0]  }
0x2ad: {  	v9 =	vshrl.u32 v1, $0x6;
	[tilespmem:v3+s16+$0x0] =	vst.idx.add.f32.msk $0xffff, v10  }
.Ltmp8:
0x2ae: {  	v1 =	vld [tilespmem:s30+$0x70];
	(pc) =	sbr.rel @p0 .LBB2_20-.Ltmp8, $4  }
0x2af: {  	v2 =	vld [tilespmem:s3+$0xFFFFFFB0];
	v4 =	vmulhi.u32 $0xAAAAAAAB, v4  }
0x2b0: {  	[tilespmem:v6+s16+$0x0] =	vst.idx.add.f32.msk $0xffff, v8  }
0x2b1: {  	v5 =	vmulhi.u32 $0xAAAAAAAB, v5;
	v3 =	vld [tilespmem:s3+$0x30];
	v4 =	vshrl.u32 v4, $0x6  }
0x2b2: {  	s6 =	sadd.s32 $0x100, s6;
	[tilespmem:v9+s16+$0x0] =	vst.idx.add.f32.msk $0xffff, v7  }
0x2b3: {  	_ = 	snop  }
0x2b4: {  	v5 =	vshrl.u32 v5, $0x6;
	_ =	sdelay $0x2  }
0x2b5: {  	[tilespmem:v4+s16+$0x0] =	vst.idx.add.f32.msk $0xffff, v3  }
0x2b6: {  	v3 =	vld [tilespmem:s31+$0x40]  }
0x2b7: {  	[tilespmem:v5+s16+$0x0] =	vst.idx.add.f32.msk $0xffff, v2  }
0x2b8: {  	v2 =	vld [tilespmem:s31+$0xFFFFFFC0];
	_ =	sdelay $0x2  }
0x2b9: {  	v3 =	vmulhi.u32 $0xAAAAAAAB, v3;
	_ =	sdelay $0x1  }
0x2ba: {  	v4 =	vld [tilespmem:s0+$0x40];
	v3 =	vshrl.u32 v3, $0x6;
	v2 =	vmulhi.u32 $0xAAAAAAAB, v2;
	_ =	sdelay $0x1  }
0x2bb: {  	v5 =	vld [tilespmem:s0+$0xFFFFFFC0];
	v2 =	vshrl.u32 v2, $0x6;
	_ =	sdelay $0x2  }
0x2bc: {  	[tilespmem:v3+s16+$0x0] =	vst.idx.add.f32.msk $0xffff, v4  }
0x2bd: {  	v3 =	vld [tilespmem:s31+$0x50]  }
0x2be: {  	[tilespmem:v2+s16+$0x0] =	vst.idx.add.f32.msk $0xffff, v5  }
0x2bf: {  	v2 =	vld [tilespmem:s31+$0xFFFFFFD0];
	_ =	sdelay $0x2  }
0x2c0: {  	v3 =	vmulhi.u32 $0xAAAAAAAB, v3;
	_ =	sdelay $0x1  }
0x2c1: {  	v4 =	vld [tilespmem:s0+$0x50];
	v3 =	vshrl.u32 v3, $0x6;
	v2 =	vmulhi.u32 $0xAAAAAAAB, v2;
	_ =	sdelay $0x1  }
0x2c2: {  	v5 =	vld [tilespmem:s0+$0xFFFFFFD0];
	v2 =	vshrl.u32 v2, $0x6;
	_ =	sdelay $0x2  }
0x2c3: {  	[tilespmem:v3+s16+$0x0] =	vst.idx.add.f32.msk $0xffff, v4  }
0x2c4: {  	v3 =	vld [tilespmem:s31+$0x60]  }
0x2c5: {  	[tilespmem:v2+s16+$0x0] =	vst.idx.add.f32.msk $0xffff, v5  }
0x2c6: {  	v2 =	vld [tilespmem:s31+$0xFFFFFFE0];
	_ =	sdelay $0x2  }
0x2c7: {  	v3 =	vmulhi.u32 $0xAAAAAAAB, v3;
	_ =	sdelay $0x1  }
0x2c8: {  	v4 =	vld [tilespmem:s0+$0x60];
	v3 =	vshrl.u32 v3, $0x6;
	v2 =	vmulhi.u32 $0xAAAAAAAB, v2;
	_ =	sdelay $0x1  }
0x2c9: {  	v5 =	vld [tilespmem:s0+$0xFFFFFFE0];
	v2 =	vshrl.u32 v2, $0x6;
	_ =	sdelay $0x1  }
0x2ca: {  	v6 =	vld [tilespmem:s30+$0xFFFFFFF0]  }
0x2cb: {  	[tilespmem:v3+s16+$0x0] =	vst.idx.add.f32.msk $0xffff, v4  }
0x2cc: {  	v3 =	vld [tilespmem:s31+$0x70]  }
0x2cd: {  	[tilespmem:v2+s16+$0x0] =	vst.idx.add.f32.msk $0xffff, v5  }
0x2ce: {  	v2 =	vld [tilespmem:s31+$0xFFFFFFF0]  }
0x2cf: {  	s3 =	sadd.s32 $0x1, s28;
	p0 =	seq.s32 s28, $0xB  }
0x2d0: {  	v1 =	vmulhi.u32 $0xAAAAAAAB, v1;
	s6 =	sadd.s32 @!p0 s1, s3  }
0x2d1: {  	s14 =	smulhi.u32 @!p0 $0xAAAAAAAB, s6;
	v61 =	vmulhi.u32 $0xAAAAAAAB, v6  }
0x2d2: {  	v62 =	vld [tilespmem:s29+$0x70];
	v1 =	vshrl.u32 v1, $0x6;
	v3 =	vmulhi.u32 $0xAAAAAAAB, v3  }
0x2d3: {  	v63 =	vld [tilespmem:s29+$0xFFFFFFF0];
	s14 =	sshrl.u32 @!p0 s14, $0x6;
	v4 =	vshrl.u32 v61, $0x6;
	v2 =	vmulhi.u32 $0xAAAAAAAB, v2  }
0x2d4: {  	s29 =	smul.u32 @!p0 $0x60, s14;
	v7 =	vld [tilespmem:s0+$0x70];
	v3 =	vshrl.u32 v3, $0x6  }
0x2d5: {  	v8 =	vld [tilespmem:s0+$0xFFFFFFF0];
	v2 =	vshrl.u32 v2, $0x6  }
0x2d6: {  	s14 =	smul.u32 @!p0 $0x180000, s14;
	s6 =	ssub.s32 @!p0 s6, s29;
	s0 =	sadd.s32 s1, s28  }
0x2d7: {  	[tilespmem:v1+s16+$0x0] =	vst.idx.add.f32.msk $0xffff, v62;
	s6 =	sshll.u32 @!p0 s6, $0x7;
	s28 =	smulhi.u32 $0xAAAAAAAB, s0  }
0x2d8: {  	s30 =	simm.s32 @!p0 $0x80;
	s6 =	sor.u32 @!p0 s6, s14;
	[tilespmem:v4+s16+$0x0] =	vst.idx.add.f32.msk $0xffff, v63  }
0x2d9: {  	s13 =	simm.s32 @!p0 $0x0;
	s6 =	sshrl.u32 @!p0 s6, $0x3;
	s14 =	sshrl.u32 s28, $0x6;
	[tilespmem:v3+s16+$0x0] =	vst.idx.add.f32.msk $0xffff, v7  }
0x2da: {  	s29 =	sadd.s32 @!p0 s2, s6;
	s31 =	simm.s32 @!p0 $0x3000;
	s28 =	smul.u32 $0x60, s14;
	[tilespmem:v2+s16+$0x0] =	vst.idx.add.f32.msk $0xffff, v8  }
0x2db: {  	[tilespmem:s13], [sflag:$0x1] =	stream.strided.gather @!p0 [hbm4b:s29+s30], $0x4000, s31, s30, $0x38;
	[tilespmem:$0x18000] =	vst v63  }
0x2dc: {  	s13 =	ssub.s32 s0, s28;
	s0 =	sadd.s32 @!p0 s4, s6;
	s6 =	simm.s32 @!p0 $0x4000  }
0x2dd: {  	[tilespmem:s6], [sflag:$0x1] =	stream.strided.gather @!p0 [hbm4b:s0+s30], $0x4000, s31, s30, $0x38;
	[tilespmem:$0x18000] =	vst v63  }
0x2de: {  	s0 =	smul.u32 $0x600000, s14;
	s14 =	sshll.u32 s13, $0x8  }
0x2df: {  	s13 =	sshll.u32 s13, $0x7;
	s14 =	sand.u32 $0x7800, s14  }
0x2e0: {  	s6 =	sand.u32 $0x380, s13;
	s31 =	sor.u32 s0, s14  }
0x2e1: {  	s13 =	sor.u32 s6, s31  }
0x2e2: {  	s28 =	sshrl.u32 s13, $0x3  }
0x2e3: {  	s30 =	simm.s32 $0x400;
	s31 =	simm.s32 $0x8000;
	s29 =	sadd.s32 s5, s28  }
0x2e4: {  	[hbm4b:s29+s12] =	stream.strided.scatter [tilespmem:s31], [sflag:$0x2], $0x100, s17, s12, $0x38;
	[tilespmem:$0x18000] =	vst v63  }
.LBB2_22:
0x2e5: {  	p0 =	sne.s32 s30, $0x7C00  }
.Ltmp9:
0x2e6: {  	_ = 	snop;
	(pc) =	sbr.rel @p0 .LBB2_22-.Ltmp9, $4  }
0x2e7: {  	_ = 	snop  }
0x2e8: {  	s13 =	sshra.s32 s30, $0x2;
	s30 =	sadd.s32 $0x400, s30  }
0x2e9: {  	s29 =	sadd.s32 $0xC00, s29;
	s13 =	sadd.s32 $0x8000, s13  }
0x2ea: {  	[hbm4b:s29+s12] =	stream.strided.scatter [tilespmem:s13], [sflag:$0x2], $0x100, s17, s12, $0x38;
	[tilespmem:$0x18000] =	vst v63  }
0x2eb: {  	s29 =	sadd.s32 s28, s9;
	s13 =	simm.s32 $0xA000;
	s30 =	simm.s32 $0x400  }
0x2ec: {  	[hbm4b:s29+s12] =	stream.strided.scatter [tilespmem:s13], [sflag:$0x3], $0x100, s17, s12, $0x38;
	[tilespmem:$0x18000] =	vst v63  }
.LBB2_24:
0x2ed: {  	p0 =	sne.s32 s30, $0x7C00  }
.Ltmp10:
0x2ee: {  	_ = 	snop;
	(pc) =	sbr.rel @p0 .LBB2_24-.Ltmp10, $4  }
0x2ef: {  	_ = 	snop  }
0x2f0: {  	s13 =	sshra.s32 s30, $0x2;
	s30 =	sadd.s32 $0x400, s30  }
0x2f1: {  	s29 =	sadd.s32 $0xC00, s29;
	s13 =	sadd.s32 $0xA000, s13  }
0x2f2: {  	[hbm4b:s29+s12] =	stream.strided.scatter [tilespmem:s13], [sflag:$0x3], $0x100, s17, s12, $0x38;
	[tilespmem:$0x18000] =	vst v63  }
0x2f3: {  	s28 =	sadd.s32 s28, s10;
	s13 =	simm.s32 $0xC000;
	s29 =	simm.s32 $0x400  }
0x2f4: {  	[hbm4b:s28+s12] =	stream.strided.scatter [tilespmem:s13], [sflag:$0x4], $0x100, s17, s12, $0x38;
	[tilespmem:$0x18000] =	vst v63  }
.LBB2_26:
0x2f5: {  	p0 =	sne.s32 s29, $0x7C00  }
.Ltmp11:
0x2f6: {  	_ = 	snop;
	(pc) =	sbr.rel @p0 .LBB2_26-.Ltmp11, $4  }
0x2f7: {  	_ = 	snop  }
0x2f8: {  	s13 =	sshra.s32 s29, $0x2;
	s29 =	sadd.s32 $0x400, s29  }
0x2f9: {  	s28 =	sadd.s32 $0xC00, s28;
	s13 =	sadd.s32 $0xC000, s13  }
0x2fa: {  	[hbm4b:s28+s12] =	stream.strided.scatter [tilespmem:s13], [sflag:$0x4], $0x100, s17, s12, $0x38;
	[tilespmem:$0x18000] =	vst v63  }
0x2fb: {  	s0 =	sadd.s32 s14, s0  }
0x2fc: {  	s0 =	sadd.s32 s6, s0  }
0x2fd: {  	s6 =	sadd.s32 $0x240000, s0  }
0x2fe: {  	s6 =	sshrl.u32 s6, $0x3  }
0x2ff: {  	s13 =	simm.s32 $0xE000;
	s14 =	simm.s32 $0x400;
	s6 =	sadd.s32 s5, s6  }
0x300: {  	[hbm4b:s6+s12] =	stream.strided.scatter [tilespmem:s13], [sflag:$0x5], $0x100, s17, s12, $0x38;
	[tilespmem:$0x18000] =	vst v63  }
.LBB2_28:
0x301: {  	p0 =	sne.s32 s14, $0x7C00  }
.Ltmp12:
0x302: {  	_ = 	snop;
	(pc) =	sbr.rel @p0 .LBB2_28-.Ltmp12, $4  }
0x303: {  	_ = 	snop  }
0x304: {  	s13 =	sshra.s32 s14, $0x2;
	s14 =	sadd.s32 $0x400, s14  }
0x305: {  	s6 =	sadd.s32 $0xC00, s6;
	s13 =	sadd.s32 $0xE000, s13  }
0x306: {  	[hbm4b:s6+s12] =	stream.strided.scatter [tilespmem:s13], [sflag:$0x5], $0x100, s17, s12, $0x38;
	[tilespmem:$0x18000] =	vst v63  }
0x307: {  	s6 =	sadd.s32 $0x300000, s0  }
0x308: {  	s6 =	sshrl.u32 s6, $0x3  }
0x309: {  	s13 =	simm.s32 $0x10000;
	s14 =	simm.s32 $0x400;
	s6 =	sadd.s32 s5, s6  }
0x30a: {  	[hbm4b:s6+s12] =	stream.strided.scatter [tilespmem:s13], [sflag:$0x6], $0x100, s17, s12, $0x38;
	[tilespmem:$0x18000] =	vst v63  }
.LBB2_30:
0x30b: {  	p0 =	sne.s32 s14, $0x7C00  }
.Ltmp13:
0x30c: {  	_ = 	snop;
	(pc) =	sbr.rel @p0 .LBB2_30-.Ltmp13, $4  }
0x30d: {  	_ = 	snop  }
0x30e: {  	s13 =	sshra.s32 s14, $0x2;
	s14 =	sadd.s32 $0x400, s14  }
0x30f: {  	s6 =	sadd.s32 $0xC00, s6;
	s13 =	sadd.s32 $0x10000, s13  }
0x310: {  	[hbm4b:s6+s12] =	stream.strided.scatter [tilespmem:s13], [sflag:$0x6], $0x100, s17, s12, $0x38;
	[tilespmem:$0x18000] =	vst v63  }
0x311: {  	s6 =	sadd.s32 $0x3C0000, s0  }
0x312: {  	s6 =	sshrl.u32 s6, $0x3  }
0x313: {  	s13 =	simm.s32 $0x12000;
	s14 =	simm.s32 $0x400;
	s6 =	sadd.s32 s5, s6  }
0x314: {  	[hbm4b:s6+s12] =	stream.strided.scatter [tilespmem:s13], [sflag:$0x7], $0x100, s17, s12, $0x38;
	[tilespmem:$0x18000] =	vst v63  }
.LBB2_32:
0x315: {  	p0 =	sne.s32 s14, $0x7C00  }
.Ltmp14:
0x316: {  	_ = 	snop;
	(pc) =	sbr.rel @p0 .LBB2_32-.Ltmp14, $4  }
0x317: {  	_ = 	snop  }
0x318: {  	s13 =	sshra.s32 s14, $0x2;
	s14 =	sadd.s32 $0x400, s14  }
0x319: {  	s6 =	sadd.s32 $0xC00, s6;
	s13 =	sadd.s32 $0x12000, s13  }
0x31a: {  	[hbm4b:s6+s12] =	stream.strided.scatter [tilespmem:s13], [sflag:$0x7], $0x100, s17, s12, $0x38;
	[tilespmem:$0x18000] =	vst v63  }
0x31b: {  	s6 =	sadd.s32 $0x480000, s0  }
0x31c: {  	s6 =	sshrl.u32 s6, $0x3  }
0x31d: {  	s13 =	simm.s32 $0x14000;
	s14 =	simm.s32 $0x400;
	s6 =	sadd.s32 s5, s6  }
0x31e: {  	[hbm4b:s6+s12] =	stream.strided.scatter [tilespmem:s13], [sflag:$0x8], $0x100, s17, s12, $0x38;
	[tilespmem:$0x18000] =	vst v63  }
.LBB2_34:
0x31f: {  	p0 =	sne.s32 s14, $0x7C00  }
.Ltmp15:
0x320: {  	_ = 	snop;
	(pc) =	sbr.rel @p0 .LBB2_34-.Ltmp15, $4  }
0x321: {  	_ = 	snop  }
0x322: {  	s13 =	sshra.s32 s14, $0x2;
	s14 =	sadd.s32 $0x400, s14  }
0x323: {  	s6 =	sadd.s32 $0xC00, s6;
	s13 =	sadd.s32 $0x14000, s13  }
0x324: {  	[hbm4b:s6+s12] =	stream.strided.scatter [tilespmem:s13], [sflag:$0x8], $0x100, s17, s12, $0x38;
	[tilespmem:$0x18000] =	vst v63  }
0x325: {  	s0 =	sadd.s32 $0x540000, s0  }
0x326: {  	s0 =	sshrl.u32 s0, $0x3  }
0x327: {  	s6 =	simm.s32 $0x16000;
	s0 =	sadd.s32 s5, s0  }
0x328: {  	[hbm4b:s0+s12] =	stream.strided.scatter [tilespmem:s6], [sflag:$0x9], $0x100, s17, s12, $0x38;
	[tilespmem:$0x18000] =	vst v63  }
0x329: {  	s6 =	simm.s32 $0x400  }
.LBB2_36:
0x32a: {  	p0 =	seq.s32 s6, $0x7C00  }
.Ltmp16:
0x32b: {  	_ = 	snop;
	(pc) =	sbr.rel @!p0 .LBB2_36-.Ltmp16, $4  }
0x32c: {  	_ = 	snop  }
0x32d: {  	s13 =	sshra.s32 s6, $0x2;
	s6 =	sadd.s32 $0x400, s6  }
0x32e: {  	s0 =	sadd.s32 $0xC00, s0;
	s13 =	sadd.s32 $0x16000, s13  }
0x32f: {  	[hbm4b:s0+s12] =	stream.strided.scatter [tilespmem:s13], [sflag:$0x9], $0x100, s17, s12, $0x38;
	[tilespmem:$0x18000] =	vst v63  }
0x330: {  	p0 =	seq.s32 s3, $0xC  }
.Ltmp17:
0x331: {  	_ = 	snop;
	(pc) =	sbr.rel @!p0 .LBB2_3-.Ltmp17, $1  }
0x332: {  	_ =	sdelay $0x3  }
0x333: {  	_ =	swait.ge [sflag:s18], $0x2000  }
0x334: {  	[sflag:s18] =	ssyncset.done $0x0  }
0x335: {  	[sflag:s18] =	ssyncadd.s32 $0xFFFFE000  }
0x336: {  	_ =	swait.ge [sflag:s19], $0x2000  }
0x337: {  	[sflag:s19] =	ssyncset.done $0x0  }
0x338: {  	[sflag:s19] =	ssyncadd.s32 $0xFFFFE000  }
0x339: {  	_ =	swait.ge [sflag:s20], $0x2000  }
0x33a: {  	[sflag:s20] =	ssyncset.done $0x0  }
0x33b: {  	[sflag:s20] =	ssyncadd.s32 $0xFFFFE000  }
0x33c: {  	_ =	swait.ge [sflag:s21], $0x2000  }
0x33d: {  	[sflag:s21] =	ssyncset.done $0x0  }
0x33e: {  	[sflag:s21] =	ssyncadd.s32 $0xFFFFE000  }
0x33f: {  	_ =	swait.ge [sflag:s22], $0x2000  }
0x340: {  	[sflag:s22] =	ssyncset.done $0x0  }
0x341: {  	[sflag:s22] =	ssyncadd.s32 $0xFFFFE000  }
0x342: {  	_ =	swait.ge [sflag:s23], $0x2000  }
0x343: {  	[sflag:s23] =	ssyncset.done $0x0  }
0x344: {  	s26 =	sadd.s32 $0x1, s26;
	[sflag:s23] =	ssyncadd.s32 $0xFFFFE000  }
0x345: {  	p0 =	sne.s32 s26, s11;
	_ =	swait.ge [sflag:s24], $0x2000  }
.Ltmp18:
0x346: {  	[sflag:s24] =	ssyncset.done $0x0;
	(pc) =	sbr.rel @p0 .LBB2_1-.Ltmp18, $4  }
0x347: {  	[sflag:s24] =	ssyncadd.s32 $0xFFFFE000  }
0x348: {  	_ =	swait.ge [sflag:s25], $0x2000  }
0x349: {  	[sflag:s25] =	ssyncset.done $0x0  }
0x34a: {  	[sflag:s25] =	ssyncadd.s32 $0xFFFFE000  }
0x34b: {  	_ =	sfence.sel $0x180000  }
0x34c: {  	[bflag:$0x0] =	sbarrier.arrive $0xFFFF  }
0x34d: {  	_ =	strace $0x90000047  }
0x34e: {  	s0 =	stileid.u32;
	[bflag:$0x2] =	sbarrier.arrive $0xFFFF  }
0x34f: {  	p0 =	sne.s32 s0, $0x0;
	s0 =	rddreg [dreg:$0x3]  }
0x350: {  	s0 =	sadd.s32 @!p0 $0x100000, s0  }
0x351: {  	[sflag:s0] =	ssyncadd.tile.s32 @!p0 $0x1;
	_ =	shalt  }
.Lfunc_end2:
_tile_overlayer_lowered:
.L_overlay_start_2:
0x352: {  	(tag) =	ssettag $0x2  }
0x353: {  	s0 =	rddreg [dreg:$0x0];
	s2 =	stileid.u32  }
0x354: {  	s1 =	rddreg [dreg:$0x1];
	p0 =	sne.s32 s2, $0x0  }
0x355: {  	s3 =	rddreg [dreg:$0x2];
	[bflag:$0x3] =	sbarrier.arrive $0xFFFF;
	s2 =	simm.s32 @!p0 $0x1C0A  }
0x356: {  	[timem:s3], [sflag:s2] =	dma.local @!p0 [hbm:s0], s1  }
0x357: {  	s0 =	simm.s32 @!p0 $0xA  }
0x358: {  	_ =	swait.ge @!p0 [sflag:s0], s1  }
0x359: {  	s1 =	ssub.s32 @!p0 $0x0, s1;
	[sflag:s0] =	ssyncset.done @!p0 $0x0  }
0x35a: {  	[sflag:s0] =	ssyncadd.s32 @!p0 s1  }
0x35b: {  	[bflag:$0x3] =	sbarrier.arrive $0xFFFF  }
0x35c: {  	_ =	shalt  }

</sc_bundles>
